<compile_context>
chip_gen: v7x
topology: tpu7x:2x2x1
jax: 0.10.2.dev20260603
libtpu: 0.0.44.dev20260713+nightly
codegen_flags: <defaults>
</compile_context>

<pallas_src>
import functools

import jax
import jax.numpy as jnp
from jax import lax
from jax.experimental import pallas as pl
from jax.experimental.pallas import tpu as pltpu
from jax.experimental.pallas import tpu_sc as plsc

N_NODES = 10000
N_PAD = 10240
N_EDGES = 320000
DIM = 128
OUT_DIM = 40
NC = 2
NS = 16
NW = NC * NS
EDGES_PER_W = N_EDGES // NW
CHUNK = 80
NFULL = EDGES_PER_W // CHUNK
ROWS_PER_TILE = N_PAD // NS
NRB = 4
NIB = 6
GRP = 12
NGRP = -(-NFULL // GRP)


def _sc_agg_body(compute_deg, h_hbm, ei_hbm, *refs):
  nib, nrb = NIB, NRB
  if compute_deg:
    p_hbm, d_hbm = refs[0], refs[1]
    refs = refs[2:]
  else:
    p_hbm = refs[0]
    refs = refs[1:]
  idx_s = refs[0:nib]
  didx = refs[nib:2 * nib]
  rows = refs[2 * nib:2 * nib + nrb]
  refs = refs[2 * nib + nrb:]
  if compute_deg:
    ones_v, acc_sh, deg_sh = refs[0], refs[1], refs[2]
    refs = refs[3:]
  else:
    acc_sh = refs[0]
    refs = refs[1:]
  sem_i = refs[0:nib]
  sem_g = refs[nib:nib + nrb]
  sem_s = refs[nib + nrb:nib + 2 * nrb]
  if compute_deg:
    sem_d = refs[nib + 2 * nrb:nib + 3 * nrb]

  cid = lax.axis_index("c")
  sid = lax.axis_index("s")
  base = (sid * NC + cid) * EDGES_PER_W
  z16 = jnp.zeros((16,), jnp.float32)
  ones16 = jnp.ones((16,), jnp.float32)

  def zrow(r, _):
    for j in range(8):
      rows[0][r, pl.ds(j * 16, 16)] = z16
    return 0
  lax.fori_loop(0, CHUNK, zrow, 0)
  zbase = sid * ROWS_PER_TILE
  for t in range(ROWS_PER_TILE // CHUNK):
    pltpu.sync_copy(rows[0], acc_sh.at[pl.ds(zbase + t * CHUNK, CHUNK)])

  if compute_deg:
    for j in range(ROWS_PER_TILE // 16):
      ones_v[pl.ds(j * 16, 16)] = z16
    pltpu.sync_copy(ones_v.at[pl.ds(0, ROWS_PER_TILE)],
                    deg_sh.at[pl.ds(zbase, ROWS_PER_TILE)])
    for j in range(ROWS_PER_TILE // 16):
      ones_v[pl.ds(j * 16, 16)] = ones16

  plsc.subcore_barrier()

  def idx_load_start(g, bi):
    off = base + g * CHUNK
    pltpu.async_copy(ei_hbm.at[pl.ds(off, CHUNK)], idx_s[bi], sem_i[bi])
    pltpu.async_copy(ei_hbm.at[pl.ds(N_EDGES + off, CHUNK)], didx[bi],
                     sem_i[bi])

  def idx_wait(g, bi):
    off = base + g * CHUNK
    pltpu.make_async_copy(
        ei_hbm.at[pl.ds(off, CHUNK)], idx_s[bi], sem_i[bi]).wait()
    pltpu.make_async_copy(
        ei_hbm.at[pl.ds(N_EDGES + off, CHUNK)], didx[bi], sem_i[bi]).wait()

  def gather_start(b, bi):
    pltpu.async_copy(h_hbm.at[didx[bi]], rows[b], sem_g[b])

  def gather_wait(b, bi):
    pltpu.make_async_copy(h_hbm.at[didx[bi]], rows[b], sem_g[b]).wait()

  def scatter_start(b, bi):
    pltpu.async_copy(rows[b], acc_sh.at[idx_s[bi]], sem_s[b], add=True)
    if compute_deg:
      pltpu.async_copy(ones_v.at[pl.ds(0, CHUNK)], deg_sh.at[idx_s[bi]],
                       sem_d[b], add=True)

  def scatter_wait(b, bi):
    pltpu.make_async_copy(rows[b], acc_sh.at[idx_s[bi]], sem_s[b]).wait()
    if compute_deg:
      pltpu.make_async_copy(ones_v.at[pl.ds(0, CHUNK)], deg_sh.at[idx_s[bi]],
                            sem_d[b]).wait()

  for h in range(3):
    idx_load_start(h, h)
  idx_wait(0, 0)
  gather_start(0, 0)
  idx_wait(1, 1)
  gather_start(1, 1)

  def group(go, _):
    for k in range(GRP):
      g = go * GRP + k

      @pl.when((g >= 2) & (g < NFULL + 2))
      def _():
        scatter_wait((k - 2) % NRB, (k - 2) % NIB)

      @pl.when(g + 3 < NFULL)
      def _():
        idx_load_start(g + 3, (k + 3) % NIB)

      @pl.when(g + 2 < NFULL)
      def _():
        idx_wait(g + 2, (k + 2) % NIB)
        gather_start((k + 2) % NRB, (k + 2) % NIB)

      @pl.when(g < NFULL)
      def _():
        gather_wait(k % NRB, k % NIB)
        scatter_start(k % NRB, k % NIB)
    return 0
  lax.fori_loop(0, NGRP, group, 0)

  plsc.subcore_barrier()

  pltpu.sync_copy(
      acc_sh.at[pl.ds(zbase, ROWS_PER_TILE)],
      p_hbm.at[cid, pl.ds(zbase, ROWS_PER_TILE)])
  if compute_deg:
    pltpu.sync_copy(deg_sh.at[pl.ds(zbase, ROWS_PER_TILE)],
                    d_hbm.at[cid, pl.ds(zbase, ROWS_PER_TILE)])


def _make_sc_agg(compute_deg):
  mesh = plsc.VectorSubcoreMesh(core_axis_name="c", subcore_axis_name="s")
  out_type = [jax.ShapeDtypeStruct((NC, N_PAD, DIM), jnp.float32)]
  if compute_deg:
    out_type.append(jax.ShapeDtypeStruct((NC, N_PAD), jnp.float32))
  scratch = [pltpu.VMEM((CHUNK,), jnp.int32) for _ in range(2 * NIB)]
  scratch += [pltpu.VMEM((CHUNK, DIM), jnp.float32) for _ in range(NRB)]
  if compute_deg:
    scratch.append(pltpu.VMEM((ROWS_PER_TILE,), jnp.float32))
  scratch.append(pltpu.VMEM_SHARED((N_PAD, DIM), jnp.float32))
  if compute_deg:
    scratch.append(pltpu.VMEM_SHARED((N_PAD,), jnp.float32))
  n_sems = NIB + NRB + NRB + (NRB if compute_deg else 0)
  scratch += [pltpu.SemaphoreType.DMA] * n_sems
  return pl.kernel(
      functools.partial(_sc_agg_body, compute_deg),
      out_type=tuple(out_type) if compute_deg else out_type[0],
      mesh=mesh,
      scratch_types=tuple(scratch),
  )


def _layer_body(x_ref, p0_ref, p1_ref, inv_ref, w_ref, b_ref, o_ref):
  agg = (p0_ref[0] + p1_ref[0]) * inv_ref[...]
  w = w_ref[...]
  h = (jnp.dot(x_ref[...], w[:DIM], preferred_element_type=jnp.float32)
       + jnp.dot(agg, w[DIM:], preferred_element_type=jnp.float32)
       + b_ref[...])
  o_ref[...] = jnp.maximum(h, 0.0)


def _tail_body(h1_ref, q0_ref, q1_ref, inv_ref, w2_ref, b2_ref, w3_ref,
               b3_ref, w4_ref, b4_ref, o_ref):
  agg = (q0_ref[0] + q1_ref[0]) * inv_ref[...]
  w2 = w2_ref[...]
  h2 = jnp.maximum(
      jnp.dot(h1_ref[...], w2[:DIM], preferred_element_type=jnp.float32)
      + jnp.dot(agg, w2[DIM:], preferred_element_type=jnp.float32)
      + b2_ref[...], 0.0)
  h3 = (jnp.dot(h2, w3_ref[...], preferred_element_type=jnp.float32)
        + b3_ref[...])
  lg = (jnp.dot(h3, w4_ref[...], preferred_element_type=jnp.float32)
        + b4_ref[...])
  m = jnp.max(lg, axis=1, keepdims=True)
  s = jnp.log(jnp.sum(jnp.exp(lg - m), axis=1, keepdims=True))
  o_ref[...] = lg - m - s


_ROW_BLK = 2000
_GRID = N_NODES // _ROW_BLK


def _feat_spec():
  return pl.BlockSpec((_ROW_BLK, DIM), lambda i: (i, 0))


def _full_spec(shape):
  return pl.BlockSpec(shape, lambda i: tuple(0 for _ in shape))


_layer1 = pl.pallas_call(
    _layer_body,
    grid=(_GRID,),
    in_specs=[
        _feat_spec(),
        pl.BlockSpec((1, _ROW_BLK, DIM), lambda i: (0, i, 0)),
        pl.BlockSpec((1, _ROW_BLK, DIM), lambda i: (1, i, 0)),
        pl.BlockSpec((_ROW_BLK, 1), lambda i: (i, 0)),
        _full_spec((2 * DIM, DIM)), _full_spec((1, DIM)),
    ],
    out_specs=_feat_spec(),
    out_shape=jax.ShapeDtypeStruct((N_NODES, DIM), jnp.float32),
)

_tail = pl.pallas_call(
    _tail_body,
    grid=(_GRID,),
    in_specs=[
        _feat_spec(),
        pl.BlockSpec((1, _ROW_BLK, DIM), lambda i: (0, i, 0)),
        pl.BlockSpec((1, _ROW_BLK, DIM), lambda i: (1, i, 0)),
        pl.BlockSpec((_ROW_BLK, 1), lambda i: (i, 0)),
        _full_spec((2 * DIM, DIM)), _full_spec((1, DIM)),
        _full_spec((DIM, DIM)), _full_spec((1, DIM)),
        _full_spec((DIM, OUT_DIM)), _full_spec((1, OUT_DIM)),
    ],
    out_specs=pl.BlockSpec((_ROW_BLK, OUT_DIM), lambda i: (i, 0)),
    out_shape=jax.ShapeDtypeStruct((N_NODES, OUT_DIM), jnp.float32),
)

_sc_agg_deg = _make_sc_agg(True)
_sc_agg = _make_sc_agg(False)


@jax.jit
def kernel(x, edge_index, W1, b1, W2, b2, W3, b3, W4, b4):
  ei = edge_index.reshape(2 * N_EDGES)
  p, dhist = _sc_agg_deg(x, ei)
  deg = dhist.sum(axis=0)
  inv = jnp.where(deg > 0, 1.0 / deg, 0.0)[:, None]
  h1 = _layer1(x, p, p, inv, W1, b1.reshape(1, DIM))
  q = _sc_agg(h1, ei)
  out = _tail(h1, q, q, inv, W2, b2.reshape(1, DIM), W3,
              b3.reshape(1, DIM), W4, b4.reshape(1, OUT_DIM))
  return out

# --- scband reference (transcript-rebuilt; emitter-appended) ---
"""Pipeline reference for scband-rex-sageconv-49357764165687 (READ-ONLY COPY).

The authoritative reference and input builder live on the scoring server;
editing this copy changes nothing except your own understanding.
"""

import jax, jax.numpy as jnp
import numpy as np

N = 10000
E = 320000
IN_DIM = 128
HID = 128
OUT = 40


def setup_inputs(seed: int = 0) -> dict:
    key = jax.random.key(seed)
    ks = jax.random.split(key, 12)
    x = jax.random.normal(ks[0], (N, IN_DIM), dtype=jnp.float32)
    edge_index = jax.random.randint(ks[1], (2, E), 0, N, dtype=jnp.int32)
    # layer 1: Linear(2*in_dim -> hidden) on concat(x, mean_agg(x))
    W1 = jax.random.normal(ks[2], (2 * IN_DIM, HID), dtype=jnp.float32) * (1.0 / np.sqrt(2 * IN_DIM))
    b1 = jnp.zeros((HID,), dtype=jnp.float32)
    # layer 2: Linear(2*hidden -> hidden)
    W2 = jax.random.normal(ks[3], (2 * HID, HID), dtype=jnp.float32) * (1.0 / np.sqrt(2 * HID))
    b2 = jnp.zeros((HID,), dtype=jnp.float32)
    # post_mp: Linear(hidden->hidden), Linear(hidden->out)
    W3 = jax.random.normal(ks[4], (HID, HID), dtype=jnp.float32) * (1.0 / np.sqrt(HID))
    b3 = jnp.zeros((HID,), dtype=jnp.float32)
    W4 = jax.random.normal(ks[5], (HID, OUT), dtype=jnp.float32) * (1.0 / np.sqrt(HID))
    b4 = jnp.zeros((OUT,), dtype=jnp.float32)
    return {"x": x, "edge_index": edge_index, "W1": W1, "b1": b1, "W2": W2, "b2": b2, "W3": W3, "b3": b3, "W4": W4, "b4": b4}


def reference(x, edge_index, W1, b1, W2, b2, W3, b3, W4, b4):
    src = edge_index[0]
    dst = edge_index[1]
    # row-normalized sparse adjacency: A[src, dst] = 1 / out_deg(src)
    deg = jnp.zeros((N,), dtype=jnp.float32).at[src].add(1.0)
    inv = 1.0 / deg[src]  # per-edge weight; src always has deg >= 1

    def mean_agg(h):
        msgs = h[dst] * inv[:, None]  # gather neighbor feats (memory-bound)
        return jnp.zeros((N, h.shape[1]), dtype=h.dtype).at[src].add(msgs)  # scatter-add

    # GraphSAGE conv layer 1 (eval mode: dropout is identity)
    a1 = mean_agg(x)
    h1 = jax.nn.relu(jnp.concatenate([x, a1], axis=1) @ W1 + b1)
    # GraphSAGE conv layer 2
    a2 = mean_agg(h1)
    h2 = jax.nn.relu(jnp.concatenate([h1, a2], axis=1) @ W2 + b2)
    # post message-passing MLP
    h3 = h2 @ W3 + b3
    out = h3 @ W4 + b4
    return jax.nn.log_softmax(out, axis=1)

if __name__ == "__main__":
    import jax
    _d = setup_inputs()
    print(jax.jit(kernel)(*tuple(_d.values())))

</pallas_src>

<mosaic_0001>
#map = affine_map<(d0, d1) -> (0, 0)>
#map1 = affine_map<(d0, d1) -> (0)>
#map2 = affine_map<(d0, d1) -> (0, 0, 0)>
module attributes {stable_mosaic.version = 14 : i64} {
  func.func @_sc_agg_body(%arg0: i32, %arg1: i32, %arg2: memref<10000x128xf32, #tpu.memory_space<hbm>>, %arg3: memref<640000xi32, #tpu.memory_space<hbm>>, %arg4: memref<2x10240x128xf32, #tpu.memory_space<hbm>>, %arg5: memref<2x10240xf32, #tpu.memory_space<hbm>>, %arg6: memref<80xi32, #tpu.memory_space<vmem>>, %arg7: memref<80xi32, #tpu.memory_space<vmem>>, %arg8: memref<80xi32, #tpu.memory_space<vmem>>, %arg9: memref<80xi32, #tpu.memory_space<vmem>>, %arg10: memref<80xi32, #tpu.memory_space<vmem>>, %arg11: memref<80xi32, #tpu.memory_space<vmem>>, %arg12: memref<80xi32, #tpu.memory_space<vmem>>, %arg13: memref<80xi32, #tpu.memory_space<vmem>>, %arg14: memref<80xi32, #tpu.memory_space<vmem>>, %arg15: memref<80xi32, #tpu.memory_space<vmem>>, %arg16: memref<80xi32, #tpu.memory_space<vmem>>, %arg17: memref<80xi32, #tpu.memory_space<vmem>>, %arg18: memref<80x128xf32, #tpu.memory_space<vmem>>, %arg19: memref<80x128xf32, #tpu.memory_space<vmem>>, %arg20: memref<80x128xf32, #tpu.memory_space<vmem>>, %arg21: memref<80x128xf32, #tpu.memory_space<vmem>>, %arg22: memref<640xf32, #tpu.memory_space<vmem>>, %arg23: memref<10240x128xf32, #tpu.memory_space<vmem_shared>>, %arg24: memref<10240xf32, #tpu.memory_space<vmem_shared>>, %arg25: memref<!tpu.dma_semaphore, #tpu.memory_space<semaphore_mem>>, %arg26: memref<!tpu.dma_semaphore, #tpu.memory_space<semaphore_mem>>, %arg27: memref<!tpu.dma_semaphore, #tpu.memory_space<semaphore_mem>>, %arg28: memref<!tpu.dma_semaphore, #tpu.memory_space<semaphore_mem>>, %arg29: memref<!tpu.dma_semaphore, #tpu.memory_space<semaphore_mem>>, %arg30: memref<!tpu.dma_semaphore, #tpu.memory_space<semaphore_mem>>, %arg31: memref<!tpu.dma_semaphore, #tpu.memory_space<semaphore_mem>>, %arg32: memref<!tpu.dma_semaphore, #tpu.memory_space<semaphore_mem>>, %arg33: memref<!tpu.dma_semaphore, #tpu.memory_space<semaphore_mem>>, %arg34: memref<!tpu.dma_semaphore, #tpu.memory_space<semaphore_mem>>, %arg35: memref<!tpu.dma_semaphore, #tpu.memory_space<semaphore_mem>>, %arg36: memref<!tpu.dma_semaphore, #tpu.memory_space<semaphore_mem>>, %arg37: memref<!tpu.dma_semaphore, #tpu.memory_space<semaphore_mem>>, %arg38: memref<!tpu.dma_semaphore, #tpu.memory_space<semaphore_mem>>, %arg39: memref<!tpu.dma_semaphore, #tpu.memory_space<semaphore_mem>>, %arg40: memref<!tpu.dma_semaphore, #tpu.memory_space<semaphore_mem>>, %arg41: memref<!tpu.dma_semaphore, #tpu.memory_space<semaphore_mem>>, %arg42: memref<!tpu.dma_semaphore, #tpu.memory_space<semaphore_mem>>) attributes {dimension_semantics = [#tpu.dimension_semantics<core_parallel>, #tpu.dimension_semantics<subcore_parallel>], iteration_bounds = array<i64: 2, 16>, scalar_prefetch = 0 : i64, scratch_operands = 37 : i64, tpu.core_type = #tpu.core_type<sc_vector_subcore>, window_params = [{transform_indices = #map}, {transform_indices = #map1}, {transform_indices = #map2}, {transform_indices = #map}]} {
    %mul3A = arith.constant 2 : i32
    %mul3A_0 = arith.muli %arg1, %mul3A : i32
    %add3A = arith.addi %mul3A_0, %arg0 : i32
    %mul3A_1 = arith.constant 10000 : i32
    %mul3A_2 = arith.muli %add3A, %mul3A_1 : i32
    %broadcast_in_dim3A = arith.constant 0.000000e+00 : f32
    %broadcast_in_dim3A_3 = vector.broadcast %broadcast_in_dim3A : f32 to vector<16xf32>
    %broadcast_in_dim3A_4 = arith.constant 1.000000e+00 : f32
    %broadcast_in_dim3A_5 = vector.broadcast %broadcast_in_dim3A_4 : f32 to vector<16xf32>
    %scan3A = arith.constant 0 : i32
    %scan3A_6 = arith.constant 0 : i32
    %scan3A_7 = arith.constant 80 : i32
    %scan3A_8 = arith.addi %scan3A_6, %scan3A_7 : i32
    %scan3A_9 = arith.constant 1 : i32
    %scan3A_10 = scf.for %scan3A_401 = %scan3A_6 to %scan3A_8 step %scan3A_9 iter_args(%scan3A_402 = %scan3A) -> (i32)  : i32 {
      %swap3A_403 = arith.index_cast %scan3A_401 : i32 to index
      %swap3A_404 = arith.constant 0 : index
      %swap3A_405 = tpu.vector_load %arg18[%swap3A_403, %swap3A_404] {strides = array<i32>} : memref<80x128xf32, #tpu.memory_space<vmem>>, vector<1x16xf32>,
      %swap3A_406 = vector.shape_cast %swap3A_405 : vector<1x16xf32> to vector<16xf32>
      %swap3A_407 = vector.shape_cast %broadcast_in_dim3A_3 : vector<16xf32> to vector<1x16xf32>
      tpu.vector_store %arg18[%swap3A_403, %swap3A_404], %swap3A_407 {strides = array<i32>} : memref<80x128xf32, #tpu.memory_space<vmem>>, vector<1x16xf32>,
      %swap3A_408 = arith.index_cast %scan3A_401 : i32 to index
      %swap3A_409 = arith.constant 16 : index
      %swap3A_410 = tpu.vector_load %arg18[%swap3A_408, %swap3A_409] {strides = array<i32>} : memref<80x128xf32, #tpu.memory_space<vmem>>, vector<1x16xf32>,
      %swap3A_411 = vector.shape_cast %swap3A_410 : vector<1x16xf32> to vector<16xf32>
      %swap3A_412 = vector.shape_cast %broadcast_in_dim3A_3 : vector<16xf32> to vector<1x16xf32>
      tpu.vector_store %arg18[%swap3A_408, %swap3A_409], %swap3A_412 {strides = array<i32>} : memref<80x128xf32, #tpu.memory_space<vmem>>, vector<1x16xf32>,
      %swap3A_413 = arith.index_cast %scan3A_401 : i32 to index
      %swap3A_414 = arith.constant 32 : index
      %swap3A_415 = tpu.vector_load %arg18[%swap3A_413, %swap3A_414] {strides = array<i32>} : memref<80x128xf32, #tpu.memory_space<vmem>>, vector<1x16xf32>,
      %swap3A_416 = vector.shape_cast %swap3A_415 : vector<1x16xf32> to vector<16xf32>
      %swap3A_417 = vector.shape_cast %broadcast_in_dim3A_3 : vector<16xf32> to vector<1x16xf32>
      tpu.vector_store %arg18[%swap3A_413, %swap3A_414], %swap3A_417 {strides = array<i32>} : memref<80x128xf32, #tpu.memory_space<vmem>>, vector<1x16xf32>,
      %swap3A_418 = arith.index_cast %scan3A_401 : i32 to index
      %swap3A_419 = arith.constant 48 : index
      %swap3A_420 = tpu.vector_load %arg18[%swap3A_418, %swap3A_419] {strides = array<i32>} : memref<80x128xf32, #tpu.memory_space<vmem>>, vector<1x16xf32>,
      %swap3A_421 = vector.shape_cast %swap3A_420 : vector<1x16xf32> to vector<16xf32>
      %swap3A_422 = vector.shape_cast %broadcast_in_dim3A_3 : vector<16xf32> to vector<1x16xf32>
      tpu.vector_store %arg18[%swap3A_418, %swap3A_419], %swap3A_422 {strides = array<i32>} : memref<80x128xf32, #tpu.memory_space<vmem>>, vector<1x16xf32>,
      %swap3A_423 = arith.index_cast %scan3A_401 : i32 to index
      %swap3A_424 = arith.constant 64 : index
      %swap3A_425 = tpu.vector_load %arg18[%swap3A_423, %swap3A_424] {strides = array<i32>} : memref<80x128xf32, #tpu.memory_space<vmem>>, vector<1x16xf32>,
      %swap3A_426 = vector.shape_cast %swap3A_425 : vector<1x16xf32> to vector<16xf32>
      %swap3A_427 = vector.shape_cast %broadcast_in_dim3A_3 : vector<16xf32> to vector<1x16xf32>
      tpu.vector_store %arg18[%swap3A_423, %swap3A_424], %swap3A_427 {strides = array<i32>} : memref<80x128xf32, #tpu.memory_space<vmem>>, vector<1x16xf32>,
      %swap3A_428 = arith.index_cast %scan3A_401 : i32 to index
      %swap3A_429 = arith.constant 80 : index
      %swap3A_430 = tpu.vector_load %arg18[%swap3A_428, %swap3A_429] {strides = array<i32>} : memref<80x128xf32, #tpu.memory_space<vmem>>, vector<1x16xf32>,
      %swap3A_431 = vector.shape_cast %swap3A_430 : vector<1x16xf32> to vector<16xf32>
      %swap3A_432 = vector.shape_cast %broadcast_in_dim3A_3 : vector<16xf32> to vector<1x16xf32>
      tpu.vector_store %arg18[%swap3A_428, %swap3A_429], %swap3A_432 {strides = array<i32>} : memref<80x128xf32, #tpu.memory_space<vmem>>, vector<1x16xf32>,
      %swap3A_433 = arith.index_cast %scan3A_401 : i32 to index
      %swap3A_434 = arith.constant 96 : index
      %swap3A_435 = tpu.vector_load %arg18[%swap3A_433, %swap3A_434] {strides = array<i32>} : memref<80x128xf32, #tpu.memory_space<vmem>>, vector<1x16xf32>,
      %swap3A_436 = vector.shape_cast %swap3A_435 : vector<1x16xf32> to vector<16xf32>
      %swap3A_437 = vector.shape_cast %broadcast_in_dim3A_3 : vector<16xf32> to vector<1x16xf32>
      tpu.vector_store %arg18[%swap3A_433, %swap3A_434], %swap3A_437 {strides = array<i32>} : memref<80x128xf32, #tpu.memory_space<vmem>>, vector<1x16xf32>,
      %swap3A_438 = arith.index_cast %scan3A_401 : i32 to index
      %swap3A_439 = arith.constant 112 : index
      %swap3A_440 = tpu.vector_load %arg18[%swap3A_438, %swap3A_439] {strides = array<i32>} : memref<80x128xf32, #tpu.memory_space<vmem>>, vector<1x16xf32>,
      %swap3A_441 = vector.shape_cast %swap3A_440 : vector<1x16xf32> to vector<16xf32>
      %swap3A_442 = vector.shape_cast %broadcast_in_dim3A_3 : vector<16xf32> to vector<1x16xf32>
      tpu.vector_store %arg18[%swap3A_438, %swap3A_439], %swap3A_442 {strides = array<i32>} : memref<80x128xf32, #tpu.memory_space<vmem>>, vector<1x16xf32>,
      %scan3A_443 = arith.constant 0 : i32
      scf.yield %scan3A_443 : i32
    }
    %scan3A_11 = arith.constant 80 : i32
    %mul3A_12 = arith.constant 640 : i32
    %mul3A_13 = arith.muli %arg1, %mul3A_12 : i32
    %add3A_14 = arith.constant 0 : i32
    %add3A_15 = arith.addi %mul3A_13, %add3A_14 : i32
    "tpu.region"() ({
      %run_scoped3A = tpu.sem_alloc : memref<!tpu.dma_semaphore, #tpu.memory_space<semaphore_mem>>
      %dma_start3A_401 = arith.constant 0 : i32
      %dma_start3A_402 = tpu.memref_slice %arg23[%add3A_15, %dma_start3A_401] : memref<10240x128xf32, #tpu.memory_space<vmem_shared>> -> memref<80x128xf32, #tpu.memory_space<vmem_shared>>
      %dma_start3A_403 = arith.constant 0 : i32
      %dma_start3A_404 = tpu.memref_slice %arg23[%add3A_15, %dma_start3A_403] : memref<10240x128xf32, #tpu.memory_space<vmem_shared>> -> memref<80x128xf32, #tpu.memory_space<vmem_shared>>
      tpu.enqueue_dma source(%arg18 : memref<80x128xf32, #tpu.memory_space<vmem>>) target(%dma_start3A_404 : memref<80x128xf32, #tpu.memory_space<vmem_shared>>) target_semaphore(%run_scoped3A : memref<!tpu.dma_semaphore, #tpu.memory_space<semaphore_mem>>)
      %dma_wait3A_405 = arith.constant 0 : i32
      %dma_wait3A_406 = tpu.memref_slice %arg23[%add3A_15, %dma_wait3A_405] : memref<10240x128xf32, #tpu.memory_space<vmem_shared>> -> memref<80x128xf32, #tpu.memory_space<vmem_shared>>
      %dma_wait3A_407 = arith.constant 0 : i32
      %dma_wait3A_408 = tpu.memref_slice %arg23[%add3A_15, %dma_wait3A_407] : memref<10240x128xf32, #tpu.memory_space<vmem_shared>> -> memref<80x128xf32, #tpu.memory_space<vmem_shared>>
      tpu.wait_dma2 semaphore(%run_scoped3A : memref<!tpu.dma_semaphore, #tpu.memory_space<semaphore_mem>>) src(%arg18 : memref<80x128xf32, #tpu.memory_space<vmem>>) dst(%dma_wait3A_408 : memref<80x128xf32, #tpu.memory_space<vmem_shared>>)
      tpu.yield
    }) : () -> ()
    %add3A_16 = arith.constant 80 : i32
    %add3A_17 = arith.addi %mul3A_13, %add3A_16 : i32
    "tpu.region"() ({
      %run_scoped3A = tpu.sem_alloc : memref<!tpu.dma_semaphore, #tpu.memory_space<semaphore_mem>>
      %dma_start3A_401 = arith.constant 0 : i32
      %dma_start3A_402 = tpu.memref_slice %arg23[%add3A_17, %dma_start3A_401] : memref<10240x128xf32, #tpu.memory_space<vmem_shared>> -> memref<80x128xf32, #tpu.memory_space<vmem_shared>>
      %dma_start3A_403 = arith.constant 0 : i32
      %dma_start3A_404 = tpu.memref_slice %arg23[%add3A_17, %dma_start3A_403] : memref<10240x128xf32, #tpu.memory_space<vmem_shared>> -> memref<80x128xf32, #tpu.memory_space<vmem_shared>>
      tpu.enqueue_dma source(%arg18 : memref<80x128xf32, #tpu.memory_space<vmem>>) target(%dma_start3A_404 : memref<80x128xf32, #tpu.memory_space<vmem_shared>>) target_semaphore(%run_scoped3A : memref<!tpu.dma_semaphore, #tpu.memory_space<semaphore_mem>>)
      %dma_wait3A_405 = arith.constant 0 : i32
      %dma_wait3A_406 = tpu.memref_slice %arg23[%add3A_17, %dma_wait3A_405] : memref<10240x128xf32, #tpu.memory_space<vmem_shared>> -> memref<80x128xf32, #tpu.memory_space<vmem_shared>>
      %dma_wait3A_407 = arith.constant 0 : i32
      %dma_wait3A_408 = tpu.memref_slice %arg23[%add3A_17, %dma_wait3A_407] : memref<10240x128xf32, #tpu.memory_space<vmem_shared>> -> memref<80x128xf32, #tpu.memory_space<vmem_shared>>
      tpu.wait_dma2 semaphore(%run_scoped3A : memref<!tpu.dma_semaphore, #tpu.memory_space<semaphore_mem>>) src(%arg18 : memref<80x128xf32, #tpu.memory_space<vmem>>) dst(%dma_wait3A_408 : memref<80x128xf32, #tpu.memory_space<vmem_shared>>)
      tpu.yield
    }) : () -> ()
    %add3A_18 = arith.constant 160 : i32
    %add3A_19 = arith.addi %mul3A_13, %add3A_18 : i32
    "tpu.region"() ({
      %run_scoped3A = tpu.sem_alloc : memref<!tpu.dma_semaphore, #tpu.memory_space<semaphore_mem>>
      %dma_start3A_401 = arith.constant 0 : i32
      %dma_start3A_402 = tpu.memref_slice %arg23[%add3A_19, %dma_start3A_401] : memref<10240x128xf32, #tpu.memory_space<vmem_shared>> -> memref<80x128xf32, #tpu.memory_space<vmem_shared>>
      %dma_start3A_403 = arith.constant 0 : i32
      %dma_start3A_404 = tpu.memref_slice %arg23[%add3A_19, %dma_start3A_403] : memref<10240x128xf32, #tpu.memory_space<vmem_shared>> -> memref<80x128xf32, #tpu.memory_space<vmem_shared>>
      tpu.enqueue_dma source(%arg18 : memref<80x128xf32, #tpu.memory_space<vmem>>) target(%dma_start3A_404 : memref<80x128xf32, #tpu.memory_space<vmem_shared>>) target_semaphore(%run_scoped3A : memref<!tpu.dma_semaphore, #tpu.memory_space<semaphore_mem>>)
      %dma_wait3A_405 = arith.constant 0 : i32
      %dma_wait3A_406 = tpu.memref_slice %arg23[%add3A_19, %dma_wait3A_405] : memref<10240x128xf32, #tpu.memory_space<vmem_shared>> -> memref<80x128xf32, #tpu.memory_space<vmem_shared>>
      %dma_wait3A_407 = arith.constant 0 : i32
      %dma_wait3A_408 = tpu.memref_slice %arg23[%add3A_19, %dma_wait3A_407] : memref<10240x128xf32, #tpu.memory_space<vmem_shared>> -> memref<80x128xf32, #tpu.memory_space<vmem_shared>>
      tpu.wait_dma2 semaphore(%run_scoped3A : memref<!tpu.dma_semaphore, #tpu.memory_space<semaphore_mem>>) src(%arg18 : memref<80x128xf32, #tpu.memory_space<vmem>>) dst(%dma_wait3A_408 : memref<80x128xf32, #tpu.memory_space<vmem_shared>>)
      tpu.yield
    }) : () -> ()
    %add3A_20 = arith.constant 240 : i32
    %add3A_21 = arith.addi %mul3A_13, %add3A_20 : i32
    "tpu.region"() ({
      %run_scoped3A = tpu.sem_alloc : memref<!tpu.dma_semaphore, #tpu.memory_space<semaphore_mem>>
      %dma_start3A_401 = arith.constant 0 : i32
      %dma_start3A_402 = tpu.memref_slice %arg23[%add3A_21, %dma_start3A_401] : memref<10240x128xf32, #tpu.memory_space<vmem_shared>> -> memref<80x128xf32, #tpu.memory_space<vmem_shared>>
      %dma_start3A_403 = arith.constant 0 : i32
      %dma_start3A_404 = tpu.memref_slice %arg23[%add3A_21, %dma_start3A_403] : memref<10240x128xf32, #tpu.memory_space<vmem_shared>> -> memref<80x128xf32, #tpu.memory_space<vmem_shared>>
      tpu.enqueue_dma source(%arg18 : memref<80x128xf32, #tpu.memory_space<vmem>>) target(%dma_start3A_404 : memref<80x128xf32, #tpu.memory_space<vmem_shared>>) target_semaphore(%run_scoped3A : memref<!tpu.dma_semaphore, #tpu.memory_space<semaphore_mem>>)
      %dma_wait3A_405 = arith.constant 0 : i32
      %dma_wait3A_406 = tpu.memref_slice %arg23[%add3A_21, %dma_wait3A_405] : memref<10240x128xf32, #tpu.memory_space<vmem_shared>> -> memref<80x128xf32, #tpu.memory_space<vmem_shared>>
      %dma_wait3A_407 = arith.constant 0 : i32
      %dma_wait3A_408 = tpu.memref_slice %arg23[%add3A_21, %dma_wait3A_407] : memref<10240x128xf32, #tpu.memory_space<vmem_shared>> -> memref<80x128xf32, #tpu.memory_space<vmem_shared>>
      tpu.wait_dma2 semaphore(%run_scoped3A : memref<!tpu.dma_semaphore, #tpu.memory_space<semaphore_mem>>) src(%arg18 : memref<80x128xf32, #tpu.memory_space<vmem>>) dst(%dma_wait3A_408 : memref<80x128xf32, #tpu.memory_space<vmem_shared>>)
      tpu.yield
    }) : () -> ()
    %add3A_22 = arith.constant 320 : i32
    %add3A_23 = arith.addi %mul3A_13, %add3A_22 : i32
    "tpu.region"() ({
      %run_scoped3A = tpu.sem_alloc : memref<!tpu.dma_semaphore, #tpu.memory_space<semaphore_mem>>
      %dma_start3A_401 = arith.constant 0 : i32
      %dma_start3A_402 = tpu.memref_slice %arg23[%add3A_23, %dma_start3A_401] : memref<10240x128xf32, #tpu.memory_space<vmem_shared>> -> memref<80x128xf32, #tpu.memory_space<vmem_shared>>
      %dma_start3A_403 = arith.constant 0 : i32
      %dma_start3A_404 = tpu.memref_slice %arg23[%add3A_23, %dma_start3A_403] : memref<10240x128xf32, #tpu.memory_space<vmem_shared>> -> memref<80x128xf32, #tpu.memory_space<vmem_shared>>
      tpu.enqueue_dma source(%arg18 : memref<80x128xf32, #tpu.memory_space<vmem>>) target(%dma_start3A_404 : memref<80x128xf32, #tpu.memory_space<vmem_shared>>) target_semaphore(%run_scoped3A : memref<!tpu.dma_semaphore, #tpu.memory_space<semaphore_mem>>)
      %dma_wait3A_405 = arith.constant 0 : i32
      %dma_wait3A_406 = tpu.memref_slice %arg23[%add3A_23, %dma_wait3A_405] : memref<10240x128xf32, #tpu.memory_space<vmem_shared>> -> memref<80x128xf32, #tpu.memory_space<vmem_shared>>
      %dma_wait3A_407 = arith.constant 0 : i32
      %dma_wait3A_408 = tpu.memref_slice %arg23[%add3A_23, %dma_wait3A_407] : memref<10240x128xf32, #tpu.memory_space<vmem_shared>> -> memref<80x128xf32, #tpu.memory_space<vmem_shared>>
      tpu.wait_dma2 semaphore(%run_scoped3A : memref<!tpu.dma_semaphore, #tpu.memory_space<semaphore_mem>>) src(%arg18 : memref<80x128xf32, #tpu.memory_space<vmem>>) dst(%dma_wait3A_408 : memref<80x128xf32, #tpu.memory_space<vmem_shared>>)
      tpu.yield
    }) : () -> ()
    %add3A_24 = arith.constant 400 : i32
    %add3A_25 = arith.addi %mul3A_13, %add3A_24 : i32
    "tpu.region"() ({
      %run_scoped3A = tpu.sem_alloc : memref<!tpu.dma_semaphore, #tpu.memory_space<semaphore_mem>>
      %dma_start3A_401 = arith.constant 0 : i32
      %dma_start3A_402 = tpu.memref_slice %arg23[%add3A_25, %dma_start3A_401] : memref<10240x128xf32, #tpu.memory_space<vmem_shared>> -> memref<80x128xf32, #tpu.memory_space<vmem_shared>>
      %dma_start3A_403 = arith.constant 0 : i32
      %dma_start3A_404 = tpu.memref_slice %arg23[%add3A_25, %dma_start3A_403] : memref<10240x128xf32, #tpu.memory_space<vmem_shared>> -> memref<80x128xf32, #tpu.memory_space<vmem_shared>>
      tpu.enqueue_dma source(%arg18 : memref<80x128xf32, #tpu.memory_space<vmem>>) target(%dma_start3A_404 : memref<80x128xf32, #tpu.memory_space<vmem_shared>>) target_semaphore(%run_scoped3A : memref<!tpu.dma_semaphore, #tpu.memory_space<semaphore_mem>>)
      %dma_wait3A_405 = arith.constant 0 : i32
      %dma_wait3A_406 = tpu.memref_slice %arg23[%add3A_25, %dma_wait3A_405] : memref<10240x128xf32, #tpu.memory_space<vmem_shared>> -> memref<80x128xf32, #tpu.memory_space<vmem_shared>>
      %dma_wait3A_407 = arith.constant 0 : i32
      %dma_wait3A_408 = tpu.memref_slice %arg23[%add3A_25, %dma_wait3A_407] : memref<10240x128xf32, #tpu.memory_space<vmem_shared>> -> memref<80x128xf32, #tpu.memory_space<vmem_shared>>
      tpu.wait_dma2 semaphore(%run_scoped3A : memref<!tpu.dma_semaphore, #tpu.memory_space<semaphore_mem>>) src(%arg18 : memref<80x128xf32, #tpu.memory_space<vmem>>) dst(%dma_wait3A_408 : memref<80x128xf32, #tpu.memory_space<vmem_shared>>)
      tpu.yield
    }) : () -> ()
    %add3A_26 = arith.constant 480 : i32
    %add3A_27 = arith.addi %mul3A_13, %add3A_26 : i32
    "tpu.region"() ({
      %run_scoped3A = tpu.sem_alloc : memref<!tpu.dma_semaphore, #tpu.memory_space<semaphore_mem>>
      %dma_start3A_401 = arith.constant 0 : i32
      %dma_start3A_402 = tpu.memref_slice %arg23[%add3A_27, %dma_start3A_401] : memref<10240x128xf32, #tpu.memory_space<vmem_shared>> -> memref<80x128xf32, #tpu.memory_space<vmem_shared>>
      %dma_start3A_403 = arith.constant 0 : i32
      %dma_start3A_404 = tpu.memref_slice %arg23[%add3A_27, %dma_start3A_403] : memref<10240x128xf32, #tpu.memory_space<vmem_shared>> -> memref<80x128xf32, #tpu.memory_space<vmem_shared>>
      tpu.enqueue_dma source(%arg18 : memref<80x128xf32, #tpu.memory_space<vmem>>) target(%dma_start3A_404 : memref<80x128xf32, #tpu.memory_space<vmem_shared>>) target_semaphore(%run_scoped3A : memref<!tpu.dma_semaphore, #tpu.memory_space<semaphore_mem>>)
      %dma_wait3A_405 = arith.constant 0 : i32
      %dma_wait3A_406 = tpu.memref_slice %arg23[%add3A_27, %dma_wait3A_405] : memref<10240x128xf32, #tpu.memory_space<vmem_shared>> -> memref<80x128xf32, #tpu.memory_space<vmem_shared>>
      %dma_wait3A_407 = arith.constant 0 : i32
      %dma_wait3A_408 = tpu.memref_slice %arg23[%add3A_27, %dma_wait3A_407] : memref<10240x128xf32, #tpu.memory_space<vmem_shared>> -> memref<80x128xf32, #tpu.memory_space<vmem_shared>>
      tpu.wait_dma2 semaphore(%run_scoped3A : memref<!tpu.dma_semaphore, #tpu.memory_space<semaphore_mem>>) src(%arg18 : memref<80x128xf32, #tpu.memory_space<vmem>>) dst(%dma_wait3A_408 : memref<80x128xf32, #tpu.memory_space<vmem_shared>>)
      tpu.yield
    }) : () -> ()
    %add3A_28 = arith.constant 560 : i32
    %add3A_29 = arith.addi %mul3A_13, %add3A_28 : i32
    "tpu.region"() ({
      %run_scoped3A = tpu.sem_alloc : memref<!tpu.dma_semaphore, #tpu.memory_space<semaphore_mem>>
      %dma_start3A_401 = arith.constant 0 : i32
      %dma_start3A_402 = tpu.memref_slice %arg23[%add3A_29, %dma_start3A_401] : memref<10240x128xf32, #tpu.memory_space<vmem_shared>> -> memref<80x128xf32, #tpu.memory_space<vmem_shared>>
      %dma_start3A_403 = arith.constant 0 : i32
      %dma_start3A_404 = tpu.memref_slice %arg23[%add3A_29, %dma_start3A_403] : memref<10240x128xf32, #tpu.memory_space<vmem_shared>> -> memref<80x128xf32, #tpu.memory_space<vmem_shared>>
      tpu.enqueue_dma source(%arg18 : memref<80x128xf32, #tpu.memory_space<vmem>>) target(%dma_start3A_404 : memref<80x128xf32, #tpu.memory_space<vmem_shared>>) target_semaphore(%run_scoped3A : memref<!tpu.dma_semaphore, #tpu.memory_space<semaphore_mem>>)
      %dma_wait3A_405 = arith.constant 0 : i32
      %dma_wait3A_406 = tpu.memref_slice %arg23[%add3A_29, %dma_wait3A_405] : memref<10240x128xf32, #tpu.memory_space<vmem_shared>> -> memref<80x128xf32, #tpu.memory_space<vmem_shared>>
      %dma_wait3A_407 = arith.constant 0 : i32
      %dma_wait3A_408 = tpu.memref_slice %arg23[%add3A_29, %dma_wait3A_407] : memref<10240x128xf32, #tpu.memory_space<vmem_shared>> -> memref<80x128xf32, #tpu.memory_space<vmem_shared>>
      tpu.wait_dma2 semaphore(%run_scoped3A : memref<!tpu.dma_semaphore, #tpu.memory_space<semaphore_mem>>) src(%arg18 : memref<80x128xf32, #tpu.memory_space<vmem>>) dst(%dma_wait3A_408 : memref<80x128xf32, #tpu.memory_space<vmem_shared>>)
      tpu.yield
    }) : () -> ()
    %swap3A = arith.constant 0 : index
    %swap3A_30 = tpu.vector_load %arg22[%swap3A] {strides = array<i32>} : memref<640xf32, #tpu.memory_space<vmem>>, vector<16xf32>,
    %swap3A_31 = vector.shape_cast %swap3A_30 : vector<16xf32> to vector<16xf32>
    %swap3A_32 = vector.shape_cast %broadcast_in_dim3A_3 : vector<16xf32> to vector<16xf32>
    tpu.vector_store %arg22[%swap3A], %swap3A_32 {strides = array<i32>} : memref<640xf32, #tpu.memory_space<vmem>>, vector<16xf32>,
    %swap3A_33 = arith.constant 16 : index
    %swap3A_34 = tpu.vector_load %arg22[%swap3A_33] {strides = array<i32>} : memref<640xf32, #tpu.memory_space<vmem>>, vector<16xf32>,
    %swap3A_35 = vector.shape_cast %swap3A_34 : vector<16xf32> to vector<16xf32>
    %swap3A_36 = vector.shape_cast %broadcast_in_dim3A_3 : vector<16xf32> to vector<16xf32>
    tpu.vector_store %arg22[%swap3A_33], %swap3A_36 {strides = array<i32>} : memref<640xf32, #tpu.memory_space<vmem>>, vector<16xf32>,
    %swap3A_37 = arith.constant 32 : index
    %swap3A_38 = tpu.vector_load %arg22[%swap3A_37] {strides = array<i32>} : memref<640xf32, #tpu.memory_space<vmem>>, vector<16xf32>,
    %swap3A_39 = vector.shape_cast %swap3A_38 : vector<16xf32> to vector<16xf32>
    %swap3A_40 = vector.shape_cast %broadcast_in_dim3A_3 : vector<16xf32> to vector<16xf32>
    tpu.vector_store %arg22[%swap3A_37], %swap3A_40 {strides = array<i32>} : memref<640xf32, #tpu.memory_space<vmem>>, vector<16xf32>,
    %swap3A_41 = arith.constant 48 : index
    %swap3A_42 = tpu.vector_load %arg22[%swap3A_41] {strides = array<i32>} : memref<640xf32, #tpu.memory_space<vmem>>, vector<16xf32>,
    %swap3A_43 = vector.shape_cast %swap3A_42 : vector<16xf32> to vector<16xf32>
    %swap3A_44 = vector.shape_cast %broadcast_in_dim3A_3 : vector<16xf32> to vector<16xf32>
    tpu.vector_store %arg22[%swap3A_41], %swap3A_44 {strides = array<i32>} : memref<640xf32, #tpu.memory_space<vmem>>, vector<16xf32>,
    %swap3A_45 = arith.constant 64 : index
    %swap3A_46 = tpu.vector_load %arg22[%swap3A_45] {strides = array<i32>} : memref<640xf32, #tpu.memory_space<vmem>>, vector<16xf32>,
    %swap3A_47 = vector.shape_cast %swap3A_46 : vector<16xf32> to vector<16xf32>
    %swap3A_48 = vector.shape_cast %broadcast_in_dim3A_3 : vector<16xf32> to vector<16xf32>
    tpu.vector_store %arg22[%swap3A_45], %swap3A_48 {strides = array<i32>} : memref<640xf32, #tpu.memory_space<vmem>>, vector<16xf32>,
    %swap3A_49 = arith.constant 80 : index
    %swap3A_50 = tpu.vector_load %arg22[%swap3A_49] {strides = array<i32>} : memref<640xf32, #tpu.memory_space<vmem>>, vector<16xf32>,
    %swap3A_51 = vector.shape_cast %swap3A_50 : vector<16xf32> to vector<16xf32>
    %swap3A_52 = vector.shape_cast %broadcast_in_dim3A_3 : vector<16xf32> to vector<16xf32>
    tpu.vector_store %arg22[%swap3A_49], %swap3A_52 {strides = array<i32>} : memref<640xf32, #tpu.memory_space<vmem>>, vector<16xf32>,
    %swap3A_53 = arith.constant 96 : index
    %swap3A_54 = tpu.vector_load %arg22[%swap3A_53] {strides = array<i32>} : memref<640xf32, #tpu.memory_space<vmem>>, vector<16xf32>,
    %swap3A_55 = vector.shape_cast %swap3A_54 : vector<16xf32> to vector<16xf32>
    %swap3A_56 = vector.shape_cast %broadcast_in_dim3A_3 : vector<16xf32> to vector<16xf32>
    tpu.vector_store %arg22[%swap3A_53], %swap3A_56 {strides = array<i32>} : memref<640xf32, #tpu.memory_space<vmem>>, vector<16xf32>,
    %swap3A_57 = arith.constant 112 : index
    %swap3A_58 = tpu.vector_load %arg22[%swap3A_57] {strides = array<i32>} : memref<640xf32, #tpu.memory_space<vmem>>, vector<16xf32>,
    %swap3A_59 = vector.shape_cast %swap3A_58 : vector<16xf32> to vector<16xf32>
    %swap3A_60 = vector.shape_cast %broadcast_in_dim3A_3 : vector<16xf32> to vector<16xf32>
    tpu.vector_store %arg22[%swap3A_57], %swap3A_60 {strides = array<i32>} : memref<640xf32, #tpu.memory_space<vmem>>, vector<16xf32>,
    %swap3A_61 = arith.constant 128 : index
    %swap3A_62 = tpu.vector_load %arg22[%swap3A_61] {strides = array<i32>} : memref<640xf32, #tpu.memory_space<vmem>>, vector<16xf32>,
    %swap3A_63 = vector.shape_cast %swap3A_62 : vector<16xf32> to vector<16xf32>
    %swap3A_64 = vector.shape_cast %broadcast_in_dim3A_3 : vector<16xf32> to vector<16xf32>
    tpu.vector_store %arg22[%swap3A_61], %swap3A_64 {strides = array<i32>} : memref<640xf32, #tpu.memory_space<vmem>>, vector<16xf32>,
    %swap3A_65 = arith.constant 144 : index
    %swap3A_66 = tpu.vector_load %arg22[%swap3A_65] {strides = array<i32>} : memref<640xf32, #tpu.memory_space<vmem>>, vector<16xf32>,
    %swap3A_67 = vector.shape_cast %swap3A_66 : vector<16xf32> to vector<16xf32>
    %swap3A_68 = vector.shape_cast %broadcast_in_dim3A_3 : vector<16xf32> to vector<16xf32>
    tpu.vector_store %arg22[%swap3A_65], %swap3A_68 {strides = array<i32>} : memref<640xf32, #tpu.memory_space<vmem>>, vector<16xf32>,
    %swap3A_69 = arith.constant 160 : index
    %swap3A_70 = tpu.vector_load %arg22[%swap3A_69] {strides = array<i32>} : memref<640xf32, #tpu.memory_space<vmem>>, vector<16xf32>,
    %swap3A_71 = vector.shape_cast %swap3A_70 : vector<16xf32> to vector<16xf32>
    %swap3A_72 = vector.shape_cast %broadcast_in_dim3A_3 : vector<16xf32> to vector<16xf32>
    tpu.vector_store %arg22[%swap3A_69], %swap3A_72 {strides = array<i32>} : memref<640xf32, #tpu.memory_space<vmem>>, vector<16xf32>,
    %swap3A_73 = arith.constant 176 : index
    %swap3A_74 = tpu.vector_load %arg22[%swap3A_73] {strides = array<i32>} : memref<640xf32, #tpu.memory_space<vmem>>, vector<16xf32>,
    %swap3A_75 = vector.shape_cast %swap3A_74 : vector<16xf32> to vector<16xf32>
    %swap3A_76 = vector.shape_cast %broadcast_in_dim3A_3 : vector<16xf32> to vector<16xf32>
    tpu.vector_store %arg22[%swap3A_73], %swap3A_76 {strides = array<i32>} : memref<640xf32, #tpu.memory_space<vmem>>, vector<16xf32>,
    %swap3A_77 = arith.constant 192 : index
    %swap3A_78 = tpu.vector_load %arg22[%swap3A_77] {strides = array<i32>} : memref<640xf32, #tpu.memory_space<vmem>>, vector<16xf32>,
    %swap3A_79 = vector.shape_cast %swap3A_78 : vector<16xf32> to vector<16xf32>
    %swap3A_80 = vector.shape_cast %broadcast_in_dim3A_3 : vector<16xf32> to vector<16xf32>
    tpu.vector_store %arg22[%swap3A_77], %swap3A_80 {strides = array<i32>} : memref<640xf32, #tpu.memory_space<vmem>>, vector<16xf32>,
    %swap3A_81 = arith.constant 208 : index
    %swap3A_82 = tpu.vector_load %arg22[%swap3A_81] {strides = array<i32>} : memref<640xf32, #tpu.memory_space<vmem>>, vector<16xf32>,
    %swap3A_83 = vector.shape_cast %swap3A_82 : vector<16xf32> to vector<16xf32>
    %swap3A_84 = vector.shape_cast %broadcast_in_dim3A_3 : vector<16xf32> to vector<16xf32>
    tpu.vector_store %arg22[%swap3A_81], %swap3A_84 {strides = array<i32>} : memref<640xf32, #tpu.memory_space<vmem>>, vector<16xf32>,
    %swap3A_85 = arith.constant 224 : index
    %swap3A_86 = tpu.vector_load %arg22[%swap3A_85] {strides = array<i32>} : memref<640xf32, #tpu.memory_space<vmem>>, vector<16xf32>,
    %swap3A_87 = vector.shape_cast %swap3A_86 : vector<16xf32> to vector<16xf32>
    %swap3A_88 = vector.shape_cast %broadcast_in_dim3A_3 : vector<16xf32> to vector<16xf32>
    tpu.vector_store %arg22[%swap3A_85], %swap3A_88 {strides = array<i32>} : memref<640xf32, #tpu.memory_space<vmem>>, vector<16xf32>,
    %swap3A_89 = arith.constant 240 : index
    %swap3A_90 = tpu.vector_load %arg22[%swap3A_89] {strides = array<i32>} : memref<640xf32, #tpu.memory_space<vmem>>, vector<16xf32>,
    %swap3A_91 = vector.shape_cast %swap3A_90 : vector<16xf32> to vector<16xf32>
    %swap3A_92 = vector.shape_cast %broadcast_in_dim3A_3 : vector<16xf32> to vector<16xf32>
    tpu.vector_store %arg22[%swap3A_89], %swap3A_92 {strides = array<i32>} : memref<640xf32, #tpu.memory_space<vmem>>, vector<16xf32>,
    %swap3A_93 = arith.constant 256 : index
    %swap3A_94 = tpu.vector_load %arg22[%swap3A_93] {strides = array<i32>} : memref<640xf32, #tpu.memory_space<vmem>>, vector<16xf32>,
    %swap3A_95 = vector.shape_cast %swap3A_94 : vector<16xf32> to vector<16xf32>
    %swap3A_96 = vector.shape_cast %broadcast_in_dim3A_3 : vector<16xf32> to vector<16xf32>
    tpu.vector_store %arg22[%swap3A_93], %swap3A_96 {strides = array<i32>} : memref<640xf32, #tpu.memory_space<vmem>>, vector<16xf32>,
    %swap3A_97 = arith.constant 272 : index
    %swap3A_98 = tpu.vector_load %arg22[%swap3A_97] {strides = array<i32>} : memref<640xf32, #tpu.memory_space<vmem>>, vector<16xf32>,
    %swap3A_99 = vector.shape_cast %swap3A_98 : vector<16xf32> to vector<16xf32>
    %swap3A_100 = vector.shape_cast %broadcast_in_dim3A_3 : vector<16xf32> to vector<16xf32>
    tpu.vector_store %arg22[%swap3A_97], %swap3A_100 {strides = array<i32>} : memref<640xf32, #tpu.memory_space<vmem>>, vector<16xf32>,
    %swap3A_101 = arith.constant 288 : index
    %swap3A_102 = tpu.vector_load %arg22[%swap3A_101] {strides = array<i32>} : memref<640xf32, #tpu.memory_space<vmem>>, vector<16xf32>,
    %swap3A_103 = vector.shape_cast %swap3A_102 : vector<16xf32> to vector<16xf32>
    %swap3A_104 = vector.shape_cast %broadcast_in_dim3A_3 : vector<16xf32> to vector<16xf32>
    tpu.vector_store %arg22[%swap3A_101], %swap3A_104 {strides = array<i32>} : memref<640xf32, #tpu.memory_space<vmem>>, vector<16xf32>,
    %swap3A_105 = arith.constant 304 : index
    %swap3A_106 = tpu.vector_load %arg22[%swap3A_105] {strides = array<i32>} : memref<640xf32, #tpu.memory_space<vmem>>, vector<16xf32>,
    %swap3A_107 = vector.shape_cast %swap3A_106 : vector<16xf32> to vector<16xf32>
    %swap3A_108 = vector.shape_cast %broadcast_in_dim3A_3 : vector<16xf32> to vector<16xf32>
    tpu.vector_store %arg22[%swap3A_105], %swap3A_108 {strides = array<i32>} : memref<640xf32, #tpu.memory_space<vmem>>, vector<16xf32>,
    %swap3A_109 = arith.constant 320 : index
    %swap3A_110 = tpu.vector_load %arg22[%swap3A_109] {strides = array<i32>} : memref<640xf32, #tpu.memory_space<vmem>>, vector<16xf32>,
    %swap3A_111 = vector.shape_cast %swap3A_110 : vector<16xf32> to vector<16xf32>
    %swap3A_112 = vector.shape_cast %broadcast_in_dim3A_3 : vector<16xf32> to vector<16xf32>
    tpu.vector_store %arg22[%swap3A_109], %swap3A_112 {strides = array<i32>} : memref<640xf32, #tpu.memory_space<vmem>>, vector<16xf32>,
    %swap3A_113 = arith.constant 336 : index
    %swap3A_114 = tpu.vector_load %arg22[%swap3A_113] {strides = array<i32>} : memref<640xf32, #tpu.memory_space<vmem>>, vector<16xf32>,
    %swap3A_115 = vector.shape_cast %swap3A_114 : vector<16xf32> to vector<16xf32>
    %swap3A_116 = vector.shape_cast %broadcast_in_dim3A_3 : vector<16xf32> to vector<16xf32>
    tpu.vector_store %arg22[%swap3A_113], %swap3A_116 {strides = array<i32>} : memref<640xf32, #tpu.memory_space<vmem>>, vector<16xf32>,
    %swap3A_117 = arith.constant 352 : index
    %swap3A_118 = tpu.vector_load %arg22[%swap3A_117] {strides = array<i32>} : memref<640xf32, #tpu.memory_space<vmem>>, vector<16xf32>,
    %swap3A_119 = vector.shape_cast %swap3A_118 : vector<16xf32> to vector<16xf32>
    %swap3A_120 = vector.shape_cast %broadcast_in_dim3A_3 : vector<16xf32> to vector<16xf32>
    tpu.vector_store %arg22[%swap3A_117], %swap3A_120 {strides = array<i32>} : memref<640xf32, #tpu.memory_space<vmem>>, vector<16xf32>,
    %swap3A_121 = arith.constant 368 : index
    %swap3A_122 = tpu.vector_load %arg22[%swap3A_121] {strides = array<i32>} : memref<640xf32, #tpu.memory_space<vmem>>, vector<16xf32>,
    %swap3A_123 = vector.shape_cast %swap3A_122 : vector<16xf32> to vector<16xf32>
    %swap3A_124 = vector.shape_cast %broadcast_in_dim3A_3 : vector<16xf32> to vector<16xf32>
    tpu.vector_store %arg22[%swap3A_121], %swap3A_124 {strides = array<i32>} : memref<640xf32, #tpu.memory_space<vmem>>, vector<16xf32>,
    %swap3A_125 = arith.constant 384 : index
    %swap3A_126 = tpu.vector_load %arg22[%swap3A_125] {strides = array<i32>} : memref<640xf32, #tpu.memory_space<vmem>>, vector<16xf32>,
    %swap3A_127 = vector.shape_cast %swap3A_126 : vector<16xf32> to vector<16xf32>
    %swap3A_128 = vector.shape_cast %broadcast_in_dim3A_3 : vector<16xf32> to vector<16xf32>
    tpu.vector_store %arg22[%swap3A_125], %swap3A_128 {strides = array<i32>} : memref<640xf32, #tpu.memory_space<vmem>>, vector<16xf32>,
    %swap3A_129 = arith.constant 400 : index
    %swap3A_130 = tpu.vector_load %arg22[%swap3A_129] {strides = array<i32>} : memref<640xf32, #tpu.memory_space<vmem>>, vector<16xf32>,
    %swap3A_131 = vector.shape_cast %swap3A_130 : vector<16xf32> to vector<16xf32>
    %swap3A_132 = vector.shape_cast %broadcast_in_dim3A_3 : vector<16xf32> to vector<16xf32>
    tpu.vector_store %arg22[%swap3A_129], %swap3A_132 {strides = array<i32>} : memref<640xf32, #tpu.memory_space<vmem>>, vector<16xf32>,
    %swap3A_133 = arith.constant 416 : index
    %swap3A_134 = tpu.vector_load %arg22[%swap3A_133] {strides = array<i32>} : memref<640xf32, #tpu.memory_space<vmem>>, vector<16xf32>,
    %swap3A_135 = vector.shape_cast %swap3A_134 : vector<16xf32> to vector<16xf32>
    %swap3A_136 = vector.shape_cast %broadcast_in_dim3A_3 : vector<16xf32> to vector<16xf32>
    tpu.vector_store %arg22[%swap3A_133], %swap3A_136 {strides = array<i32>} : memref<640xf32, #tpu.memory_space<vmem>>, vector<16xf32>,
    %swap3A_137 = arith.constant 432 : index
    %swap3A_138 = tpu.vector_load %arg22[%swap3A_137] {strides = array<i32>} : memref<640xf32, #tpu.memory_space<vmem>>, vector<16xf32>,
    %swap3A_139 = vector.shape_cast %swap3A_138 : vector<16xf32> to vector<16xf32>
    %swap3A_140 = vector.shape_cast %broadcast_in_dim3A_3 : vector<16xf32> to vector<16xf32>
    tpu.vector_store %arg22[%swap3A_137], %swap3A_140 {strides = array<i32>} : memref<640xf32, #tpu.memory_space<vmem>>, vector<16xf32>,
    %swap3A_141 = arith.constant 448 : index
    %swap3A_142 = tpu.vector_load %arg22[%swap3A_141] {strides = array<i32>} : memref<640xf32, #tpu.memory_space<vmem>>, vector<16xf32>,
    %swap3A_143 = vector.shape_cast %swap3A_142 : vector<16xf32> to vector<16xf32>
    %swap3A_144 = vector.shape_cast %broadcast_in_dim3A_3 : vector<16xf32> to vector<16xf32>
    tpu.vector_store %arg22[%swap3A_141], %swap3A_144 {strides = array<i32>} : memref<640xf32, #tpu.memory_space<vmem>>, vector<16xf32>,
    %swap3A_145 = arith.constant 464 : index
    %swap3A_146 = tpu.vector_load %arg22[%swap3A_145] {strides = array<i32>} : memref<640xf32, #tpu.memory_space<vmem>>, vector<16xf32>,
    %swap3A_147 = vector.shape_cast %swap3A_146 : vector<16xf32> to vector<16xf32>
    %swap3A_148 = vector.shape_cast %broadcast_in_dim3A_3 : vector<16xf32> to vector<16xf32>
    tpu.vector_store %arg22[%swap3A_145], %swap3A_148 {strides = array<i32>} : memref<640xf32, #tpu.memory_space<vmem>>, vector<16xf32>,
    %swap3A_149 = arith.constant 480 : index
    %swap3A_150 = tpu.vector_load %arg22[%swap3A_149] {strides = array<i32>} : memref<640xf32, #tpu.memory_space<vmem>>, vector<16xf32>,
    %swap3A_151 = vector.shape_cast %swap3A_150 : vector<16xf32> to vector<16xf32>
    %swap3A_152 = vector.shape_cast %broadcast_in_dim3A_3 : vector<16xf32> to vector<16xf32>
    tpu.vector_store %arg22[%swap3A_149], %swap3A_152 {strides = array<i32>} : memref<640xf32, #tpu.memory_space<vmem>>, vector<16xf32>,
    %swap3A_153 = arith.constant 496 : index
    %swap3A_154 = tpu.vector_load %arg22[%swap3A_153] {strides = array<i32>} : memref<640xf32, #tpu.memory_space<vmem>>, vector<16xf32>,
    %swap3A_155 = vector.shape_cast %swap3A_154 : vector<16xf32> to vector<16xf32>
    %swap3A_156 = vector.shape_cast %broadcast_in_dim3A_3 : vector<16xf32> to vector<16xf32>
    tpu.vector_store %arg22[%swap3A_153], %swap3A_156 {strides = array<i32>} : memref<640xf32, #tpu.memory_space<vmem>>, vector<16xf32>,
    %swap3A_157 = arith.constant 512 : index
    %swap3A_158 = tpu.vector_load %arg22[%swap3A_157] {strides = array<i32>} : memref<640xf32, #tpu.memory_space<vmem>>, vector<16xf32>,
    %swap3A_159 = vector.shape_cast %swap3A_158 : vector<16xf32> to vector<16xf32>
    %swap3A_160 = vector.shape_cast %broadcast_in_dim3A_3 : vector<16xf32> to vector<16xf32>
    tpu.vector_store %arg22[%swap3A_157], %swap3A_160 {strides = array<i32>} : memref<640xf32, #tpu.memory_space<vmem>>, vector<16xf32>,
    %swap3A_161 = arith.constant 528 : index
    %swap3A_162 = tpu.vector_load %arg22[%swap3A_161] {strides = array<i32>} : memref<640xf32, #tpu.memory_space<vmem>>, vector<16xf32>,
    %swap3A_163 = vector.shape_cast %swap3A_162 : vector<16xf32> to vector<16xf32>
    %swap3A_164 = vector.shape_cast %broadcast_in_dim3A_3 : vector<16xf32> to vector<16xf32>
    tpu.vector_store %arg22[%swap3A_161], %swap3A_164 {strides = array<i32>} : memref<640xf32, #tpu.memory_space<vmem>>, vector<16xf32>,
    %swap3A_165 = arith.constant 544 : index
    %swap3A_166 = tpu.vector_load %arg22[%swap3A_165] {strides = array<i32>} : memref<640xf32, #tpu.memory_space<vmem>>, vector<16xf32>,
    %swap3A_167 = vector.shape_cast %swap3A_166 : vector<16xf32> to vector<16xf32>
    %swap3A_168 = vector.shape_cast %broadcast_in_dim3A_3 : vector<16xf32> to vector<16xf32>
    tpu.vector_store %arg22[%swap3A_165], %swap3A_168 {strides = array<i32>} : memref<640xf32, #tpu.memory_space<vmem>>, vector<16xf32>,
    %swap3A_169 = arith.constant 560 : index
    %swap3A_170 = tpu.vector_load %arg22[%swap3A_169] {strides = array<i32>} : memref<640xf32, #tpu.memory_space<vmem>>, vector<16xf32>,
    %swap3A_171 = vector.shape_cast %swap3A_170 : vector<16xf32> to vector<16xf32>
    %swap3A_172 = vector.shape_cast %broadcast_in_dim3A_3 : vector<16xf32> to vector<16xf32>
    tpu.vector_store %arg22[%swap3A_169], %swap3A_172 {strides = array<i32>} : memref<640xf32, #tpu.memory_space<vmem>>, vector<16xf32>,
    %swap3A_173 = arith.constant 576 : index
    %swap3A_174 = tpu.vector_load %arg22[%swap3A_173] {strides = array<i32>} : memref<640xf32, #tpu.memory_space<vmem>>, vector<16xf32>,
    %swap3A_175 = vector.shape_cast %swap3A_174 : vector<16xf32> to vector<16xf32>
    %swap3A_176 = vector.shape_cast %broadcast_in_dim3A_3 : vector<16xf32> to vector<16xf32>
    tpu.vector_store %arg22[%swap3A_173], %swap3A_176 {strides = array<i32>} : memref<640xf32, #tpu.memory_space<vmem>>, vector<16xf32>,
    %swap3A_177 = arith.constant 592 : index
    %swap3A_178 = tpu.vector_load %arg22[%swap3A_177] {strides = array<i32>} : memref<640xf32, #tpu.memory_space<vmem>>, vector<16xf32>,
    %swap3A_179 = vector.shape_cast %swap3A_178 : vector<16xf32> to vector<16xf32>
    %swap3A_180 = vector.shape_cast %broadcast_in_dim3A_3 : vector<16xf32> to vector<16xf32>
    tpu.vector_store %arg22[%swap3A_177], %swap3A_180 {strides = array<i32>} : memref<640xf32, #tpu.memory_space<vmem>>, vector<16xf32>,
    %swap3A_181 = arith.constant 608 : index
    %swap3A_182 = tpu.vector_load %arg22[%swap3A_181] {strides = array<i32>} : memref<640xf32, #tpu.memory_space<vmem>>, vector<16xf32>,
    %swap3A_183 = vector.shape_cast %swap3A_182 : vector<16xf32> to vector<16xf32>
    %swap3A_184 = vector.shape_cast %broadcast_in_dim3A_3 : vector<16xf32> to vector<16xf32>
    tpu.vector_store %arg22[%swap3A_181], %swap3A_184 {strides = array<i32>} : memref<640xf32, #tpu.memory_space<vmem>>, vector<16xf32>,
    %swap3A_185 = arith.constant 624 : index
    %swap3A_186 = tpu.vector_load %arg22[%swap3A_185] {strides = array<i32>} : memref<640xf32, #tpu.memory_space<vmem>>, vector<16xf32>,
    %swap3A_187 = vector.shape_cast %swap3A_186 : vector<16xf32> to vector<16xf32>
    %swap3A_188 = vector.shape_cast %broadcast_in_dim3A_3 : vector<16xf32> to vector<16xf32>
    tpu.vector_store %arg22[%swap3A_185], %swap3A_188 {strides = array<i32>} : memref<640xf32, #tpu.memory_space<vmem>>, vector<16xf32>,
    "tpu.region"() ({
      %run_scoped3A = tpu.sem_alloc : memref<!tpu.dma_semaphore, #tpu.memory_space<semaphore_mem>>
      %dma_start3A_401 = arith.constant 0 : i32
      %dma_start3A_402 = tpu.memref_slice %arg22[%dma_start3A_401] : memref<640xf32, #tpu.memory_space<vmem>> -> memref<640xf32, #tpu.memory_space<vmem>>
      %dma_start3A_403 = tpu.memref_slice %arg24[%mul3A_13] : memref<10240xf32, #tpu.memory_space<vmem_shared>> -> memref<640xf32, #tpu.memory_space<vmem_shared>>
      %dma_start3A_404 = tpu.memref_slice %arg24[%mul3A_13] : memref<10240xf32, #tpu.memory_space<vmem_shared>> -> memref<640xf32, #tpu.memory_space<vmem_shared>>
      %dma_start3A_405 = arith.constant 0 : i32
      %dma_start3A_406 = tpu.memref_slice %arg22[%dma_start3A_405] : memref<640xf32, #tpu.memory_space<vmem>> -> memref<640xf32, #tpu.memory_space<vmem>>
      tpu.enqueue_dma source(%dma_start3A_406 : memref<640xf32, #tpu.memory_space<vmem>>) target(%dma_start3A_404 : memref<640xf32, #tpu.memory_space<vmem_shared>>) target_semaphore(%run_scoped3A : memref<!tpu.dma_semaphore, #tpu.memory_space<semaphore_mem>>)
      %dma_wait3A_407 = arith.constant 0 : i32
      %dma_wait3A_408 = tpu.memref_slice %arg22[%dma_wait3A_407] : memref<640xf32, #tpu.memory_space<vmem>> -> memref<640xf32, #tpu.memory_space<vmem>>
      %dma_wait3A_409 = tpu.memref_slice %arg24[%mul3A_13] : memref<10240xf32, #tpu.memory_space<vmem_shared>> -> memref<640xf32, #tpu.memory_space<vmem_shared>>
      %dma_wait3A_410 = tpu.memref_slice %arg24[%mul3A_13] : memref<10240xf32, #tpu.memory_space<vmem_shared>> -> memref<640xf32, #tpu.memory_space<vmem_shared>>
      %dma_wait3A_411 = arith.constant 0 : i32
      %dma_wait3A_412 = tpu.memref_slice %arg22[%dma_wait3A_411] : memref<640xf32, #tpu.memory_space<vmem>> -> memref<640xf32, #tpu.memory_space<vmem>>
      tpu.wait_dma2 semaphore(%run_scoped3A : memref<!tpu.dma_semaphore, #tpu.memory_space<semaphore_mem>>) src(%dma_wait3A_412 : memref<640xf32, #tpu.memory_space<vmem>>) dst(%dma_wait3A_410 : memref<640xf32, #tpu.memory_space<vmem_shared>>)
      tpu.yield
    }) : () -> ()
    %swap3A_189 = arith.constant 0 : index
    %swap3A_190 = tpu.vector_load %arg22[%swap3A_189] {strides = array<i32>} : memref<640xf32, #tpu.memory_space<vmem>>, vector<16xf32>,
    %swap3A_191 = vector.shape_cast %swap3A_190 : vector<16xf32> to vector<16xf32>
    %swap3A_192 = vector.shape_cast %broadcast_in_dim3A_5 : vector<16xf32> to vector<16xf32>
    tpu.vector_store %arg22[%swap3A_189], %swap3A_192 {strides = array<i32>} : memref<640xf32, #tpu.memory_space<vmem>>, vector<16xf32>,
    %swap3A_193 = arith.constant 16 : index
    %swap3A_194 = tpu.vector_load %arg22[%swap3A_193] {strides = array<i32>} : memref<640xf32, #tpu.memory_space<vmem>>, vector<16xf32>,
    %swap3A_195 = vector.shape_cast %swap3A_194 : vector<16xf32> to vector<16xf32>
    %swap3A_196 = vector.shape_cast %broadcast_in_dim3A_5 : vector<16xf32> to vector<16xf32>
    tpu.vector_store %arg22[%swap3A_193], %swap3A_196 {strides = array<i32>} : memref<640xf32, #tpu.memory_space<vmem>>, vector<16xf32>,
    %swap3A_197 = arith.constant 32 : index
    %swap3A_198 = tpu.vector_load %arg22[%swap3A_197] {strides = array<i32>} : memref<640xf32, #tpu.memory_space<vmem>>, vector<16xf32>,
    %swap3A_199 = vector.shape_cast %swap3A_198 : vector<16xf32> to vector<16xf32>
    %swap3A_200 = vector.shape_cast %broadcast_in_dim3A_5 : vector<16xf32> to vector<16xf32>
    tpu.vector_store %arg22[%swap3A_197], %swap3A_200 {strides = array<i32>} : memref<640xf32, #tpu.memory_space<vmem>>, vector<16xf32>,
    %swap3A_201 = arith.constant 48 : index
    %swap3A_202 = tpu.vector_load %arg22[%swap3A_201] {strides = array<i32>} : memref<640xf32, #tpu.memory_space<vmem>>, vector<16xf32>,
    %swap3A_203 = vector.shape_cast %swap3A_202 : vector<16xf32> to vector<16xf32>
    %swap3A_204 = vector.shape_cast %broadcast_in_dim3A_5 : vector<16xf32> to vector<16xf32>
    tpu.vector_store %arg22[%swap3A_201], %swap3A_204 {strides = array<i32>} : memref<640xf32, #tpu.memory_space<vmem>>, vector<16xf32>,
    %swap3A_205 = arith.constant 64 : index
    %swap3A_206 = tpu.vector_load %arg22[%swap3A_205] {strides = array<i32>} : memref<640xf32, #tpu.memory_space<vmem>>, vector<16xf32>,
    %swap3A_207 = vector.shape_cast %swap3A_206 : vector<16xf32> to vector<16xf32>
    %swap3A_208 = vector.shape_cast %broadcast_in_dim3A_5 : vector<16xf32> to vector<16xf32>
    tpu.vector_store %arg22[%swap3A_205], %swap3A_208 {strides = array<i32>} : memref<640xf32, #tpu.memory_space<vmem>>, vector<16xf32>,
    %swap3A_209 = arith.constant 80 : index
    %swap3A_210 = tpu.vector_load %arg22[%swap3A_209] {strides = array<i32>} : memref<640xf32, #tpu.memory_space<vmem>>, vector<16xf32>,
    %swap3A_211 = vector.shape_cast %swap3A_210 : vector<16xf32> to vector<16xf32>
    %swap3A_212 = vector.shape_cast %broadcast_in_dim3A_5 : vector<16xf32> to vector<16xf32>
    tpu.vector_store %arg22[%swap3A_209], %swap3A_212 {strides = array<i32>} : memref<640xf32, #tpu.memory_space<vmem>>, vector<16xf32>,
    %swap3A_213 = arith.constant 96 : index
    %swap3A_214 = tpu.vector_load %arg22[%swap3A_213] {strides = array<i32>} : memref<640xf32, #tpu.memory_space<vmem>>, vector<16xf32>,
    %swap3A_215 = vector.shape_cast %swap3A_214 : vector<16xf32> to vector<16xf32>
    %swap3A_216 = vector.shape_cast %broadcast_in_dim3A_5 : vector<16xf32> to vector<16xf32>
    tpu.vector_store %arg22[%swap3A_213], %swap3A_216 {strides = array<i32>} : memref<640xf32, #tpu.memory_space<vmem>>, vector<16xf32>,
    %swap3A_217 = arith.constant 112 : index
    %swap3A_218 = tpu.vector_load %arg22[%swap3A_217] {strides = array<i32>} : memref<640xf32, #tpu.memory_space<vmem>>, vector<16xf32>,
    %swap3A_219 = vector.shape_cast %swap3A_218 : vector<16xf32> to vector<16xf32>
    %swap3A_220 = vector.shape_cast %broadcast_in_dim3A_5 : vector<16xf32> to vector<16xf32>
    tpu.vector_store %arg22[%swap3A_217], %swap3A_220 {strides = array<i32>} : memref<640xf32, #tpu.memory_space<vmem>>, vector<16xf32>,
    %swap3A_221 = arith.constant 128 : index
    %swap3A_222 = tpu.vector_load %arg22[%swap3A_221] {strides = array<i32>} : memref<640xf32, #tpu.memory_space<vmem>>, vector<16xf32>,
    %swap3A_223 = vector.shape_cast %swap3A_222 : vector<16xf32> to vector<16xf32>
    %swap3A_224 = vector.shape_cast %broadcast_in_dim3A_5 : vector<16xf32> to vector<16xf32>
    tpu.vector_store %arg22[%swap3A_221], %swap3A_224 {strides = array<i32>} : memref<640xf32, #tpu.memory_space<vmem>>, vector<16xf32>,
    %swap3A_225 = arith.constant 144 : index
    %swap3A_226 = tpu.vector_load %arg22[%swap3A_225] {strides = array<i32>} : memref<640xf32, #tpu.memory_space<vmem>>, vector<16xf32>,
    %swap3A_227 = vector.shape_cast %swap3A_226 : vector<16xf32> to vector<16xf32>
    %swap3A_228 = vector.shape_cast %broadcast_in_dim3A_5 : vector<16xf32> to vector<16xf32>
    tpu.vector_store %arg22[%swap3A_225], %swap3A_228 {strides = array<i32>} : memref<640xf32, #tpu.memory_space<vmem>>, vector<16xf32>,
    %swap3A_229 = arith.constant 160 : index
    %swap3A_230 = tpu.vector_load %arg22[%swap3A_229] {strides = array<i32>} : memref<640xf32, #tpu.memory_space<vmem>>, vector<16xf32>,
    %swap3A_231 = vector.shape_cast %swap3A_230 : vector<16xf32> to vector<16xf32>
    %swap3A_232 = vector.shape_cast %broadcast_in_dim3A_5 : vector<16xf32> to vector<16xf32>
    tpu.vector_store %arg22[%swap3A_229], %swap3A_232 {strides = array<i32>} : memref<640xf32, #tpu.memory_space<vmem>>, vector<16xf32>,
    %swap3A_233 = arith.constant 176 : index
    %swap3A_234 = tpu.vector_load %arg22[%swap3A_233] {strides = array<i32>} : memref<640xf32, #tpu.memory_space<vmem>>, vector<16xf32>,
    %swap3A_235 = vector.shape_cast %swap3A_234 : vector<16xf32> to vector<16xf32>
    %swap3A_236 = vector.shape_cast %broadcast_in_dim3A_5 : vector<16xf32> to vector<16xf32>
    tpu.vector_store %arg22[%swap3A_233], %swap3A_236 {strides = array<i32>} : memref<640xf32, #tpu.memory_space<vmem>>, vector<16xf32>,
    %swap3A_237 = arith.constant 192 : index
    %swap3A_238 = tpu.vector_load %arg22[%swap3A_237] {strides = array<i32>} : memref<640xf32, #tpu.memory_space<vmem>>, vector<16xf32>,
    %swap3A_239 = vector.shape_cast %swap3A_238 : vector<16xf32> to vector<16xf32>
    %swap3A_240 = vector.shape_cast %broadcast_in_dim3A_5 : vector<16xf32> to vector<16xf32>
    tpu.vector_store %arg22[%swap3A_237], %swap3A_240 {strides = array<i32>} : memref<640xf32, #tpu.memory_space<vmem>>, vector<16xf32>,
    %swap3A_241 = arith.constant 208 : index
    %swap3A_242 = tpu.vector_load %arg22[%swap3A_241] {strides = array<i32>} : memref<640xf32, #tpu.memory_space<vmem>>, vector<16xf32>,
    %swap3A_243 = vector.shape_cast %swap3A_242 : vector<16xf32> to vector<16xf32>
    %swap3A_244 = vector.shape_cast %broadcast_in_dim3A_5 : vector<16xf32> to vector<16xf32>
    tpu.vector_store %arg22[%swap3A_241], %swap3A_244 {strides = array<i32>} : memref<640xf32, #tpu.memory_space<vmem>>, vector<16xf32>,
    %swap3A_245 = arith.constant 224 : index
    %swap3A_246 = tpu.vector_load %arg22[%swap3A_245] {strides = array<i32>} : memref<640xf32, #tpu.memory_space<vmem>>, vector<16xf32>,
    %swap3A_247 = vector.shape_cast %swap3A_246 : vector<16xf32> to vector<16xf32>
    %swap3A_248 = vector.shape_cast %broadcast_in_dim3A_5 : vector<16xf32> to vector<16xf32>
    tpu.vector_store %arg22[%swap3A_245], %swap3A_248 {strides = array<i32>} : memref<640xf32, #tpu.memory_space<vmem>>, vector<16xf32>,
    %swap3A_249 = arith.constant 240 : index
    %swap3A_250 = tpu.vector_load %arg22[%swap3A_249] {strides = array<i32>} : memref<640xf32, #tpu.memory_space<vmem>>, vector<16xf32>,
    %swap3A_251 = vector.shape_cast %swap3A_250 : vector<16xf32> to vector<16xf32>
    %swap3A_252 = vector.shape_cast %broadcast_in_dim3A_5 : vector<16xf32> to vector<16xf32>
    tpu.vector_store %arg22[%swap3A_249], %swap3A_252 {strides = array<i32>} : memref<640xf32, #tpu.memory_space<vmem>>, vector<16xf32>,
    %swap3A_253 = arith.constant 256 : index
    %swap3A_254 = tpu.vector_load %arg22[%swap3A_253] {strides = array<i32>} : memref<640xf32, #tpu.memory_space<vmem>>, vector<16xf32>,
    %swap3A_255 = vector.shape_cast %swap3A_254 : vector<16xf32> to vector<16xf32>
    %swap3A_256 = vector.shape_cast %broadcast_in_dim3A_5 : vector<16xf32> to vector<16xf32>
    tpu.vector_store %arg22[%swap3A_253], %swap3A_256 {strides = array<i32>} : memref<640xf32, #tpu.memory_space<vmem>>, vector<16xf32>,
    %swap3A_257 = arith.constant 272 : index
    %swap3A_258 = tpu.vector_load %arg22[%swap3A_257] {strides = array<i32>} : memref<640xf32, #tpu.memory_space<vmem>>, vector<16xf32>,
    %swap3A_259 = vector.shape_cast %swap3A_258 : vector<16xf32> to vector<16xf32>
    %swap3A_260 = vector.shape_cast %broadcast_in_dim3A_5 : vector<16xf32> to vector<16xf32>
    tpu.vector_store %arg22[%swap3A_257], %swap3A_260 {strides = array<i32>} : memref<640xf32, #tpu.memory_space<vmem>>, vector<16xf32>,
    %swap3A_261 = arith.constant 288 : index
    %swap3A_262 = tpu.vector_load %arg22[%swap3A_261] {strides = array<i32>} : memref<640xf32, #tpu.memory_space<vmem>>, vector<16xf32>,
    %swap3A_263 = vector.shape_cast %swap3A_262 : vector<16xf32> to vector<16xf32>
    %swap3A_264 = vector.shape_cast %broadcast_in_dim3A_5 : vector<16xf32> to vector<16xf32>
    tpu.vector_store %arg22[%swap3A_261], %swap3A_264 {strides = array<i32>} : memref<640xf32, #tpu.memory_space<vmem>>, vector<16xf32>,
    %swap3A_265 = arith.constant 304 : index
    %swap3A_266 = tpu.vector_load %arg22[%swap3A_265] {strides = array<i32>} : memref<640xf32, #tpu.memory_space<vmem>>, vector<16xf32>,
    %swap3A_267 = vector.shape_cast %swap3A_266 : vector<16xf32> to vector<16xf32>
    %swap3A_268 = vector.shape_cast %broadcast_in_dim3A_5 : vector<16xf32> to vector<16xf32>
    tpu.vector_store %arg22[%swap3A_265], %swap3A_268 {strides = array<i32>} : memref<640xf32, #tpu.memory_space<vmem>>, vector<16xf32>,
    %swap3A_269 = arith.constant 320 : index
    %swap3A_270 = tpu.vector_load %arg22[%swap3A_269] {strides = array<i32>} : memref<640xf32, #tpu.memory_space<vmem>>, vector<16xf32>,
    %swap3A_271 = vector.shape_cast %swap3A_270 : vector<16xf32> to vector<16xf32>
    %swap3A_272 = vector.shape_cast %broadcast_in_dim3A_5 : vector<16xf32> to vector<16xf32>
    tpu.vector_store %arg22[%swap3A_269], %swap3A_272 {strides = array<i32>} : memref<640xf32, #tpu.memory_space<vmem>>, vector<16xf32>,
    %swap3A_273 = arith.constant 336 : index
    %swap3A_274 = tpu.vector_load %arg22[%swap3A_273] {strides = array<i32>} : memref<640xf32, #tpu.memory_space<vmem>>, vector<16xf32>,
    %swap3A_275 = vector.shape_cast %swap3A_274 : vector<16xf32> to vector<16xf32>
    %swap3A_276 = vector.shape_cast %broadcast_in_dim3A_5 : vector<16xf32> to vector<16xf32>
    tpu.vector_store %arg22[%swap3A_273], %swap3A_276 {strides = array<i32>} : memref<640xf32, #tpu.memory_space<vmem>>, vector<16xf32>,
    %swap3A_277 = arith.constant 352 : index
    %swap3A_278 = tpu.vector_load %arg22[%swap3A_277] {strides = array<i32>} : memref<640xf32, #tpu.memory_space<vmem>>, vector<16xf32>,
    %swap3A_279 = vector.shape_cast %swap3A_278 : vector<16xf32> to vector<16xf32>
    %swap3A_280 = vector.shape_cast %broadcast_in_dim3A_5 : vector<16xf32> to vector<16xf32>
    tpu.vector_store %arg22[%swap3A_277], %swap3A_280 {strides = array<i32>} : memref<640xf32, #tpu.memory_space<vmem>>, vector<16xf32>,
    %swap3A_281 = arith.constant 368 : index
    %swap3A_282 = tpu.vector_load %arg22[%swap3A_281] {strides = array<i32>} : memref<640xf32, #tpu.memory_space<vmem>>, vector<16xf32>,
    %swap3A_283 = vector.shape_cast %swap3A_282 : vector<16xf32> to vector<16xf32>
    %swap3A_284 = vector.shape_cast %broadcast_in_dim3A_5 : vector<16xf32> to vector<16xf32>
    tpu.vector_store %arg22[%swap3A_281], %swap3A_284 {strides = array<i32>} : memref<640xf32, #tpu.memory_space<vmem>>, vector<16xf32>,
    %swap3A_285 = arith.constant 384 : index
    %swap3A_286 = tpu.vector_load %arg22[%swap3A_285] {strides = array<i32>} : memref<640xf32, #tpu.memory_space<vmem>>, vector<16xf32>,
    %swap3A_287 = vector.shape_cast %swap3A_286 : vector<16xf32> to vector<16xf32>
    %swap3A_288 = vector.shape_cast %broadcast_in_dim3A_5 : vector<16xf32> to vector<16xf32>
    tpu.vector_store %arg22[%swap3A_285], %swap3A_288 {strides = array<i32>} : memref<640xf32, #tpu.memory_space<vmem>>, vector<16xf32>,
    %swap3A_289 = arith.constant 400 : index
    %swap3A_290 = tpu.vector_load %arg22[%swap3A_289] {strides = array<i32>} : memref<640xf32, #tpu.memory_space<vmem>>, vector<16xf32>,
    %swap3A_291 = vector.shape_cast %swap3A_290 : vector<16xf32> to vector<16xf32>
    %swap3A_292 = vector.shape_cast %broadcast_in_dim3A_5 : vector<16xf32> to vector<16xf32>
    tpu.vector_store %arg22[%swap3A_289], %swap3A_292 {strides = array<i32>} : memref<640xf32, #tpu.memory_space<vmem>>, vector<16xf32>,
    %swap3A_293 = arith.constant 416 : index
    %swap3A_294 = tpu.vector_load %arg22[%swap3A_293] {strides = array<i32>} : memref<640xf32, #tpu.memory_space<vmem>>, vector<16xf32>,
    %swap3A_295 = vector.shape_cast %swap3A_294 : vector<16xf32> to vector<16xf32>
    %swap3A_296 = vector.shape_cast %broadcast_in_dim3A_5 : vector<16xf32> to vector<16xf32>
    tpu.vector_store %arg22[%swap3A_293], %swap3A_296 {strides = array<i32>} : memref<640xf32, #tpu.memory_space<vmem>>, vector<16xf32>,
    %swap3A_297 = arith.constant 432 : index
    %swap3A_298 = tpu.vector_load %arg22[%swap3A_297] {strides = array<i32>} : memref<640xf32, #tpu.memory_space<vmem>>, vector<16xf32>,
    %swap3A_299 = vector.shape_cast %swap3A_298 : vector<16xf32> to vector<16xf32>
    %swap3A_300 = vector.shape_cast %broadcast_in_dim3A_5 : vector<16xf32> to vector<16xf32>
    tpu.vector_store %arg22[%swap3A_297], %swap3A_300 {strides = array<i32>} : memref<640xf32, #tpu.memory_space<vmem>>, vector<16xf32>,
    %swap3A_301 = arith.constant 448 : index
    %swap3A_302 = tpu.vector_load %arg22[%swap3A_301] {strides = array<i32>} : memref<640xf32, #tpu.memory_space<vmem>>, vector<16xf32>,
    %swap3A_303 = vector.shape_cast %swap3A_302 : vector<16xf32> to vector<16xf32>
    %swap3A_304 = vector.shape_cast %broadcast_in_dim3A_5 : vector<16xf32> to vector<16xf32>
    tpu.vector_store %arg22[%swap3A_301], %swap3A_304 {strides = array<i32>} : memref<640xf32, #tpu.memory_space<vmem>>, vector<16xf32>,
    %swap3A_305 = arith.constant 464 : index
    %swap3A_306 = tpu.vector_load %arg22[%swap3A_305] {strides = array<i32>} : memref<640xf32, #tpu.memory_space<vmem>>, vector<16xf32>,
    %swap3A_307 = vector.shape_cast %swap3A_306 : vector<16xf32> to vector<16xf32>
    %swap3A_308 = vector.shape_cast %broadcast_in_dim3A_5 : vector<16xf32> to vector<16xf32>
    tpu.vector_store %arg22[%swap3A_305], %swap3A_308 {strides = array<i32>} : memref<640xf32, #tpu.memory_space<vmem>>, vector<16xf32>,
    %swap3A_309 = arith.constant 480 : index
    %swap3A_310 = tpu.vector_load %arg22[%swap3A_309] {strides = array<i32>} : memref<640xf32, #tpu.memory_space<vmem>>, vector<16xf32>,
    %swap3A_311 = vector.shape_cast %swap3A_310 : vector<16xf32> to vector<16xf32>
    %swap3A_312 = vector.shape_cast %broadcast_in_dim3A_5 : vector<16xf32> to vector<16xf32>
    tpu.vector_store %arg22[%swap3A_309], %swap3A_312 {strides = array<i32>} : memref<640xf32, #tpu.memory_space<vmem>>, vector<16xf32>,
    %swap3A_313 = arith.constant 496 : index
    %swap3A_314 = tpu.vector_load %arg22[%swap3A_313] {strides = array<i32>} : memref<640xf32, #tpu.memory_space<vmem>>, vector<16xf32>,
    %swap3A_315 = vector.shape_cast %swap3A_314 : vector<16xf32> to vector<16xf32>
    %swap3A_316 = vector.shape_cast %broadcast_in_dim3A_5 : vector<16xf32> to vector<16xf32>
    tpu.vector_store %arg22[%swap3A_313], %swap3A_316 {strides = array<i32>} : memref<640xf32, #tpu.memory_space<vmem>>, vector<16xf32>,
    %swap3A_317 = arith.constant 512 : index
    %swap3A_318 = tpu.vector_load %arg22[%swap3A_317] {strides = array<i32>} : memref<640xf32, #tpu.memory_space<vmem>>, vector<16xf32>,
    %swap3A_319 = vector.shape_cast %swap3A_318 : vector<16xf32> to vector<16xf32>
    %swap3A_320 = vector.shape_cast %broadcast_in_dim3A_5 : vector<16xf32> to vector<16xf32>
    tpu.vector_store %arg22[%swap3A_317], %swap3A_320 {strides = array<i32>} : memref<640xf32, #tpu.memory_space<vmem>>, vector<16xf32>,
    %swap3A_321 = arith.constant 528 : index
    %swap3A_322 = tpu.vector_load %arg22[%swap3A_321] {strides = array<i32>} : memref<640xf32, #tpu.memory_space<vmem>>, vector<16xf32>,
    %swap3A_323 = vector.shape_cast %swap3A_322 : vector<16xf32> to vector<16xf32>
    %swap3A_324 = vector.shape_cast %broadcast_in_dim3A_5 : vector<16xf32> to vector<16xf32>
    tpu.vector_store %arg22[%swap3A_321], %swap3A_324 {strides = array<i32>} : memref<640xf32, #tpu.memory_space<vmem>>, vector<16xf32>,
    %swap3A_325 = arith.constant 544 : index
    %swap3A_326 = tpu.vector_load %arg22[%swap3A_325] {strides = array<i32>} : memref<640xf32, #tpu.memory_space<vmem>>, vector<16xf32>,
    %swap3A_327 = vector.shape_cast %swap3A_326 : vector<16xf32> to vector<16xf32>
    %swap3A_328 = vector.shape_cast %broadcast_in_dim3A_5 : vector<16xf32> to vector<16xf32>
    tpu.vector_store %arg22[%swap3A_325], %swap3A_328 {strides = array<i32>} : memref<640xf32, #tpu.memory_space<vmem>>, vector<16xf32>,
    %swap3A_329 = arith.constant 560 : index
    %swap3A_330 = tpu.vector_load %arg22[%swap3A_329] {strides = array<i32>} : memref<640xf32, #tpu.memory_space<vmem>>, vector<16xf32>,
    %swap3A_331 = vector.shape_cast %swap3A_330 : vector<16xf32> to vector<16xf32>
    %swap3A_332 = vector.shape_cast %broadcast_in_dim3A_5 : vector<16xf32> to vector<16xf32>
    tpu.vector_store %arg22[%swap3A_329], %swap3A_332 {strides = array<i32>} : memref<640xf32, #tpu.memory_space<vmem>>, vector<16xf32>,
    %swap3A_333 = arith.constant 576 : index
    %swap3A_334 = tpu.vector_load %arg22[%swap3A_333] {strides = array<i32>} : memref<640xf32, #tpu.memory_space<vmem>>, vector<16xf32>,
    %swap3A_335 = vector.shape_cast %swap3A_334 : vector<16xf32> to vector<16xf32>
    %swap3A_336 = vector.shape_cast %broadcast_in_dim3A_5 : vector<16xf32> to vector<16xf32>
    tpu.vector_store %arg22[%swap3A_333], %swap3A_336 {strides = array<i32>} : memref<640xf32, #tpu.memory_space<vmem>>, vector<16xf32>,
    %swap3A_337 = arith.constant 592 : index
    %swap3A_338 = tpu.vector_load %arg22[%swap3A_337] {strides = array<i32>} : memref<640xf32, #tpu.memory_space<vmem>>, vector<16xf32>,
    %swap3A_339 = vector.shape_cast %swap3A_338 : vector<16xf32> to vector<16xf32>
    %swap3A_340 = vector.shape_cast %broadcast_in_dim3A_5 : vector<16xf32> to vector<16xf32>
    tpu.vector_store %arg22[%swap3A_337], %swap3A_340 {strides = array<i32>} : memref<640xf32, #tpu.memory_space<vmem>>, vector<16xf32>,
    %swap3A_341 = arith.constant 608 : index
    %swap3A_342 = tpu.vector_load %arg22[%swap3A_341] {strides = array<i32>} : memref<640xf32, #tpu.memory_space<vmem>>, vector<16xf32>,
    %swap3A_343 = vector.shape_cast %swap3A_342 : vector<16xf32> to vector<16xf32>
    %swap3A_344 = vector.shape_cast %broadcast_in_dim3A_5 : vector<16xf32> to vector<16xf32>
    tpu.vector_store %arg22[%swap3A_341], %swap3A_344 {strides = array<i32>} : memref<640xf32, #tpu.memory_space<vmem>>, vector<16xf32>,
    %swap3A_345 = arith.constant 624 : index
    %swap3A_346 = tpu.vector_load %arg22[%swap3A_345] {strides = array<i32>} : memref<640xf32, #tpu.memory_space<vmem>>, vector<16xf32>,
    %swap3A_347 = vector.shape_cast %swap3A_346 : vector<16xf32> to vector<16xf32>
    %swap3A_348 = vector.shape_cast %broadcast_in_dim3A_5 : vector<16xf32> to vector<16xf32>
    tpu.vector_store %arg22[%swap3A_345], %swap3A_348 {strides = array<i32>} : memref<640xf32, #tpu.memory_space<vmem>>, vector<16xf32>,
    %barrier3A = arith.constant 0 : index
    tpu.barrier barrier_id(%barrier3A)
    %add3A_349 = arith.constant 0 : i32
    %add3A_350 = arith.addi %mul3A_2, %add3A_349 : i32
    %dma_start3A = tpu.memref_slice %arg3[%add3A_350] : memref<640000xi32, #tpu.memory_space<hbm>> -> memref<80xi32, #tpu.memory_space<hbm>>
    %dma_start3A_351 = tpu.memref_slice %arg3[%add3A_350] : memref<640000xi32, #tpu.memory_space<hbm>> -> memref<80xi32, #tpu.memory_space<hbm>>
    tpu.enqueue_dma source(%dma_start3A_351 : memref<80xi32, #tpu.memory_space<hbm>>) target(%arg6 : memref<80xi32, #tpu.memory_space<vmem>>) target_semaphore(%arg25 : memref<!tpu.dma_semaphore, #tpu.memory_space<semaphore_mem>>)
    %add3A_352 = arith.constant 320000 : i32
    %add3A_353 = arith.addi %add3A_352, %add3A_350 : i32
    %dma_start3A_354 = tpu.memref_slice %arg3[%add3A_353] : memref<640000xi32, #tpu.memory_space<hbm>> -> memref<80xi32, #tpu.memory_space<hbm>>
    %dma_start3A_355 = tpu.memref_slice %arg3[%add3A_353] : memref<640000xi32, #tpu.memory_space<hbm>> -> memref<80xi32, #tpu.memory_space<hbm>>
    tpu.enqueue_dma source(%dma_start3A_355 : memref<80xi32, #tpu.memory_space<hbm>>) target(%arg12 : memref<80xi32, #tpu.memory_space<vmem>>) target_semaphore(%arg25 : memref<!tpu.dma_semaphore, #tpu.memory_space<semaphore_mem>>)
    %add3A_356 = arith.constant 80 : i32
    %add3A_357 = arith.addi %mul3A_2, %add3A_356 : i32
    %dma_start3A_358 = tpu.memref_slice %arg3[%add3A_357] : memref<640000xi32, #tpu.memory_space<hbm>> -> memref<80xi32, #tpu.memory_space<hbm>>
    %dma_start3A_359 = tpu.memref_slice %arg3[%add3A_357] : memref<640000xi32, #tpu.memory_space<hbm>> -> memref<80xi32, #tpu.memory_space<hbm>>
    tpu.enqueue_dma source(%dma_start3A_359 : memref<80xi32, #tpu.memory_space<hbm>>) target(%arg7 : memref<80xi32, #tpu.memory_space<vmem>>) target_semaphore(%arg26 : memref<!tpu.dma_semaphore, #tpu.memory_space<semaphore_mem>>)
    %add3A_360 = arith.constant 320000 : i32
    %add3A_361 = arith.addi %add3A_360, %add3A_357 : i32
    %dma_start3A_362 = tpu.memref_slice %arg3[%add3A_361] : memref<640000xi32, #tpu.memory_space<hbm>> -> memref<80xi32, #tpu.memory_space<hbm>>
    %dma_start3A_363 = tpu.memref_slice %arg3[%add3A_361] : memref<640000xi32, #tpu.memory_space<hbm>> -> memref<80xi32, #tpu.memory_space<hbm>>
    tpu.enqueue_dma source(%dma_start3A_363 : memref<80xi32, #tpu.memory_space<hbm>>) target(%arg13 : memref<80xi32, #tpu.memory_space<vmem>>) target_semaphore(%arg26 : memref<!tpu.dma_semaphore, #tpu.memory_space<semaphore_mem>>)
    %add3A_364 = arith.constant 160 : i32
    %add3A_365 = arith.addi %mul3A_2, %add3A_364 : i32
    %dma_start3A_366 = tpu.memref_slice %arg3[%add3A_365] : memref<640000xi32, #tpu.memory_space<hbm>> -> memref<80xi32, #tpu.memory_space<hbm>>
    %dma_start3A_367 = tpu.memref_slice %arg3[%add3A_365] : memref<640000xi32, #tpu.memory_space<hbm>> -> memref<80xi32, #tpu.memory_space<hbm>>
    tpu.enqueue_dma source(%dma_start3A_367 : memref<80xi32, #tpu.memory_space<hbm>>) target(%arg8 : memref<80xi32, #tpu.memory_space<vmem>>) target_semaphore(%arg27 : memref<!tpu.dma_semaphore, #tpu.memory_space<semaphore_mem>>)
    %add3A_368 = arith.constant 320000 : i32
    %add3A_369 = arith.addi %add3A_368, %add3A_365 : i32
    %dma_start3A_370 = tpu.memref_slice %arg3[%add3A_369] : memref<640000xi32, #tpu.memory_space<hbm>> -> memref<80xi32, #tpu.memory_space<hbm>>
    %dma_start3A_371 = tpu.memref_slice %arg3[%add3A_369] : memref<640000xi32, #tpu.memory_space<hbm>> -> memref<80xi32, #tpu.memory_space<hbm>>
    tpu.enqueue_dma source(%dma_start3A_371 : memref<80xi32, #tpu.memory_space<hbm>>) target(%arg14 : memref<80xi32, #tpu.memory_space<vmem>>) target_semaphore(%arg27 : memref<!tpu.dma_semaphore, #tpu.memory_space<semaphore_mem>>)
    %add3A_372 = arith.constant 0 : i32
    %add3A_373 = arith.addi %mul3A_2, %add3A_372 : i32
    %dma_wait3A = tpu.memref_slice %arg3[%add3A_373] : memref<640000xi32, #tpu.memory_space<hbm>> -> memref<80xi32, #tpu.memory_space<hbm>>
    %dma_wait3A_374 = tpu.memref_slice %arg3[%add3A_373] : memref<640000xi32, #tpu.memory_space<hbm>> -> memref<80xi32, #tpu.memory_space<hbm>>
    tpu.wait_dma2 semaphore(%arg25 : memref<!tpu.dma_semaphore, #tpu.memory_space<semaphore_mem>>) src(%dma_wait3A_374 : memref<80xi32, #tpu.memory_space<hbm>>) dst(%arg6 : memref<80xi32, #tpu.memory_space<vmem>>)
    %add3A_375 = arith.constant 320000 : i32
    %add3A_376 = arith.addi %add3A_375, %add3A_373 : i32
    %dma_wait3A_377 = tpu.memref_slice %arg3[%add3A_376] : memref<640000xi32, #tpu.memory_space<hbm>> -> memref<80xi32, #tpu.memory_space<hbm>>
    %dma_wait3A_378 = tpu.memref_slice %arg3[%add3A_376] : memref<640000xi32, #tpu.memory_space<hbm>> -> memref<80xi32, #tpu.memory_space<hbm>>
    tpu.wait_dma2 semaphore(%arg25 : memref<!tpu.dma_semaphore, #tpu.memory_space<semaphore_mem>>) src(%dma_wait3A_378 : memref<80xi32, #tpu.memory_space<hbm>>) dst(%arg12 : memref<80xi32, #tpu.memory_space<vmem>>)
    %dma_start3A_379 = arith.constant 0 : i32
    %dma_start3A_380 = arith.constant 0 : i32
    %dma_start3A_381 = tpu.memref_slice %arg2[%dma_start3A_379, %dma_start3A_380] : memref<10000x128xf32, #tpu.memory_space<hbm>> -> memref<10000x128xf32, #tpu.memory_space<hbm>>
    tpu.enqueue_indirect_dma source(%dma_start3A_381 : memref<10000x128xf32, #tpu.memory_space<hbm>>) target(%arg18 : memref<80x128xf32, #tpu.memory_space<vmem>>) offsets(%arg12 : memref<80xi32, #tpu.memory_space<vmem>>) semaphore(%arg31 : memref<!tpu.dma_semaphore, #tpu.memory_space<semaphore_mem>>)
    %add3A_382 = arith.constant 80 : i32
    %add3A_383 = arith.addi %mul3A_2, %add3A_382 : i32
    %dma_wait3A_384 = tpu.memref_slice %arg3[%add3A_383] : memref<640000xi32, #tpu.memory_space<hbm>> -> memref<80xi32, #tpu.memory_space<hbm>>
    %dma_wait3A_385 = tpu.memref_slice %arg3[%add3A_383] : memref<640000xi32, #tpu.memory_space<hbm>> -> memref<80xi32, #tpu.memory_space<hbm>>
    tpu.wait_dma2 semaphore(%arg26 : memref<!tpu.dma_semaphore, #tpu.memory_space<semaphore_mem>>) src(%dma_wait3A_385 : memref<80xi32, #tpu.memory_space<hbm>>) dst(%arg7 : memref<80xi32, #tpu.memory_space<vmem>>)
    %add3A_386 = arith.constant 320000 : i32
    %add3A_387 = arith.addi %add3A_386, %add3A_383 : i32
    %dma_wait3A_388 = tpu.memref_slice %arg3[%add3A_387] : memref<640000xi32, #tpu.memory_space<hbm>> -> memref<80xi32, #tpu.memory_space<hbm>>
    %dma_wait3A_389 = tpu.memref_slice %arg3[%add3A_387] : memref<640000xi32, #tpu.memory_space<hbm>> -> memref<80xi32, #tpu.memory_space<hbm>>
    tpu.wait_dma2 semaphore(%arg26 : memref<!tpu.dma_semaphore, #tpu.memory_space<semaphore_mem>>) src(%dma_wait3A_389 : memref<80xi32, #tpu.memory_space<hbm>>) dst(%arg13 : memref<80xi32, #tpu.memory_space<vmem>>)
    %dma_start3A_390 = arith.constant 0 : i32
    %dma_start3A_391 = arith.constant 0 : i32
    %dma_start3A_392 = tpu.memref_slice %arg2[%dma_start3A_390, %dma_start3A_391] : memref<10000x128xf32, #tpu.memory_space<hbm>> -> memref<10000x128xf32, #tpu.memory_space<hbm>>
    tpu.enqueue_indirect_dma source(%dma_start3A_392 : memref<10000x128xf32, #tpu.memory_space<hbm>>) target(%arg19 : memref<80x128xf32, #tpu.memory_space<vmem>>) offsets(%arg13 : memref<80xi32, #tpu.memory_space<vmem>>) semaphore(%arg32 : memref<!tpu.dma_semaphore, #tpu.memory_space<semaphore_mem>>)
    %scan3A_393 = arith.constant 0 : i32
    %scan3A_394 = arith.constant 0 : i32
    %scan3A_395 = arith.constant 11 : i32
    %scan3A_396 = arith.addi %scan3A_394, %scan3A_395 : i32
    %scan3A_397 = arith.constant 1 : i32
    %scan3A_398 = scf.for %scan3A_401 = %scan3A_394 to %scan3A_396 step %scan3A_397 iter_args(%scan3A_402 = %scan3A_393) -> (i32)  : i32 {
      %mul3A_403 = arith.constant 12 : i32
      %mul3A_404 = arith.muli %scan3A_401, %mul3A_403 : i32
      %add3A_405 = arith.constant 0 : i32
      %add3A_406 = arith.addi %mul3A_404, %add3A_405 : i32
      %ge3A = arith.constant 2 : i32
      %ge3A_407 = arith.cmpi sge, %add3A_406, %ge3A : i32
      %lt3A = arith.constant 127 : i32
      %lt3A_408 = arith.cmpi slt, %add3A_406, %lt3A : i32
      %and3A = arith.andi %ge3A_407, %lt3A_408 : i1
      %convert_element_type3A = arith.extui %and3A : i1 to i32
      %cond3A = arith.constant 0 : i32
      %cond3A_409 = arith.cmpi ne, %convert_element_type3A, %cond3A : i32
      scf.if %cond3A_409 {
        %dma_wait3A_771 = arith.constant 0 : i32
        %dma_wait3A_772 = arith.constant 0 : i32
        %dma_wait3A_773 = tpu.memref_slice %arg23[%dma_wait3A_771, %dma_wait3A_772] : memref<10240x128xf32, #tpu.memory_space<vmem_shared>> -> memref<10240x128xf32, #tpu.memory_space<vmem_shared>>
        tpu.wait_indirect_dma semaphore(%arg37 : memref<!tpu.dma_semaphore, #tpu.memory_space<semaphore_mem>>) src(%arg20 : memref<80x128xf32, #tpu.memory_space<vmem>>) dst(%dma_wait3A_773 : memref<10240x128xf32, #tpu.memory_space<vmem_shared>>)
        %dma_wait3A_774 = arith.constant 0 : i32
        %dma_wait3A_775 = tpu.memref_slice %arg22[%dma_wait3A_774] : memref<640xf32, #tpu.memory_space<vmem>> -> memref<80xf32, #tpu.memory_space<vmem>>
        %dma_wait3A_776 = arith.constant 0 : i32
        %dma_wait3A_777 = tpu.memref_slice %arg24[%dma_wait3A_776] : memref<10240xf32, #tpu.memory_space<vmem_shared>> -> memref<10240xf32, #tpu.memory_space<vmem_shared>>
        tpu.wait_indirect_dma semaphore(%arg41 : memref<!tpu.dma_semaphore, #tpu.memory_space<semaphore_mem>>) src(%dma_wait3A_775 : memref<80xf32, #tpu.memory_space<vmem>>) dst(%dma_wait3A_777 : memref<10240xf32, #tpu.memory_space<vmem_shared>>)
      } else {
      }
      %add3A_410 = arith.constant 3 : i32
      %add3A_411 = arith.addi %add3A_406, %add3A_410 : i32
      %lt3A_412 = arith.constant 125 : i32
      %lt3A_413 = arith.cmpi slt, %add3A_411, %lt3A_412 : i32
      %convert_element_type3A_414 = arith.extui %lt3A_413 : i1 to i32
      %cond3A_415 = arith.constant 0 : i32
      %cond3A_416 = arith.cmpi ne, %convert_element_type3A_414, %cond3A_415 : i32
      scf.if %cond3A_416 {
        %add3A_771 = arith.constant 3 : i32
        %add3A_772 = arith.addi %add3A_406, %add3A_771 : i32
        %mul3A_773 = arith.constant 80 : i32
        %mul3A_774 = arith.muli %add3A_772, %mul3A_773 : i32
        %add3A_775 = arith.addi %mul3A_2, %mul3A_774 : i32
        %dma_start3A_776 = tpu.memref_slice %arg3[%add3A_775] : memref<640000xi32, #tpu.memory_space<hbm>> -> memref<80xi32, #tpu.memory_space<hbm>>
        %dma_start3A_777 = tpu.memref_slice %arg3[%add3A_775] : memref<640000xi32, #tpu.memory_space<hbm>> -> memref<80xi32, #tpu.memory_space<hbm>>
        tpu.enqueue_dma source(%dma_start3A_777 : memref<80xi32, #tpu.memory_space<hbm>>) target(%arg9 : memref<80xi32, #tpu.memory_space<vmem>>) target_semaphore(%arg28 : memref<!tpu.dma_semaphore, #tpu.memory_space<semaphore_mem>>)
        %add3A_778 = arith.constant 320000 : i32
        %add3A_779 = arith.addi %add3A_778, %add3A_775 : i32
        %dma_start3A_780 = tpu.memref_slice %arg3[%add3A_779] : memref<640000xi32, #tpu.memory_space<hbm>> -> memref<80xi32, #tpu.memory_space<hbm>>
        %dma_start3A_781 = tpu.memref_slice %arg3[%add3A_779] : memref<640000xi32, #tpu.memory_space<hbm>> -> memref<80xi32, #tpu.memory_space<hbm>>
        tpu.enqueue_dma source(%dma_start3A_781 : memref<80xi32, #tpu.memory_space<hbm>>) target(%arg15 : memref<80xi32, #tpu.memory_space<vmem>>) target_semaphore(%arg28 : memref<!tpu.dma_semaphore, #tpu.memory_space<semaphore_mem>>)
      } else {
      }
      %add3A_417 = arith.constant 2 : i32
      %add3A_418 = arith.addi %add3A_406, %add3A_417 : i32
      %lt3A_419 = arith.constant 125 : i32
      %lt3A_420 = arith.cmpi slt, %add3A_418, %lt3A_419 : i32
      %convert_element_type3A_421 = arith.extui %lt3A_420 : i1 to i32
      %cond3A_422 = arith.constant 0 : i32
      %cond3A_423 = arith.cmpi ne, %convert_element_type3A_421, %cond3A_422 : i32
      scf.if %cond3A_423 {
        %add3A_771 = arith.constant 2 : i32
        %add3A_772 = arith.addi %add3A_406, %add3A_771 : i32
        %mul3A_773 = arith.constant 80 : i32
        %mul3A_774 = arith.muli %add3A_772, %mul3A_773 : i32
        %add3A_775 = arith.addi %mul3A_2, %mul3A_774 : i32
        %dma_wait3A_776 = tpu.memref_slice %arg3[%add3A_775] : memref<640000xi32, #tpu.memory_space<hbm>> -> memref<80xi32, #tpu.memory_space<hbm>>
        %dma_wait3A_777 = tpu.memref_slice %arg3[%add3A_775] : memref<640000xi32, #tpu.memory_space<hbm>> -> memref<80xi32, #tpu.memory_space<hbm>>
        tpu.wait_dma2 semaphore(%arg27 : memref<!tpu.dma_semaphore, #tpu.memory_space<semaphore_mem>>) src(%dma_wait3A_777 : memref<80xi32, #tpu.memory_space<hbm>>) dst(%arg8 : memref<80xi32, #tpu.memory_space<vmem>>)
        %add3A_778 = arith.constant 320000 : i32
        %add3A_779 = arith.addi %add3A_778, %add3A_775 : i32
        %dma_wait3A_780 = tpu.memref_slice %arg3[%add3A_779] : memref<640000xi32, #tpu.memory_space<hbm>> -> memref<80xi32, #tpu.memory_space<hbm>>
        %dma_wait3A_781 = tpu.memref_slice %arg3[%add3A_779] : memref<640000xi32, #tpu.memory_space<hbm>> -> memref<80xi32, #tpu.memory_space<hbm>>
        tpu.wait_dma2 semaphore(%arg27 : memref<!tpu.dma_semaphore, #tpu.memory_space<semaphore_mem>>) src(%dma_wait3A_781 : memref<80xi32, #tpu.memory_space<hbm>>) dst(%arg14 : memref<80xi32, #tpu.memory_space<vmem>>)
        %dma_start3A_782 = arith.constant 0 : i32
        %dma_start3A_783 = arith.constant 0 : i32
        %dma_start3A_784 = tpu.memref_slice %arg2[%dma_start3A_782, %dma_start3A_783] : memref<10000x128xf32, #tpu.memory_space<hbm>> -> memref<10000x128xf32, #tpu.memory_space<hbm>>
        tpu.enqueue_indirect_dma source(%dma_start3A_784 : memref<10000x128xf32, #tpu.memory_space<hbm>>) target(%arg20 : memref<80x128xf32, #tpu.memory_space<vmem>>) offsets(%arg14 : memref<80xi32, #tpu.memory_space<vmem>>) semaphore(%arg33 : memref<!tpu.dma_semaphore, #tpu.memory_space<semaphore_mem>>)
      } else {
      }
      %lt3A_424 = arith.constant 125 : i32
      %lt3A_425 = arith.cmpi slt, %add3A_406, %lt3A_424 : i32
      %convert_element_type3A_426 = arith.extui %lt3A_425 : i1 to i32
      %cond3A_427 = arith.constant 0 : i32
      %cond3A_428 = arith.cmpi ne, %convert_element_type3A_426, %cond3A_427 : i32
      scf.if %cond3A_428 {
        %dma_wait3A_771 = arith.constant 0 : i32
        %dma_wait3A_772 = arith.constant 0 : i32
        %dma_wait3A_773 = tpu.memref_slice %arg2[%dma_wait3A_771, %dma_wait3A_772] : memref<10000x128xf32, #tpu.memory_space<hbm>> -> memref<10000x128xf32, #tpu.memory_space<hbm>>
        tpu.wait_indirect_dma semaphore(%arg31 : memref<!tpu.dma_semaphore, #tpu.memory_space<semaphore_mem>>) src(%dma_wait3A_773 : memref<10000x128xf32, #tpu.memory_space<hbm>>) dst(%arg18 : memref<80x128xf32, #tpu.memory_space<vmem>>)
        %dma_start3A_774 = arith.constant 0 : i32
        %dma_start3A_775 = arith.constant 0 : i32
        %dma_start3A_776 = tpu.memref_slice %arg23[%dma_start3A_774, %dma_start3A_775] : memref<10240x128xf32, #tpu.memory_space<vmem_shared>> -> memref<10240x128xf32, #tpu.memory_space<vmem_shared>>
        tpu.enqueue_indirect_dma source(%arg18 : memref<80x128xf32, #tpu.memory_space<vmem>>) target(%dma_start3A_776 : memref<10240x128xf32, #tpu.memory_space<vmem_shared>>) offsets(%arg6 : memref<80xi32, #tpu.memory_space<vmem>>) semaphore(%arg35 : memref<!tpu.dma_semaphore, #tpu.memory_space<semaphore_mem>>) {add = true}
        %dma_start3A_777 = arith.constant 0 : i32
        %dma_start3A_778 = tpu.memref_slice %arg22[%dma_start3A_777] : memref<640xf32, #tpu.memory_space<vmem>> -> memref<80xf32, #tpu.memory_space<vmem>>
        %dma_start3A_779 = arith.constant 0 : i32
        %dma_start3A_780 = tpu.memref_slice %arg24[%dma_start3A_779] : memref<10240xf32, #tpu.memory_space<vmem_shared>> -> memref<10240xf32, #tpu.memory_space<vmem_shared>>
        tpu.enqueue_indirect_dma source(%dma_start3A_778 : memref<80xf32, #tpu.memory_space<vmem>>) target(%dma_start3A_780 : memref<10240xf32, #tpu.memory_space<vmem_shared>>) offsets(%arg6 : memref<80xi32, #tpu.memory_space<vmem>>) semaphore(%arg39 : memref<!tpu.dma_semaphore, #tpu.memory_space<semaphore_mem>>) {add = true}
      } else {
      }
      %mul3A_429 = arith.constant 12 : i32
      %mul3A_430 = arith.muli %scan3A_401, %mul3A_429 : i32
      %add3A_431 = arith.constant 1 : i32
      %add3A_432 = arith.addi %mul3A_430, %add3A_431 : i32
      %ge3A_433 = arith.constant 2 : i32
      %ge3A_434 = arith.cmpi sge, %add3A_432, %ge3A_433 : i32
      %lt3A_435 = arith.constant 127 : i32
      %lt3A_436 = arith.cmpi slt, %add3A_432, %lt3A_435 : i32
      %and3A_437 = arith.andi %ge3A_434, %lt3A_436 : i1
      %convert_element_type3A_438 = arith.extui %and3A_437 : i1 to i32
      %cond3A_439 = arith.constant 0 : i32
      %cond3A_440 = arith.cmpi ne, %convert_element_type3A_438, %cond3A_439 : i32
      scf.if %cond3A_440 {
        %dma_wait3A_771 = arith.constant 0 : i32
        %dma_wait3A_772 = arith.constant 0 : i32
        %dma_wait3A_773 = tpu.memref_slice %arg23[%dma_wait3A_771, %dma_wait3A_772] : memref<10240x128xf32, #tpu.memory_space<vmem_shared>> -> memref<10240x128xf32, #tpu.memory_space<vmem_shared>>
        tpu.wait_indirect_dma semaphore(%arg38 : memref<!tpu.dma_semaphore, #tpu.memory_space<semaphore_mem>>) src(%arg21 : memref<80x128xf32, #tpu.memory_space<vmem>>) dst(%dma_wait3A_773 : memref<10240x128xf32, #tpu.memory_space<vmem_shared>>)
        %dma_wait3A_774 = arith.constant 0 : i32
        %dma_wait3A_775 = tpu.memref_slice %arg22[%dma_wait3A_774] : memref<640xf32, #tpu.memory_space<vmem>> -> memref<80xf32, #tpu.memory_space<vmem>>
        %dma_wait3A_776 = arith.constant 0 : i32
        %dma_wait3A_777 = tpu.memref_slice %arg24[%dma_wait3A_776] : memref<10240xf32, #tpu.memory_space<vmem_shared>> -> memref<10240xf32, #tpu.memory_space<vmem_shared>>
        tpu.wait_indirect_dma semaphore(%arg42 : memref<!tpu.dma_semaphore, #tpu.memory_space<semaphore_mem>>) src(%dma_wait3A_775 : memref<80xf32, #tpu.memory_space<vmem>>) dst(%dma_wait3A_777 : memref<10240xf32, #tpu.memory_space<vmem_shared>>)
      } else {
      }
      %add3A_441 = arith.constant 3 : i32
      %add3A_442 = arith.addi %add3A_432, %add3A_441 : i32
      %lt3A_443 = arith.constant 125 : i32
      %lt3A_444 = arith.cmpi slt, %add3A_442, %lt3A_443 : i32
      %convert_element_type3A_445 = arith.extui %lt3A_444 : i1 to i32
      %cond3A_446 = arith.constant 0 : i32
      %cond3A_447 = arith.cmpi ne, %convert_element_type3A_445, %cond3A_446 : i32
      scf.if %cond3A_447 {
        %add3A_771 = arith.constant 3 : i32
        %add3A_772 = arith.addi %add3A_432, %add3A_771 : i32
        %mul3A_773 = arith.constant 80 : i32
        %mul3A_774 = arith.muli %add3A_772, %mul3A_773 : i32
        %add3A_775 = arith.addi %mul3A_2, %mul3A_774 : i32
        %dma_start3A_776 = tpu.memref_slice %arg3[%add3A_775] : memref<640000xi32, #tpu.memory_space<hbm>> -> memref<80xi32, #tpu.memory_space<hbm>>
        %dma_start3A_777 = tpu.memref_slice %arg3[%add3A_775] : memref<640000xi32, #tpu.memory_space<hbm>> -> memref<80xi32, #tpu.memory_space<hbm>>
        tpu.enqueue_dma source(%dma_start3A_777 : memref<80xi32, #tpu.memory_space<hbm>>) target(%arg10 : memref<80xi32, #tpu.memory_space<vmem>>) target_semaphore(%arg29 : memref<!tpu.dma_semaphore, #tpu.memory_space<semaphore_mem>>)
        %add3A_778 = arith.constant 320000 : i32
        %add3A_779 = arith.addi %add3A_778, %add3A_775 : i32
        %dma_start3A_780 = tpu.memref_slice %arg3[%add3A_779] : memref<640000xi32, #tpu.memory_space<hbm>> -> memref<80xi32, #tpu.memory_space<hbm>>
        %dma_start3A_781 = tpu.memref_slice %arg3[%add3A_779] : memref<640000xi32, #tpu.memory_space<hbm>> -> memref<80xi32, #tpu.memory_space<hbm>>
        tpu.enqueue_dma source(%dma_start3A_781 : memref<80xi32, #tpu.memory_space<hbm>>) target(%arg16 : memref<80xi32, #tpu.memory_space<vmem>>) target_semaphore(%arg29 : memref<!tpu.dma_semaphore, #tpu.memory_space<semaphore_mem>>)
      } else {
      }
      %add3A_448 = arith.constant 2 : i32
      %add3A_449 = arith.addi %add3A_432, %add3A_448 : i32
      %lt3A_450 = arith.constant 125 : i32
      %lt3A_451 = arith.cmpi slt, %add3A_449, %lt3A_450 : i32
      %convert_element_type3A_452 = arith.extui %lt3A_451 : i1 to i32
      %cond3A_453 = arith.constant 0 : i32
      %cond3A_454 = arith.cmpi ne, %convert_element_type3A_452, %cond3A_453 : i32
      scf.if %cond3A_454 {
        %add3A_771 = arith.constant 2 : i32
        %add3A_772 = arith.addi %add3A_432, %add3A_771 : i32
        %mul3A_773 = arith.constant 80 : i32
        %mul3A_774 = arith.muli %add3A_772, %mul3A_773 : i32
        %add3A_775 = arith.addi %mul3A_2, %mul3A_774 : i32
        %dma_wait3A_776 = tpu.memref_slice %arg3[%add3A_775] : memref<640000xi32, #tpu.memory_space<hbm>> -> memref<80xi32, #tpu.memory_space<hbm>>
        %dma_wait3A_777 = tpu.memref_slice %arg3[%add3A_775] : memref<640000xi32, #tpu.memory_space<hbm>> -> memref<80xi32, #tpu.memory_space<hbm>>
        tpu.wait_dma2 semaphore(%arg28 : memref<!tpu.dma_semaphore, #tpu.memory_space<semaphore_mem>>) src(%dma_wait3A_777 : memref<80xi32, #tpu.memory_space<hbm>>) dst(%arg9 : memref<80xi32, #tpu.memory_space<vmem>>)
        %add3A_778 = arith.constant 320000 : i32
        %add3A_779 = arith.addi %add3A_778, %add3A_775 : i32
        %dma_wait3A_780 = tpu.memref_slice %arg3[%add3A_779] : memref<640000xi32, #tpu.memory_space<hbm>> -> memref<80xi32, #tpu.memory_space<hbm>>
        %dma_wait3A_781 = tpu.memref_slice %arg3[%add3A_779] : memref<640000xi32, #tpu.memory_space<hbm>> -> memref<80xi32, #tpu.memory_space<hbm>>
        tpu.wait_dma2 semaphore(%arg28 : memref<!tpu.dma_semaphore, #tpu.memory_space<semaphore_mem>>) src(%dma_wait3A_781 : memref<80xi32, #tpu.memory_space<hbm>>) dst(%arg15 : memref<80xi32, #tpu.memory_space<vmem>>)
        %dma_start3A_782 = arith.constant 0 : i32
        %dma_start3A_783 = arith.constant 0 : i32
        %dma_start3A_784 = tpu.memref_slice %arg2[%dma_start3A_782, %dma_start3A_783] : memref<10000x128xf32, #tpu.memory_space<hbm>> -> memref<10000x128xf32, #tpu.memory_space<hbm>>
        tpu.enqueue_indirect_dma source(%dma_start3A_784 : memref<10000x128xf32, #tpu.memory_space<hbm>>) target(%arg21 : memref<80x128xf32, #tpu.memory_space<vmem>>) offsets(%arg15 : memref<80xi32, #tpu.memory_space<vmem>>) semaphore(%arg34 : memref<!tpu.dma_semaphore, #tpu.memory_space<semaphore_mem>>)
      } else {
      }
      %lt3A_455 = arith.constant 125 : i32
      %lt3A_456 = arith.cmpi slt, %add3A_432, %lt3A_455 : i32
      %convert_element_type3A_457 = arith.extui %lt3A_456 : i1 to i32
      %cond3A_458 = arith.constant 0 : i32
      %cond3A_459 = arith.cmpi ne, %convert_element_type3A_457, %cond3A_458 : i32
      scf.if %cond3A_459 {
        %dma_wait3A_771 = arith.constant 0 : i32
        %dma_wait3A_772 = arith.constant 0 : i32
        %dma_wait3A_773 = tpu.memref_slice %arg2[%dma_wait3A_771, %dma_wait3A_772] : memref<10000x128xf32, #tpu.memory_space<hbm>> -> memref<10000x128xf32, #tpu.memory_space<hbm>>
        tpu.wait_indirect_dma semaphore(%arg32 : memref<!tpu.dma_semaphore, #tpu.memory_space<semaphore_mem>>) src(%dma_wait3A_773 : memref<10000x128xf32, #tpu.memory_space<hbm>>) dst(%arg19 : memref<80x128xf32, #tpu.memory_space<vmem>>)
        %dma_start3A_774 = arith.constant 0 : i32
        %dma_start3A_775 = arith.constant 0 : i32
        %dma_start3A_776 = tpu.memref_slice %arg23[%dma_start3A_774, %dma_start3A_775] : memref<10240x128xf32, #tpu.memory_space<vmem_shared>> -> memref<10240x128xf32, #tpu.memory_space<vmem_shared>>
        tpu.enqueue_indirect_dma source(%arg19 : memref<80x128xf32, #tpu.memory_space<vmem>>) target(%dma_start3A_776 : memref<10240x128xf32, #tpu.memory_space<vmem_shared>>) offsets(%arg7 : memref<80xi32, #tpu.memory_space<vmem>>) semaphore(%arg36 : memref<!tpu.dma_semaphore, #tpu.memory_space<semaphore_mem>>) {add = true}
        %dma_start3A_777 = arith.constant 0 : i32
        %dma_start3A_778 = tpu.memref_slice %arg22[%dma_start3A_777] : memref<640xf32, #tpu.memory_space<vmem>> -> memref<80xf32, #tpu.memory_space<vmem>>
        %dma_start3A_779 = arith.constant 0 : i32
        %dma_start3A_780 = tpu.memref_slice %arg24[%dma_start3A_779] : memref<10240xf32, #tpu.memory_space<vmem_shared>> -> memref<10240xf32, #tpu.memory_space<vmem_shared>>
        tpu.enqueue_indirect_dma source(%dma_start3A_778 : memref<80xf32, #tpu.memory_space<vmem>>) target(%dma_start3A_780 : memref<10240xf32, #tpu.memory_space<vmem_shared>>) offsets(%arg7 : memref<80xi32, #tpu.memory_space<vmem>>) semaphore(%arg40 : memref<!tpu.dma_semaphore, #tpu.memory_space<semaphore_mem>>) {add = true}
      } else {
      }
      %mul3A_460 = arith.constant 12 : i32
      %mul3A_461 = arith.muli %scan3A_401, %mul3A_460 : i32
      %add3A_462 = arith.constant 2 : i32
      %add3A_463 = arith.addi %mul3A_461, %add3A_462 : i32
      %ge3A_464 = arith.constant 2 : i32
      %ge3A_465 = arith.cmpi sge, %add3A_463, %ge3A_464 : i32
      %lt3A_466 = arith.constant 127 : i32
      %lt3A_467 = arith.cmpi slt, %add3A_463, %lt3A_466 : i32
      %and3A_468 = arith.andi %ge3A_465, %lt3A_467 : i1
      %convert_element_type3A_469 = arith.extui %and3A_468 : i1 to i32
      %cond3A_470 = arith.constant 0 : i32
      %cond3A_471 = arith.cmpi ne, %convert_element_type3A_469, %cond3A_470 : i32
      scf.if %cond3A_471 {
        %dma_wait3A_771 = arith.constant 0 : i32
        %dma_wait3A_772 = arith.constant 0 : i32
        %dma_wait3A_773 = tpu.memref_slice %arg23[%dma_wait3A_771, %dma_wait3A_772] : memref<10240x128xf32, #tpu.memory_space<vmem_shared>> -> memref<10240x128xf32, #tpu.memory_space<vmem_shared>>
        tpu.wait_indirect_dma semaphore(%arg35 : memref<!tpu.dma_semaphore, #tpu.memory_space<semaphore_mem>>) src(%arg18 : memref<80x128xf32, #tpu.memory_space<vmem>>) dst(%dma_wait3A_773 : memref<10240x128xf32, #tpu.memory_space<vmem_shared>>)
        %dma_wait3A_774 = arith.constant 0 : i32
        %dma_wait3A_775 = tpu.memref_slice %arg22[%dma_wait3A_774] : memref<640xf32, #tpu.memory_space<vmem>> -> memref<80xf32, #tpu.memory_space<vmem>>
        %dma_wait3A_776 = arith.constant 0 : i32
        %dma_wait3A_777 = tpu.memref_slice %arg24[%dma_wait3A_776] : memref<10240xf32, #tpu.memory_space<vmem_shared>> -> memref<10240xf32, #tpu.memory_space<vmem_shared>>
        tpu.wait_indirect_dma semaphore(%arg39 : memref<!tpu.dma_semaphore, #tpu.memory_space<semaphore_mem>>) src(%dma_wait3A_775 : memref<80xf32, #tpu.memory_space<vmem>>) dst(%dma_wait3A_777 : memref<10240xf32, #tpu.memory_space<vmem_shared>>)
      } else {
      }
      %add3A_472 = arith.constant 3 : i32
      %add3A_473 = arith.addi %add3A_463, %add3A_472 : i32
      %lt3A_474 = arith.constant 125 : i32
      %lt3A_475 = arith.cmpi slt, %add3A_473, %lt3A_474 : i32
      %convert_element_type3A_476 = arith.extui %lt3A_475 : i1 to i32
      %cond3A_477 = arith.constant 0 : i32
      %cond3A_478 = arith.cmpi ne, %convert_element_type3A_476, %cond3A_477 : i32
      scf.if %cond3A_478 {
        %add3A_771 = arith.constant 3 : i32
        %add3A_772 = arith.addi %add3A_463, %add3A_771 : i32
        %mul3A_773 = arith.constant 80 : i32
        %mul3A_774 = arith.muli %add3A_772, %mul3A_773 : i32
        %add3A_775 = arith.addi %mul3A_2, %mul3A_774 : i32
        %dma_start3A_776 = tpu.memref_slice %arg3[%add3A_775] : memref<640000xi32, #tpu.memory_space<hbm>> -> memref<80xi32, #tpu.memory_space<hbm>>
        %dma_start3A_777 = tpu.memref_slice %arg3[%add3A_775] : memref<640000xi32, #tpu.memory_space<hbm>> -> memref<80xi32, #tpu.memory_space<hbm>>
        tpu.enqueue_dma source(%dma_start3A_777 : memref<80xi32, #tpu.memory_space<hbm>>) target(%arg11 : memref<80xi32, #tpu.memory_space<vmem>>) target_semaphore(%arg30 : memref<!tpu.dma_semaphore, #tpu.memory_space<semaphore_mem>>)
        %add3A_778 = arith.constant 320000 : i32
        %add3A_779 = arith.addi %add3A_778, %add3A_775 : i32
        %dma_start3A_780 = tpu.memref_slice %arg3[%add3A_779] : memref<640000xi32, #tpu.memory_space<hbm>> -> memref<80xi32, #tpu.memory_space<hbm>>
        %dma_start3A_781 = tpu.memref_slice %arg3[%add3A_779] : memref<640000xi32, #tpu.memory_space<hbm>> -> memref<80xi32, #tpu.memory_space<hbm>>
        tpu.enqueue_dma source(%dma_start3A_781 : memref<80xi32, #tpu.memory_space<hbm>>) target(%arg17 : memref<80xi32, #tpu.memory_space<vmem>>) target_semaphore(%arg30 : memref<!tpu.dma_semaphore, #tpu.memory_space<semaphore_mem>>)
      } else {
      }
      %add3A_479 = arith.constant 2 : i32
      %add3A_480 = arith.addi %add3A_463, %add3A_479 : i32
      %lt3A_481 = arith.constant 125 : i32
      %lt3A_482 = arith.cmpi slt, %add3A_480, %lt3A_481 : i32
      %convert_element_type3A_483 = arith.extui %lt3A_482 : i1 to i32
      %cond3A_484 = arith.constant 0 : i32
      %cond3A_485 = arith.cmpi ne, %convert_element_type3A_483, %cond3A_484 : i32
      scf.if %cond3A_485 {
        %add3A_771 = arith.constant 2 : i32
        %add3A_772 = arith.addi %add3A_463, %add3A_771 : i32
        %mul3A_773 = arith.constant 80 : i32
        %mul3A_774 = arith.muli %add3A_772, %mul3A_773 : i32
        %add3A_775 = arith.addi %mul3A_2, %mul3A_774 : i32
        %dma_wait3A_776 = tpu.memref_slice %arg3[%add3A_775] : memref<640000xi32, #tpu.memory_space<hbm>> -> memref<80xi32, #tpu.memory_space<hbm>>
        %dma_wait3A_777 = tpu.memref_slice %arg3[%add3A_775] : memref<640000xi32, #tpu.memory_space<hbm>> -> memref<80xi32, #tpu.memory_space<hbm>>
        tpu.wait_dma2 semaphore(%arg29 : memref<!tpu.dma_semaphore, #tpu.memory_space<semaphore_mem>>) src(%dma_wait3A_777 : memref<80xi32, #tpu.memory_space<hbm>>) dst(%arg10 : memref<80xi32, #tpu.memory_space<vmem>>)
        %add3A_778 = arith.constant 320000 : i32
        %add3A_779 = arith.addi %add3A_778, %add3A_775 : i32
        %dma_wait3A_780 = tpu.memref_slice %arg3[%add3A_779] : memref<640000xi32, #tpu.memory_space<hbm>> -> memref<80xi32, #tpu.memory_space<hbm>>
        %dma_wait3A_781 = tpu.memref_slice %arg3[%add3A_779] : memref<640000xi32, #tpu.memory_space<hbm>> -> memref<80xi32, #tpu.memory_space<hbm>>
        tpu.wait_dma2 semaphore(%arg29 : memref<!tpu.dma_semaphore, #tpu.memory_space<semaphore_mem>>) src(%dma_wait3A_781 : memref<80xi32, #tpu.memory_space<hbm>>) dst(%arg16 : memref<80xi32, #tpu.memory_space<vmem>>)
        %dma_start3A_782 = arith.constant 0 : i32
        %dma_start3A_783 = arith.constant 0 : i32
        %dma_start3A_784 = tpu.memref_slice %arg2[%dma_start3A_782, %dma_start3A_783] : memref<10000x128xf32, #tpu.memory_space<hbm>> -> memref<10000x128xf32, #tpu.memory_space<hbm>>
        tpu.enqueue_indirect_dma source(%dma_start3A_784 : memref<10000x128xf32, #tpu.memory_space<hbm>>) target(%arg18 : memref<80x128xf32, #tpu.memory_space<vmem>>) offsets(%arg16 : memref<80xi32, #tpu.memory_space<vmem>>) semaphore(%arg31 : memref<!tpu.dma_semaphore, #tpu.memory_space<semaphore_mem>>)
      } else {
      }
      %lt3A_486 = arith.constant 125 : i32
      %lt3A_487 = arith.cmpi slt, %add3A_463, %lt3A_486 : i32
      %convert_element_type3A_488 = arith.extui %lt3A_487 : i1 to i32
      %cond3A_489 = arith.constant 0 : i32
      %cond3A_490 = arith.cmpi ne, %convert_element_type3A_488, %cond3A_489 : i32
      scf.if %cond3A_490 {
        %dma_wait3A_771 = arith.constant 0 : i32
        %dma_wait3A_772 = arith.constant 0 : i32
        %dma_wait3A_773 = tpu.memref_slice %arg2[%dma_wait3A_771, %dma_wait3A_772] : memref<10000x128xf32, #tpu.memory_space<hbm>> -> memref<10000x128xf32, #tpu.memory_space<hbm>>
        tpu.wait_indirect_dma semaphore(%arg33 : memref<!tpu.dma_semaphore, #tpu.memory_space<semaphore_mem>>) src(%dma_wait3A_773 : memref<10000x128xf32, #tpu.memory_space<hbm>>) dst(%arg20 : memref<80x128xf32, #tpu.memory_space<vmem>>)
        %dma_start3A_774 = arith.constant 0 : i32
        %dma_start3A_775 = arith.constant 0 : i32
        %dma_start3A_776 = tpu.memref_slice %arg23[%dma_start3A_774, %dma_start3A_775] : memref<10240x128xf32, #tpu.memory_space<vmem_shared>> -> memref<10240x128xf32, #tpu.memory_space<vmem_shared>>
        tpu.enqueue_indirect_dma source(%arg20 : memref<80x128xf32, #tpu.memory_space<vmem>>) target(%dma_start3A_776 : memref<10240x128xf32, #tpu.memory_space<vmem_shared>>) offsets(%arg8 : memref<80xi32, #tpu.memory_space<vmem>>) semaphore(%arg37 : memref<!tpu.dma_semaphore, #tpu.memory_space<semaphore_mem>>) {add = true}
        %dma_start3A_777 = arith.constant 0 : i32
        %dma_start3A_778 = tpu.memref_slice %arg22[%dma_start3A_777] : memref<640xf32, #tpu.memory_space<vmem>> -> memref<80xf32, #tpu.memory_space<vmem>>
        %dma_start3A_779 = arith.constant 0 : i32
        %dma_start3A_780 = tpu.memref_slice %arg24[%dma_start3A_779] : memref<10240xf32, #tpu.memory_space<vmem_shared>> -> memref<10240xf32, #tpu.memory_space<vmem_shared>>
        tpu.enqueue_indirect_dma source(%dma_start3A_778 : memref<80xf32, #tpu.memory_space<vmem>>) target(%dma_start3A_780 : memref<10240xf32, #tpu.memory_space<vmem_shared>>) offsets(%arg8 : memref<80xi32, #tpu.memory_space<vmem>>) semaphore(%arg41 : memref<!tpu.dma_semaphore, #tpu.memory_space<semaphore_mem>>) {add = true}
      } else {
      }
      %mul3A_491 = arith.constant 12 : i32
      %mul3A_492 = arith.muli %scan3A_401, %mul3A_491 : i32
      %add3A_493 = arith.constant 3 : i32
      %add3A_494 = arith.addi %mul3A_492, %add3A_493 : i32
      %ge3A_495 = arith.constant 2 : i32
      %ge3A_496 = arith.cmpi sge, %add3A_494, %ge3A_495 : i32
      %lt3A_497 = arith.constant 127 : i32
      %lt3A_498 = arith.cmpi slt, %add3A_494, %lt3A_497 : i32
      %and3A_499 = arith.andi %ge3A_496, %lt3A_498 : i1
      %convert_element_type3A_500 = arith.extui %and3A_499 : i1 to i32
      %cond3A_501 = arith.constant 0 : i32
      %cond3A_502 = arith.cmpi ne, %convert_element_type3A_500, %cond3A_501 : i32
      scf.if %cond3A_502 {
        %dma_wait3A_771 = arith.constant 0 : i32
        %dma_wait3A_772 = arith.constant 0 : i32
        %dma_wait3A_773 = tpu.memref_slice %arg23[%dma_wait3A_771, %dma_wait3A_772] : memref<10240x128xf32, #tpu.memory_space<vmem_shared>> -> memref<10240x128xf32, #tpu.memory_space<vmem_shared>>
        tpu.wait_indirect_dma semaphore(%arg36 : memref<!tpu.dma_semaphore, #tpu.memory_space<semaphore_mem>>) src(%arg19 : memref<80x128xf32, #tpu.memory_space<vmem>>) dst(%dma_wait3A_773 : memref<10240x128xf32, #tpu.memory_space<vmem_shared>>)
        %dma_wait3A_774 = arith.constant 0 : i32
        %dma_wait3A_775 = tpu.memref_slice %arg22[%dma_wait3A_774] : memref<640xf32, #tpu.memory_space<vmem>> -> memref<80xf32, #tpu.memory_space<vmem>>
        %dma_wait3A_776 = arith.constant 0 : i32
        %dma_wait3A_777 = tpu.memref_slice %arg24[%dma_wait3A_776] : memref<10240xf32, #tpu.memory_space<vmem_shared>> -> memref<10240xf32, #tpu.memory_space<vmem_shared>>
        tpu.wait_indirect_dma semaphore(%arg40 : memref<!tpu.dma_semaphore, #tpu.memory_space<semaphore_mem>>) src(%dma_wait3A_775 : memref<80xf32, #tpu.memory_space<vmem>>) dst(%dma_wait3A_777 : memref<10240xf32, #tpu.memory_space<vmem_shared>>)
      } else {
      }
      %add3A_503 = arith.constant 3 : i32
      %add3A_504 = arith.addi %add3A_494, %add3A_503 : i32
      %lt3A_505 = arith.constant 125 : i32
      %lt3A_506 = arith.cmpi slt, %add3A_504, %lt3A_505 : i32
      %convert_element_type3A_507 = arith.extui %lt3A_506 : i1 to i32
      %cond3A_508 = arith.constant 0 : i32
      %cond3A_509 = arith.cmpi ne, %convert_element_type3A_507, %cond3A_508 : i32
      scf.if %cond3A_509 {
        %add3A_771 = arith.constant 3 : i32
        %add3A_772 = arith.addi %add3A_494, %add3A_771 : i32
        %mul3A_773 = arith.constant 80 : i32
        %mul3A_774 = arith.muli %add3A_772, %mul3A_773 : i32
        %add3A_775 = arith.addi %mul3A_2, %mul3A_774 : i32
        %dma_start3A_776 = tpu.memref_slice %arg3[%add3A_775] : memref<640000xi32, #tpu.memory_space<hbm>> -> memref<80xi32, #tpu.memory_space<hbm>>
        %dma_start3A_777 = tpu.memref_slice %arg3[%add3A_775] : memref<640000xi32, #tpu.memory_space<hbm>> -> memref<80xi32, #tpu.memory_space<hbm>>
        tpu.enqueue_dma source(%dma_start3A_777 : memref<80xi32, #tpu.memory_space<hbm>>) target(%arg6 : memref<80xi32, #tpu.memory_space<vmem>>) target_semaphore(%arg25 : memref<!tpu.dma_semaphore, #tpu.memory_space<semaphore_mem>>)
        %add3A_778 = arith.constant 320000 : i32
        %add3A_779 = arith.addi %add3A_778, %add3A_775 : i32
        %dma_start3A_780 = tpu.memref_slice %arg3[%add3A_779] : memref<640000xi32, #tpu.memory_space<hbm>> -> memref<80xi32, #tpu.memory_space<hbm>>
        %dma_start3A_781 = tpu.memref_slice %arg3[%add3A_779] : memref<640000xi32, #tpu.memory_space<hbm>> -> memref<80xi32, #tpu.memory_space<hbm>>
        tpu.enqueue_dma source(%dma_start3A_781 : memref<80xi32, #tpu.memory_space<hbm>>) target(%arg12 : memref<80xi32, #tpu.memory_space<vmem>>) target_semaphore(%arg25 : memref<!tpu.dma_semaphore, #tpu.memory_space<semaphore_mem>>)
      } else {
      }
      %add3A_510 = arith.constant 2 : i32
      %add3A_511 = arith.addi %add3A_494, %add3A_510 : i32
      %lt3A_512 = arith.constant 125 : i32
      %lt3A_513 = arith.cmpi slt, %add3A_511, %lt3A_512 : i32
      %convert_element_type3A_514 = arith.extui %lt3A_513 : i1 to i32
      %cond3A_515 = arith.constant 0 : i32
      %cond3A_516 = arith.cmpi ne, %convert_element_type3A_514, %cond3A_515 : i32
      scf.if %cond3A_516 {
        %add3A_771 = arith.constant 2 : i32
        %add3A_772 = arith.addi %add3A_494, %add3A_771 : i32
        %mul3A_773 = arith.constant 80 : i32
        %mul3A_774 = arith.muli %add3A_772, %mul3A_773 : i32
        %add3A_775 = arith.addi %mul3A_2, %mul3A_774 : i32
        %dma_wait3A_776 = tpu.memref_slice %arg3[%add3A_775] : memref<640000xi32, #tpu.memory_space<hbm>> -> memref<80xi32, #tpu.memory_space<hbm>>
        %dma_wait3A_777 = tpu.memref_slice %arg3[%add3A_775] : memref<640000xi32, #tpu.memory_space<hbm>> -> memref<80xi32, #tpu.memory_space<hbm>>
        tpu.wait_dma2 semaphore(%arg30 : memref<!tpu.dma_semaphore, #tpu.memory_space<semaphore_mem>>) src(%dma_wait3A_777 : memref<80xi32, #tpu.memory_space<hbm>>) dst(%arg11 : memref<80xi32, #tpu.memory_space<vmem>>)
        %add3A_778 = arith.constant 320000 : i32
        %add3A_779 = arith.addi %add3A_778, %add3A_775 : i32
        %dma_wait3A_780 = tpu.memref_slice %arg3[%add3A_779] : memref<640000xi32, #tpu.memory_space<hbm>> -> memref<80xi32, #tpu.memory_space<hbm>>
        %dma_wait3A_781 = tpu.memref_slice %arg3[%add3A_779] : memref<640000xi32, #tpu.memory_space<hbm>> -> memref<80xi32, #tpu.memory_space<hbm>>
        tpu.wait_dma2 semaphore(%arg30 : memref<!tpu.dma_semaphore, #tpu.memory_space<semaphore_mem>>) src(%dma_wait3A_781 : memref<80xi32, #tpu.memory_space<hbm>>) dst(%arg17 : memref<80xi32, #tpu.memory_space<vmem>>)
        %dma_start3A_782 = arith.constant 0 : i32
        %dma_start3A_783 = arith.constant 0 : i32
        %dma_start3A_784 = tpu.memref_slice %arg2[%dma_start3A_782, %dma_start3A_783] : memref<10000x128xf32, #tpu.memory_space<hbm>> -> memref<10000x128xf32, #tpu.memory_space<hbm>>
        tpu.enqueue_indirect_dma source(%dma_start3A_784 : memref<10000x128xf32, #tpu.memory_space<hbm>>) target(%arg19 : memref<80x128xf32, #tpu.memory_space<vmem>>) offsets(%arg17 : memref<80xi32, #tpu.memory_space<vmem>>) semaphore(%arg32 : memref<!tpu.dma_semaphore, #tpu.memory_space<semaphore_mem>>)
      } else {
      }
      %lt3A_517 = arith.constant 125 : i32
      %lt3A_518 = arith.cmpi slt, %add3A_494, %lt3A_517 : i32
      %convert_element_type3A_519 = arith.extui %lt3A_518 : i1 to i32
      %cond3A_520 = arith.constant 0 : i32
      %cond3A_521 = arith.cmpi ne, %convert_element_type3A_519, %cond3A_520 : i32
      scf.if %cond3A_521 {
        %dma_wait3A_771 = arith.constant 0 : i32
        %dma_wait3A_772 = arith.constant 0 : i32
        %dma_wait3A_773 = tpu.memref_slice %arg2[%dma_wait3A_771, %dma_wait3A_772] : memref<10000x128xf32, #tpu.memory_space<hbm>> -> memref<10000x128xf32, #tpu.memory_space<hbm>>
        tpu.wait_indirect_dma semaphore(%arg34 : memref<!tpu.dma_semaphore, #tpu.memory_space<semaphore_mem>>) src(%dma_wait3A_773 : memref<10000x128xf32, #tpu.memory_space<hbm>>) dst(%arg21 : memref<80x128xf32, #tpu.memory_space<vmem>>)
        %dma_start3A_774 = arith.constant 0 : i32
        %dma_start3A_775 = arith.constant 0 : i32
        %dma_start3A_776 = tpu.memref_slice %arg23[%dma_start3A_774, %dma_start3A_775] : memref<10240x128xf32, #tpu.memory_space<vmem_shared>> -> memref<10240x128xf32, #tpu.memory_space<vmem_shared>>
        tpu.enqueue_indirect_dma source(%arg21 : memref<80x128xf32, #tpu.memory_space<vmem>>) target(%dma_start3A_776 : memref<10240x128xf32, #tpu.memory_space<vmem_shared>>) offsets(%arg9 : memref<80xi32, #tpu.memory_space<vmem>>) semaphore(%arg38 : memref<!tpu.dma_semaphore, #tpu.memory_space<semaphore_mem>>) {add = true}
        %dma_start3A_777 = arith.constant 0 : i32
        %dma_start3A_778 = tpu.memref_slice %arg22[%dma_start3A_777] : memref<640xf32, #tpu.memory_space<vmem>> -> memref<80xf32, #tpu.memory_space<vmem>>
        %dma_start3A_779 = arith.constant 0 : i32
        %dma_start3A_780 = tpu.memref_slice %arg24[%dma_start3A_779] : memref<10240xf32, #tpu.memory_space<vmem_shared>> -> memref<10240xf32, #tpu.memory_space<vmem_shared>>
        tpu.enqueue_indirect_dma source(%dma_start3A_778 : memref<80xf32, #tpu.memory_space<vmem>>) target(%dma_start3A_780 : memref<10240xf32, #tpu.memory_space<vmem_shared>>) offsets(%arg9 : memref<80xi32, #tpu.memory_space<vmem>>) semaphore(%arg42 : memref<!tpu.dma_semaphore, #tpu.memory_space<semaphore_mem>>) {add = true}
      } else {
      }
      %mul3A_522 = arith.constant 12 : i32
      %mul3A_523 = arith.muli %scan3A_401, %mul3A_522 : i32
      %add3A_524 = arith.constant 4 : i32
      %add3A_525 = arith.addi %mul3A_523, %add3A_524 : i32
      %ge3A_526 = arith.constant 2 : i32
      %ge3A_527 = arith.cmpi sge, %add3A_525, %ge3A_526 : i32
      %lt3A_528 = arith.constant 127 : i32
      %lt3A_529 = arith.cmpi slt, %add3A_525, %lt3A_528 : i32
      %and3A_530 = arith.andi %ge3A_527, %lt3A_529 : i1
      %convert_element_type3A_531 = arith.extui %and3A_530 : i1 to i32
      %cond3A_532 = arith.constant 0 : i32
      %cond3A_533 = arith.cmpi ne, %convert_element_type3A_531, %cond3A_532 : i32
      scf.if %cond3A_533 {
        %dma_wait3A_771 = arith.constant 0 : i32
        %dma_wait3A_772 = arith.constant 0 : i32
        %dma_wait3A_773 = tpu.memref_slice %arg23[%dma_wait3A_771, %dma_wait3A_772] : memref<10240x128xf32, #tpu.memory_space<vmem_shared>> -> memref<10240x128xf32, #tpu.memory_space<vmem_shared>>
        tpu.wait_indirect_dma semaphore(%arg37 : memref<!tpu.dma_semaphore, #tpu.memory_space<semaphore_mem>>) src(%arg20 : memref<80x128xf32, #tpu.memory_space<vmem>>) dst(%dma_wait3A_773 : memref<10240x128xf32, #tpu.memory_space<vmem_shared>>)
        %dma_wait3A_774 = arith.constant 0 : i32
        %dma_wait3A_775 = tpu.memref_slice %arg22[%dma_wait3A_774] : memref<640xf32, #tpu.memory_space<vmem>> -> memref<80xf32, #tpu.memory_space<vmem>>
        %dma_wait3A_776 = arith.constant 0 : i32
        %dma_wait3A_777 = tpu.memref_slice %arg24[%dma_wait3A_776] : memref<10240xf32, #tpu.memory_space<vmem_shared>> -> memref<10240xf32, #tpu.memory_space<vmem_shared>>
        tpu.wait_indirect_dma semaphore(%arg41 : memref<!tpu.dma_semaphore, #tpu.memory_space<semaphore_mem>>) src(%dma_wait3A_775 : memref<80xf32, #tpu.memory_space<vmem>>) dst(%dma_wait3A_777 : memref<10240xf32, #tpu.memory_space<vmem_shared>>)
      } else {
      }
      %add3A_534 = arith.constant 3 : i32
      %add3A_535 = arith.addi %add3A_525, %add3A_534 : i32
      %lt3A_536 = arith.constant 125 : i32
      %lt3A_537 = arith.cmpi slt, %add3A_535, %lt3A_536 : i32
      %convert_element_type3A_538 = arith.extui %lt3A_537 : i1 to i32
      %cond3A_539 = arith.constant 0 : i32
      %cond3A_540 = arith.cmpi ne, %convert_element_type3A_538, %cond3A_539 : i32
      scf.if %cond3A_540 {
        %add3A_771 = arith.constant 3 : i32
        %add3A_772 = arith.addi %add3A_525, %add3A_771 : i32
        %mul3A_773 = arith.constant 80 : i32
        %mul3A_774 = arith.muli %add3A_772, %mul3A_773 : i32
        %add3A_775 = arith.addi %mul3A_2, %mul3A_774 : i32
        %dma_start3A_776 = tpu.memref_slice %arg3[%add3A_775] : memref<640000xi32, #tpu.memory_space<hbm>> -> memref<80xi32, #tpu.memory_space<hbm>>
        %dma_start3A_777 = tpu.memref_slice %arg3[%add3A_775] : memref<640000xi32, #tpu.memory_space<hbm>> -> memref<80xi32, #tpu.memory_space<hbm>>
        tpu.enqueue_dma source(%dma_start3A_777 : memref<80xi32, #tpu.memory_space<hbm>>) target(%arg7 : memref<80xi32, #tpu.memory_space<vmem>>) target_semaphore(%arg26 : memref<!tpu.dma_semaphore, #tpu.memory_space<semaphore_mem>>)
        %add3A_778 = arith.constant 320000 : i32
        %add3A_779 = arith.addi %add3A_778, %add3A_775 : i32
        %dma_start3A_780 = tpu.memref_slice %arg3[%add3A_779] : memref<640000xi32, #tpu.memory_space<hbm>> -> memref<80xi32, #tpu.memory_space<hbm>>
        %dma_start3A_781 = tpu.memref_slice %arg3[%add3A_779] : memref<640000xi32, #tpu.memory_space<hbm>> -> memref<80xi32, #tpu.memory_space<hbm>>
        tpu.enqueue_dma source(%dma_start3A_781 : memref<80xi32, #tpu.memory_space<hbm>>) target(%arg13 : memref<80xi32, #tpu.memory_space<vmem>>) target_semaphore(%arg26 : memref<!tpu.dma_semaphore, #tpu.memory_space<semaphore_mem>>)
      } else {
      }
      %add3A_541 = arith.constant 2 : i32
      %add3A_542 = arith.addi %add3A_525, %add3A_541 : i32
      %lt3A_543 = arith.constant 125 : i32
      %lt3A_544 = arith.cmpi slt, %add3A_542, %lt3A_543 : i32
      %convert_element_type3A_545 = arith.extui %lt3A_544 : i1 to i32
      %cond3A_546 = arith.constant 0 : i32
      %cond3A_547 = arith.cmpi ne, %convert_element_type3A_545, %cond3A_546 : i32
      scf.if %cond3A_547 {
        %add3A_771 = arith.constant 2 : i32
        %add3A_772 = arith.addi %add3A_525, %add3A_771 : i32
        %mul3A_773 = arith.constant 80 : i32
        %mul3A_774 = arith.muli %add3A_772, %mul3A_773 : i32
        %add3A_775 = arith.addi %mul3A_2, %mul3A_774 : i32
        %dma_wait3A_776 = tpu.memref_slice %arg3[%add3A_775] : memref<640000xi32, #tpu.memory_space<hbm>> -> memref<80xi32, #tpu.memory_space<hbm>>
        %dma_wait3A_777 = tpu.memref_slice %arg3[%add3A_775] : memref<640000xi32, #tpu.memory_space<hbm>> -> memref<80xi32, #tpu.memory_space<hbm>>
        tpu.wait_dma2 semaphore(%arg25 : memref<!tpu.dma_semaphore, #tpu.memory_space<semaphore_mem>>) src(%dma_wait3A_777 : memref<80xi32, #tpu.memory_space<hbm>>) dst(%arg6 : memref<80xi32, #tpu.memory_space<vmem>>)
        %add3A_778 = arith.constant 320000 : i32
        %add3A_779 = arith.addi %add3A_778, %add3A_775 : i32
        %dma_wait3A_780 = tpu.memref_slice %arg3[%add3A_779] : memref<640000xi32, #tpu.memory_space<hbm>> -> memref<80xi32, #tpu.memory_space<hbm>>
        %dma_wait3A_781 = tpu.memref_slice %arg3[%add3A_779] : memref<640000xi32, #tpu.memory_space<hbm>> -> memref<80xi32, #tpu.memory_space<hbm>>
        tpu.wait_dma2 semaphore(%arg25 : memref<!tpu.dma_semaphore, #tpu.memory_space<semaphore_mem>>) src(%dma_wait3A_781 : memref<80xi32, #tpu.memory_space<hbm>>) dst(%arg12 : memref<80xi32, #tpu.memory_space<vmem>>)
        %dma_start3A_782 = arith.constant 0 : i32
        %dma_start3A_783 = arith.constant 0 : i32
        %dma_start3A_784 = tpu.memref_slice %arg2[%dma_start3A_782, %dma_start3A_783] : memref<10000x128xf32, #tpu.memory_space<hbm>> -> memref<10000x128xf32, #tpu.memory_space<hbm>>
        tpu.enqueue_indirect_dma source(%dma_start3A_784 : memref<10000x128xf32, #tpu.memory_space<hbm>>) target(%arg20 : memref<80x128xf32, #tpu.memory_space<vmem>>) offsets(%arg12 : memref<80xi32, #tpu.memory_space<vmem>>) semaphore(%arg33 : memref<!tpu.dma_semaphore, #tpu.memory_space<semaphore_mem>>)
      } else {
      }
      %lt3A_548 = arith.constant 125 : i32
      %lt3A_549 = arith.cmpi slt, %add3A_525, %lt3A_548 : i32
      %convert_element_type3A_550 = arith.extui %lt3A_549 : i1 to i32
      %cond3A_551 = arith.constant 0 : i32
      %cond3A_552 = arith.cmpi ne, %convert_element_type3A_550, %cond3A_551 : i32
      scf.if %cond3A_552 {
        %dma_wait3A_771 = arith.constant 0 : i32
        %dma_wait3A_772 = arith.constant 0 : i32
        %dma_wait3A_773 = tpu.memref_slice %arg2[%dma_wait3A_771, %dma_wait3A_772] : memref<10000x128xf32, #tpu.memory_space<hbm>> -> memref<10000x128xf32, #tpu.memory_space<hbm>>
        tpu.wait_indirect_dma semaphore(%arg31 : memref<!tpu.dma_semaphore, #tpu.memory_space<semaphore_mem>>) src(%dma_wait3A_773 : memref<10000x128xf32, #tpu.memory_space<hbm>>) dst(%arg18 : memref<80x128xf32, #tpu.memory_space<vmem>>)
        %dma_start3A_774 = arith.constant 0 : i32
        %dma_start3A_775 = arith.constant 0 : i32
        %dma_start3A_776 = tpu.memref_slice %arg23[%dma_start3A_774, %dma_start3A_775] : memref<10240x128xf32, #tpu.memory_space<vmem_shared>> -> memref<10240x128xf32, #tpu.memory_space<vmem_shared>>
        tpu.enqueue_indirect_dma source(%arg18 : memref<80x128xf32, #tpu.memory_space<vmem>>) target(%dma_start3A_776 : memref<10240x128xf32, #tpu.memory_space<vmem_shared>>) offsets(%arg10 : memref<80xi32, #tpu.memory_space<vmem>>) semaphore(%arg35 : memref<!tpu.dma_semaphore, #tpu.memory_space<semaphore_mem>>) {add = true}
        %dma_start3A_777 = arith.constant 0 : i32
        %dma_start3A_778 = tpu.memref_slice %arg22[%dma_start3A_777] : memref<640xf32, #tpu.memory_space<vmem>> -> memref<80xf32, #tpu.memory_space<vmem>>
        %dma_start3A_779 = arith.constant 0 : i32
        %dma_start3A_780 = tpu.memref_slice %arg24[%dma_start3A_779] : memref<10240xf32, #tpu.memory_space<vmem_shared>> -> memref<10240xf32, #tpu.memory_space<vmem_shared>>
        tpu.enqueue_indirect_dma source(%dma_start3A_778 : memref<80xf32, #tpu.memory_space<vmem>>) target(%dma_start3A_780 : memref<10240xf32, #tpu.memory_space<vmem_shared>>) offsets(%arg10 : memref<80xi32, #tpu.memory_space<vmem>>) semaphore(%arg39 : memref<!tpu.dma_semaphore, #tpu.memory_space<semaphore_mem>>) {add = true}
      } else {
      }
      %mul3A_553 = arith.constant 12 : i32
      %mul3A_554 = arith.muli %scan3A_401, %mul3A_553 : i32
      %add3A_555 = arith.constant 5 : i32
      %add3A_556 = arith.addi %mul3A_554, %add3A_555 : i32
      %ge3A_557 = arith.constant 2 : i32
      %ge3A_558 = arith.cmpi sge, %add3A_556, %ge3A_557 : i32
      %lt3A_559 = arith.constant 127 : i32
      %lt3A_560 = arith.cmpi slt, %add3A_556, %lt3A_559 : i32
      %and3A_561 = arith.andi %ge3A_558, %lt3A_560 : i1
      %convert_element_type3A_562 = arith.extui %and3A_561 : i1 to i32
      %cond3A_563 = arith.constant 0 : i32
      %cond3A_564 = arith.cmpi ne, %convert_element_type3A_562, %cond3A_563 : i32
      scf.if %cond3A_564 {
        %dma_wait3A_771 = arith.constant 0 : i32
        %dma_wait3A_772 = arith.constant 0 : i32
        %dma_wait3A_773 = tpu.memref_slice %arg23[%dma_wait3A_771, %dma_wait3A_772] : memref<10240x128xf32, #tpu.memory_space<vmem_shared>> -> memref<10240x128xf32, #tpu.memory_space<vmem_shared>>
        tpu.wait_indirect_dma semaphore(%arg38 : memref<!tpu.dma_semaphore, #tpu.memory_space<semaphore_mem>>) src(%arg21 : memref<80x128xf32, #tpu.memory_space<vmem>>) dst(%dma_wait3A_773 : memref<10240x128xf32, #tpu.memory_space<vmem_shared>>)
        %dma_wait3A_774 = arith.constant 0 : i32
        %dma_wait3A_775 = tpu.memref_slice %arg22[%dma_wait3A_774] : memref<640xf32, #tpu.memory_space<vmem>> -> memref<80xf32, #tpu.memory_space<vmem>>
        %dma_wait3A_776 = arith.constant 0 : i32
        %dma_wait3A_777 = tpu.memref_slice %arg24[%dma_wait3A_776] : memref<10240xf32, #tpu.memory_space<vmem_shared>> -> memref<10240xf32, #tpu.memory_space<vmem_shared>>
        tpu.wait_indirect_dma semaphore(%arg42 : memref<!tpu.dma_semaphore, #tpu.memory_space<semaphore_mem>>) src(%dma_wait3A_775 : memref<80xf32, #tpu.memory_space<vmem>>) dst(%dma_wait3A_777 : memref<10240xf32, #tpu.memory_space<vmem_shared>>)
      } else {
      }
      %add3A_565 = arith.constant 3 : i32
      %add3A_566 = arith.addi %add3A_556, %add3A_565 : i32
      %lt3A_567 = arith.constant 125 : i32
      %lt3A_568 = arith.cmpi slt, %add3A_566, %lt3A_567 : i32
      %convert_element_type3A_569 = arith.extui %lt3A_568 : i1 to i32
      %cond3A_570 = arith.constant 0 : i32
      %cond3A_571 = arith.cmpi ne, %convert_element_type3A_569, %cond3A_570 : i32
      scf.if %cond3A_571 {
        %add3A_771 = arith.constant 3 : i32
        %add3A_772 = arith.addi %add3A_556, %add3A_771 : i32
        %mul3A_773 = arith.constant 80 : i32
        %mul3A_774 = arith.muli %add3A_772, %mul3A_773 : i32
        %add3A_775 = arith.addi %mul3A_2, %mul3A_774 : i32
        %dma_start3A_776 = tpu.memref_slice %arg3[%add3A_775] : memref<640000xi32, #tpu.memory_space<hbm>> -> memref<80xi32, #tpu.memory_space<hbm>>
        %dma_start3A_777 = tpu.memref_slice %arg3[%add3A_775] : memref<640000xi32, #tpu.memory_space<hbm>> -> memref<80xi32, #tpu.memory_space<hbm>>
        tpu.enqueue_dma source(%dma_start3A_777 : memref<80xi32, #tpu.memory_space<hbm>>) target(%arg8 : memref<80xi32, #tpu.memory_space<vmem>>) target_semaphore(%arg27 : memref<!tpu.dma_semaphore, #tpu.memory_space<semaphore_mem>>)
        %add3A_778 = arith.constant 320000 : i32
        %add3A_779 = arith.addi %add3A_778, %add3A_775 : i32
        %dma_start3A_780 = tpu.memref_slice %arg3[%add3A_779] : memref<640000xi32, #tpu.memory_space<hbm>> -> memref<80xi32, #tpu.memory_space<hbm>>
        %dma_start3A_781 = tpu.memref_slice %arg3[%add3A_779] : memref<640000xi32, #tpu.memory_space<hbm>> -> memref<80xi32, #tpu.memory_space<hbm>>
        tpu.enqueue_dma source(%dma_start3A_781 : memref<80xi32, #tpu.memory_space<hbm>>) target(%arg14 : memref<80xi32, #tpu.memory_space<vmem>>) target_semaphore(%arg27 : memref<!tpu.dma_semaphore, #tpu.memory_space<semaphore_mem>>)
      } else {
      }
      %add3A_572 = arith.constant 2 : i32
      %add3A_573 = arith.addi %add3A_556, %add3A_572 : i32
      %lt3A_574 = arith.constant 125 : i32
      %lt3A_575 = arith.cmpi slt, %add3A_573, %lt3A_574 : i32
      %convert_element_type3A_576 = arith.extui %lt3A_575 : i1 to i32
      %cond3A_577 = arith.constant 0 : i32
      %cond3A_578 = arith.cmpi ne, %convert_element_type3A_576, %cond3A_577 : i32
      scf.if %cond3A_578 {
        %add3A_771 = arith.constant 2 : i32
        %add3A_772 = arith.addi %add3A_556, %add3A_771 : i32
        %mul3A_773 = arith.constant 80 : i32
        %mul3A_774 = arith.muli %add3A_772, %mul3A_773 : i32
        %add3A_775 = arith.addi %mul3A_2, %mul3A_774 : i32
        %dma_wait3A_776 = tpu.memref_slice %arg3[%add3A_775] : memref<640000xi32, #tpu.memory_space<hbm>> -> memref<80xi32, #tpu.memory_space<hbm>>
        %dma_wait3A_777 = tpu.memref_slice %arg3[%add3A_775] : memref<640000xi32, #tpu.memory_space<hbm>> -> memref<80xi32, #tpu.memory_space<hbm>>
        tpu.wait_dma2 semaphore(%arg26 : memref<!tpu.dma_semaphore, #tpu.memory_space<semaphore_mem>>) src(%dma_wait3A_777 : memref<80xi32, #tpu.memory_space<hbm>>) dst(%arg7 : memref<80xi32, #tpu.memory_space<vmem>>)
        %add3A_778 = arith.constant 320000 : i32
        %add3A_779 = arith.addi %add3A_778, %add3A_775 : i32
        %dma_wait3A_780 = tpu.memref_slice %arg3[%add3A_779] : memref<640000xi32, #tpu.memory_space<hbm>> -> memref<80xi32, #tpu.memory_space<hbm>>
        %dma_wait3A_781 = tpu.memref_slice %arg3[%add3A_779] : memref<640000xi32, #tpu.memory_space<hbm>> -> memref<80xi32, #tpu.memory_space<hbm>>
        tpu.wait_dma2 semaphore(%arg26 : memref<!tpu.dma_semaphore, #tpu.memory_space<semaphore_mem>>) src(%dma_wait3A_781 : memref<80xi32, #tpu.memory_space<hbm>>) dst(%arg13 : memref<80xi32, #tpu.memory_space<vmem>>)
        %dma_start3A_782 = arith.constant 0 : i32
        %dma_start3A_783 = arith.constant 0 : i32
        %dma_start3A_784 = tpu.memref_slice %arg2[%dma_start3A_782, %dma_start3A_783] : memref<10000x128xf32, #tpu.memory_space<hbm>> -> memref<10000x128xf32, #tpu.memory_space<hbm>>
        tpu.enqueue_indirect_dma source(%dma_start3A_784 : memref<10000x128xf32, #tpu.memory_space<hbm>>) target(%arg21 : memref<80x128xf32, #tpu.memory_space<vmem>>) offsets(%arg13 : memref<80xi32, #tpu.memory_space<vmem>>) semaphore(%arg34 : memref<!tpu.dma_semaphore, #tpu.memory_space<semaphore_mem>>)
      } else {
      }
      %lt3A_579 = arith.constant 125 : i32
      %lt3A_580 = arith.cmpi slt, %add3A_556, %lt3A_579 : i32
      %convert_element_type3A_581 = arith.extui %lt3A_580 : i1 to i32
      %cond3A_582 = arith.constant 0 : i32
      %cond3A_583 = arith.cmpi ne, %convert_element_type3A_581, %cond3A_582 : i32
      scf.if %cond3A_583 {
        %dma_wait3A_771 = arith.constant 0 : i32
        %dma_wait3A_772 = arith.constant 0 : i32
        %dma_wait3A_773 = tpu.memref_slice %arg2[%dma_wait3A_771, %dma_wait3A_772] : memref<10000x128xf32, #tpu.memory_space<hbm>> -> memref<10000x128xf32, #tpu.memory_space<hbm>>
        tpu.wait_indirect_dma semaphore(%arg32 : memref<!tpu.dma_semaphore, #tpu.memory_space<semaphore_mem>>) src(%dma_wait3A_773 : memref<10000x128xf32, #tpu.memory_space<hbm>>) dst(%arg19 : memref<80x128xf32, #tpu.memory_space<vmem>>)
        %dma_start3A_774 = arith.constant 0 : i32
        %dma_start3A_775 = arith.constant 0 : i32
        %dma_start3A_776 = tpu.memref_slice %arg23[%dma_start3A_774, %dma_start3A_775] : memref<10240x128xf32, #tpu.memory_space<vmem_shared>> -> memref<10240x128xf32, #tpu.memory_space<vmem_shared>>
        tpu.enqueue_indirect_dma source(%arg19 : memref<80x128xf32, #tpu.memory_space<vmem>>) target(%dma_start3A_776 : memref<10240x128xf32, #tpu.memory_space<vmem_shared>>) offsets(%arg11 : memref<80xi32, #tpu.memory_space<vmem>>) semaphore(%arg36 : memref<!tpu.dma_semaphore, #tpu.memory_space<semaphore_mem>>) {add = true}
        %dma_start3A_777 = arith.constant 0 : i32
        %dma_start3A_778 = tpu.memref_slice %arg22[%dma_start3A_777] : memref<640xf32, #tpu.memory_space<vmem>> -> memref<80xf32, #tpu.memory_space<vmem>>
        %dma_start3A_779 = arith.constant 0 : i32
        %dma_start3A_780 = tpu.memref_slice %arg24[%dma_start3A_779] : memref<10240xf32, #tpu.memory_space<vmem_shared>> -> memref<10240xf32, #tpu.memory_space<vmem_shared>>
        tpu.enqueue_indirect_dma source(%dma_start3A_778 : memref<80xf32, #tpu.memory_space<vmem>>) target(%dma_start3A_780 : memref<10240xf32, #tpu.memory_space<vmem_shared>>) offsets(%arg11 : memref<80xi32, #tpu.memory_space<vmem>>) semaphore(%arg40 : memref<!tpu.dma_semaphore, #tpu.memory_space<semaphore_mem>>) {add = true}
      } else {
      }
      %mul3A_584 = arith.constant 12 : i32
      %mul3A_585 = arith.muli %scan3A_401, %mul3A_584 : i32
      %add3A_586 = arith.constant 6 : i32
      %add3A_587 = arith.addi %mul3A_585, %add3A_586 : i32
      %ge3A_588 = arith.constant 2 : i32
      %ge3A_589 = arith.cmpi sge, %add3A_587, %ge3A_588 : i32
      %lt3A_590 = arith.constant 127 : i32
      %lt3A_591 = arith.cmpi slt, %add3A_587, %lt3A_590 : i32
      %and3A_592 = arith.andi %ge3A_589, %lt3A_591 : i1
      %convert_element_type3A_593 = arith.extui %and3A_592 : i1 to i32
      %cond3A_594 = arith.constant 0 : i32
      %cond3A_595 = arith.cmpi ne, %convert_element_type3A_593, %cond3A_594 : i32
      scf.if %cond3A_595 {
        %dma_wait3A_771 = arith.constant 0 : i32
        %dma_wait3A_772 = arith.constant 0 : i32
        %dma_wait3A_773 = tpu.memref_slice %arg23[%dma_wait3A_771, %dma_wait3A_772] : memref<10240x128xf32, #tpu.memory_space<vmem_shared>> -> memref<10240x128xf32, #tpu.memory_space<vmem_shared>>
        tpu.wait_indirect_dma semaphore(%arg35 : memref<!tpu.dma_semaphore, #tpu.memory_space<semaphore_mem>>) src(%arg18 : memref<80x128xf32, #tpu.memory_space<vmem>>) dst(%dma_wait3A_773 : memref<10240x128xf32, #tpu.memory_space<vmem_shared>>)
        %dma_wait3A_774 = arith.constant 0 : i32
        %dma_wait3A_775 = tpu.memref_slice %arg22[%dma_wait3A_774] : memref<640xf32, #tpu.memory_space<vmem>> -> memref<80xf32, #tpu.memory_space<vmem>>
        %dma_wait3A_776 = arith.constant 0 : i32
        %dma_wait3A_777 = tpu.memref_slice %arg24[%dma_wait3A_776] : memref<10240xf32, #tpu.memory_space<vmem_shared>> -> memref<10240xf32, #tpu.memory_space<vmem_shared>>
        tpu.wait_indirect_dma semaphore(%arg39 : memref<!tpu.dma_semaphore, #tpu.memory_space<semaphore_mem>>) src(%dma_wait3A_775 : memref<80xf32, #tpu.memory_space<vmem>>) dst(%dma_wait3A_777 : memref<10240xf32, #tpu.memory_space<vmem_shared>>)
      } else {
      }
      %add3A_596 = arith.constant 3 : i32
      %add3A_597 = arith.addi %add3A_587, %add3A_596 : i32
      %lt3A_598 = arith.constant 125 : i32
      %lt3A_599 = arith.cmpi slt, %add3A_597, %lt3A_598 : i32
      %convert_element_type3A_600 = arith.extui %lt3A_599 : i1 to i32
      %cond3A_601 = arith.constant 0 : i32
      %cond3A_602 = arith.cmpi ne, %convert_element_type3A_600, %cond3A_601 : i32
      scf.if %cond3A_602 {
        %add3A_771 = arith.constant 3 : i32
        %add3A_772 = arith.addi %add3A_587, %add3A_771 : i32
        %mul3A_773 = arith.constant 80 : i32
        %mul3A_774 = arith.muli %add3A_772, %mul3A_773 : i32
        %add3A_775 = arith.addi %mul3A_2, %mul3A_774 : i32
        %dma_start3A_776 = tpu.memref_slice %arg3[%add3A_775] : memref<640000xi32, #tpu.memory_space<hbm>> -> memref<80xi32, #tpu.memory_space<hbm>>
        %dma_start3A_777 = tpu.memref_slice %arg3[%add3A_775] : memref<640000xi32, #tpu.memory_space<hbm>> -> memref<80xi32, #tpu.memory_space<hbm>>
        tpu.enqueue_dma source(%dma_start3A_777 : memref<80xi32, #tpu.memory_space<hbm>>) target(%arg9 : memref<80xi32, #tpu.memory_space<vmem>>) target_semaphore(%arg28 : memref<!tpu.dma_semaphore, #tpu.memory_space<semaphore_mem>>)
        %add3A_778 = arith.constant 320000 : i32
        %add3A_779 = arith.addi %add3A_778, %add3A_775 : i32
        %dma_start3A_780 = tpu.memref_slice %arg3[%add3A_779] : memref<640000xi32, #tpu.memory_space<hbm>> -> memref<80xi32, #tpu.memory_space<hbm>>
        %dma_start3A_781 = tpu.memref_slice %arg3[%add3A_779] : memref<640000xi32, #tpu.memory_space<hbm>> -> memref<80xi32, #tpu.memory_space<hbm>>
        tpu.enqueue_dma source(%dma_start3A_781 : memref<80xi32, #tpu.memory_space<hbm>>) target(%arg15 : memref<80xi32, #tpu.memory_space<vmem>>) target_semaphore(%arg28 : memref<!tpu.dma_semaphore, #tpu.memory_space<semaphore_mem>>)
      } else {
      }
      %add3A_603 = arith.constant 2 : i32
      %add3A_604 = arith.addi %add3A_587, %add3A_603 : i32
      %lt3A_605 = arith.constant 125 : i32
      %lt3A_606 = arith.cmpi slt, %add3A_604, %lt3A_605 : i32
      %convert_element_type3A_607 = arith.extui %lt3A_606 : i1 to i32
      %cond3A_608 = arith.constant 0 : i32
      %cond3A_609 = arith.cmpi ne, %convert_element_type3A_607, %cond3A_608 : i32
      scf.if %cond3A_609 {
        %add3A_771 = arith.constant 2 : i32
        %add3A_772 = arith.addi %add3A_587, %add3A_771 : i32
        %mul3A_773 = arith.constant 80 : i32
        %mul3A_774 = arith.muli %add3A_772, %mul3A_773 : i32
        %add3A_775 = arith.addi %mul3A_2, %mul3A_774 : i32
        %dma_wait3A_776 = tpu.memref_slice %arg3[%add3A_775] : memref<640000xi32, #tpu.memory_space<hbm>> -> memref<80xi32, #tpu.memory_space<hbm>>
        %dma_wait3A_777 = tpu.memref_slice %arg3[%add3A_775] : memref<640000xi32, #tpu.memory_space<hbm>> -> memref<80xi32, #tpu.memory_space<hbm>>
        tpu.wait_dma2 semaphore(%arg27 : memref<!tpu.dma_semaphore, #tpu.memory_space<semaphore_mem>>) src(%dma_wait3A_777 : memref<80xi32, #tpu.memory_space<hbm>>) dst(%arg8 : memref<80xi32, #tpu.memory_space<vmem>>)
        %add3A_778 = arith.constant 320000 : i32
        %add3A_779 = arith.addi %add3A_778, %add3A_775 : i32
        %dma_wait3A_780 = tpu.memref_slice %arg3[%add3A_779] : memref<640000xi32, #tpu.memory_space<hbm>> -> memref<80xi32, #tpu.memory_space<hbm>>
        %dma_wait3A_781 = tpu.memref_slice %arg3[%add3A_779] : memref<640000xi32, #tpu.memory_space<hbm>> -> memref<80xi32, #tpu.memory_space<hbm>>
        tpu.wait_dma2 semaphore(%arg27 : memref<!tpu.dma_semaphore, #tpu.memory_space<semaphore_mem>>) src(%dma_wait3A_781 : memref<80xi32, #tpu.memory_space<hbm>>) dst(%arg14 : memref<80xi32, #tpu.memory_space<vmem>>)
        %dma_start3A_782 = arith.constant 0 : i32
        %dma_start3A_783 = arith.constant 0 : i32
        %dma_start3A_784 = tpu.memref_slice %arg2[%dma_start3A_782, %dma_start3A_783] : memref<10000x128xf32, #tpu.memory_space<hbm>> -> memref<10000x128xf32, #tpu.memory_space<hbm>>
        tpu.enqueue_indirect_dma source(%dma_start3A_784 : memref<10000x128xf32, #tpu.memory_space<hbm>>) target(%arg18 : memref<80x128xf32, #tpu.memory_space<vmem>>) offsets(%arg14 : memref<80xi32, #tpu.memory_space<vmem>>) semaphore(%arg31 : memref<!tpu.dma_semaphore, #tpu.memory_space<semaphore_mem>>)
      } else {
      }
      %lt3A_610 = arith.constant 125 : i32
      %lt3A_611 = arith.cmpi slt, %add3A_587, %lt3A_610 : i32
      %convert_element_type3A_612 = arith.extui %lt3A_611 : i1 to i32
      %cond3A_613 = arith.constant 0 : i32
      %cond3A_614 = arith.cmpi ne, %convert_element_type3A_612, %cond3A_613 : i32
      scf.if %cond3A_614 {
        %dma_wait3A_771 = arith.constant 0 : i32
        %dma_wait3A_772 = arith.constant 0 : i32
        %dma_wait3A_773 = tpu.memref_slice %arg2[%dma_wait3A_771, %dma_wait3A_772] : memref<10000x128xf32, #tpu.memory_space<hbm>> -> memref<10000x128xf32, #tpu.memory_space<hbm>>
        tpu.wait_indirect_dma semaphore(%arg33 : memref<!tpu.dma_semaphore, #tpu.memory_space<semaphore_mem>>) src(%dma_wait3A_773 : memref<10000x128xf32, #tpu.memory_space<hbm>>) dst(%arg20 : memref<80x128xf32, #tpu.memory_space<vmem>>)
        %dma_start3A_774 = arith.constant 0 : i32
        %dma_start3A_775 = arith.constant 0 : i32
        %dma_start3A_776 = tpu.memref_slice %arg23[%dma_start3A_774, %dma_start3A_775] : memref<10240x128xf32, #tpu.memory_space<vmem_shared>> -> memref<10240x128xf32, #tpu.memory_space<vmem_shared>>
        tpu.enqueue_indirect_dma source(%arg20 : memref<80x128xf32, #tpu.memory_space<vmem>>) target(%dma_start3A_776 : memref<10240x128xf32, #tpu.memory_space<vmem_shared>>) offsets(%arg6 : memref<80xi32, #tpu.memory_space<vmem>>) semaphore(%arg37 : memref<!tpu.dma_semaphore, #tpu.memory_space<semaphore_mem>>) {add = true}
        %dma_start3A_777 = arith.constant 0 : i32
        %dma_start3A_778 = tpu.memref_slice %arg22[%dma_start3A_777] : memref<640xf32, #tpu.memory_space<vmem>> -> memref<80xf32, #tpu.memory_space<vmem>>
        %dma_start3A_779 = arith.constant 0 : i32
        %dma_start3A_780 = tpu.memref_slice %arg24[%dma_start3A_779] : memref<10240xf32, #tpu.memory_space<vmem_shared>> -> memref<10240xf32, #tpu.memory_space<vmem_shared>>
        tpu.enqueue_indirect_dma source(%dma_start3A_778 : memref<80xf32, #tpu.memory_space<vmem>>) target(%dma_start3A_780 : memref<10240xf32, #tpu.memory_space<vmem_shared>>) offsets(%arg6 : memref<80xi32, #tpu.memory_space<vmem>>) semaphore(%arg41 : memref<!tpu.dma_semaphore, #tpu.memory_space<semaphore_mem>>) {add = true}
      } else {
      }
      %mul3A_615 = arith.constant 12 : i32
      %mul3A_616 = arith.muli %scan3A_401, %mul3A_615 : i32
      %add3A_617 = arith.constant 7 : i32
      %add3A_618 = arith.addi %mul3A_616, %add3A_617 : i32
      %ge3A_619 = arith.constant 2 : i32
      %ge3A_620 = arith.cmpi sge, %add3A_618, %ge3A_619 : i32
      %lt3A_621 = arith.constant 127 : i32
      %lt3A_622 = arith.cmpi slt, %add3A_618, %lt3A_621 : i32
      %and3A_623 = arith.andi %ge3A_620, %lt3A_622 : i1
      %convert_element_type3A_624 = arith.extui %and3A_623 : i1 to i32
      %cond3A_625 = arith.constant 0 : i32
      %cond3A_626 = arith.cmpi ne, %convert_element_type3A_624, %cond3A_625 : i32
      scf.if %cond3A_626 {
        %dma_wait3A_771 = arith.constant 0 : i32
        %dma_wait3A_772 = arith.constant 0 : i32
        %dma_wait3A_773 = tpu.memref_slice %arg23[%dma_wait3A_771, %dma_wait3A_772] : memref<10240x128xf32, #tpu.memory_space<vmem_shared>> -> memref<10240x128xf32, #tpu.memory_space<vmem_shared>>
        tpu.wait_indirect_dma semaphore(%arg36 : memref<!tpu.dma_semaphore, #tpu.memory_space<semaphore_mem>>) src(%arg19 : memref<80x128xf32, #tpu.memory_space<vmem>>) dst(%dma_wait3A_773 : memref<10240x128xf32, #tpu.memory_space<vmem_shared>>)
        %dma_wait3A_774 = arith.constant 0 : i32
        %dma_wait3A_775 = tpu.memref_slice %arg22[%dma_wait3A_774] : memref<640xf32, #tpu.memory_space<vmem>> -> memref<80xf32, #tpu.memory_space<vmem>>
        %dma_wait3A_776 = arith.constant 0 : i32
        %dma_wait3A_777 = tpu.memref_slice %arg24[%dma_wait3A_776] : memref<10240xf32, #tpu.memory_space<vmem_shared>> -> memref<10240xf32, #tpu.memory_space<vmem_shared>>
        tpu.wait_indirect_dma semaphore(%arg40 : memref<!tpu.dma_semaphore, #tpu.memory_space<semaphore_mem>>) src(%dma_wait3A_775 : memref<80xf32, #tpu.memory_space<vmem>>) dst(%dma_wait3A_777 : memref<10240xf32, #tpu.memory_space<vmem_shared>>)
      } else {
      }
      %add3A_627 = arith.constant 3 : i32
      %add3A_628 = arith.addi %add3A_618, %add3A_627 : i32
      %lt3A_629 = arith.constant 125 : i32
      %lt3A_630 = arith.cmpi slt, %add3A_628, %lt3A_629 : i32
      %convert_element_type3A_631 = arith.extui %lt3A_630 : i1 to i32
      %cond3A_632 = arith.constant 0 : i32
      %cond3A_633 = arith.cmpi ne, %convert_element_type3A_631, %cond3A_632 : i32
      scf.if %cond3A_633 {
        %add3A_771 = arith.constant 3 : i32
        %add3A_772 = arith.addi %add3A_618, %add3A_771 : i32
        %mul3A_773 = arith.constant 80 : i32
        %mul3A_774 = arith.muli %add3A_772, %mul3A_773 : i32
        %add3A_775 = arith.addi %mul3A_2, %mul3A_774 : i32
        %dma_start3A_776 = tpu.memref_slice %arg3[%add3A_775] : memref<640000xi32, #tpu.memory_space<hbm>> -> memref<80xi32, #tpu.memory_space<hbm>>
        %dma_start3A_777 = tpu.memref_slice %arg3[%add3A_775] : memref<640000xi32, #tpu.memory_space<hbm>> -> memref<80xi32, #tpu.memory_space<hbm>>
        tpu.enqueue_dma source(%dma_start3A_777 : memref<80xi32, #tpu.memory_space<hbm>>) target(%arg10 : memref<80xi32, #tpu.memory_space<vmem>>) target_semaphore(%arg29 : memref<!tpu.dma_semaphore, #tpu.memory_space<semaphore_mem>>)
        %add3A_778 = arith.constant 320000 : i32
        %add3A_779 = arith.addi %add3A_778, %add3A_775 : i32
        %dma_start3A_780 = tpu.memref_slice %arg3[%add3A_779] : memref<640000xi32, #tpu.memory_space<hbm>> -> memref<80xi32, #tpu.memory_space<hbm>>
        %dma_start3A_781 = tpu.memref_slice %arg3[%add3A_779] : memref<640000xi32, #tpu.memory_space<hbm>> -> memref<80xi32, #tpu.memory_space<hbm>>
        tpu.enqueue_dma source(%dma_start3A_781 : memref<80xi32, #tpu.memory_space<hbm>>) target(%arg16 : memref<80xi32, #tpu.memory_space<vmem>>) target_semaphore(%arg29 : memref<!tpu.dma_semaphore, #tpu.memory_space<semaphore_mem>>)
      } else {
      }
      %add3A_634 = arith.constant 2 : i32
      %add3A_635 = arith.addi %add3A_618, %add3A_634 : i32
      %lt3A_636 = arith.constant 125 : i32
      %lt3A_637 = arith.cmpi slt, %add3A_635, %lt3A_636 : i32
      %convert_element_type3A_638 = arith.extui %lt3A_637 : i1 to i32
      %cond3A_639 = arith.constant 0 : i32
      %cond3A_640 = arith.cmpi ne, %convert_element_type3A_638, %cond3A_639 : i32
      scf.if %cond3A_640 {
        %add3A_771 = arith.constant 2 : i32
        %add3A_772 = arith.addi %add3A_618, %add3A_771 : i32
        %mul3A_773 = arith.constant 80 : i32
        %mul3A_774 = arith.muli %add3A_772, %mul3A_773 : i32
        %add3A_775 = arith.addi %mul3A_2, %mul3A_774 : i32
        %dma_wait3A_776 = tpu.memref_slice %arg3[%add3A_775] : memref<640000xi32, #tpu.memory_space<hbm>> -> memref<80xi32, #tpu.memory_space<hbm>>
        %dma_wait3A_777 = tpu.memref_slice %arg3[%add3A_775] : memref<640000xi32, #tpu.memory_space<hbm>> -> memref<80xi32, #tpu.memory_space<hbm>>
        tpu.wait_dma2 semaphore(%arg28 : memref<!tpu.dma_semaphore, #tpu.memory_space<semaphore_mem>>) src(%dma_wait3A_777 : memref<80xi32, #tpu.memory_space<hbm>>) dst(%arg9 : memref<80xi32, #tpu.memory_space<vmem>>)
        %add3A_778 = arith.constant 320000 : i32
        %add3A_779 = arith.addi %add3A_778, %add3A_775 : i32
        %dma_wait3A_780 = tpu.memref_slice %arg3[%add3A_779] : memref<640000xi32, #tpu.memory_space<hbm>> -> memref<80xi32, #tpu.memory_space<hbm>>
        %dma_wait3A_781 = tpu.memref_slice %arg3[%add3A_779] : memref<640000xi32, #tpu.memory_space<hbm>> -> memref<80xi32, #tpu.memory_space<hbm>>
        tpu.wait_dma2 semaphore(%arg28 : memref<!tpu.dma_semaphore, #tpu.memory_space<semaphore_mem>>) src(%dma_wait3A_781 : memref<80xi32, #tpu.memory_space<hbm>>) dst(%arg15 : memref<80xi32, #tpu.memory_space<vmem>>)
        %dma_start3A_782 = arith.constant 0 : i32
        %dma_start3A_783 = arith.constant 0 : i32
        %dma_start3A_784 = tpu.memref_slice %arg2[%dma_start3A_782, %dma_start3A_783] : memref<10000x128xf32, #tpu.memory_space<hbm>> -> memref<10000x128xf32, #tpu.memory_space<hbm>>
        tpu.enqueue_indirect_dma source(%dma_start3A_784 : memref<10000x128xf32, #tpu.memory_space<hbm>>) target(%arg19 : memref<80x128xf32, #tpu.memory_space<vmem>>) offsets(%arg15 : memref<80xi32, #tpu.memory_space<vmem>>) semaphore(%arg32 : memref<!tpu.dma_semaphore, #tpu.memory_space<semaphore_mem>>)
      } else {
      }
      %lt3A_641 = arith.constant 125 : i32
      %lt3A_642 = arith.cmpi slt, %add3A_618, %lt3A_641 : i32
      %convert_element_type3A_643 = arith.extui %lt3A_642 : i1 to i32
      %cond3A_644 = arith.constant 0 : i32
      %cond3A_645 = arith.cmpi ne, %convert_element_type3A_643, %cond3A_644 : i32
      scf.if %cond3A_645 {
        %dma_wait3A_771 = arith.constant 0 : i32
        %dma_wait3A_772 = arith.constant 0 : i32
        %dma_wait3A_773 = tpu.memref_slice %arg2[%dma_wait3A_771, %dma_wait3A_772] : memref<10000x128xf32, #tpu.memory_space<hbm>> -> memref<10000x128xf32, #tpu.memory_space<hbm>>
        tpu.wait_indirect_dma semaphore(%arg34 : memref<!tpu.dma_semaphore, #tpu.memory_space<semaphore_mem>>) src(%dma_wait3A_773 : memref<10000x128xf32, #tpu.memory_space<hbm>>) dst(%arg21 : memref<80x128xf32, #tpu.memory_space<vmem>>)
        %dma_start3A_774 = arith.constant 0 : i32
        %dma_start3A_775 = arith.constant 0 : i32
        %dma_start3A_776 = tpu.memref_slice %arg23[%dma_start3A_774, %dma_start3A_775] : memref<10240x128xf32, #tpu.memory_space<vmem_shared>> -> memref<10240x128xf32, #tpu.memory_space<vmem_shared>>
        tpu.enqueue_indirect_dma source(%arg21 : memref<80x128xf32, #tpu.memory_space<vmem>>) target(%dma_start3A_776 : memref<10240x128xf32, #tpu.memory_space<vmem_shared>>) offsets(%arg7 : memref<80xi32, #tpu.memory_space<vmem>>) semaphore(%arg38 : memref<!tpu.dma_semaphore, #tpu.memory_space<semaphore_mem>>) {add = true}
        %dma_start3A_777 = arith.constant 0 : i32
        %dma_start3A_778 = tpu.memref_slice %arg22[%dma_start3A_777] : memref<640xf32, #tpu.memory_space<vmem>> -> memref<80xf32, #tpu.memory_space<vmem>>
        %dma_start3A_779 = arith.constant 0 : i32
        %dma_start3A_780 = tpu.memref_slice %arg24[%dma_start3A_779] : memref<10240xf32, #tpu.memory_space<vmem_shared>> -> memref<10240xf32, #tpu.memory_space<vmem_shared>>
        tpu.enqueue_indirect_dma source(%dma_start3A_778 : memref<80xf32, #tpu.memory_space<vmem>>) target(%dma_start3A_780 : memref<10240xf32, #tpu.memory_space<vmem_shared>>) offsets(%arg7 : memref<80xi32, #tpu.memory_space<vmem>>) semaphore(%arg42 : memref<!tpu.dma_semaphore, #tpu.memory_space<semaphore_mem>>) {add = true}
      } else {
      }
      %mul3A_646 = arith.constant 12 : i32
      %mul3A_647 = arith.muli %scan3A_401, %mul3A_646 : i32
      %add3A_648 = arith.constant 8 : i32
      %add3A_649 = arith.addi %mul3A_647, %add3A_648 : i32
      %ge3A_650 = arith.constant 2 : i32
      %ge3A_651 = arith.cmpi sge, %add3A_649, %ge3A_650 : i32
      %lt3A_652 = arith.constant 127 : i32
      %lt3A_653 = arith.cmpi slt, %add3A_649, %lt3A_652 : i32
      %and3A_654 = arith.andi %ge3A_651, %lt3A_653 : i1
      %convert_element_type3A_655 = arith.extui %and3A_654 : i1 to i32
      %cond3A_656 = arith.constant 0 : i32
      %cond3A_657 = arith.cmpi ne, %convert_element_type3A_655, %cond3A_656 : i32
      scf.if %cond3A_657 {
        %dma_wait3A_771 = arith.constant 0 : i32
        %dma_wait3A_772 = arith.constant 0 : i32
        %dma_wait3A_773 = tpu.memref_slice %arg23[%dma_wait3A_771, %dma_wait3A_772] : memref<10240x128xf32, #tpu.memory_space<vmem_shared>> -> memref<10240x128xf32, #tpu.memory_space<vmem_shared>>
        tpu.wait_indirect_dma semaphore(%arg37 : memref<!tpu.dma_semaphore, #tpu.memory_space<semaphore_mem>>) src(%arg20 : memref<80x128xf32, #tpu.memory_space<vmem>>) dst(%dma_wait3A_773 : memref<10240x128xf32, #tpu.memory_space<vmem_shared>>)
        %dma_wait3A_774 = arith.constant 0 : i32
        %dma_wait3A_775 = tpu.memref_slice %arg22[%dma_wait3A_774] : memref<640xf32, #tpu.memory_space<vmem>> -> memref<80xf32, #tpu.memory_space<vmem>>
        %dma_wait3A_776 = arith.constant 0 : i32
        %dma_wait3A_777 = tpu.memref_slice %arg24[%dma_wait3A_776] : memref<10240xf32, #tpu.memory_space<vmem_shared>> -> memref<10240xf32, #tpu.memory_space<vmem_shared>>
        tpu.wait_indirect_dma semaphore(%arg41 : memref<!tpu.dma_semaphore, #tpu.memory_space<semaphore_mem>>) src(%dma_wait3A_775 : memref<80xf32, #tpu.memory_space<vmem>>) dst(%dma_wait3A_777 : memref<10240xf32, #tpu.memory_space<vmem_shared>>)
      } else {
      }
      %add3A_658 = arith.constant 3 : i32
      %add3A_659 = arith.addi %add3A_649, %add3A_658 : i32
      %lt3A_660 = arith.constant 125 : i32
      %lt3A_661 = arith.cmpi slt, %add3A_659, %lt3A_660 : i32
      %convert_element_type3A_662 = arith.extui %lt3A_661 : i1 to i32
      %cond3A_663 = arith.constant 0 : i32
      %cond3A_664 = arith.cmpi ne, %convert_element_type3A_662, %cond3A_663 : i32
      scf.if %cond3A_664 {
        %add3A_771 = arith.constant 3 : i32
        %add3A_772 = arith.addi %add3A_649, %add3A_771 : i32
        %mul3A_773 = arith.constant 80 : i32
        %mul3A_774 = arith.muli %add3A_772, %mul3A_773 : i32
        %add3A_775 = arith.addi %mul3A_2, %mul3A_774 : i32
        %dma_start3A_776 = tpu.memref_slice %arg3[%add3A_775] : memref<640000xi32, #tpu.memory_space<hbm>> -> memref<80xi32, #tpu.memory_space<hbm>>
        %dma_start3A_777 = tpu.memref_slice %arg3[%add3A_775] : memref<640000xi32, #tpu.memory_space<hbm>> -> memref<80xi32, #tpu.memory_space<hbm>>
        tpu.enqueue_dma source(%dma_start3A_777 : memref<80xi32, #tpu.memory_space<hbm>>) target(%arg11 : memref<80xi32, #tpu.memory_space<vmem>>) target_semaphore(%arg30 : memref<!tpu.dma_semaphore, #tpu.memory_space<semaphore_mem>>)
        %add3A_778 = arith.constant 320000 : i32
        %add3A_779 = arith.addi %add3A_778, %add3A_775 : i32
        %dma_start3A_780 = tpu.memref_slice %arg3[%add3A_779] : memref<640000xi32, #tpu.memory_space<hbm>> -> memref<80xi32, #tpu.memory_space<hbm>>
        %dma_start3A_781 = tpu.memref_slice %arg3[%add3A_779] : memref<640000xi32, #tpu.memory_space<hbm>> -> memref<80xi32, #tpu.memory_space<hbm>>
        tpu.enqueue_dma source(%dma_start3A_781 : memref<80xi32, #tpu.memory_space<hbm>>) target(%arg17 : memref<80xi32, #tpu.memory_space<vmem>>) target_semaphore(%arg30 : memref<!tpu.dma_semaphore, #tpu.memory_space<semaphore_mem>>)
      } else {
      }
      %add3A_665 = arith.constant 2 : i32
      %add3A_666 = arith.addi %add3A_649, %add3A_665 : i32
      %lt3A_667 = arith.constant 125 : i32
      %lt3A_668 = arith.cmpi slt, %add3A_666, %lt3A_667 : i32
      %convert_element_type3A_669 = arith.extui %lt3A_668 : i1 to i32
      %cond3A_670 = arith.constant 0 : i32
      %cond3A_671 = arith.cmpi ne, %convert_element_type3A_669, %cond3A_670 : i32
      scf.if %cond3A_671 {
        %add3A_771 = arith.constant 2 : i32
        %add3A_772 = arith.addi %add3A_649, %add3A_771 : i32
        %mul3A_773 = arith.constant 80 : i32
        %mul3A_774 = arith.muli %add3A_772, %mul3A_773 : i32
        %add3A_775 = arith.addi %mul3A_2, %mul3A_774 : i32
        %dma_wait3A_776 = tpu.memref_slice %arg3[%add3A_775] : memref<640000xi32, #tpu.memory_space<hbm>> -> memref<80xi32, #tpu.memory_space<hbm>>
        %dma_wait3A_777 = tpu.memref_slice %arg3[%add3A_775] : memref<640000xi32, #tpu.memory_space<hbm>> -> memref<80xi32, #tpu.memory_space<hbm>>
        tpu.wait_dma2 semaphore(%arg29 : memref<!tpu.dma_semaphore, #tpu.memory_space<semaphore_mem>>) src(%dma_wait3A_777 : memref<80xi32, #tpu.memory_space<hbm>>) dst(%arg10 : memref<80xi32, #tpu.memory_space<vmem>>)
        %add3A_778 = arith.constant 320000 : i32
        %add3A_779 = arith.addi %add3A_778, %add3A_775 : i32
        %dma_wait3A_780 = tpu.memref_slice %arg3[%add3A_779] : memref<640000xi32, #tpu.memory_space<hbm>> -> memref<80xi32, #tpu.memory_space<hbm>>
        %dma_wait3A_781 = tpu.memref_slice %arg3[%add3A_779] : memref<640000xi32, #tpu.memory_space<hbm>> -> memref<80xi32, #tpu.memory_space<hbm>>
        tpu.wait_dma2 semaphore(%arg29 : memref<!tpu.dma_semaphore, #tpu.memory_space<semaphore_mem>>) src(%dma_wait3A_781 : memref<80xi32, #tpu.memory_space<hbm>>) dst(%arg16 : memref<80xi32, #tpu.memory_space<vmem>>)
        %dma_start3A_782 = arith.constant 0 : i32
        %dma_start3A_783 = arith.constant 0 : i32
        %dma_start3A_784 = tpu.memref_slice %arg2[%dma_start3A_782, %dma_start3A_783] : memref<10000x128xf32, #tpu.memory_space<hbm>> -> memref<10000x128xf32, #tpu.memory_space<hbm>>
        tpu.enqueue_indirect_dma source(%dma_start3A_784 : memref<10000x128xf32, #tpu.memory_space<hbm>>) target(%arg20 : memref<80x128xf32, #tpu.memory_space<vmem>>) offsets(%arg16 : memref<80xi32, #tpu.memory_space<vmem>>) semaphore(%arg33 : memref<!tpu.dma_semaphore, #tpu.memory_space<semaphore_mem>>)
      } else {
      }
      %lt3A_672 = arith.constant 125 : i32
      %lt3A_673 = arith.cmpi slt, %add3A_649, %lt3A_672 : i32
      %convert_element_type3A_674 = arith.extui %lt3A_673 : i1 to i32
      %cond3A_675 = arith.constant 0 : i32
      %cond3A_676 = arith.cmpi ne, %convert_element_type3A_674, %cond3A_675 : i32
      scf.if %cond3A_676 {
        %dma_wait3A_771 = arith.constant 0 : i32
        %dma_wait3A_772 = arith.constant 0 : i32
        %dma_wait3A_773 = tpu.memref_slice %arg2[%dma_wait3A_771, %dma_wait3A_772] : memref<10000x128xf32, #tpu.memory_space<hbm>> -> memref<10000x128xf32, #tpu.memory_space<hbm>>
        tpu.wait_indirect_dma semaphore(%arg31 : memref<!tpu.dma_semaphore, #tpu.memory_space<semaphore_mem>>) src(%dma_wait3A_773 : memref<10000x128xf32, #tpu.memory_space<hbm>>) dst(%arg18 : memref<80x128xf32, #tpu.memory_space<vmem>>)
        %dma_start3A_774 = arith.constant 0 : i32
        %dma_start3A_775 = arith.constant 0 : i32
        %dma_start3A_776 = tpu.memref_slice %arg23[%dma_start3A_774, %dma_start3A_775] : memref<10240x128xf32, #tpu.memory_space<vmem_shared>> -> memref<10240x128xf32, #tpu.memory_space<vmem_shared>>
        tpu.enqueue_indirect_dma source(%arg18 : memref<80x128xf32, #tpu.memory_space<vmem>>) target(%dma_start3A_776 : memref<10240x128xf32, #tpu.memory_space<vmem_shared>>) offsets(%arg8 : memref<80xi32, #tpu.memory_space<vmem>>) semaphore(%arg35 : memref<!tpu.dma_semaphore, #tpu.memory_space<semaphore_mem>>) {add = true}
        %dma_start3A_777 = arith.constant 0 : i32
        %dma_start3A_778 = tpu.memref_slice %arg22[%dma_start3A_777] : memref<640xf32, #tpu.memory_space<vmem>> -> memref<80xf32, #tpu.memory_space<vmem>>
        %dma_start3A_779 = arith.constant 0 : i32
        %dma_start3A_780 = tpu.memref_slice %arg24[%dma_start3A_779] : memref<10240xf32, #tpu.memory_space<vmem_shared>> -> memref<10240xf32, #tpu.memory_space<vmem_shared>>
        tpu.enqueue_indirect_dma source(%dma_start3A_778 : memref<80xf32, #tpu.memory_space<vmem>>) target(%dma_start3A_780 : memref<10240xf32, #tpu.memory_space<vmem_shared>>) offsets(%arg8 : memref<80xi32, #tpu.memory_space<vmem>>) semaphore(%arg39 : memref<!tpu.dma_semaphore, #tpu.memory_space<semaphore_mem>>) {add = true}
      } else {
      }
      %mul3A_677 = arith.constant 12 : i32
      %mul3A_678 = arith.muli %scan3A_401, %mul3A_677 : i32
      %add3A_679 = arith.constant 9 : i32
      %add3A_680 = arith.addi %mul3A_678, %add3A_679 : i32
      %ge3A_681 = arith.constant 2 : i32
      %ge3A_682 = arith.cmpi sge, %add3A_680, %ge3A_681 : i32
      %lt3A_683 = arith.constant 127 : i32
      %lt3A_684 = arith.cmpi slt, %add3A_680, %lt3A_683 : i32
      %and3A_685 = arith.andi %ge3A_682, %lt3A_684 : i1
      %convert_element_type3A_686 = arith.extui %and3A_685 : i1 to i32
      %cond3A_687 = arith.constant 0 : i32
      %cond3A_688 = arith.cmpi ne, %convert_element_type3A_686, %cond3A_687 : i32
      scf.if %cond3A_688 {
        %dma_wait3A_771 = arith.constant 0 : i32
        %dma_wait3A_772 = arith.constant 0 : i32
        %dma_wait3A_773 = tpu.memref_slice %arg23[%dma_wait3A_771, %dma_wait3A_772] : memref<10240x128xf32, #tpu.memory_space<vmem_shared>> -> memref<10240x128xf32, #tpu.memory_space<vmem_shared>>
        tpu.wait_indirect_dma semaphore(%arg38 : memref<!tpu.dma_semaphore, #tpu.memory_space<semaphore_mem>>) src(%arg21 : memref<80x128xf32, #tpu.memory_space<vmem>>) dst(%dma_wait3A_773 : memref<10240x128xf32, #tpu.memory_space<vmem_shared>>)
        %dma_wait3A_774 = arith.constant 0 : i32
        %dma_wait3A_775 = tpu.memref_slice %arg22[%dma_wait3A_774] : memref<640xf32, #tpu.memory_space<vmem>> -> memref<80xf32, #tpu.memory_space<vmem>>
        %dma_wait3A_776 = arith.constant 0 : i32
        %dma_wait3A_777 = tpu.memref_slice %arg24[%dma_wait3A_776] : memref<10240xf32, #tpu.memory_space<vmem_shared>> -> memref<10240xf32, #tpu.memory_space<vmem_shared>>
        tpu.wait_indirect_dma semaphore(%arg42 : memref<!tpu.dma_semaphore, #tpu.memory_space<semaphore_mem>>) src(%dma_wait3A_775 : memref<80xf32, #tpu.memory_space<vmem>>) dst(%dma_wait3A_777 : memref<10240xf32, #tpu.memory_space<vmem_shared>>)
      } else {
      }
      %add3A_689 = arith.constant 3 : i32
      %add3A_690 = arith.addi %add3A_680, %add3A_689 : i32
      %lt3A_691 = arith.constant 125 : i32
      %lt3A_692 = arith.cmpi slt, %add3A_690, %lt3A_691 : i32
      %convert_element_type3A_693 = arith.extui %lt3A_692 : i1 to i32
      %cond3A_694 = arith.constant 0 : i32
      %cond3A_695 = arith.cmpi ne, %convert_element_type3A_693, %cond3A_694 : i32
      scf.if %cond3A_695 {
        %add3A_771 = arith.constant 3 : i32
        %add3A_772 = arith.addi %add3A_680, %add3A_771 : i32
        %mul3A_773 = arith.constant 80 : i32
        %mul3A_774 = arith.muli %add3A_772, %mul3A_773 : i32
        %add3A_775 = arith.addi %mul3A_2, %mul3A_774 : i32
        %dma_start3A_776 = tpu.memref_slice %arg3[%add3A_775] : memref<640000xi32, #tpu.memory_space<hbm>> -> memref<80xi32, #tpu.memory_space<hbm>>
        %dma_start3A_777 = tpu.memref_slice %arg3[%add3A_775] : memref<640000xi32, #tpu.memory_space<hbm>> -> memref<80xi32, #tpu.memory_space<hbm>>
        tpu.enqueue_dma source(%dma_start3A_777 : memref<80xi32, #tpu.memory_space<hbm>>) target(%arg6 : memref<80xi32, #tpu.memory_space<vmem>>) target_semaphore(%arg25 : memref<!tpu.dma_semaphore, #tpu.memory_space<semaphore_mem>>)
        %add3A_778 = arith.constant 320000 : i32
        %add3A_779 = arith.addi %add3A_778, %add3A_775 : i32
        %dma_start3A_780 = tpu.memref_slice %arg3[%add3A_779] : memref<640000xi32, #tpu.memory_space<hbm>> -> memref<80xi32, #tpu.memory_space<hbm>>
        %dma_start3A_781 = tpu.memref_slice %arg3[%add3A_779] : memref<640000xi32, #tpu.memory_space<hbm>> -> memref<80xi32, #tpu.memory_space<hbm>>
        tpu.enqueue_dma source(%dma_start3A_781 : memref<80xi32, #tpu.memory_space<hbm>>) target(%arg12 : memref<80xi32, #tpu.memory_space<vmem>>) target_semaphore(%arg25 : memref<!tpu.dma_semaphore, #tpu.memory_space<semaphore_mem>>)
      } else {
      }
      %add3A_696 = arith.constant 2 : i32
      %add3A_697 = arith.addi %add3A_680, %add3A_696 : i32
      %lt3A_698 = arith.constant 125 : i32
      %lt3A_699 = arith.cmpi slt, %add3A_697, %lt3A_698 : i32
      %convert_element_type3A_700 = arith.extui %lt3A_699 : i1 to i32
      %cond3A_701 = arith.constant 0 : i32
      %cond3A_702 = arith.cmpi ne, %convert_element_type3A_700, %cond3A_701 : i32
      scf.if %cond3A_702 {
        %add3A_771 = arith.constant 2 : i32
        %add3A_772 = arith.addi %add3A_680, %add3A_771 : i32
        %mul3A_773 = arith.constant 80 : i32
        %mul3A_774 = arith.muli %add3A_772, %mul3A_773 : i32
        %add3A_775 = arith.addi %mul3A_2, %mul3A_774 : i32
        %dma_wait3A_776 = tpu.memref_slice %arg3[%add3A_775] : memref<640000xi32, #tpu.memory_space<hbm>> -> memref<80xi32, #tpu.memory_space<hbm>>
        %dma_wait3A_777 = tpu.memref_slice %arg3[%add3A_775] : memref<640000xi32, #tpu.memory_space<hbm>> -> memref<80xi32, #tpu.memory_space<hbm>>
        tpu.wait_dma2 semaphore(%arg30 : memref<!tpu.dma_semaphore, #tpu.memory_space<semaphore_mem>>) src(%dma_wait3A_777 : memref<80xi32, #tpu.memory_space<hbm>>) dst(%arg11 : memref<80xi32, #tpu.memory_space<vmem>>)
        %add3A_778 = arith.constant 320000 : i32
        %add3A_779 = arith.addi %add3A_778, %add3A_775 : i32
        %dma_wait3A_780 = tpu.memref_slice %arg3[%add3A_779] : memref<640000xi32, #tpu.memory_space<hbm>> -> memref<80xi32, #tpu.memory_space<hbm>>
        %dma_wait3A_781 = tpu.memref_slice %arg3[%add3A_779] : memref<640000xi32, #tpu.memory_space<hbm>> -> memref<80xi32, #tpu.memory_space<hbm>>
        tpu.wait_dma2 semaphore(%arg30 : memref<!tpu.dma_semaphore, #tpu.memory_space<semaphore_mem>>) src(%dma_wait3A_781 : memref<80xi32, #tpu.memory_space<hbm>>) dst(%arg17 : memref<80xi32, #tpu.memory_space<vmem>>)
        %dma_start3A_782 = arith.constant 0 : i32
        %dma_start3A_783 = arith.constant 0 : i32
        %dma_start3A_784 = tpu.memref_slice %arg2[%dma_start3A_782, %dma_start3A_783] : memref<10000x128xf32, #tpu.memory_space<hbm>> -> memref<10000x128xf32, #tpu.memory_space<hbm>>
        tpu.enqueue_indirect_dma source(%dma_start3A_784 : memref<10000x128xf32, #tpu.memory_space<hbm>>) target(%arg21 : memref<80x128xf32, #tpu.memory_space<vmem>>) offsets(%arg17 : memref<80xi32, #tpu.memory_space<vmem>>) semaphore(%arg34 : memref<!tpu.dma_semaphore, #tpu.memory_space<semaphore_mem>>)
      } else {
      }
      %lt3A_703 = arith.constant 125 : i32
      %lt3A_704 = arith.cmpi slt, %add3A_680, %lt3A_703 : i32
      %convert_element_type3A_705 = arith.extui %lt3A_704 : i1 to i32
      %cond3A_706 = arith.constant 0 : i32
      %cond3A_707 = arith.cmpi ne, %convert_element_type3A_705, %cond3A_706 : i32
      scf.if %cond3A_707 {
        %dma_wait3A_771 = arith.constant 0 : i32
        %dma_wait3A_772 = arith.constant 0 : i32
        %dma_wait3A_773 = tpu.memref_slice %arg2[%dma_wait3A_771, %dma_wait3A_772] : memref<10000x128xf32, #tpu.memory_space<hbm>> -> memref<10000x128xf32, #tpu.memory_space<hbm>>
        tpu.wait_indirect_dma semaphore(%arg32 : memref<!tpu.dma_semaphore, #tpu.memory_space<semaphore_mem>>) src(%dma_wait3A_773 : memref<10000x128xf32, #tpu.memory_space<hbm>>) dst(%arg19 : memref<80x128xf32, #tpu.memory_space<vmem>>)
        %dma_start3A_774 = arith.constant 0 : i32
        %dma_start3A_775 = arith.constant 0 : i32
        %dma_start3A_776 = tpu.memref_slice %arg23[%dma_start3A_774, %dma_start3A_775] : memref<10240x128xf32, #tpu.memory_space<vmem_shared>> -> memref<10240x128xf32, #tpu.memory_space<vmem_shared>>
        tpu.enqueue_indirect_dma source(%arg19 : memref<80x128xf32, #tpu.memory_space<vmem>>) target(%dma_start3A_776 : memref<10240x128xf32, #tpu.memory_space<vmem_shared>>) offsets(%arg9 : memref<80xi32, #tpu.memory_space<vmem>>) semaphore(%arg36 : memref<!tpu.dma_semaphore, #tpu.memory_space<semaphore_mem>>) {add = true}
        %dma_start3A_777 = arith.constant 0 : i32
        %dma_start3A_778 = tpu.memref_slice %arg22[%dma_start3A_777] : memref<640xf32, #tpu.memory_space<vmem>> -> memref<80xf32, #tpu.memory_space<vmem>>
        %dma_start3A_779 = arith.constant 0 : i32
        %dma_start3A_780 = tpu.memref_slice %arg24[%dma_start3A_779] : memref<10240xf32, #tpu.memory_space<vmem_shared>> -> memref<10240xf32, #tpu.memory_space<vmem_shared>>
        tpu.enqueue_indirect_dma source(%dma_start3A_778 : memref<80xf32, #tpu.memory_space<vmem>>) target(%dma_start3A_780 : memref<10240xf32, #tpu.memory_space<vmem_shared>>) offsets(%arg9 : memref<80xi32, #tpu.memory_space<vmem>>) semaphore(%arg40 : memref<!tpu.dma_semaphore, #tpu.memory_space<semaphore_mem>>) {add = true}
      } else {
      }
      %mul3A_708 = arith.constant 12 : i32
      %mul3A_709 = arith.muli %scan3A_401, %mul3A_708 : i32
      %add3A_710 = arith.constant 10 : i32
      %add3A_711 = arith.addi %mul3A_709, %add3A_710 : i32
      %ge3A_712 = arith.constant 2 : i32
      %ge3A_713 = arith.cmpi sge, %add3A_711, %ge3A_712 : i32
      %lt3A_714 = arith.constant 127 : i32
      %lt3A_715 = arith.cmpi slt, %add3A_711, %lt3A_714 : i32
      %and3A_716 = arith.andi %ge3A_713, %lt3A_715 : i1
      %convert_element_type3A_717 = arith.extui %and3A_716 : i1 to i32
      %cond3A_718 = arith.constant 0 : i32
      %cond3A_719 = arith.cmpi ne, %convert_element_type3A_717, %cond3A_718 : i32
      scf.if %cond3A_719 {
        %dma_wait3A_771 = arith.constant 0 : i32
        %dma_wait3A_772 = arith.constant 0 : i32
        %dma_wait3A_773 = tpu.memref_slice %arg23[%dma_wait3A_771, %dma_wait3A_772] : memref<10240x128xf32, #tpu.memory_space<vmem_shared>> -> memref<10240x128xf32, #tpu.memory_space<vmem_shared>>
        tpu.wait_indirect_dma semaphore(%arg35 : memref<!tpu.dma_semaphore, #tpu.memory_space<semaphore_mem>>) src(%arg18 : memref<80x128xf32, #tpu.memory_space<vmem>>) dst(%dma_wait3A_773 : memref<10240x128xf32, #tpu.memory_space<vmem_shared>>)
        %dma_wait3A_774 = arith.constant 0 : i32
        %dma_wait3A_775 = tpu.memref_slice %arg22[%dma_wait3A_774] : memref<640xf32, #tpu.memory_space<vmem>> -> memref<80xf32, #tpu.memory_space<vmem>>
        %dma_wait3A_776 = arith.constant 0 : i32
        %dma_wait3A_777 = tpu.memref_slice %arg24[%dma_wait3A_776] : memref<10240xf32, #tpu.memory_space<vmem_shared>> -> memref<10240xf32, #tpu.memory_space<vmem_shared>>
        tpu.wait_indirect_dma semaphore(%arg39 : memref<!tpu.dma_semaphore, #tpu.memory_space<semaphore_mem>>) src(%dma_wait3A_775 : memref<80xf32, #tpu.memory_space<vmem>>) dst(%dma_wait3A_777 : memref<10240xf32, #tpu.memory_space<vmem_shared>>)
      } else {
      }
      %add3A_720 = arith.constant 3 : i32
      %add3A_721 = arith.addi %add3A_711, %add3A_720 : i32
      %lt3A_722 = arith.constant 125 : i32
      %lt3A_723 = arith.cmpi slt, %add3A_721, %lt3A_722 : i32
      %convert_element_type3A_724 = arith.extui %lt3A_723 : i1 to i32
      %cond3A_725 = arith.constant 0 : i32
      %cond3A_726 = arith.cmpi ne, %convert_element_type3A_724, %cond3A_725 : i32
      scf.if %cond3A_726 {
        %add3A_771 = arith.constant 3 : i32
        %add3A_772 = arith.addi %add3A_711, %add3A_771 : i32
        %mul3A_773 = arith.constant 80 : i32
        %mul3A_774 = arith.muli %add3A_772, %mul3A_773 : i32
        %add3A_775 = arith.addi %mul3A_2, %mul3A_774 : i32
        %dma_start3A_776 = tpu.memref_slice %arg3[%add3A_775] : memref<640000xi32, #tpu.memory_space<hbm>> -> memref<80xi32, #tpu.memory_space<hbm>>
        %dma_start3A_777 = tpu.memref_slice %arg3[%add3A_775] : memref<640000xi32, #tpu.memory_space<hbm>> -> memref<80xi32, #tpu.memory_space<hbm>>
        tpu.enqueue_dma source(%dma_start3A_777 : memref<80xi32, #tpu.memory_space<hbm>>) target(%arg7 : memref<80xi32, #tpu.memory_space<vmem>>) target_semaphore(%arg26 : memref<!tpu.dma_semaphore, #tpu.memory_space<semaphore_mem>>)
        %add3A_778 = arith.constant 320000 : i32
        %add3A_779 = arith.addi %add3A_778, %add3A_775 : i32
        %dma_start3A_780 = tpu.memref_slice %arg3[%add3A_779] : memref<640000xi32, #tpu.memory_space<hbm>> -> memref<80xi32, #tpu.memory_space<hbm>>
        %dma_start3A_781 = tpu.memref_slice %arg3[%add3A_779] : memref<640000xi32, #tpu.memory_space<hbm>> -> memref<80xi32, #tpu.memory_space<hbm>>
        tpu.enqueue_dma source(%dma_start3A_781 : memref<80xi32, #tpu.memory_space<hbm>>) target(%arg13 : memref<80xi32, #tpu.memory_space<vmem>>) target_semaphore(%arg26 : memref<!tpu.dma_semaphore, #tpu.memory_space<semaphore_mem>>)
      } else {
      }
      %add3A_727 = arith.constant 2 : i32
      %add3A_728 = arith.addi %add3A_711, %add3A_727 : i32
      %lt3A_729 = arith.constant 125 : i32
      %lt3A_730 = arith.cmpi slt, %add3A_728, %lt3A_729 : i32
      %convert_element_type3A_731 = arith.extui %lt3A_730 : i1 to i32
      %cond3A_732 = arith.constant 0 : i32
      %cond3A_733 = arith.cmpi ne, %convert_element_type3A_731, %cond3A_732 : i32
      scf.if %cond3A_733 {
        %add3A_771 = arith.constant 2 : i32
        %add3A_772 = arith.addi %add3A_711, %add3A_771 : i32
        %mul3A_773 = arith.constant 80 : i32
        %mul3A_774 = arith.muli %add3A_772, %mul3A_773 : i32
        %add3A_775 = arith.addi %mul3A_2, %mul3A_774 : i32
        %dma_wait3A_776 = tpu.memref_slice %arg3[%add3A_775] : memref<640000xi32, #tpu.memory_space<hbm>> -> memref<80xi32, #tpu.memory_space<hbm>>
        %dma_wait3A_777 = tpu.memref_slice %arg3[%add3A_775] : memref<640000xi32, #tpu.memory_space<hbm>> -> memref<80xi32, #tpu.memory_space<hbm>>
        tpu.wait_dma2 semaphore(%arg25 : memref<!tpu.dma_semaphore, #tpu.memory_space<semaphore_mem>>) src(%dma_wait3A_777 : memref<80xi32, #tpu.memory_space<hbm>>) dst(%arg6 : memref<80xi32, #tpu.memory_space<vmem>>)
        %add3A_778 = arith.constant 320000 : i32
        %add3A_779 = arith.addi %add3A_778, %add3A_775 : i32
        %dma_wait3A_780 = tpu.memref_slice %arg3[%add3A_779] : memref<640000xi32, #tpu.memory_space<hbm>> -> memref<80xi32, #tpu.memory_space<hbm>>
        %dma_wait3A_781 = tpu.memref_slice %arg3[%add3A_779] : memref<640000xi32, #tpu.memory_space<hbm>> -> memref<80xi32, #tpu.memory_space<hbm>>
        tpu.wait_dma2 semaphore(%arg25 : memref<!tpu.dma_semaphore, #tpu.memory_space<semaphore_mem>>) src(%dma_wait3A_781 : memref<80xi32, #tpu.memory_space<hbm>>) dst(%arg12 : memref<80xi32, #tpu.memory_space<vmem>>)
        %dma_start3A_782 = arith.constant 0 : i32
        %dma_start3A_783 = arith.constant 0 : i32
        %dma_start3A_784 = tpu.memref_slice %arg2[%dma_start3A_782, %dma_start3A_783] : memref<10000x128xf32, #tpu.memory_space<hbm>> -> memref<10000x128xf32, #tpu.memory_space<hbm>>
        tpu.enqueue_indirect_dma source(%dma_start3A_784 : memref<10000x128xf32, #tpu.memory_space<hbm>>) target(%arg18 : memref<80x128xf32, #tpu.memory_space<vmem>>) offsets(%arg12 : memref<80xi32, #tpu.memory_space<vmem>>) semaphore(%arg31 : memref<!tpu.dma_semaphore, #tpu.memory_space<semaphore_mem>>)
      } else {
      }
      %lt3A_734 = arith.constant 125 : i32
      %lt3A_735 = arith.cmpi slt, %add3A_711, %lt3A_734 : i32
      %convert_element_type3A_736 = arith.extui %lt3A_735 : i1 to i32
      %cond3A_737 = arith.constant 0 : i32
      %cond3A_738 = arith.cmpi ne, %convert_element_type3A_736, %cond3A_737 : i32
      scf.if %cond3A_738 {
        %dma_wait3A_771 = arith.constant 0 : i32
        %dma_wait3A_772 = arith.constant 0 : i32
        %dma_wait3A_773 = tpu.memref_slice %arg2[%dma_wait3A_771, %dma_wait3A_772] : memref<10000x128xf32, #tpu.memory_space<hbm>> -> memref<10000x128xf32, #tpu.memory_space<hbm>>
        tpu.wait_indirect_dma semaphore(%arg33 : memref<!tpu.dma_semaphore, #tpu.memory_space<semaphore_mem>>) src(%dma_wait3A_773 : memref<10000x128xf32, #tpu.memory_space<hbm>>) dst(%arg20 : memref<80x128xf32, #tpu.memory_space<vmem>>)
        %dma_start3A_774 = arith.constant 0 : i32
        %dma_start3A_775 = arith.constant 0 : i32
        %dma_start3A_776 = tpu.memref_slice %arg23[%dma_start3A_774, %dma_start3A_775] : memref<10240x128xf32, #tpu.memory_space<vmem_shared>> -> memref<10240x128xf32, #tpu.memory_space<vmem_shared>>
        tpu.enqueue_indirect_dma source(%arg20 : memref<80x128xf32, #tpu.memory_space<vmem>>) target(%dma_start3A_776 : memref<10240x128xf32, #tpu.memory_space<vmem_shared>>) offsets(%arg10 : memref<80xi32, #tpu.memory_space<vmem>>) semaphore(%arg37 : memref<!tpu.dma_semaphore, #tpu.memory_space<semaphore_mem>>) {add = true}
        %dma_start3A_777 = arith.constant 0 : i32
        %dma_start3A_778 = tpu.memref_slice %arg22[%dma_start3A_777] : memref<640xf32, #tpu.memory_space<vmem>> -> memref<80xf32, #tpu.memory_space<vmem>>
        %dma_start3A_779 = arith.constant 0 : i32
        %dma_start3A_780 = tpu.memref_slice %arg24[%dma_start3A_779] : memref<10240xf32, #tpu.memory_space<vmem_shared>> -> memref<10240xf32, #tpu.memory_space<vmem_shared>>
        tpu.enqueue_indirect_dma source(%dma_start3A_778 : memref<80xf32, #tpu.memory_space<vmem>>) target(%dma_start3A_780 : memref<10240xf32, #tpu.memory_space<vmem_shared>>) offsets(%arg10 : memref<80xi32, #tpu.memory_space<vmem>>) semaphore(%arg41 : memref<!tpu.dma_semaphore, #tpu.memory_space<semaphore_mem>>) {add = true}
      } else {
      }
      %mul3A_739 = arith.constant 12 : i32
      %mul3A_740 = arith.muli %scan3A_401, %mul3A_739 : i32
      %add3A_741 = arith.constant 11 : i32
      %add3A_742 = arith.addi %mul3A_740, %add3A_741 : i32
      %ge3A_743 = arith.constant 2 : i32
      %ge3A_744 = arith.cmpi sge, %add3A_742, %ge3A_743 : i32
      %lt3A_745 = arith.constant 127 : i32
      %lt3A_746 = arith.cmpi slt, %add3A_742, %lt3A_745 : i32
      %and3A_747 = arith.andi %ge3A_744, %lt3A_746 : i1
      %convert_element_type3A_748 = arith.extui %and3A_747 : i1 to i32
      %cond3A_749 = arith.constant 0 : i32
      %cond3A_750 = arith.cmpi ne, %convert_element_type3A_748, %cond3A_749 : i32
      scf.if %cond3A_750 {
        %dma_wait3A_771 = arith.constant 0 : i32
        %dma_wait3A_772 = arith.constant 0 : i32
        %dma_wait3A_773 = tpu.memref_slice %arg23[%dma_wait3A_771, %dma_wait3A_772] : memref<10240x128xf32, #tpu.memory_space<vmem_shared>> -> memref<10240x128xf32, #tpu.memory_space<vmem_shared>>
        tpu.wait_indirect_dma semaphore(%arg36 : memref<!tpu.dma_semaphore, #tpu.memory_space<semaphore_mem>>) src(%arg19 : memref<80x128xf32, #tpu.memory_space<vmem>>) dst(%dma_wait3A_773 : memref<10240x128xf32, #tpu.memory_space<vmem_shared>>)
        %dma_wait3A_774 = arith.constant 0 : i32
        %dma_wait3A_775 = tpu.memref_slice %arg22[%dma_wait3A_774] : memref<640xf32, #tpu.memory_space<vmem>> -> memref<80xf32, #tpu.memory_space<vmem>>
        %dma_wait3A_776 = arith.constant 0 : i32
        %dma_wait3A_777 = tpu.memref_slice %arg24[%dma_wait3A_776] : memref<10240xf32, #tpu.memory_space<vmem_shared>> -> memref<10240xf32, #tpu.memory_space<vmem_shared>>
        tpu.wait_indirect_dma semaphore(%arg40 : memref<!tpu.dma_semaphore, #tpu.memory_space<semaphore_mem>>) src(%dma_wait3A_775 : memref<80xf32, #tpu.memory_space<vmem>>) dst(%dma_wait3A_777 : memref<10240xf32, #tpu.memory_space<vmem_shared>>)
      } else {
      }
      %add3A_751 = arith.constant 3 : i32
      %add3A_752 = arith.addi %add3A_742, %add3A_751 : i32
      %lt3A_753 = arith.constant 125 : i32
      %lt3A_754 = arith.cmpi slt, %add3A_752, %lt3A_753 : i32
      %convert_element_type3A_755 = arith.extui %lt3A_754 : i1 to i32
      %cond3A_756 = arith.constant 0 : i32
      %cond3A_757 = arith.cmpi ne, %convert_element_type3A_755, %cond3A_756 : i32
      scf.if %cond3A_757 {
        %add3A_771 = arith.constant 3 : i32
        %add3A_772 = arith.addi %add3A_742, %add3A_771 : i32
        %mul3A_773 = arith.constant 80 : i32
        %mul3A_774 = arith.muli %add3A_772, %mul3A_773 : i32
        %add3A_775 = arith.addi %mul3A_2, %mul3A_774 : i32
        %dma_start3A_776 = tpu.memref_slice %arg3[%add3A_775] : memref<640000xi32, #tpu.memory_space<hbm>> -> memref<80xi32, #tpu.memory_space<hbm>>
        %dma_start3A_777 = tpu.memref_slice %arg3[%add3A_775] : memref<640000xi32, #tpu.memory_space<hbm>> -> memref<80xi32, #tpu.memory_space<hbm>>
        tpu.enqueue_dma source(%dma_start3A_777 : memref<80xi32, #tpu.memory_space<hbm>>) target(%arg8 : memref<80xi32, #tpu.memory_space<vmem>>) target_semaphore(%arg27 : memref<!tpu.dma_semaphore, #tpu.memory_space<semaphore_mem>>)
        %add3A_778 = arith.constant 320000 : i32
        %add3A_779 = arith.addi %add3A_778, %add3A_775 : i32
        %dma_start3A_780 = tpu.memref_slice %arg3[%add3A_779] : memref<640000xi32, #tpu.memory_space<hbm>> -> memref<80xi32, #tpu.memory_space<hbm>>
        %dma_start3A_781 = tpu.memref_slice %arg3[%add3A_779] : memref<640000xi32, #tpu.memory_space<hbm>> -> memref<80xi32, #tpu.memory_space<hbm>>
        tpu.enqueue_dma source(%dma_start3A_781 : memref<80xi32, #tpu.memory_space<hbm>>) target(%arg14 : memref<80xi32, #tpu.memory_space<vmem>>) target_semaphore(%arg27 : memref<!tpu.dma_semaphore, #tpu.memory_space<semaphore_mem>>)
      } else {
      }
      %add3A_758 = arith.constant 2 : i32
      %add3A_759 = arith.addi %add3A_742, %add3A_758 : i32
      %lt3A_760 = arith.constant 125 : i32
      %lt3A_761 = arith.cmpi slt, %add3A_759, %lt3A_760 : i32
      %convert_element_type3A_762 = arith.extui %lt3A_761 : i1 to i32
      %cond3A_763 = arith.constant 0 : i32
      %cond3A_764 = arith.cmpi ne, %convert_element_type3A_762, %cond3A_763 : i32
      scf.if %cond3A_764 {
        %add3A_771 = arith.constant 2 : i32
        %add3A_772 = arith.addi %add3A_742, %add3A_771 : i32
        %mul3A_773 = arith.constant 80 : i32
        %mul3A_774 = arith.muli %add3A_772, %mul3A_773 : i32
        %add3A_775 = arith.addi %mul3A_2, %mul3A_774 : i32
        %dma_wait3A_776 = tpu.memref_slice %arg3[%add3A_775] : memref<640000xi32, #tpu.memory_space<hbm>> -> memref<80xi32, #tpu.memory_space<hbm>>
        %dma_wait3A_777 = tpu.memref_slice %arg3[%add3A_775] : memref<640000xi32, #tpu.memory_space<hbm>> -> memref<80xi32, #tpu.memory_space<hbm>>
        tpu.wait_dma2 semaphore(%arg26 : memref<!tpu.dma_semaphore, #tpu.memory_space<semaphore_mem>>) src(%dma_wait3A_777 : memref<80xi32, #tpu.memory_space<hbm>>) dst(%arg7 : memref<80xi32, #tpu.memory_space<vmem>>)
        %add3A_778 = arith.constant 320000 : i32
        %add3A_779 = arith.addi %add3A_778, %add3A_775 : i32
        %dma_wait3A_780 = tpu.memref_slice %arg3[%add3A_779] : memref<640000xi32, #tpu.memory_space<hbm>> -> memref<80xi32, #tpu.memory_space<hbm>>
        %dma_wait3A_781 = tpu.memref_slice %arg3[%add3A_779] : memref<640000xi32, #tpu.memory_space<hbm>> -> memref<80xi32, #tpu.memory_space<hbm>>
        tpu.wait_dma2 semaphore(%arg26 : memref<!tpu.dma_semaphore, #tpu.memory_space<semaphore_mem>>) src(%dma_wait3A_781 : memref<80xi32, #tpu.memory_space<hbm>>) dst(%arg13 : memref<80xi32, #tpu.memory_space<vmem>>)
        %dma_start3A_782 = arith.constant 0 : i32
        %dma_start3A_783 = arith.constant 0 : i32
        %dma_start3A_784 = tpu.memref_slice %arg2[%dma_start3A_782, %dma_start3A_783] : memref<10000x128xf32, #tpu.memory_space<hbm>> -> memref<10000x128xf32, #tpu.memory_space<hbm>>
        tpu.enqueue_indirect_dma source(%dma_start3A_784 : memref<10000x128xf32, #tpu.memory_space<hbm>>) target(%arg19 : memref<80x128xf32, #tpu.memory_space<vmem>>) offsets(%arg13 : memref<80xi32, #tpu.memory_space<vmem>>) semaphore(%arg32 : memref<!tpu.dma_semaphore, #tpu.memory_space<semaphore_mem>>)
      } else {
      }
      %lt3A_765 = arith.constant 125 : i32
      %lt3A_766 = arith.cmpi slt, %add3A_742, %lt3A_765 : i32
      %convert_element_type3A_767 = arith.extui %lt3A_766 : i1 to i32
      %cond3A_768 = arith.constant 0 : i32
      %cond3A_769 = arith.cmpi ne, %convert_element_type3A_767, %cond3A_768 : i32
      scf.if %cond3A_769 {
        %dma_wait3A_771 = arith.constant 0 : i32
        %dma_wait3A_772 = arith.constant 0 : i32
        %dma_wait3A_773 = tpu.memref_slice %arg2[%dma_wait3A_771, %dma_wait3A_772] : memref<10000x128xf32, #tpu.memory_space<hbm>> -> memref<10000x128xf32, #tpu.memory_space<hbm>>
        tpu.wait_indirect_dma semaphore(%arg34 : memref<!tpu.dma_semaphore, #tpu.memory_space<semaphore_mem>>) src(%dma_wait3A_773 : memref<10000x128xf32, #tpu.memory_space<hbm>>) dst(%arg21 : memref<80x128xf32, #tpu.memory_space<vmem>>)
        %dma_start3A_774 = arith.constant 0 : i32
        %dma_start3A_775 = arith.constant 0 : i32
        %dma_start3A_776 = tpu.memref_slice %arg23[%dma_start3A_774, %dma_start3A_775] : memref<10240x128xf32, #tpu.memory_space<vmem_shared>> -> memref<10240x128xf32, #tpu.memory_space<vmem_shared>>
        tpu.enqueue_indirect_dma source(%arg21 : memref<80x128xf32, #tpu.memory_space<vmem>>) target(%dma_start3A_776 : memref<10240x128xf32, #tpu.memory_space<vmem_shared>>) offsets(%arg11 : memref<80xi32, #tpu.memory_space<vmem>>) semaphore(%arg38 : memref<!tpu.dma_semaphore, #tpu.memory_space<semaphore_mem>>) {add = true}
        %dma_start3A_777 = arith.constant 0 : i32
        %dma_start3A_778 = tpu.memref_slice %arg22[%dma_start3A_777] : memref<640xf32, #tpu.memory_space<vmem>> -> memref<80xf32, #tpu.memory_space<vmem>>
        %dma_start3A_779 = arith.constant 0 : i32
        %dma_start3A_780 = tpu.memref_slice %arg24[%dma_start3A_779] : memref<10240xf32, #tpu.memory_space<vmem_shared>> -> memref<10240xf32, #tpu.memory_space<vmem_shared>>
        tpu.enqueue_indirect_dma source(%dma_start3A_778 : memref<80xf32, #tpu.memory_space<vmem>>) target(%dma_start3A_780 : memref<10240xf32, #tpu.memory_space<vmem_shared>>) offsets(%arg11 : memref<80xi32, #tpu.memory_space<vmem>>) semaphore(%arg42 : memref<!tpu.dma_semaphore, #tpu.memory_space<semaphore_mem>>) {add = true}
      } else {
      }
      %scan3A_770 = arith.constant 0 : i32
      scf.yield %scan3A_770 : i32
    }
    %scan3A_399 = arith.constant 11 : i32
    %barrier3A_400 = arith.constant 0 : index
    tpu.barrier barrier_id(%barrier3A_400)
    "tpu.region"() ({
      %run_scoped3A = tpu.sem_alloc : memref<!tpu.dma_semaphore, #tpu.memory_space<semaphore_mem>>
      %dma_start3A_401 = arith.constant 0 : i32
      %dma_start3A_402 = tpu.memref_slice %arg4[%arg0, %mul3A_13, %dma_start3A_401] : memref<2x10240x128xf32, #tpu.memory_space<hbm>> -> memref<1x640x128xf32, #tpu.memory_space<hbm>>
      %dma_start3A_403 = tpu.memref_squeeze %dma_start3A_402 : memref<1x640x128xf32, #tpu.memory_space<hbm>> -> memref<640x128xf32, #tpu.memory_space<hbm>>
      %dma_start3A_404 = arith.constant 0 : i32
      %dma_start3A_405 = tpu.memref_slice %arg23[%mul3A_13, %dma_start3A_404] : memref<10240x128xf32, #tpu.memory_space<vmem_shared>> -> memref<640x128xf32, #tpu.memory_space<vmem_shared>>
      tpu.enqueue_dma source(%dma_start3A_405 : memref<640x128xf32, #tpu.memory_space<vmem_shared>>) target(%dma_start3A_403 : memref<640x128xf32, #tpu.memory_space<hbm>>) target_semaphore(%run_scoped3A : memref<!tpu.dma_semaphore, #tpu.memory_space<semaphore_mem>>)
      %dma_wait3A_406 = arith.constant 0 : i32
      %dma_wait3A_407 = tpu.memref_slice %arg4[%arg0, %mul3A_13, %dma_wait3A_406] : memref<2x10240x128xf32, #tpu.memory_space<hbm>> -> memref<1x640x128xf32, #tpu.memory_space<hbm>>
      %dma_wait3A_408 = tpu.memref_squeeze %dma_wait3A_407 : memref<1x640x128xf32, #tpu.memory_space<hbm>> -> memref<640x128xf32, #tpu.memory_space<hbm>>
      %dma_wait3A_409 = arith.constant 0 : i32
      %dma_wait3A_410 = tpu.memref_slice %arg23[%mul3A_13, %dma_wait3A_409] : memref<10240x128xf32, #tpu.memory_space<vmem_shared>> -> memref<640x128xf32, #tpu.memory_space<vmem_shared>>
      tpu.wait_dma2 semaphore(%run_scoped3A : memref<!tpu.dma_semaphore, #tpu.memory_space<semaphore_mem>>) src(%dma_wait3A_410 : memref<640x128xf32, #tpu.memory_space<vmem_shared>>) dst(%dma_wait3A_408 : memref<640x128xf32, #tpu.memory_space<hbm>>)
      tpu.yield
    }) : () -> ()
    "tpu.region"() ({
      %run_scoped3A = tpu.sem_alloc : memref<!tpu.dma_semaphore, #tpu.memory_space<semaphore_mem>>
      %dma_start3A_401 = tpu.memref_slice %arg5[%arg0, %mul3A_13] : memref<2x10240xf32, #tpu.memory_space<hbm>> -> memref<1x640xf32, #tpu.memory_space<hbm>>
      %dma_start3A_402 = tpu.memref_squeeze %dma_start3A_401 : memref<1x640xf32, #tpu.memory_space<hbm>> -> memref<640xf32, #tpu.memory_space<hbm>>
      %dma_start3A_403 = tpu.memref_slice %arg24[%mul3A_13] : memref<10240xf32, #tpu.memory_space<vmem_shared>> -> memref<640xf32, #tpu.memory_space<vmem_shared>>
      tpu.enqueue_dma source(%dma_start3A_403 : memref<640xf32, #tpu.memory_space<vmem_shared>>) target(%dma_start3A_402 : memref<640xf32, #tpu.memory_space<hbm>>) target_semaphore(%run_scoped3A : memref<!tpu.dma_semaphore, #tpu.memory_space<semaphore_mem>>)
      %dma_wait3A_404 = tpu.memref_slice %arg5[%arg0, %mul3A_13] : memref<2x10240xf32, #tpu.memory_space<hbm>> -> memref<1x640xf32, #tpu.memory_space<hbm>>
      %dma_wait3A_405 = tpu.memref_squeeze %dma_wait3A_404 : memref<1x640xf32, #tpu.memory_space<hbm>> -> memref<640xf32, #tpu.memory_space<hbm>>
      %dma_wait3A_406 = tpu.memref_slice %arg24[%mul3A_13] : memref<10240xf32, #tpu.memory_space<vmem_shared>> -> memref<640xf32, #tpu.memory_space<vmem_shared>>
      tpu.wait_dma2 semaphore(%run_scoped3A : memref<!tpu.dma_semaphore, #tpu.memory_space<semaphore_mem>>) src(%dma_wait3A_406 : memref<640xf32, #tpu.memory_space<vmem_shared>>) dst(%dma_wait3A_405 : memref<640xf32, #tpu.memory_space<hbm>>)
      tpu.yield
    }) : () -> ()
    return
  }
}

#map = affine_map<(d0, d1) -> (0, 0)>
#map1 = affine_map<(d0, d1) -> (0)>
#map2 = affine_map<(d0, d1) -> (0, 0, 0)>
module attributes {stable_mosaic.version = 14 : i64} {
  func.func @_sc_agg_body(%arg0: i32, %arg1: i32, %arg2: memref<10000x128xf32, #tpu.memory_space<hbm>>, %arg3: memref<640000xi32, #tpu.memory_space<hbm>>, %arg4: memref<2x10240x128xf32, #tpu.memory_space<hbm>>, %arg5: memref<80xi32, #tpu.memory_space<vmem>>, %arg6: memref<80xi32, #tpu.memory_space<vmem>>, %arg7: memref<80xi32, #tpu.memory_space<vmem>>, %arg8: memref<80xi32, #tpu.memory_space<vmem>>, %arg9: memref<80xi32, #tpu.memory_space<vmem>>, %arg10: memref<80xi32, #tpu.memory_space<vmem>>, %arg11: memref<80xi32, #tpu.memory_space<vmem>>, %arg12: memref<80xi32, #tpu.memory_space<vmem>>, %arg13: memref<80xi32, #tpu.memory_space<vmem>>, %arg14: memref<80xi32, #tpu.memory_space<vmem>>, %arg15: memref<80xi32, #tpu.memory_space<vmem>>, %arg16: memref<80xi32, #tpu.memory_space<vmem>>, %arg17: memref<80x128xf32, #tpu.memory_space<vmem>>, %arg18: memref<80x128xf32, #tpu.memory_space<vmem>>, %arg19: memref<80x128xf32, #tpu.memory_space<vmem>>, %arg20: memref<80x128xf32, #tpu.memory_space<vmem>>, %arg21: memref<10240x128xf32, #tpu.memory_space<vmem_shared>>, %arg22: memref<!tpu.dma_semaphore, #tpu.memory_space<semaphore_mem>>, %arg23: memref<!tpu.dma_semaphore, #tpu.memory_space<semaphore_mem>>, %arg24: memref<!tpu.dma_semaphore, #tpu.memory_space<semaphore_mem>>, %arg25: memref<!tpu.dma_semaphore, #tpu.memory_space<semaphore_mem>>, %arg26: memref<!tpu.dma_semaphore, #tpu.memory_space<semaphore_mem>>, %arg27: memref<!tpu.dma_semaphore, #tpu.memory_space<semaphore_mem>>, %arg28: memref<!tpu.dma_semaphore, #tpu.memory_space<semaphore_mem>>, %arg29: memref<!tpu.dma_semaphore, #tpu.memory_space<semaphore_mem>>, %arg30: memref<!tpu.dma_semaphore, #tpu.memory_space<semaphore_mem>>, %arg31: memref<!tpu.dma_semaphore, #tpu.memory_space<semaphore_mem>>, %arg32: memref<!tpu.dma_semaphore, #tpu.memory_space<semaphore_mem>>, %arg33: memref<!tpu.dma_semaphore, #tpu.memory_space<semaphore_mem>>, %arg34: memref<!tpu.dma_semaphore, #tpu.memory_space<semaphore_mem>>, %arg35: memref<!tpu.dma_semaphore, #tpu.memory_space<semaphore_mem>>) attributes {dimension_semantics = [#tpu.dimension_semantics<core_parallel>, #tpu.dimension_semantics<subcore_parallel>], iteration_bounds = array<i64: 2, 16>, scalar_prefetch = 0 : i64, scratch_operands = 31 : i64, tpu.core_type = #tpu.core_type<sc_vector_subcore>, window_params = [{transform_indices = #map}, {transform_indices = #map1}, {transform_indices = #map2}]} {
    %mul3A = arith.constant 2 : i32
    %mul3A_0 = arith.muli %arg1, %mul3A : i32
    %add3A = arith.addi %mul3A_0, %arg0 : i32
    %mul3A_1 = arith.constant 10000 : i32
    %mul3A_2 = arith.muli %add3A, %mul3A_1 : i32
    %broadcast_in_dim3A = arith.constant 0.000000e+00 : f32
    %broadcast_in_dim3A_3 = vector.broadcast %broadcast_in_dim3A : f32 to vector<16xf32>
    %broadcast_in_dim3A_4 = arith.constant 1.000000e+00 : f32
    %broadcast_in_dim3A_5 = vector.broadcast %broadcast_in_dim3A_4 : f32 to vector<16xf32>
    %scan3A = arith.constant 0 : i32
    %scan3A_6 = arith.constant 0 : i32
    %scan3A_7 = arith.constant 80 : i32
    %scan3A_8 = arith.addi %scan3A_6, %scan3A_7 : i32
    %scan3A_9 = arith.constant 1 : i32
    %scan3A_10 = scf.for %scan3A_82 = %scan3A_6 to %scan3A_8 step %scan3A_9 iter_args(%scan3A_83 = %scan3A) -> (i32)  : i32 {
      %swap3A = arith.index_cast %scan3A_82 : i32 to index
      %swap3A_84 = arith.constant 0 : index
      %swap3A_85 = tpu.vector_load %arg17[%swap3A, %swap3A_84] {strides = array<i32>} : memref<80x128xf32, #tpu.memory_space<vmem>>, vector<1x16xf32>,
      %swap3A_86 = vector.shape_cast %swap3A_85 : vector<1x16xf32> to vector<16xf32>
      %swap3A_87 = vector.shape_cast %broadcast_in_dim3A_3 : vector<16xf32> to vector<1x16xf32>
      tpu.vector_store %arg17[%swap3A, %swap3A_84], %swap3A_87 {strides = array<i32>} : memref<80x128xf32, #tpu.memory_space<vmem>>, vector<1x16xf32>,
      %swap3A_88 = arith.index_cast %scan3A_82 : i32 to index
      %swap3A_89 = arith.constant 16 : index
      %swap3A_90 = tpu.vector_load %arg17[%swap3A_88, %swap3A_89] {strides = array<i32>} : memref<80x128xf32, #tpu.memory_space<vmem>>, vector<1x16xf32>,
      %swap3A_91 = vector.shape_cast %swap3A_90 : vector<1x16xf32> to vector<16xf32>
      %swap3A_92 = vector.shape_cast %broadcast_in_dim3A_3 : vector<16xf32> to vector<1x16xf32>
      tpu.vector_store %arg17[%swap3A_88, %swap3A_89], %swap3A_92 {strides = array<i32>} : memref<80x128xf32, #tpu.memory_space<vmem>>, vector<1x16xf32>,
      %swap3A_93 = arith.index_cast %scan3A_82 : i32 to index
      %swap3A_94 = arith.constant 32 : index
      %swap3A_95 = tpu.vector_load %arg17[%swap3A_93, %swap3A_94] {strides = array<i32>} : memref<80x128xf32, #tpu.memory_space<vmem>>, vector<1x16xf32>,
      %swap3A_96 = vector.shape_cast %swap3A_95 : vector<1x16xf32> to vector<16xf32>
      %swap3A_97 = vector.shape_cast %broadcast_in_dim3A_3 : vector<16xf32> to vector<1x16xf32>
      tpu.vector_store %arg17[%swap3A_93, %swap3A_94], %swap3A_97 {strides = array<i32>} : memref<80x128xf32, #tpu.memory_space<vmem>>, vector<1x16xf32>,
      %swap3A_98 = arith.index_cast %scan3A_82 : i32 to index
      %swap3A_99 = arith.constant 48 : index
      %swap3A_100 = tpu.vector_load %arg17[%swap3A_98, %swap3A_99] {strides = array<i32>} : memref<80x128xf32, #tpu.memory_space<vmem>>, vector<1x16xf32>,
      %swap3A_101 = vector.shape_cast %swap3A_100 : vector<1x16xf32> to vector<16xf32>
      %swap3A_102 = vector.shape_cast %broadcast_in_dim3A_3 : vector<16xf32> to vector<1x16xf32>
      tpu.vector_store %arg17[%swap3A_98, %swap3A_99], %swap3A_102 {strides = array<i32>} : memref<80x128xf32, #tpu.memory_space<vmem>>, vector<1x16xf32>,
      %swap3A_103 = arith.index_cast %scan3A_82 : i32 to index
      %swap3A_104 = arith.constant 64 : index
      %swap3A_105 = tpu.vector_load %arg17[%swap3A_103, %swap3A_104] {strides = array<i32>} : memref<80x128xf32, #tpu.memory_space<vmem>>, vector<1x16xf32>,
      %swap3A_106 = vector.shape_cast %swap3A_105 : vector<1x16xf32> to vector<16xf32>
      %swap3A_107 = vector.shape_cast %broadcast_in_dim3A_3 : vector<16xf32> to vector<1x16xf32>
      tpu.vector_store %arg17[%swap3A_103, %swap3A_104], %swap3A_107 {strides = array<i32>} : memref<80x128xf32, #tpu.memory_space<vmem>>, vector<1x16xf32>,
      %swap3A_108 = arith.index_cast %scan3A_82 : i32 to index
      %swap3A_109 = arith.constant 80 : index
      %swap3A_110 = tpu.vector_load %arg17[%swap3A_108, %swap3A_109] {strides = array<i32>} : memref<80x128xf32, #tpu.memory_space<vmem>>, vector<1x16xf32>,
      %swap3A_111 = vector.shape_cast %swap3A_110 : vector<1x16xf32> to vector<16xf32>
      %swap3A_112 = vector.shape_cast %broadcast_in_dim3A_3 : vector<16xf32> to vector<1x16xf32>
      tpu.vector_store %arg17[%swap3A_108, %swap3A_109], %swap3A_112 {strides = array<i32>} : memref<80x128xf32, #tpu.memory_space<vmem>>, vector<1x16xf32>,
      %swap3A_113 = arith.index_cast %scan3A_82 : i32 to index
      %swap3A_114 = arith.constant 96 : index
      %swap3A_115 = tpu.vector_load %arg17[%swap3A_113, %swap3A_114] {strides = array<i32>} : memref<80x128xf32, #tpu.memory_space<vmem>>, vector<1x16xf32>,
      %swap3A_116 = vector.shape_cast %swap3A_115 : vector<1x16xf32> to vector<16xf32>
      %swap3A_117 = vector.shape_cast %broadcast_in_dim3A_3 : vector<16xf32> to vector<1x16xf32>
      tpu.vector_store %arg17[%swap3A_113, %swap3A_114], %swap3A_117 {strides = array<i32>} : memref<80x128xf32, #tpu.memory_space<vmem>>, vector<1x16xf32>,
      %swap3A_118 = arith.index_cast %scan3A_82 : i32 to index
      %swap3A_119 = arith.constant 112 : index
      %swap3A_120 = tpu.vector_load %arg17[%swap3A_118, %swap3A_119] {strides = array<i32>} : memref<80x128xf32, #tpu.memory_space<vmem>>, vector<1x16xf32>,
      %swap3A_121 = vector.shape_cast %swap3A_120 : vector<1x16xf32> to vector<16xf32>
      %swap3A_122 = vector.shape_cast %broadcast_in_dim3A_3 : vector<16xf32> to vector<1x16xf32>
      tpu.vector_store %arg17[%swap3A_118, %swap3A_119], %swap3A_122 {strides = array<i32>} : memref<80x128xf32, #tpu.memory_space<vmem>>, vector<1x16xf32>,
      %scan3A_123 = arith.constant 0 : i32
      scf.yield %scan3A_123 : i32
    }
    %scan3A_11 = arith.constant 80 : i32
    %mul3A_12 = arith.constant 640 : i32
    %mul3A_13 = arith.muli %arg1, %mul3A_12 : i32
    %add3A_14 = arith.constant 0 : i32
    %add3A_15 = arith.addi %mul3A_13, %add3A_14 : i32
    "tpu.region"() ({
      %run_scoped3A = tpu.sem_alloc : memref<!tpu.dma_semaphore, #tpu.memory_space<semaphore_mem>>
      %dma_start3A_82 = arith.constant 0 : i32
      %dma_start3A_83 = tpu.memref_slice %arg21[%add3A_15, %dma_start3A_82] : memref<10240x128xf32, #tpu.memory_space<vmem_shared>> -> memref<80x128xf32, #tpu.memory_space<vmem_shared>>
      %dma_start3A_84 = arith.constant 0 : i32
      %dma_start3A_85 = tpu.memref_slice %arg21[%add3A_15, %dma_start3A_84] : memref<10240x128xf32, #tpu.memory_space<vmem_shared>> -> memref<80x128xf32, #tpu.memory_space<vmem_shared>>
      tpu.enqueue_dma source(%arg17 : memref<80x128xf32, #tpu.memory_space<vmem>>) target(%dma_start3A_85 : memref<80x128xf32, #tpu.memory_space<vmem_shared>>) target_semaphore(%run_scoped3A : memref<!tpu.dma_semaphore, #tpu.memory_space<semaphore_mem>>)
      %dma_wait3A_86 = arith.constant 0 : i32
      %dma_wait3A_87 = tpu.memref_slice %arg21[%add3A_15, %dma_wait3A_86] : memref<10240x128xf32, #tpu.memory_space<vmem_shared>> -> memref<80x128xf32, #tpu.memory_space<vmem_shared>>
      %dma_wait3A_88 = arith.constant 0 : i32
      %dma_wait3A_89 = tpu.memref_slice %arg21[%add3A_15, %dma_wait3A_88] : memref<10240x128xf32, #tpu.memory_space<vmem_shared>> -> memref<80x128xf32, #tpu.memory_space<vmem_shared>>
      tpu.wait_dma2 semaphore(%run_scoped3A : memref<!tpu.dma_semaphore, #tpu.memory_space<semaphore_mem>>) src(%arg17 : memref<80x128xf32, #tpu.memory_space<vmem>>) dst(%dma_wait3A_89 : memref<80x128xf32, #tpu.memory_space<vmem_shared>>)
      tpu.yield
    }) : () -> ()
    %add3A_16 = arith.constant 80 : i32
    %add3A_17 = arith.addi %mul3A_13, %add3A_16 : i32
    "tpu.region"() ({
      %run_scoped3A = tpu.sem_alloc : memref<!tpu.dma_semaphore, #tpu.memory_space<semaphore_mem>>
      %dma_start3A_82 = arith.constant 0 : i32
      %dma_start3A_83 = tpu.memref_slice %arg21[%add3A_17, %dma_start3A_82] : memref<10240x128xf32, #tpu.memory_space<vmem_shared>> -> memref<80x128xf32, #tpu.memory_space<vmem_shared>>
      %dma_start3A_84 = arith.constant 0 : i32
      %dma_start3A_85 = tpu.memref_slice %arg21[%add3A_17, %dma_start3A_84] : memref<10240x128xf32, #tpu.memory_space<vmem_shared>> -> memref<80x128xf32, #tpu.memory_space<vmem_shared>>
      tpu.enqueue_dma source(%arg17 : memref<80x128xf32, #tpu.memory_space<vmem>>) target(%dma_start3A_85 : memref<80x128xf32, #tpu.memory_space<vmem_shared>>) target_semaphore(%run_scoped3A : memref<!tpu.dma_semaphore, #tpu.memory_space<semaphore_mem>>)
      %dma_wait3A_86 = arith.constant 0 : i32
      %dma_wait3A_87 = tpu.memref_slice %arg21[%add3A_17, %dma_wait3A_86] : memref<10240x128xf32, #tpu.memory_space<vmem_shared>> -> memref<80x128xf32, #tpu.memory_space<vmem_shared>>
      %dma_wait3A_88 = arith.constant 0 : i32
      %dma_wait3A_89 = tpu.memref_slice %arg21[%add3A_17, %dma_wait3A_88] : memref<10240x128xf32, #tpu.memory_space<vmem_shared>> -> memref<80x128xf32, #tpu.memory_space<vmem_shared>>
      tpu.wait_dma2 semaphore(%run_scoped3A : memref<!tpu.dma_semaphore, #tpu.memory_space<semaphore_mem>>) src(%arg17 : memref<80x128xf32, #tpu.memory_space<vmem>>) dst(%dma_wait3A_89 : memref<80x128xf32, #tpu.memory_space<vmem_shared>>)
      tpu.yield
    }) : () -> ()
    %add3A_18 = arith.constant 160 : i32
    %add3A_19 = arith.addi %mul3A_13, %add3A_18 : i32
    "tpu.region"() ({
      %run_scoped3A = tpu.sem_alloc : memref<!tpu.dma_semaphore, #tpu.memory_space<semaphore_mem>>
      %dma_start3A_82 = arith.constant 0 : i32
      %dma_start3A_83 = tpu.memref_slice %arg21[%add3A_19, %dma_start3A_82] : memref<10240x128xf32, #tpu.memory_space<vmem_shared>> -> memref<80x128xf32, #tpu.memory_space<vmem_shared>>
      %dma_start3A_84 = arith.constant 0 : i32
      %dma_start3A_85 = tpu.memref_slice %arg21[%add3A_19, %dma_start3A_84] : memref<10240x128xf32, #tpu.memory_space<vmem_shared>> -> memref<80x128xf32, #tpu.memory_space<vmem_shared>>
      tpu.enqueue_dma source(%arg17 : memref<80x128xf32, #tpu.memory_space<vmem>>) target(%dma_start3A_85 : memref<80x128xf32, #tpu.memory_space<vmem_shared>>) target_semaphore(%run_scoped3A : memref<!tpu.dma_semaphore, #tpu.memory_space<semaphore_mem>>)
      %dma_wait3A_86 = arith.constant 0 : i32
      %dma_wait3A_87 = tpu.memref_slice %arg21[%add3A_19, %dma_wait3A_86] : memref<10240x128xf32, #tpu.memory_space<vmem_shared>> -> memref<80x128xf32, #tpu.memory_space<vmem_shared>>
      %dma_wait3A_88 = arith.constant 0 : i32
      %dma_wait3A_89 = tpu.memref_slice %arg21[%add3A_19, %dma_wait3A_88] : memref<10240x128xf32, #tpu.memory_space<vmem_shared>> -> memref<80x128xf32, #tpu.memory_space<vmem_shared>>
      tpu.wait_dma2 semaphore(%run_scoped3A : memref<!tpu.dma_semaphore, #tpu.memory_space<semaphore_mem>>) src(%arg17 : memref<80x128xf32, #tpu.memory_space<vmem>>) dst(%dma_wait3A_89 : memref<80x128xf32, #tpu.memory_space<vmem_shared>>)
      tpu.yield
    }) : () -> ()
    %add3A_20 = arith.constant 240 : i32
    %add3A_21 = arith.addi %mul3A_13, %add3A_20 : i32
    "tpu.region"() ({
      %run_scoped3A = tpu.sem_alloc : memref<!tpu.dma_semaphore, #tpu.memory_space<semaphore_mem>>
      %dma_start3A_82 = arith.constant 0 : i32
      %dma_start3A_83 = tpu.memref_slice %arg21[%add3A_21, %dma_start3A_82] : memref<10240x128xf32, #tpu.memory_space<vmem_shared>> -> memref<80x128xf32, #tpu.memory_space<vmem_shared>>
      %dma_start3A_84 = arith.constant 0 : i32
      %dma_start3A_85 = tpu.memref_slice %arg21[%add3A_21, %dma_start3A_84] : memref<10240x128xf32, #tpu.memory_space<vmem_shared>> -> memref<80x128xf32, #tpu.memory_space<vmem_shared>>
      tpu.enqueue_dma source(%arg17 : memref<80x128xf32, #tpu.memory_space<vmem>>) target(%dma_start3A_85 : memref<80x128xf32, #tpu.memory_space<vmem_shared>>) target_semaphore(%run_scoped3A : memref<!tpu.dma_semaphore, #tpu.memory_space<semaphore_mem>>)
      %dma_wait3A_86 = arith.constant 0 : i32
      %dma_wait3A_87 = tpu.memref_slice %arg21[%add3A_21, %dma_wait3A_86] : memref<10240x128xf32, #tpu.memory_space<vmem_shared>> -> memref<80x128xf32, #tpu.memory_space<vmem_shared>>
      %dma_wait3A_88 = arith.constant 0 : i32
      %dma_wait3A_89 = tpu.memref_slice %arg21[%add3A_21, %dma_wait3A_88] : memref<10240x128xf32, #tpu.memory_space<vmem_shared>> -> memref<80x128xf32, #tpu.memory_space<vmem_shared>>
      tpu.wait_dma2 semaphore(%run_scoped3A : memref<!tpu.dma_semaphore, #tpu.memory_space<semaphore_mem>>) src(%arg17 : memref<80x128xf32, #tpu.memory_space<vmem>>) dst(%dma_wait3A_89 : memref<80x128xf32, #tpu.memory_space<vmem_shared>>)
      tpu.yield
    }) : () -> ()
    %add3A_22 = arith.constant 320 : i32
    %add3A_23 = arith.addi %mul3A_13, %add3A_22 : i32
    "tpu.region"() ({
      %run_scoped3A = tpu.sem_alloc : memref<!tpu.dma_semaphore, #tpu.memory_space<semaphore_mem>>
      %dma_start3A_82 = arith.constant 0 : i32
      %dma_start3A_83 = tpu.memref_slice %arg21[%add3A_23, %dma_start3A_82] : memref<10240x128xf32, #tpu.memory_space<vmem_shared>> -> memref<80x128xf32, #tpu.memory_space<vmem_shared>>
      %dma_start3A_84 = arith.constant 0 : i32
      %dma_start3A_85 = tpu.memref_slice %arg21[%add3A_23, %dma_start3A_84] : memref<10240x128xf32, #tpu.memory_space<vmem_shared>> -> memref<80x128xf32, #tpu.memory_space<vmem_shared>>
      tpu.enqueue_dma source(%arg17 : memref<80x128xf32, #tpu.memory_space<vmem>>) target(%dma_start3A_85 : memref<80x128xf32, #tpu.memory_space<vmem_shared>>) target_semaphore(%run_scoped3A : memref<!tpu.dma_semaphore, #tpu.memory_space<semaphore_mem>>)
      %dma_wait3A_86 = arith.constant 0 : i32
      %dma_wait3A_87 = tpu.memref_slice %arg21[%add3A_23, %dma_wait3A_86] : memref<10240x128xf32, #tpu.memory_space<vmem_shared>> -> memref<80x128xf32, #tpu.memory_space<vmem_shared>>
      %dma_wait3A_88 = arith.constant 0 : i32
      %dma_wait3A_89 = tpu.memref_slice %arg21[%add3A_23, %dma_wait3A_88] : memref<10240x128xf32, #tpu.memory_space<vmem_shared>> -> memref<80x128xf32, #tpu.memory_space<vmem_shared>>
      tpu.wait_dma2 semaphore(%run_scoped3A : memref<!tpu.dma_semaphore, #tpu.memory_space<semaphore_mem>>) src(%arg17 : memref<80x128xf32, #tpu.memory_space<vmem>>) dst(%dma_wait3A_89 : memref<80x128xf32, #tpu.memory_space<vmem_shared>>)
      tpu.yield
    }) : () -> ()
    %add3A_24 = arith.constant 400 : i32
    %add3A_25 = arith.addi %mul3A_13, %add3A_24 : i32
    "tpu.region"() ({
      %run_scoped3A = tpu.sem_alloc : memref<!tpu.dma_semaphore, #tpu.memory_space<semaphore_mem>>
      %dma_start3A_82 = arith.constant 0 : i32
      %dma_start3A_83 = tpu.memref_slice %arg21[%add3A_25, %dma_start3A_82] : memref<10240x128xf32, #tpu.memory_space<vmem_shared>> -> memref<80x128xf32, #tpu.memory_space<vmem_shared>>
      %dma_start3A_84 = arith.constant 0 : i32
      %dma_start3A_85 = tpu.memref_slice %arg21[%add3A_25, %dma_start3A_84] : memref<10240x128xf32, #tpu.memory_space<vmem_shared>> -> memref<80x128xf32, #tpu.memory_space<vmem_shared>>
      tpu.enqueue_dma source(%arg17 : memref<80x128xf32, #tpu.memory_space<vmem>>) target(%dma_start3A_85 : memref<80x128xf32, #tpu.memory_space<vmem_shared>>) target_semaphore(%run_scoped3A : memref<!tpu.dma_semaphore, #tpu.memory_space<semaphore_mem>>)
      %dma_wait3A_86 = arith.constant 0 : i32
      %dma_wait3A_87 = tpu.memref_slice %arg21[%add3A_25, %dma_wait3A_86] : memref<10240x128xf32, #tpu.memory_space<vmem_shared>> -> memref<80x128xf32, #tpu.memory_space<vmem_shared>>
      %dma_wait3A_88 = arith.constant 0 : i32
      %dma_wait3A_89 = tpu.memref_slice %arg21[%add3A_25, %dma_wait3A_88] : memref<10240x128xf32, #tpu.memory_space<vmem_shared>> -> memref<80x128xf32, #tpu.memory_space<vmem_shared>>
      tpu.wait_dma2 semaphore(%run_scoped3A : memref<!tpu.dma_semaphore, #tpu.memory_space<semaphore_mem>>) src(%arg17 : memref<80x128xf32, #tpu.memory_space<vmem>>) dst(%dma_wait3A_89 : memref<80x128xf32, #tpu.memory_space<vmem_shared>>)
      tpu.yield
    }) : () -> ()
    %add3A_26 = arith.constant 480 : i32
    %add3A_27 = arith.addi %mul3A_13, %add3A_26 : i32
    "tpu.region"() ({
      %run_scoped3A = tpu.sem_alloc : memref<!tpu.dma_semaphore, #tpu.memory_space<semaphore_mem>>
      %dma_start3A_82 = arith.constant 0 : i32
      %dma_start3A_83 = tpu.memref_slice %arg21[%add3A_27, %dma_start3A_82] : memref<10240x128xf32, #tpu.memory_space<vmem_shared>> -> memref<80x128xf32, #tpu.memory_space<vmem_shared>>
      %dma_start3A_84 = arith.constant 0 : i32
      %dma_start3A_85 = tpu.memref_slice %arg21[%add3A_27, %dma_start3A_84] : memref<10240x128xf32, #tpu.memory_space<vmem_shared>> -> memref<80x128xf32, #tpu.memory_space<vmem_shared>>
      tpu.enqueue_dma source(%arg17 : memref<80x128xf32, #tpu.memory_space<vmem>>) target(%dma_start3A_85 : memref<80x128xf32, #tpu.memory_space<vmem_shared>>) target_semaphore(%run_scoped3A : memref<!tpu.dma_semaphore, #tpu.memory_space<semaphore_mem>>)
      %dma_wait3A_86 = arith.constant 0 : i32
      %dma_wait3A_87 = tpu.memref_slice %arg21[%add3A_27, %dma_wait3A_86] : memref<10240x128xf32, #tpu.memory_space<vmem_shared>> -> memref<80x128xf32, #tpu.memory_space<vmem_shared>>
      %dma_wait3A_88 = arith.constant 0 : i32
      %dma_wait3A_89 = tpu.memref_slice %arg21[%add3A_27, %dma_wait3A_88] : memref<10240x128xf32, #tpu.memory_space<vmem_shared>> -> memref<80x128xf32, #tpu.memory_space<vmem_shared>>
      tpu.wait_dma2 semaphore(%run_scoped3A : memref<!tpu.dma_semaphore, #tpu.memory_space<semaphore_mem>>) src(%arg17 : memref<80x128xf32, #tpu.memory_space<vmem>>) dst(%dma_wait3A_89 : memref<80x128xf32, #tpu.memory_space<vmem_shared>>)
      tpu.yield
    }) : () -> ()
    %add3A_28 = arith.constant 560 : i32
    %add3A_29 = arith.addi %mul3A_13, %add3A_28 : i32
    "tpu.region"() ({
      %run_scoped3A = tpu.sem_alloc : memref<!tpu.dma_semaphore, #tpu.memory_space<semaphore_mem>>
      %dma_start3A_82 = arith.constant 0 : i32
      %dma_start3A_83 = tpu.memref_slice %arg21[%add3A_29, %dma_start3A_82] : memref<10240x128xf32, #tpu.memory_space<vmem_shared>> -> memref<80x128xf32, #tpu.memory_space<vmem_shared>>
      %dma_start3A_84 = arith.constant 0 : i32
      %dma_start3A_85 = tpu.memref_slice %arg21[%add3A_29, %dma_start3A_84] : memref<10240x128xf32, #tpu.memory_space<vmem_shared>> -> memref<80x128xf32, #tpu.memory_space<vmem_shared>>
      tpu.enqueue_dma source(%arg17 : memref<80x128xf32, #tpu.memory_space<vmem>>) target(%dma_start3A_85 : memref<80x128xf32, #tpu.memory_space<vmem_shared>>) target_semaphore(%run_scoped3A : memref<!tpu.dma_semaphore, #tpu.memory_space<semaphore_mem>>)
      %dma_wait3A_86 = arith.constant 0 : i32
      %dma_wait3A_87 = tpu.memref_slice %arg21[%add3A_29, %dma_wait3A_86] : memref<10240x128xf32, #tpu.memory_space<vmem_shared>> -> memref<80x128xf32, #tpu.memory_space<vmem_shared>>
      %dma_wait3A_88 = arith.constant 0 : i32
      %dma_wait3A_89 = tpu.memref_slice %arg21[%add3A_29, %dma_wait3A_88] : memref<10240x128xf32, #tpu.memory_space<vmem_shared>> -> memref<80x128xf32, #tpu.memory_space<vmem_shared>>
      tpu.wait_dma2 semaphore(%run_scoped3A : memref<!tpu.dma_semaphore, #tpu.memory_space<semaphore_mem>>) src(%arg17 : memref<80x128xf32, #tpu.memory_space<vmem>>) dst(%dma_wait3A_89 : memref<80x128xf32, #tpu.memory_space<vmem_shared>>)
      tpu.yield
    }) : () -> ()
    %barrier3A = arith.constant 0 : index
    tpu.barrier barrier_id(%barrier3A)
    %add3A_30 = arith.constant 0 : i32
    %add3A_31 = arith.addi %mul3A_2, %add3A_30 : i32
    %dma_start3A = tpu.memref_slice %arg3[%add3A_31] : memref<640000xi32, #tpu.memory_space<hbm>> -> memref<80xi32, #tpu.memory_space<hbm>>
    %dma_start3A_32 = tpu.memref_slice %arg3[%add3A_31] : memref<640000xi32, #tpu.memory_space<hbm>> -> memref<80xi32, #tpu.memory_space<hbm>>
    tpu.enqueue_dma source(%dma_start3A_32 : memref<80xi32, #tpu.memory_space<hbm>>) target(%arg5 : memref<80xi32, #tpu.memory_space<vmem>>) target_semaphore(%arg22 : memref<!tpu.dma_semaphore, #tpu.memory_space<semaphore_mem>>)
    %add3A_33 = arith.constant 320000 : i32
    %add3A_34 = arith.addi %add3A_33, %add3A_31 : i32
    %dma_start3A_35 = tpu.memref_slice %arg3[%add3A_34] : memref<640000xi32, #tpu.memory_space<hbm>> -> memref<80xi32, #tpu.memory_space<hbm>>
    %dma_start3A_36 = tpu.memref_slice %arg3[%add3A_34] : memref<640000xi32, #tpu.memory_space<hbm>> -> memref<80xi32, #tpu.memory_space<hbm>>
    tpu.enqueue_dma source(%dma_start3A_36 : memref<80xi32, #tpu.memory_space<hbm>>) target(%arg11 : memref<80xi32, #tpu.memory_space<vmem>>) target_semaphore(%arg22 : memref<!tpu.dma_semaphore, #tpu.memory_space<semaphore_mem>>)
    %add3A_37 = arith.constant 80 : i32
    %add3A_38 = arith.addi %mul3A_2, %add3A_37 : i32
    %dma_start3A_39 = tpu.memref_slice %arg3[%add3A_38] : memref<640000xi32, #tpu.memory_space<hbm>> -> memref<80xi32, #tpu.memory_space<hbm>>
    %dma_start3A_40 = tpu.memref_slice %arg3[%add3A_38] : memref<640000xi32, #tpu.memory_space<hbm>> -> memref<80xi32, #tpu.memory_space<hbm>>
    tpu.enqueue_dma source(%dma_start3A_40 : memref<80xi32, #tpu.memory_space<hbm>>) target(%arg6 : memref<80xi32, #tpu.memory_space<vmem>>) target_semaphore(%arg23 : memref<!tpu.dma_semaphore, #tpu.memory_space<semaphore_mem>>)
    %add3A_41 = arith.constant 320000 : i32
    %add3A_42 = arith.addi %add3A_41, %add3A_38 : i32
    %dma_start3A_43 = tpu.memref_slice %arg3[%add3A_42] : memref<640000xi32, #tpu.memory_space<hbm>> -> memref<80xi32, #tpu.memory_space<hbm>>
    %dma_start3A_44 = tpu.memref_slice %arg3[%add3A_42] : memref<640000xi32, #tpu.memory_space<hbm>> -> memref<80xi32, #tpu.memory_space<hbm>>
    tpu.enqueue_dma source(%dma_start3A_44 : memref<80xi32, #tpu.memory_space<hbm>>) target(%arg12 : memref<80xi32, #tpu.memory_space<vmem>>) target_semaphore(%arg23 : memref<!tpu.dma_semaphore, #tpu.memory_space<semaphore_mem>>)
    %add3A_45 = arith.constant 160 : i32
    %add3A_46 = arith.addi %mul3A_2, %add3A_45 : i32
    %dma_start3A_47 = tpu.memref_slice %arg3[%add3A_46] : memref<640000xi32, #tpu.memory_space<hbm>> -> memref<80xi32, #tpu.memory_space<hbm>>
    %dma_start3A_48 = tpu.memref_slice %arg3[%add3A_46] : memref<640000xi32, #tpu.memory_space<hbm>> -> memref<80xi32, #tpu.memory_space<hbm>>
    tpu.enqueue_dma source(%dma_start3A_48 : memref<80xi32, #tpu.memory_space<hbm>>) target(%arg7 : memref<80xi32, #tpu.memory_space<vmem>>) target_semaphore(%arg24 : memref<!tpu.dma_semaphore, #tpu.memory_space<semaphore_mem>>)
    %add3A_49 = arith.constant 320000 : i32
    %add3A_50 = arith.addi %add3A_49, %add3A_46 : i32
    %dma_start3A_51 = tpu.memref_slice %arg3[%add3A_50] : memref<640000xi32, #tpu.memory_space<hbm>> -> memref<80xi32, #tpu.memory_space<hbm>>
    %dma_start3A_52 = tpu.memref_slice %arg3[%add3A_50] : memref<640000xi32, #tpu.memory_space<hbm>> -> memref<80xi32, #tpu.memory_space<hbm>>
    tpu.enqueue_dma source(%dma_start3A_52 : memref<80xi32, #tpu.memory_space<hbm>>) target(%arg13 : memref<80xi32, #tpu.memory_space<vmem>>) target_semaphore(%arg24 : memref<!tpu.dma_semaphore, #tpu.memory_space<semaphore_mem>>)
    %add3A_53 = arith.constant 0 : i32
    %add3A_54 = arith.addi %mul3A_2, %add3A_53 : i32
    %dma_wait3A = tpu.memref_slice %arg3[%add3A_54] : memref<640000xi32, #tpu.memory_space<hbm>> -> memref<80xi32, #tpu.memory_space<hbm>>
    %dma_wait3A_55 = tpu.memref_slice %arg3[%add3A_54] : memref<640000xi32, #tpu.memory_space<hbm>> -> memref<80xi32, #tpu.memory_space<hbm>>
    tpu.wait_dma2 semaphore(%arg22 : memref<!tpu.dma_semaphore, #tpu.memory_space<semaphore_mem>>) src(%dma_wait3A_55 : memref<80xi32, #tpu.memory_space<hbm>>) dst(%arg5 : memref<80xi32, #tpu.memory_space<vmem>>)
    %add3A_56 = arith.constant 320000 : i32
    %add3A_57 = arith.addi %add3A_56, %add3A_54 : i32
    %dma_wait3A_58 = tpu.memref_slice %arg3[%add3A_57] : memref<640000xi32, #tpu.memory_space<hbm>> -> memref<80xi32, #tpu.memory_space<hbm>>
    %dma_wait3A_59 = tpu.memref_slice %arg3[%add3A_57] : memref<640000xi32, #tpu.memory_space<hbm>> -> memref<80xi32, #tpu.memory_space<hbm>>
    tpu.wait_dma2 semaphore(%arg22 : memref<!tpu.dma_semaphore, #tpu.memory_space<semaphore_mem>>) src(%dma_wait3A_59 : memref<80xi32, #tpu.memory_space<hbm>>) dst(%arg11 : memref<80xi32, #tpu.memory_space<vmem>>)
    %dma_start3A_60 = arith.constant 0 : i32
    %dma_start3A_61 = arith.constant 0 : i32
    %dma_start3A_62 = tpu.memref_slice %arg2[%dma_start3A_60, %dma_start3A_61] : memref<10000x128xf32, #tpu.memory_space<hbm>> -> memref<10000x128xf32, #tpu.memory_space<hbm>>
    tpu.enqueue_indirect_dma source(%dma_start3A_62 : memref<10000x128xf32, #tpu.memory_space<hbm>>) target(%arg17 : memref<80x128xf32, #tpu.memory_space<vmem>>) offsets(%arg11 : memref<80xi32, #tpu.memory_space<vmem>>) semaphore(%arg28 : memref<!tpu.dma_semaphore, #tpu.memory_space<semaphore_mem>>)
    %add3A_63 = arith.constant 80 : i32
    %add3A_64 = arith.addi %mul3A_2, %add3A_63 : i32
    %dma_wait3A_65 = tpu.memref_slice %arg3[%add3A_64] : memref<640000xi32, #tpu.memory_space<hbm>> -> memref<80xi32, #tpu.memory_space<hbm>>
    %dma_wait3A_66 = tpu.memref_slice %arg3[%add3A_64] : memref<640000xi32, #tpu.memory_space<hbm>> -> memref<80xi32, #tpu.memory_space<hbm>>
    tpu.wait_dma2 semaphore(%arg23 : memref<!tpu.dma_semaphore, #tpu.memory_space<semaphore_mem>>) src(%dma_wait3A_66 : memref<80xi32, #tpu.memory_space<hbm>>) dst(%arg6 : memref<80xi32, #tpu.memory_space<vmem>>)
    %add3A_67 = arith.constant 320000 : i32
    %add3A_68 = arith.addi %add3A_67, %add3A_64 : i32
    %dma_wait3A_69 = tpu.memref_slice %arg3[%add3A_68] : memref<640000xi32, #tpu.memory_space<hbm>> -> memref<80xi32, #tpu.memory_space<hbm>>
    %dma_wait3A_70 = tpu.memref_slice %arg3[%add3A_68] : memref<640000xi32, #tpu.memory_space<hbm>> -> memref<80xi32, #tpu.memory_space<hbm>>
    tpu.wait_dma2 semaphore(%arg23 : memref<!tpu.dma_semaphore, #tpu.memory_space<semaphore_mem>>) src(%dma_wait3A_70 : memref<80xi32, #tpu.memory_space<hbm>>) dst(%arg12 : memref<80xi32, #tpu.memory_space<vmem>>)
    %dma_start3A_71 = arith.constant 0 : i32
    %dma_start3A_72 = arith.constant 0 : i32
    %dma_start3A_73 = tpu.memref_slice %arg2[%dma_start3A_71, %dma_start3A_72] : memref<10000x128xf32, #tpu.memory_space<hbm>> -> memref<10000x128xf32, #tpu.memory_space<hbm>>
    tpu.enqueue_indirect_dma source(%dma_start3A_73 : memref<10000x128xf32, #tpu.memory_space<hbm>>) target(%arg18 : memref<80x128xf32, #tpu.memory_space<vmem>>) offsets(%arg12 : memref<80xi32, #tpu.memory_space<vmem>>) semaphore(%arg29 : memref<!tpu.dma_semaphore, #tpu.memory_space<semaphore_mem>>)
    %scan3A_74 = arith.constant 0 : i32
    %scan3A_75 = arith.constant 0 : i32
    %scan3A_76 = arith.constant 11 : i32
    %scan3A_77 = arith.addi %scan3A_75, %scan3A_76 : i32
    %scan3A_78 = arith.constant 1 : i32
    %scan3A_79 = scf.for %scan3A_82 = %scan3A_75 to %scan3A_77 step %scan3A_78 iter_args(%scan3A_83 = %scan3A_74) -> (i32)  : i32 {
      %mul3A_84 = arith.constant 12 : i32
      %mul3A_85 = arith.muli %scan3A_82, %mul3A_84 : i32
      %add3A_86 = arith.constant 0 : i32
      %add3A_87 = arith.addi %mul3A_85, %add3A_86 : i32
      %ge3A = arith.constant 2 : i32
      %ge3A_88 = arith.cmpi sge, %add3A_87, %ge3A : i32
      %lt3A = arith.constant 127 : i32
      %lt3A_89 = arith.cmpi slt, %add3A_87, %lt3A : i32
      %and3A = arith.andi %ge3A_88, %lt3A_89 : i1
      %convert_element_type3A = arith.extui %and3A : i1 to i32
      %cond3A = arith.constant 0 : i32
      %cond3A_90 = arith.cmpi ne, %convert_element_type3A, %cond3A : i32
      scf.if %cond3A_90 {
        %dma_wait3A_452 = arith.constant 0 : i32
        %dma_wait3A_453 = arith.constant 0 : i32
        %dma_wait3A_454 = tpu.memref_slice %arg21[%dma_wait3A_452, %dma_wait3A_453] : memref<10240x128xf32, #tpu.memory_space<vmem_shared>> -> memref<10240x128xf32, #tpu.memory_space<vmem_shared>>
        tpu.wait_indirect_dma semaphore(%arg34 : memref<!tpu.dma_semaphore, #tpu.memory_space<semaphore_mem>>) src(%arg19 : memref<80x128xf32, #tpu.memory_space<vmem>>) dst(%dma_wait3A_454 : memref<10240x128xf32, #tpu.memory_space<vmem_shared>>)
      } else {
      }
      %add3A_91 = arith.constant 3 : i32
      %add3A_92 = arith.addi %add3A_87, %add3A_91 : i32
      %lt3A_93 = arith.constant 125 : i32
      %lt3A_94 = arith.cmpi slt, %add3A_92, %lt3A_93 : i32
      %convert_element_type3A_95 = arith.extui %lt3A_94 : i1 to i32
      %cond3A_96 = arith.constant 0 : i32
      %cond3A_97 = arith.cmpi ne, %convert_element_type3A_95, %cond3A_96 : i32
      scf.if %cond3A_97 {
        %add3A_452 = arith.constant 3 : i32
        %add3A_453 = arith.addi %add3A_87, %add3A_452 : i32
        %mul3A_454 = arith.constant 80 : i32
        %mul3A_455 = arith.muli %add3A_453, %mul3A_454 : i32
        %add3A_456 = arith.addi %mul3A_2, %mul3A_455 : i32
        %dma_start3A_457 = tpu.memref_slice %arg3[%add3A_456] : memref<640000xi32, #tpu.memory_space<hbm>> -> memref<80xi32, #tpu.memory_space<hbm>>
        %dma_start3A_458 = tpu.memref_slice %arg3[%add3A_456] : memref<640000xi32, #tpu.memory_space<hbm>> -> memref<80xi32, #tpu.memory_space<hbm>>
        tpu.enqueue_dma source(%dma_start3A_458 : memref<80xi32, #tpu.memory_space<hbm>>) target(%arg8 : memref<80xi32, #tpu.memory_space<vmem>>) target_semaphore(%arg25 : memref<!tpu.dma_semaphore, #tpu.memory_space<semaphore_mem>>)
        %add3A_459 = arith.constant 320000 : i32
        %add3A_460 = arith.addi %add3A_459, %add3A_456 : i32
        %dma_start3A_461 = tpu.memref_slice %arg3[%add3A_460] : memref<640000xi32, #tpu.memory_space<hbm>> -> memref<80xi32, #tpu.memory_space<hbm>>
        %dma_start3A_462 = tpu.memref_slice %arg3[%add3A_460] : memref<640000xi32, #tpu.memory_space<hbm>> -> memref<80xi32, #tpu.memory_space<hbm>>
        tpu.enqueue_dma source(%dma_start3A_462 : memref<80xi32, #tpu.memory_space<hbm>>) target(%arg14 : memref<80xi32, #tpu.memory_space<vmem>>) target_semaphore(%arg25 : memref<!tpu.dma_semaphore, #tpu.memory_space<semaphore_mem>>)
      } else {
      }
      %add3A_98 = arith.constant 2 : i32
      %add3A_99 = arith.addi %add3A_87, %add3A_98 : i32
      %lt3A_100 = arith.constant 125 : i32
      %lt3A_101 = arith.cmpi slt, %add3A_99, %lt3A_100 : i32
      %convert_element_type3A_102 = arith.extui %lt3A_101 : i1 to i32
      %cond3A_103 = arith.constant 0 : i32
      %cond3A_104 = arith.cmpi ne, %convert_element_type3A_102, %cond3A_103 : i32
      scf.if %cond3A_104 {
        %add3A_452 = arith.constant 2 : i32
        %add3A_453 = arith.addi %add3A_87, %add3A_452 : i32
        %mul3A_454 = arith.constant 80 : i32
        %mul3A_455 = arith.muli %add3A_453, %mul3A_454 : i32
        %add3A_456 = arith.addi %mul3A_2, %mul3A_455 : i32
        %dma_wait3A_457 = tpu.memref_slice %arg3[%add3A_456] : memref<640000xi32, #tpu.memory_space<hbm>> -> memref<80xi32, #tpu.memory_space<hbm>>
        %dma_wait3A_458 = tpu.memref_slice %arg3[%add3A_456] : memref<640000xi32, #tpu.memory_space<hbm>> -> memref<80xi32, #tpu.memory_space<hbm>>
        tpu.wait_dma2 semaphore(%arg24 : memref<!tpu.dma_semaphore, #tpu.memory_space<semaphore_mem>>) src(%dma_wait3A_458 : memref<80xi32, #tpu.memory_space<hbm>>) dst(%arg7 : memref<80xi32, #tpu.memory_space<vmem>>)
        %add3A_459 = arith.constant 320000 : i32
        %add3A_460 = arith.addi %add3A_459, %add3A_456 : i32
        %dma_wait3A_461 = tpu.memref_slice %arg3[%add3A_460] : memref<640000xi32, #tpu.memory_space<hbm>> -> memref<80xi32, #tpu.memory_space<hbm>>
        %dma_wait3A_462 = tpu.memref_slice %arg3[%add3A_460] : memref<640000xi32, #tpu.memory_space<hbm>> -> memref<80xi32, #tpu.memory_space<hbm>>
        tpu.wait_dma2 semaphore(%arg24 : memref<!tpu.dma_semaphore, #tpu.memory_space<semaphore_mem>>) src(%dma_wait3A_462 : memref<80xi32, #tpu.memory_space<hbm>>) dst(%arg13 : memref<80xi32, #tpu.memory_space<vmem>>)
        %dma_start3A_463 = arith.constant 0 : i32
        %dma_start3A_464 = arith.constant 0 : i32
        %dma_start3A_465 = tpu.memref_slice %arg2[%dma_start3A_463, %dma_start3A_464] : memref<10000x128xf32, #tpu.memory_space<hbm>> -> memref<10000x128xf32, #tpu.memory_space<hbm>>
        tpu.enqueue_indirect_dma source(%dma_start3A_465 : memref<10000x128xf32, #tpu.memory_space<hbm>>) target(%arg19 : memref<80x128xf32, #tpu.memory_space<vmem>>) offsets(%arg13 : memref<80xi32, #tpu.memory_space<vmem>>) semaphore(%arg30 : memref<!tpu.dma_semaphore, #tpu.memory_space<semaphore_mem>>)
      } else {
      }
      %lt3A_105 = arith.constant 125 : i32
      %lt3A_106 = arith.cmpi slt, %add3A_87, %lt3A_105 : i32
      %convert_element_type3A_107 = arith.extui %lt3A_106 : i1 to i32
      %cond3A_108 = arith.constant 0 : i32
      %cond3A_109 = arith.cmpi ne, %convert_element_type3A_107, %cond3A_108 : i32
      scf.if %cond3A_109 {
        %dma_wait3A_452 = arith.constant 0 : i32
        %dma_wait3A_453 = arith.constant 0 : i32
        %dma_wait3A_454 = tpu.memref_slice %arg2[%dma_wait3A_452, %dma_wait3A_453] : memref<10000x128xf32, #tpu.memory_space<hbm>> -> memref<10000x128xf32, #tpu.memory_space<hbm>>
        tpu.wait_indirect_dma semaphore(%arg28 : memref<!tpu.dma_semaphore, #tpu.memory_space<semaphore_mem>>) src(%dma_wait3A_454 : memref<10000x128xf32, #tpu.memory_space<hbm>>) dst(%arg17 : memref<80x128xf32, #tpu.memory_space<vmem>>)
        %dma_start3A_455 = arith.constant 0 : i32
        %dma_start3A_456 = arith.constant 0 : i32
        %dma_start3A_457 = tpu.memref_slice %arg21[%dma_start3A_455, %dma_start3A_456] : memref<10240x128xf32, #tpu.memory_space<vmem_shared>> -> memref<10240x128xf32, #tpu.memory_space<vmem_shared>>
        tpu.enqueue_indirect_dma source(%arg17 : memref<80x128xf32, #tpu.memory_space<vmem>>) target(%dma_start3A_457 : memref<10240x128xf32, #tpu.memory_space<vmem_shared>>) offsets(%arg5 : memref<80xi32, #tpu.memory_space<vmem>>) semaphore(%arg32 : memref<!tpu.dma_semaphore, #tpu.memory_space<semaphore_mem>>) {add = true}
      } else {
      }
      %mul3A_110 = arith.constant 12 : i32
      %mul3A_111 = arith.muli %scan3A_82, %mul3A_110 : i32
      %add3A_112 = arith.constant 1 : i32
      %add3A_113 = arith.addi %mul3A_111, %add3A_112 : i32
      %ge3A_114 = arith.constant 2 : i32
      %ge3A_115 = arith.cmpi sge, %add3A_113, %ge3A_114 : i32
      %lt3A_116 = arith.constant 127 : i32
      %lt3A_117 = arith.cmpi slt, %add3A_113, %lt3A_116 : i32
      %and3A_118 = arith.andi %ge3A_115, %lt3A_117 : i1
      %convert_element_type3A_119 = arith.extui %and3A_118 : i1 to i32
      %cond3A_120 = arith.constant 0 : i32
      %cond3A_121 = arith.cmpi ne, %convert_element_type3A_119, %cond3A_120 : i32
      scf.if %cond3A_121 {
        %dma_wait3A_452 = arith.constant 0 : i32
        %dma_wait3A_453 = arith.constant 0 : i32
        %dma_wait3A_454 = tpu.memref_slice %arg21[%dma_wait3A_452, %dma_wait3A_453] : memref<10240x128xf32, #tpu.memory_space<vmem_shared>> -> memref<10240x128xf32, #tpu.memory_space<vmem_shared>>
        tpu.wait_indirect_dma semaphore(%arg35 : memref<!tpu.dma_semaphore, #tpu.memory_space<semaphore_mem>>) src(%arg20 : memref<80x128xf32, #tpu.memory_space<vmem>>) dst(%dma_wait3A_454 : memref<10240x128xf32, #tpu.memory_space<vmem_shared>>)
      } else {
      }
      %add3A_122 = arith.constant 3 : i32
      %add3A_123 = arith.addi %add3A_113, %add3A_122 : i32
      %lt3A_124 = arith.constant 125 : i32
      %lt3A_125 = arith.cmpi slt, %add3A_123, %lt3A_124 : i32
      %convert_element_type3A_126 = arith.extui %lt3A_125 : i1 to i32
      %cond3A_127 = arith.constant 0 : i32
      %cond3A_128 = arith.cmpi ne, %convert_element_type3A_126, %cond3A_127 : i32
      scf.if %cond3A_128 {
        %add3A_452 = arith.constant 3 : i32
        %add3A_453 = arith.addi %add3A_113, %add3A_452 : i32
        %mul3A_454 = arith.constant 80 : i32
        %mul3A_455 = arith.muli %add3A_453, %mul3A_454 : i32
        %add3A_456 = arith.addi %mul3A_2, %mul3A_455 : i32
        %dma_start3A_457 = tpu.memref_slice %arg3[%add3A_456] : memref<640000xi32, #tpu.memory_space<hbm>> -> memref<80xi32, #tpu.memory_space<hbm>>
        %dma_start3A_458 = tpu.memref_slice %arg3[%add3A_456] : memref<640000xi32, #tpu.memory_space<hbm>> -> memref<80xi32, #tpu.memory_space<hbm>>
        tpu.enqueue_dma source(%dma_start3A_458 : memref<80xi32, #tpu.memory_space<hbm>>) target(%arg9 : memref<80xi32, #tpu.memory_space<vmem>>) target_semaphore(%arg26 : memref<!tpu.dma_semaphore, #tpu.memory_space<semaphore_mem>>)
        %add3A_459 = arith.constant 320000 : i32
        %add3A_460 = arith.addi %add3A_459, %add3A_456 : i32
        %dma_start3A_461 = tpu.memref_slice %arg3[%add3A_460] : memref<640000xi32, #tpu.memory_space<hbm>> -> memref<80xi32, #tpu.memory_space<hbm>>
        %dma_start3A_462 = tpu.memref_slice %arg3[%add3A_460] : memref<640000xi32, #tpu.memory_space<hbm>> -> memref<80xi32, #tpu.memory_space<hbm>>
        tpu.enqueue_dma source(%dma_start3A_462 : memref<80xi32, #tpu.memory_space<hbm>>) target(%arg15 : memref<80xi32, #tpu.memory_space<vmem>>) target_semaphore(%arg26 : memref<!tpu.dma_semaphore, #tpu.memory_space<semaphore_mem>>)
      } else {
      }
      %add3A_129 = arith.constant 2 : i32
      %add3A_130 = arith.addi %add3A_113, %add3A_129 : i32
      %lt3A_131 = arith.constant 125 : i32
      %lt3A_132 = arith.cmpi slt, %add3A_130, %lt3A_131 : i32
      %convert_element_type3A_133 = arith.extui %lt3A_132 : i1 to i32
      %cond3A_134 = arith.constant 0 : i32
      %cond3A_135 = arith.cmpi ne, %convert_element_type3A_133, %cond3A_134 : i32
      scf.if %cond3A_135 {
        %add3A_452 = arith.constant 2 : i32
        %add3A_453 = arith.addi %add3A_113, %add3A_452 : i32
        %mul3A_454 = arith.constant 80 : i32
        %mul3A_455 = arith.muli %add3A_453, %mul3A_454 : i32
        %add3A_456 = arith.addi %mul3A_2, %mul3A_455 : i32
        %dma_wait3A_457 = tpu.memref_slice %arg3[%add3A_456] : memref<640000xi32, #tpu.memory_space<hbm>> -> memref<80xi32, #tpu.memory_space<hbm>>
        %dma_wait3A_458 = tpu.memref_slice %arg3[%add3A_456] : memref<640000xi32, #tpu.memory_space<hbm>> -> memref<80xi32, #tpu.memory_space<hbm>>
        tpu.wait_dma2 semaphore(%arg25 : memref<!tpu.dma_semaphore, #tpu.memory_space<semaphore_mem>>) src(%dma_wait3A_458 : memref<80xi32, #tpu.memory_space<hbm>>) dst(%arg8 : memref<80xi32, #tpu.memory_space<vmem>>)
        %add3A_459 = arith.constant 320000 : i32
        %add3A_460 = arith.addi %add3A_459, %add3A_456 : i32
        %dma_wait3A_461 = tpu.memref_slice %arg3[%add3A_460] : memref<640000xi32, #tpu.memory_space<hbm>> -> memref<80xi32, #tpu.memory_space<hbm>>
        %dma_wait3A_462 = tpu.memref_slice %arg3[%add3A_460] : memref<640000xi32, #tpu.memory_space<hbm>> -> memref<80xi32, #tpu.memory_space<hbm>>
        tpu.wait_dma2 semaphore(%arg25 : memref<!tpu.dma_semaphore, #tpu.memory_space<semaphore_mem>>) src(%dma_wait3A_462 : memref<80xi32, #tpu.memory_space<hbm>>) dst(%arg14 : memref<80xi32, #tpu.memory_space<vmem>>)
        %dma_start3A_463 = arith.constant 0 : i32
        %dma_start3A_464 = arith.constant 0 : i32
        %dma_start3A_465 = tpu.memref_slice %arg2[%dma_start3A_463, %dma_start3A_464] : memref<10000x128xf32, #tpu.memory_space<hbm>> -> memref<10000x128xf32, #tpu.memory_space<hbm>>
        tpu.enqueue_indirect_dma source(%dma_start3A_465 : memref<10000x128xf32, #tpu.memory_space<hbm>>) target(%arg20 : memref<80x128xf32, #tpu.memory_space<vmem>>) offsets(%arg14 : memref<80xi32, #tpu.memory_space<vmem>>) semaphore(%arg31 : memref<!tpu.dma_semaphore, #tpu.memory_space<semaphore_mem>>)
      } else {
      }
      %lt3A_136 = arith.constant 125 : i32
      %lt3A_137 = arith.cmpi slt, %add3A_113, %lt3A_136 : i32
      %convert_element_type3A_138 = arith.extui %lt3A_137 : i1 to i32
      %cond3A_139 = arith.constant 0 : i32
      %cond3A_140 = arith.cmpi ne, %convert_element_type3A_138, %cond3A_139 : i32
      scf.if %cond3A_140 {
        %dma_wait3A_452 = arith.constant 0 : i32
        %dma_wait3A_453 = arith.constant 0 : i32
        %dma_wait3A_454 = tpu.memref_slice %arg2[%dma_wait3A_452, %dma_wait3A_453] : memref<10000x128xf32, #tpu.memory_space<hbm>> -> memref<10000x128xf32, #tpu.memory_space<hbm>>
        tpu.wait_indirect_dma semaphore(%arg29 : memref<!tpu.dma_semaphore, #tpu.memory_space<semaphore_mem>>) src(%dma_wait3A_454 : memref<10000x128xf32, #tpu.memory_space<hbm>>) dst(%arg18 : memref<80x128xf32, #tpu.memory_space<vmem>>)
        %dma_start3A_455 = arith.constant 0 : i32
        %dma_start3A_456 = arith.constant 0 : i32
        %dma_start3A_457 = tpu.memref_slice %arg21[%dma_start3A_455, %dma_start3A_456] : memref<10240x128xf32, #tpu.memory_space<vmem_shared>> -> memref<10240x128xf32, #tpu.memory_space<vmem_shared>>
        tpu.enqueue_indirect_dma source(%arg18 : memref<80x128xf32, #tpu.memory_space<vmem>>) target(%dma_start3A_457 : memref<10240x128xf32, #tpu.memory_space<vmem_shared>>) offsets(%arg6 : memref<80xi32, #tpu.memory_space<vmem>>) semaphore(%arg33 : memref<!tpu.dma_semaphore, #tpu.memory_space<semaphore_mem>>) {add = true}
      } else {
      }
      %mul3A_141 = arith.constant 12 : i32
      %mul3A_142 = arith.muli %scan3A_82, %mul3A_141 : i32
      %add3A_143 = arith.constant 2 : i32
      %add3A_144 = arith.addi %mul3A_142, %add3A_143 : i32
      %ge3A_145 = arith.constant 2 : i32
      %ge3A_146 = arith.cmpi sge, %add3A_144, %ge3A_145 : i32
      %lt3A_147 = arith.constant 127 : i32
      %lt3A_148 = arith.cmpi slt, %add3A_144, %lt3A_147 : i32
      %and3A_149 = arith.andi %ge3A_146, %lt3A_148 : i1
      %convert_element_type3A_150 = arith.extui %and3A_149 : i1 to i32
      %cond3A_151 = arith.constant 0 : i32
      %cond3A_152 = arith.cmpi ne, %convert_element_type3A_150, %cond3A_151 : i32
      scf.if %cond3A_152 {
        %dma_wait3A_452 = arith.constant 0 : i32
        %dma_wait3A_453 = arith.constant 0 : i32
        %dma_wait3A_454 = tpu.memref_slice %arg21[%dma_wait3A_452, %dma_wait3A_453] : memref<10240x128xf32, #tpu.memory_space<vmem_shared>> -> memref<10240x128xf32, #tpu.memory_space<vmem_shared>>
        tpu.wait_indirect_dma semaphore(%arg32 : memref<!tpu.dma_semaphore, #tpu.memory_space<semaphore_mem>>) src(%arg17 : memref<80x128xf32, #tpu.memory_space<vmem>>) dst(%dma_wait3A_454 : memref<10240x128xf32, #tpu.memory_space<vmem_shared>>)
      } else {
      }
      %add3A_153 = arith.constant 3 : i32
      %add3A_154 = arith.addi %add3A_144, %add3A_153 : i32
      %lt3A_155 = arith.constant 125 : i32
      %lt3A_156 = arith.cmpi slt, %add3A_154, %lt3A_155 : i32
      %convert_element_type3A_157 = arith.extui %lt3A_156 : i1 to i32
      %cond3A_158 = arith.constant 0 : i32
      %cond3A_159 = arith.cmpi ne, %convert_element_type3A_157, %cond3A_158 : i32
      scf.if %cond3A_159 {
        %add3A_452 = arith.constant 3 : i32
        %add3A_453 = arith.addi %add3A_144, %add3A_452 : i32
        %mul3A_454 = arith.constant 80 : i32
        %mul3A_455 = arith.muli %add3A_453, %mul3A_454 : i32
        %add3A_456 = arith.addi %mul3A_2, %mul3A_455 : i32
        %dma_start3A_457 = tpu.memref_slice %arg3[%add3A_456] : memref<640000xi32, #tpu.memory_space<hbm>> -> memref<80xi32, #tpu.memory_space<hbm>>
        %dma_start3A_458 = tpu.memref_slice %arg3[%add3A_456] : memref<640000xi32, #tpu.memory_space<hbm>> -> memref<80xi32, #tpu.memory_space<hbm>>
        tpu.enqueue_dma source(%dma_start3A_458 : memref<80xi32, #tpu.memory_space<hbm>>) target(%arg10 : memref<80xi32, #tpu.memory_space<vmem>>) target_semaphore(%arg27 : memref<!tpu.dma_semaphore, #tpu.memory_space<semaphore_mem>>)
        %add3A_459 = arith.constant 320000 : i32
        %add3A_460 = arith.addi %add3A_459, %add3A_456 : i32
        %dma_start3A_461 = tpu.memref_slice %arg3[%add3A_460] : memref<640000xi32, #tpu.memory_space<hbm>> -> memref<80xi32, #tpu.memory_space<hbm>>
        %dma_start3A_462 = tpu.memref_slice %arg3[%add3A_460] : memref<640000xi32, #tpu.memory_space<hbm>> -> memref<80xi32, #tpu.memory_space<hbm>>
        tpu.enqueue_dma source(%dma_start3A_462 : memref<80xi32, #tpu.memory_space<hbm>>) target(%arg16 : memref<80xi32, #tpu.memory_space<vmem>>) target_semaphore(%arg27 : memref<!tpu.dma_semaphore, #tpu.memory_space<semaphore_mem>>)
      } else {
      }
      %add3A_160 = arith.constant 2 : i32
      %add3A_161 = arith.addi %add3A_144, %add3A_160 : i32
      %lt3A_162 = arith.constant 125 : i32
      %lt3A_163 = arith.cmpi slt, %add3A_161, %lt3A_162 : i32
      %convert_element_type3A_164 = arith.extui %lt3A_163 : i1 to i32
      %cond3A_165 = arith.constant 0 : i32
      %cond3A_166 = arith.cmpi ne, %convert_element_type3A_164, %cond3A_165 : i32
      scf.if %cond3A_166 {
        %add3A_452 = arith.constant 2 : i32
        %add3A_453 = arith.addi %add3A_144, %add3A_452 : i32
        %mul3A_454 = arith.constant 80 : i32
        %mul3A_455 = arith.muli %add3A_453, %mul3A_454 : i32
        %add3A_456 = arith.addi %mul3A_2, %mul3A_455 : i32
        %dma_wait3A_457 = tpu.memref_slice %arg3[%add3A_456] : memref<640000xi32, #tpu.memory_space<hbm>> -> memref<80xi32, #tpu.memory_space<hbm>>
        %dma_wait3A_458 = tpu.memref_slice %arg3[%add3A_456] : memref<640000xi32, #tpu.memory_space<hbm>> -> memref<80xi32, #tpu.memory_space<hbm>>
        tpu.wait_dma2 semaphore(%arg26 : memref<!tpu.dma_semaphore, #tpu.memory_space<semaphore_mem>>) src(%dma_wait3A_458 : memref<80xi32, #tpu.memory_space<hbm>>) dst(%arg9 : memref<80xi32, #tpu.memory_space<vmem>>)
        %add3A_459 = arith.constant 320000 : i32
        %add3A_460 = arith.addi %add3A_459, %add3A_456 : i32
        %dma_wait3A_461 = tpu.memref_slice %arg3[%add3A_460] : memref<640000xi32, #tpu.memory_space<hbm>> -> memref<80xi32, #tpu.memory_space<hbm>>
        %dma_wait3A_462 = tpu.memref_slice %arg3[%add3A_460] : memref<640000xi32, #tpu.memory_space<hbm>> -> memref<80xi32, #tpu.memory_space<hbm>>
        tpu.wait_dma2 semaphore(%arg26 : memref<!tpu.dma_semaphore, #tpu.memory_space<semaphore_mem>>) src(%dma_wait3A_462 : memref<80xi32, #tpu.memory_space<hbm>>) dst(%arg15 : memref<80xi32, #tpu.memory_space<vmem>>)
        %dma_start3A_463 = arith.constant 0 : i32
        %dma_start3A_464 = arith.constant 0 : i32
        %dma_start3A_465 = tpu.memref_slice %arg2[%dma_start3A_463, %dma_start3A_464] : memref<10000x128xf32, #tpu.memory_space<hbm>> -> memref<10000x128xf32, #tpu.memory_space<hbm>>
        tpu.enqueue_indirect_dma source(%dma_start3A_465 : memref<10000x128xf32, #tpu.memory_space<hbm>>) target(%arg17 : memref<80x128xf32, #tpu.memory_space<vmem>>) offsets(%arg15 : memref<80xi32, #tpu.memory_space<vmem>>) semaphore(%arg28 : memref<!tpu.dma_semaphore, #tpu.memory_space<semaphore_mem>>)
      } else {
      }
      %lt3A_167 = arith.constant 125 : i32
      %lt3A_168 = arith.cmpi slt, %add3A_144, %lt3A_167 : i32
      %convert_element_type3A_169 = arith.extui %lt3A_168 : i1 to i32
      %cond3A_170 = arith.constant 0 : i32
      %cond3A_171 = arith.cmpi ne, %convert_element_type3A_169, %cond3A_170 : i32
      scf.if %cond3A_171 {
        %dma_wait3A_452 = arith.constant 0 : i32
        %dma_wait3A_453 = arith.constant 0 : i32
        %dma_wait3A_454 = tpu.memref_slice %arg2[%dma_wait3A_452, %dma_wait3A_453] : memref<10000x128xf32, #tpu.memory_space<hbm>> -> memref<10000x128xf32, #tpu.memory_space<hbm>>
        tpu.wait_indirect_dma semaphore(%arg30 : memref<!tpu.dma_semaphore, #tpu.memory_space<semaphore_mem>>) src(%dma_wait3A_454 : memref<10000x128xf32, #tpu.memory_space<hbm>>) dst(%arg19 : memref<80x128xf32, #tpu.memory_space<vmem>>)
        %dma_start3A_455 = arith.constant 0 : i32
        %dma_start3A_456 = arith.constant 0 : i32
        %dma_start3A_457 = tpu.memref_slice %arg21[%dma_start3A_455, %dma_start3A_456] : memref<10240x128xf32, #tpu.memory_space<vmem_shared>> -> memref<10240x128xf32, #tpu.memory_space<vmem_shared>>
        tpu.enqueue_indirect_dma source(%arg19 : memref<80x128xf32, #tpu.memory_space<vmem>>) target(%dma_start3A_457 : memref<10240x128xf32, #tpu.memory_space<vmem_shared>>) offsets(%arg7 : memref<80xi32, #tpu.memory_space<vmem>>) semaphore(%arg34 : memref<!tpu.dma_semaphore, #tpu.memory_space<semaphore_mem>>) {add = true}
      } else {
      }
      %mul3A_172 = arith.constant 12 : i32
      %mul3A_173 = arith.muli %scan3A_82, %mul3A_172 : i32
      %add3A_174 = arith.constant 3 : i32
      %add3A_175 = arith.addi %mul3A_173, %add3A_174 : i32
      %ge3A_176 = arith.constant 2 : i32
      %ge3A_177 = arith.cmpi sge, %add3A_175, %ge3A_176 : i32
      %lt3A_178 = arith.constant 127 : i32
      %lt3A_179 = arith.cmpi slt, %add3A_175, %lt3A_178 : i32
      %and3A_180 = arith.andi %ge3A_177, %lt3A_179 : i1
      %convert_element_type3A_181 = arith.extui %and3A_180 : i1 to i32
      %cond3A_182 = arith.constant 0 : i32
      %cond3A_183 = arith.cmpi ne, %convert_element_type3A_181, %cond3A_182 : i32
      scf.if %cond3A_183 {
        %dma_wait3A_452 = arith.constant 0 : i32
        %dma_wait3A_453 = arith.constant 0 : i32
        %dma_wait3A_454 = tpu.memref_slice %arg21[%dma_wait3A_452, %dma_wait3A_453] : memref<10240x128xf32, #tpu.memory_space<vmem_shared>> -> memref<10240x128xf32, #tpu.memory_space<vmem_shared>>
        tpu.wait_indirect_dma semaphore(%arg33 : memref<!tpu.dma_semaphore, #tpu.memory_space<semaphore_mem>>) src(%arg18 : memref<80x128xf32, #tpu.memory_space<vmem>>) dst(%dma_wait3A_454 : memref<10240x128xf32, #tpu.memory_space<vmem_shared>>)
      } else {
      }
      %add3A_184 = arith.constant 3 : i32
      %add3A_185 = arith.addi %add3A_175, %add3A_184 : i32
      %lt3A_186 = arith.constant 125 : i32
      %lt3A_187 = arith.cmpi slt, %add3A_185, %lt3A_186 : i32
      %convert_element_type3A_188 = arith.extui %lt3A_187 : i1 to i32
      %cond3A_189 = arith.constant 0 : i32
      %cond3A_190 = arith.cmpi ne, %convert_element_type3A_188, %cond3A_189 : i32
      scf.if %cond3A_190 {
        %add3A_452 = arith.constant 3 : i32
        %add3A_453 = arith.addi %add3A_175, %add3A_452 : i32
        %mul3A_454 = arith.constant 80 : i32
        %mul3A_455 = arith.muli %add3A_453, %mul3A_454 : i32
        %add3A_456 = arith.addi %mul3A_2, %mul3A_455 : i32
        %dma_start3A_457 = tpu.memref_slice %arg3[%add3A_456] : memref<640000xi32, #tpu.memory_space<hbm>> -> memref<80xi32, #tpu.memory_space<hbm>>
        %dma_start3A_458 = tpu.memref_slice %arg3[%add3A_456] : memref<640000xi32, #tpu.memory_space<hbm>> -> memref<80xi32, #tpu.memory_space<hbm>>
        tpu.enqueue_dma source(%dma_start3A_458 : memref<80xi32, #tpu.memory_space<hbm>>) target(%arg5 : memref<80xi32, #tpu.memory_space<vmem>>) target_semaphore(%arg22 : memref<!tpu.dma_semaphore, #tpu.memory_space<semaphore_mem>>)
        %add3A_459 = arith.constant 320000 : i32
        %add3A_460 = arith.addi %add3A_459, %add3A_456 : i32
        %dma_start3A_461 = tpu.memref_slice %arg3[%add3A_460] : memref<640000xi32, #tpu.memory_space<hbm>> -> memref<80xi32, #tpu.memory_space<hbm>>
        %dma_start3A_462 = tpu.memref_slice %arg3[%add3A_460] : memref<640000xi32, #tpu.memory_space<hbm>> -> memref<80xi32, #tpu.memory_space<hbm>>
        tpu.enqueue_dma source(%dma_start3A_462 : memref<80xi32, #tpu.memory_space<hbm>>) target(%arg11 : memref<80xi32, #tpu.memory_space<vmem>>) target_semaphore(%arg22 : memref<!tpu.dma_semaphore, #tpu.memory_space<semaphore_mem>>)
      } else {
      }
      %add3A_191 = arith.constant 2 : i32
      %add3A_192 = arith.addi %add3A_175, %add3A_191 : i32
      %lt3A_193 = arith.constant 125 : i32
      %lt3A_194 = arith.cmpi slt, %add3A_192, %lt3A_193 : i32
      %convert_element_type3A_195 = arith.extui %lt3A_194 : i1 to i32
      %cond3A_196 = arith.constant 0 : i32
      %cond3A_197 = arith.cmpi ne, %convert_element_type3A_195, %cond3A_196 : i32
      scf.if %cond3A_197 {
        %add3A_452 = arith.constant 2 : i32
        %add3A_453 = arith.addi %add3A_175, %add3A_452 : i32
        %mul3A_454 = arith.constant 80 : i32
        %mul3A_455 = arith.muli %add3A_453, %mul3A_454 : i32
        %add3A_456 = arith.addi %mul3A_2, %mul3A_455 : i32
        %dma_wait3A_457 = tpu.memref_slice %arg3[%add3A_456] : memref<640000xi32, #tpu.memory_space<hbm>> -> memref<80xi32, #tpu.memory_space<hbm>>
        %dma_wait3A_458 = tpu.memref_slice %arg3[%add3A_456] : memref<640000xi32, #tpu.memory_space<hbm>> -> memref<80xi32, #tpu.memory_space<hbm>>
        tpu.wait_dma2 semaphore(%arg27 : memref<!tpu.dma_semaphore, #tpu.memory_space<semaphore_mem>>) src(%dma_wait3A_458 : memref<80xi32, #tpu.memory_space<hbm>>) dst(%arg10 : memref<80xi32, #tpu.memory_space<vmem>>)
        %add3A_459 = arith.constant 320000 : i32
        %add3A_460 = arith.addi %add3A_459, %add3A_456 : i32
        %dma_wait3A_461 = tpu.memref_slice %arg3[%add3A_460] : memref<640000xi32, #tpu.memory_space<hbm>> -> memref<80xi32, #tpu.memory_space<hbm>>
        %dma_wait3A_462 = tpu.memref_slice %arg3[%add3A_460] : memref<640000xi32, #tpu.memory_space<hbm>> -> memref<80xi32, #tpu.memory_space<hbm>>
        tpu.wait_dma2 semaphore(%arg27 : memref<!tpu.dma_semaphore, #tpu.memory_space<semaphore_mem>>) src(%dma_wait3A_462 : memref<80xi32, #tpu.memory_space<hbm>>) dst(%arg16 : memref<80xi32, #tpu.memory_space<vmem>>)
        %dma_start3A_463 = arith.constant 0 : i32
        %dma_start3A_464 = arith.constant 0 : i32
        %dma_start3A_465 = tpu.memref_slice %arg2[%dma_start3A_463, %dma_start3A_464] : memref<10000x128xf32, #tpu.memory_space<hbm>> -> memref<10000x128xf32, #tpu.memory_space<hbm>>
        tpu.enqueue_indirect_dma source(%dma_start3A_465 : memref<10000x128xf32, #tpu.memory_space<hbm>>) target(%arg18 : memref<80x128xf32, #tpu.memory_space<vmem>>) offsets(%arg16 : memref<80xi32, #tpu.memory_space<vmem>>) semaphore(%arg29 : memref<!tpu.dma_semaphore, #tpu.memory_space<semaphore_mem>>)
      } else {
      }
      %lt3A_198 = arith.constant 125 : i32
      %lt3A_199 = arith.cmpi slt, %add3A_175, %lt3A_198 : i32
      %convert_element_type3A_200 = arith.extui %lt3A_199 : i1 to i32
      %cond3A_201 = arith.constant 0 : i32
      %cond3A_202 = arith.cmpi ne, %convert_element_type3A_200, %cond3A_201 : i32
      scf.if %cond3A_202 {
        %dma_wait3A_452 = arith.constant 0 : i32
        %dma_wait3A_453 = arith.constant 0 : i32
        %dma_wait3A_454 = tpu.memref_slice %arg2[%dma_wait3A_452, %dma_wait3A_453] : memref<10000x128xf32, #tpu.memory_space<hbm>> -> memref<10000x128xf32, #tpu.memory_space<hbm>>
        tpu.wait_indirect_dma semaphore(%arg31 : memref<!tpu.dma_semaphore, #tpu.memory_space<semaphore_mem>>) src(%dma_wait3A_454 : memref<10000x128xf32, #tpu.memory_space<hbm>>) dst(%arg20 : memref<80x128xf32, #tpu.memory_space<vmem>>)
        %dma_start3A_455 = arith.constant 0 : i32
        %dma_start3A_456 = arith.constant 0 : i32
        %dma_start3A_457 = tpu.memref_slice %arg21[%dma_start3A_455, %dma_start3A_456] : memref<10240x128xf32, #tpu.memory_space<vmem_shared>> -> memref<10240x128xf32, #tpu.memory_space<vmem_shared>>
        tpu.enqueue_indirect_dma source(%arg20 : memref<80x128xf32, #tpu.memory_space<vmem>>) target(%dma_start3A_457 : memref<10240x128xf32, #tpu.memory_space<vmem_shared>>) offsets(%arg8 : memref<80xi32, #tpu.memory_space<vmem>>) semaphore(%arg35 : memref<!tpu.dma_semaphore, #tpu.memory_space<semaphore_mem>>) {add = true}
      } else {
      }
      %mul3A_203 = arith.constant 12 : i32
      %mul3A_204 = arith.muli %scan3A_82, %mul3A_203 : i32
      %add3A_205 = arith.constant 4 : i32
      %add3A_206 = arith.addi %mul3A_204, %add3A_205 : i32
      %ge3A_207 = arith.constant 2 : i32
      %ge3A_208 = arith.cmpi sge, %add3A_206, %ge3A_207 : i32
      %lt3A_209 = arith.constant 127 : i32
      %lt3A_210 = arith.cmpi slt, %add3A_206, %lt3A_209 : i32
      %and3A_211 = arith.andi %ge3A_208, %lt3A_210 : i1
      %convert_element_type3A_212 = arith.extui %and3A_211 : i1 to i32
      %cond3A_213 = arith.constant 0 : i32
      %cond3A_214 = arith.cmpi ne, %convert_element_type3A_212, %cond3A_213 : i32
      scf.if %cond3A_214 {
        %dma_wait3A_452 = arith.constant 0 : i32
        %dma_wait3A_453 = arith.constant 0 : i32
        %dma_wait3A_454 = tpu.memref_slice %arg21[%dma_wait3A_452, %dma_wait3A_453] : memref<10240x128xf32, #tpu.memory_space<vmem_shared>> -> memref<10240x128xf32, #tpu.memory_space<vmem_shared>>
        tpu.wait_indirect_dma semaphore(%arg34 : memref<!tpu.dma_semaphore, #tpu.memory_space<semaphore_mem>>) src(%arg19 : memref<80x128xf32, #tpu.memory_space<vmem>>) dst(%dma_wait3A_454 : memref<10240x128xf32, #tpu.memory_space<vmem_shared>>)
      } else {
      }
      %add3A_215 = arith.constant 3 : i32
      %add3A_216 = arith.addi %add3A_206, %add3A_215 : i32
      %lt3A_217 = arith.constant 125 : i32
      %lt3A_218 = arith.cmpi slt, %add3A_216, %lt3A_217 : i32
      %convert_element_type3A_219 = arith.extui %lt3A_218 : i1 to i32
      %cond3A_220 = arith.constant 0 : i32
      %cond3A_221 = arith.cmpi ne, %convert_element_type3A_219, %cond3A_220 : i32
      scf.if %cond3A_221 {
        %add3A_452 = arith.constant 3 : i32
        %add3A_453 = arith.addi %add3A_206, %add3A_452 : i32
        %mul3A_454 = arith.constant 80 : i32
        %mul3A_455 = arith.muli %add3A_453, %mul3A_454 : i32
        %add3A_456 = arith.addi %mul3A_2, %mul3A_455 : i32
        %dma_start3A_457 = tpu.memref_slice %arg3[%add3A_456] : memref<640000xi32, #tpu.memory_space<hbm>> -> memref<80xi32, #tpu.memory_space<hbm>>
        %dma_start3A_458 = tpu.memref_slice %arg3[%add3A_456] : memref<640000xi32, #tpu.memory_space<hbm>> -> memref<80xi32, #tpu.memory_space<hbm>>
        tpu.enqueue_dma source(%dma_start3A_458 : memref<80xi32, #tpu.memory_space<hbm>>) target(%arg6 : memref<80xi32, #tpu.memory_space<vmem>>) target_semaphore(%arg23 : memref<!tpu.dma_semaphore, #tpu.memory_space<semaphore_mem>>)
        %add3A_459 = arith.constant 320000 : i32
        %add3A_460 = arith.addi %add3A_459, %add3A_456 : i32
        %dma_start3A_461 = tpu.memref_slice %arg3[%add3A_460] : memref<640000xi32, #tpu.memory_space<hbm>> -> memref<80xi32, #tpu.memory_space<hbm>>
        %dma_start3A_462 = tpu.memref_slice %arg3[%add3A_460] : memref<640000xi32, #tpu.memory_space<hbm>> -> memref<80xi32, #tpu.memory_space<hbm>>
        tpu.enqueue_dma source(%dma_start3A_462 : memref<80xi32, #tpu.memory_space<hbm>>) target(%arg12 : memref<80xi32, #tpu.memory_space<vmem>>) target_semaphore(%arg23 : memref<!tpu.dma_semaphore, #tpu.memory_space<semaphore_mem>>)
      } else {
      }
      %add3A_222 = arith.constant 2 : i32
      %add3A_223 = arith.addi %add3A_206, %add3A_222 : i32
      %lt3A_224 = arith.constant 125 : i32
      %lt3A_225 = arith.cmpi slt, %add3A_223, %lt3A_224 : i32
      %convert_element_type3A_226 = arith.extui %lt3A_225 : i1 to i32
      %cond3A_227 = arith.constant 0 : i32
      %cond3A_228 = arith.cmpi ne, %convert_element_type3A_226, %cond3A_227 : i32
      scf.if %cond3A_228 {
        %add3A_452 = arith.constant 2 : i32
        %add3A_453 = arith.addi %add3A_206, %add3A_452 : i32
        %mul3A_454 = arith.constant 80 : i32
        %mul3A_455 = arith.muli %add3A_453, %mul3A_454 : i32
        %add3A_456 = arith.addi %mul3A_2, %mul3A_455 : i32
        %dma_wait3A_457 = tpu.memref_slice %arg3[%add3A_456] : memref<640000xi32, #tpu.memory_space<hbm>> -> memref<80xi32, #tpu.memory_space<hbm>>
        %dma_wait3A_458 = tpu.memref_slice %arg3[%add3A_456] : memref<640000xi32, #tpu.memory_space<hbm>> -> memref<80xi32, #tpu.memory_space<hbm>>
        tpu.wait_dma2 semaphore(%arg22 : memref<!tpu.dma_semaphore, #tpu.memory_space<semaphore_mem>>) src(%dma_wait3A_458 : memref<80xi32, #tpu.memory_space<hbm>>) dst(%arg5 : memref<80xi32, #tpu.memory_space<vmem>>)
        %add3A_459 = arith.constant 320000 : i32
        %add3A_460 = arith.addi %add3A_459, %add3A_456 : i32
        %dma_wait3A_461 = tpu.memref_slice %arg3[%add3A_460] : memref<640000xi32, #tpu.memory_space<hbm>> -> memref<80xi32, #tpu.memory_space<hbm>>
        %dma_wait3A_462 = tpu.memref_slice %arg3[%add3A_460] : memref<640000xi32, #tpu.memory_space<hbm>> -> memref<80xi32, #tpu.memory_space<hbm>>
        tpu.wait_dma2 semaphore(%arg22 : memref<!tpu.dma_semaphore, #tpu.memory_space<semaphore_mem>>) src(%dma_wait3A_462 : memref<80xi32, #tpu.memory_space<hbm>>) dst(%arg11 : memref<80xi32, #tpu.memory_space<vmem>>)
        %dma_start3A_463 = arith.constant 0 : i32
        %dma_start3A_464 = arith.constant 0 : i32
        %dma_start3A_465 = tpu.memref_slice %arg2[%dma_start3A_463, %dma_start3A_464] : memref<10000x128xf32, #tpu.memory_space<hbm>> -> memref<10000x128xf32, #tpu.memory_space<hbm>>
        tpu.enqueue_indirect_dma source(%dma_start3A_465 : memref<10000x128xf32, #tpu.memory_space<hbm>>) target(%arg19 : memref<80x128xf32, #tpu.memory_space<vmem>>) offsets(%arg11 : memref<80xi32, #tpu.memory_space<vmem>>) semaphore(%arg30 : memref<!tpu.dma_semaphore, #tpu.memory_space<semaphore_mem>>)
      } else {
      }
      %lt3A_229 = arith.constant 125 : i32
      %lt3A_230 = arith.cmpi slt, %add3A_206, %lt3A_229 : i32
      %convert_element_type3A_231 = arith.extui %lt3A_230 : i1 to i32
      %cond3A_232 = arith.constant 0 : i32
      %cond3A_233 = arith.cmpi ne, %convert_element_type3A_231, %cond3A_232 : i32
      scf.if %cond3A_233 {
        %dma_wait3A_452 = arith.constant 0 : i32
        %dma_wait3A_453 = arith.constant 0 : i32
        %dma_wait3A_454 = tpu.memref_slice %arg2[%dma_wait3A_452, %dma_wait3A_453] : memref<10000x128xf32, #tpu.memory_space<hbm>> -> memref<10000x128xf32, #tpu.memory_space<hbm>>
        tpu.wait_indirect_dma semaphore(%arg28 : memref<!tpu.dma_semaphore, #tpu.memory_space<semaphore_mem>>) src(%dma_wait3A_454 : memref<10000x128xf32, #tpu.memory_space<hbm>>) dst(%arg17 : memref<80x128xf32, #tpu.memory_space<vmem>>)
        %dma_start3A_455 = arith.constant 0 : i32
        %dma_start3A_456 = arith.constant 0 : i32
        %dma_start3A_457 = tpu.memref_slice %arg21[%dma_start3A_455, %dma_start3A_456] : memref<10240x128xf32, #tpu.memory_space<vmem_shared>> -> memref<10240x128xf32, #tpu.memory_space<vmem_shared>>
        tpu.enqueue_indirect_dma source(%arg17 : memref<80x128xf32, #tpu.memory_space<vmem>>) target(%dma_start3A_457 : memref<10240x128xf32, #tpu.memory_space<vmem_shared>>) offsets(%arg9 : memref<80xi32, #tpu.memory_space<vmem>>) semaphore(%arg32 : memref<!tpu.dma_semaphore, #tpu.memory_space<semaphore_mem>>) {add = true}
      } else {
      }
      %mul3A_234 = arith.constant 12 : i32
      %mul3A_235 = arith.muli %scan3A_82, %mul3A_234 : i32
      %add3A_236 = arith.constant 5 : i32
      %add3A_237 = arith.addi %mul3A_235, %add3A_236 : i32
      %ge3A_238 = arith.constant 2 : i32
      %ge3A_239 = arith.cmpi sge, %add3A_237, %ge3A_238 : i32
      %lt3A_240 = arith.constant 127 : i32
      %lt3A_241 = arith.cmpi slt, %add3A_237, %lt3A_240 : i32
      %and3A_242 = arith.andi %ge3A_239, %lt3A_241 : i1
      %convert_element_type3A_243 = arith.extui %and3A_242 : i1 to i32
      %cond3A_244 = arith.constant 0 : i32
      %cond3A_245 = arith.cmpi ne, %convert_element_type3A_243, %cond3A_244 : i32
      scf.if %cond3A_245 {
        %dma_wait3A_452 = arith.constant 0 : i32
        %dma_wait3A_453 = arith.constant 0 : i32
        %dma_wait3A_454 = tpu.memref_slice %arg21[%dma_wait3A_452, %dma_wait3A_453] : memref<10240x128xf32, #tpu.memory_space<vmem_shared>> -> memref<10240x128xf32, #tpu.memory_space<vmem_shared>>
        tpu.wait_indirect_dma semaphore(%arg35 : memref<!tpu.dma_semaphore, #tpu.memory_space<semaphore_mem>>) src(%arg20 : memref<80x128xf32, #tpu.memory_space<vmem>>) dst(%dma_wait3A_454 : memref<10240x128xf32, #tpu.memory_space<vmem_shared>>)
      } else {
      }
      %add3A_246 = arith.constant 3 : i32
      %add3A_247 = arith.addi %add3A_237, %add3A_246 : i32
      %lt3A_248 = arith.constant 125 : i32
      %lt3A_249 = arith.cmpi slt, %add3A_247, %lt3A_248 : i32
      %convert_element_type3A_250 = arith.extui %lt3A_249 : i1 to i32
      %cond3A_251 = arith.constant 0 : i32
      %cond3A_252 = arith.cmpi ne, %convert_element_type3A_250, %cond3A_251 : i32
      scf.if %cond3A_252 {
        %add3A_452 = arith.constant 3 : i32
        %add3A_453 = arith.addi %add3A_237, %add3A_452 : i32
        %mul3A_454 = arith.constant 80 : i32
        %mul3A_455 = arith.muli %add3A_453, %mul3A_454 : i32
        %add3A_456 = arith.addi %mul3A_2, %mul3A_455 : i32
        %dma_start3A_457 = tpu.memref_slice %arg3[%add3A_456] : memref<640000xi32, #tpu.memory_space<hbm>> -> memref<80xi32, #tpu.memory_space<hbm>>
        %dma_start3A_458 = tpu.memref_slice %arg3[%add3A_456] : memref<640000xi32, #tpu.memory_space<hbm>> -> memref<80xi32, #tpu.memory_space<hbm>>
        tpu.enqueue_dma source(%dma_start3A_458 : memref<80xi32, #tpu.memory_space<hbm>>) target(%arg7 : memref<80xi32, #tpu.memory_space<vmem>>) target_semaphore(%arg24 : memref<!tpu.dma_semaphore, #tpu.memory_space<semaphore_mem>>)
        %add3A_459 = arith.constant 320000 : i32
        %add3A_460 = arith.addi %add3A_459, %add3A_456 : i32
        %dma_start3A_461 = tpu.memref_slice %arg3[%add3A_460] : memref<640000xi32, #tpu.memory_space<hbm>> -> memref<80xi32, #tpu.memory_space<hbm>>
        %dma_start3A_462 = tpu.memref_slice %arg3[%add3A_460] : memref<640000xi32, #tpu.memory_space<hbm>> -> memref<80xi32, #tpu.memory_space<hbm>>
        tpu.enqueue_dma source(%dma_start3A_462 : memref<80xi32, #tpu.memory_space<hbm>>) target(%arg13 : memref<80xi32, #tpu.memory_space<vmem>>) target_semaphore(%arg24 : memref<!tpu.dma_semaphore, #tpu.memory_space<semaphore_mem>>)
      } else {
      }
      %add3A_253 = arith.constant 2 : i32
      %add3A_254 = arith.addi %add3A_237, %add3A_253 : i32
      %lt3A_255 = arith.constant 125 : i32
      %lt3A_256 = arith.cmpi slt, %add3A_254, %lt3A_255 : i32
      %convert_element_type3A_257 = arith.extui %lt3A_256 : i1 to i32
      %cond3A_258 = arith.constant 0 : i32
      %cond3A_259 = arith.cmpi ne, %convert_element_type3A_257, %cond3A_258 : i32
      scf.if %cond3A_259 {
        %add3A_452 = arith.constant 2 : i32
        %add3A_453 = arith.addi %add3A_237, %add3A_452 : i32
        %mul3A_454 = arith.constant 80 : i32
        %mul3A_455 = arith.muli %add3A_453, %mul3A_454 : i32
        %add3A_456 = arith.addi %mul3A_2, %mul3A_455 : i32
        %dma_wait3A_457 = tpu.memref_slice %arg3[%add3A_456] : memref<640000xi32, #tpu.memory_space<hbm>> -> memref<80xi32, #tpu.memory_space<hbm>>
        %dma_wait3A_458 = tpu.memref_slice %arg3[%add3A_456] : memref<640000xi32, #tpu.memory_space<hbm>> -> memref<80xi32, #tpu.memory_space<hbm>>
        tpu.wait_dma2 semaphore(%arg23 : memref<!tpu.dma_semaphore, #tpu.memory_space<semaphore_mem>>) src(%dma_wait3A_458 : memref<80xi32, #tpu.memory_space<hbm>>) dst(%arg6 : memref<80xi32, #tpu.memory_space<vmem>>)
        %add3A_459 = arith.constant 320000 : i32
        %add3A_460 = arith.addi %add3A_459, %add3A_456 : i32
        %dma_wait3A_461 = tpu.memref_slice %arg3[%add3A_460] : memref<640000xi32, #tpu.memory_space<hbm>> -> memref<80xi32, #tpu.memory_space<hbm>>
        %dma_wait3A_462 = tpu.memref_slice %arg3[%add3A_460] : memref<640000xi32, #tpu.memory_space<hbm>> -> memref<80xi32, #tpu.memory_space<hbm>>
        tpu.wait_dma2 semaphore(%arg23 : memref<!tpu.dma_semaphore, #tpu.memory_space<semaphore_mem>>) src(%dma_wait3A_462 : memref<80xi32, #tpu.memory_space<hbm>>) dst(%arg12 : memref<80xi32, #tpu.memory_space<vmem>>)
        %dma_start3A_463 = arith.constant 0 : i32
        %dma_start3A_464 = arith.constant 0 : i32
        %dma_start3A_465 = tpu.memref_slice %arg2[%dma_start3A_463, %dma_start3A_464] : memref<10000x128xf32, #tpu.memory_space<hbm>> -> memref<10000x128xf32, #tpu.memory_space<hbm>>
        tpu.enqueue_indirect_dma source(%dma_start3A_465 : memref<10000x128xf32, #tpu.memory_space<hbm>>) target(%arg20 : memref<80x128xf32, #tpu.memory_space<vmem>>) offsets(%arg12 : memref<80xi32, #tpu.memory_space<vmem>>) semaphore(%arg31 : memref<!tpu.dma_semaphore, #tpu.memory_space<semaphore_mem>>)
      } else {
      }
      %lt3A_260 = arith.constant 125 : i32
      %lt3A_261 = arith.cmpi slt, %add3A_237, %lt3A_260 : i32
      %convert_element_type3A_262 = arith.extui %lt3A_261 : i1 to i32
      %cond3A_263 = arith.constant 0 : i32
      %cond3A_264 = arith.cmpi ne, %convert_element_type3A_262, %cond3A_263 : i32
      scf.if %cond3A_264 {
        %dma_wait3A_452 = arith.constant 0 : i32
        %dma_wait3A_453 = arith.constant 0 : i32
        %dma_wait3A_454 = tpu.memref_slice %arg2[%dma_wait3A_452, %dma_wait3A_453] : memref<10000x128xf32, #tpu.memory_space<hbm>> -> memref<10000x128xf32, #tpu.memory_space<hbm>>
        tpu.wait_indirect_dma semaphore(%arg29 : memref<!tpu.dma_semaphore, #tpu.memory_space<semaphore_mem>>) src(%dma_wait3A_454 : memref<10000x128xf32, #tpu.memory_space<hbm>>) dst(%arg18 : memref<80x128xf32, #tpu.memory_space<vmem>>)
        %dma_start3A_455 = arith.constant 0 : i32
        %dma_start3A_456 = arith.constant 0 : i32
        %dma_start3A_457 = tpu.memref_slice %arg21[%dma_start3A_455, %dma_start3A_456] : memref<10240x128xf32, #tpu.memory_space<vmem_shared>> -> memref<10240x128xf32, #tpu.memory_space<vmem_shared>>
        tpu.enqueue_indirect_dma source(%arg18 : memref<80x128xf32, #tpu.memory_space<vmem>>) target(%dma_start3A_457 : memref<10240x128xf32, #tpu.memory_space<vmem_shared>>) offsets(%arg10 : memref<80xi32, #tpu.memory_space<vmem>>) semaphore(%arg33 : memref<!tpu.dma_semaphore, #tpu.memory_space<semaphore_mem>>) {add = true}
      } else {
      }
      %mul3A_265 = arith.constant 12 : i32
      %mul3A_266 = arith.muli %scan3A_82, %mul3A_265 : i32
      %add3A_267 = arith.constant 6 : i32
      %add3A_268 = arith.addi %mul3A_266, %add3A_267 : i32
      %ge3A_269 = arith.constant 2 : i32
      %ge3A_270 = arith.cmpi sge, %add3A_268, %ge3A_269 : i32
      %lt3A_271 = arith.constant 127 : i32
      %lt3A_272 = arith.cmpi slt, %add3A_268, %lt3A_271 : i32
      %and3A_273 = arith.andi %ge3A_270, %lt3A_272 : i1
      %convert_element_type3A_274 = arith.extui %and3A_273 : i1 to i32
      %cond3A_275 = arith.constant 0 : i32
      %cond3A_276 = arith.cmpi ne, %convert_element_type3A_274, %cond3A_275 : i32
      scf.if %cond3A_276 {
        %dma_wait3A_452 = arith.constant 0 : i32
        %dma_wait3A_453 = arith.constant 0 : i32
        %dma_wait3A_454 = tpu.memref_slice %arg21[%dma_wait3A_452, %dma_wait3A_453] : memref<10240x128xf32, #tpu.memory_space<vmem_shared>> -> memref<10240x128xf32, #tpu.memory_space<vmem_shared>>
        tpu.wait_indirect_dma semaphore(%arg32 : memref<!tpu.dma_semaphore, #tpu.memory_space<semaphore_mem>>) src(%arg17 : memref<80x128xf32, #tpu.memory_space<vmem>>) dst(%dma_wait3A_454 : memref<10240x128xf32, #tpu.memory_space<vmem_shared>>)
      } else {
      }
      %add3A_277 = arith.constant 3 : i32
      %add3A_278 = arith.addi %add3A_268, %add3A_277 : i32
      %lt3A_279 = arith.constant 125 : i32
      %lt3A_280 = arith.cmpi slt, %add3A_278, %lt3A_279 : i32
      %convert_element_type3A_281 = arith.extui %lt3A_280 : i1 to i32
      %cond3A_282 = arith.constant 0 : i32
      %cond3A_283 = arith.cmpi ne, %convert_element_type3A_281, %cond3A_282 : i32
      scf.if %cond3A_283 {
        %add3A_452 = arith.constant 3 : i32
        %add3A_453 = arith.addi %add3A_268, %add3A_452 : i32
        %mul3A_454 = arith.constant 80 : i32
        %mul3A_455 = arith.muli %add3A_453, %mul3A_454 : i32
        %add3A_456 = arith.addi %mul3A_2, %mul3A_455 : i32
        %dma_start3A_457 = tpu.memref_slice %arg3[%add3A_456] : memref<640000xi32, #tpu.memory_space<hbm>> -> memref<80xi32, #tpu.memory_space<hbm>>
        %dma_start3A_458 = tpu.memref_slice %arg3[%add3A_456] : memref<640000xi32, #tpu.memory_space<hbm>> -> memref<80xi32, #tpu.memory_space<hbm>>
        tpu.enqueue_dma source(%dma_start3A_458 : memref<80xi32, #tpu.memory_space<hbm>>) target(%arg8 : memref<80xi32, #tpu.memory_space<vmem>>) target_semaphore(%arg25 : memref<!tpu.dma_semaphore, #tpu.memory_space<semaphore_mem>>)
        %add3A_459 = arith.constant 320000 : i32
        %add3A_460 = arith.addi %add3A_459, %add3A_456 : i32
        %dma_start3A_461 = tpu.memref_slice %arg3[%add3A_460] : memref<640000xi32, #tpu.memory_space<hbm>> -> memref<80xi32, #tpu.memory_space<hbm>>
        %dma_start3A_462 = tpu.memref_slice %arg3[%add3A_460] : memref<640000xi32, #tpu.memory_space<hbm>> -> memref<80xi32, #tpu.memory_space<hbm>>
        tpu.enqueue_dma source(%dma_start3A_462 : memref<80xi32, #tpu.memory_space<hbm>>) target(%arg14 : memref<80xi32, #tpu.memory_space<vmem>>) target_semaphore(%arg25 : memref<!tpu.dma_semaphore, #tpu.memory_space<semaphore_mem>>)
      } else {
      }
      %add3A_284 = arith.constant 2 : i32
      %add3A_285 = arith.addi %add3A_268, %add3A_284 : i32
      %lt3A_286 = arith.constant 125 : i32
      %lt3A_287 = arith.cmpi slt, %add3A_285, %lt3A_286 : i32
      %convert_element_type3A_288 = arith.extui %lt3A_287 : i1 to i32
      %cond3A_289 = arith.constant 0 : i32
      %cond3A_290 = arith.cmpi ne, %convert_element_type3A_288, %cond3A_289 : i32
      scf.if %cond3A_290 {
        %add3A_452 = arith.constant 2 : i32
        %add3A_453 = arith.addi %add3A_268, %add3A_452 : i32
        %mul3A_454 = arith.constant 80 : i32
        %mul3A_455 = arith.muli %add3A_453, %mul3A_454 : i32
        %add3A_456 = arith.addi %mul3A_2, %mul3A_455 : i32
        %dma_wait3A_457 = tpu.memref_slice %arg3[%add3A_456] : memref<640000xi32, #tpu.memory_space<hbm>> -> memref<80xi32, #tpu.memory_space<hbm>>
        %dma_wait3A_458 = tpu.memref_slice %arg3[%add3A_456] : memref<640000xi32, #tpu.memory_space<hbm>> -> memref<80xi32, #tpu.memory_space<hbm>>
        tpu.wait_dma2 semaphore(%arg24 : memref<!tpu.dma_semaphore, #tpu.memory_space<semaphore_mem>>) src(%dma_wait3A_458 : memref<80xi32, #tpu.memory_space<hbm>>) dst(%arg7 : memref<80xi32, #tpu.memory_space<vmem>>)
        %add3A_459 = arith.constant 320000 : i32
        %add3A_460 = arith.addi %add3A_459, %add3A_456 : i32
        %dma_wait3A_461 = tpu.memref_slice %arg3[%add3A_460] : memref<640000xi32, #tpu.memory_space<hbm>> -> memref<80xi32, #tpu.memory_space<hbm>>
        %dma_wait3A_462 = tpu.memref_slice %arg3[%add3A_460] : memref<640000xi32, #tpu.memory_space<hbm>> -> memref<80xi32, #tpu.memory_space<hbm>>
        tpu.wait_dma2 semaphore(%arg24 : memref<!tpu.dma_semaphore, #tpu.memory_space<semaphore_mem>>) src(%dma_wait3A_462 : memref<80xi32, #tpu.memory_space<hbm>>) dst(%arg13 : memref<80xi32, #tpu.memory_space<vmem>>)
        %dma_start3A_463 = arith.constant 0 : i32
        %dma_start3A_464 = arith.constant 0 : i32
        %dma_start3A_465 = tpu.memref_slice %arg2[%dma_start3A_463, %dma_start3A_464] : memref<10000x128xf32, #tpu.memory_space<hbm>> -> memref<10000x128xf32, #tpu.memory_space<hbm>>
        tpu.enqueue_indirect_dma source(%dma_start3A_465 : memref<10000x128xf32, #tpu.memory_space<hbm>>) target(%arg17 : memref<80x128xf32, #tpu.memory_space<vmem>>) offsets(%arg13 : memref<80xi32, #tpu.memory_space<vmem>>) semaphore(%arg28 : memref<!tpu.dma_semaphore, #tpu.memory_space<semaphore_mem>>)
      } else {
      }
      %lt3A_291 = arith.constant 125 : i32
      %lt3A_292 = arith.cmpi slt, %add3A_268, %lt3A_291 : i32
      %convert_element_type3A_293 = arith.extui %lt3A_292 : i1 to i32
      %cond3A_294 = arith.constant 0 : i32
      %cond3A_295 = arith.cmpi ne, %convert_element_type3A_293, %cond3A_294 : i32
      scf.if %cond3A_295 {
        %dma_wait3A_452 = arith.constant 0 : i32
        %dma_wait3A_453 = arith.constant 0 : i32
        %dma_wait3A_454 = tpu.memref_slice %arg2[%dma_wait3A_452, %dma_wait3A_453] : memref<10000x128xf32, #tpu.memory_space<hbm>> -> memref<10000x128xf32, #tpu.memory_space<hbm>>
        tpu.wait_indirect_dma semaphore(%arg30 : memref<!tpu.dma_semaphore, #tpu.memory_space<semaphore_mem>>) src(%dma_wait3A_454 : memref<10000x128xf32, #tpu.memory_space<hbm>>) dst(%arg19 : memref<80x128xf32, #tpu.memory_space<vmem>>)
        %dma_start3A_455 = arith.constant 0 : i32
        %dma_start3A_456 = arith.constant 0 : i32
        %dma_start3A_457 = tpu.memref_slice %arg21[%dma_start3A_455, %dma_start3A_456] : memref<10240x128xf32, #tpu.memory_space<vmem_shared>> -> memref<10240x128xf32, #tpu.memory_space<vmem_shared>>
        tpu.enqueue_indirect_dma source(%arg19 : memref<80x128xf32, #tpu.memory_space<vmem>>) target(%dma_start3A_457 : memref<10240x128xf32, #tpu.memory_space<vmem_shared>>) offsets(%arg5 : memref<80xi32, #tpu.memory_space<vmem>>) semaphore(%arg34 : memref<!tpu.dma_semaphore, #tpu.memory_space<semaphore_mem>>) {add = true}
      } else {
      }
      %mul3A_296 = arith.constant 12 : i32
      %mul3A_297 = arith.muli %scan3A_82, %mul3A_296 : i32
      %add3A_298 = arith.constant 7 : i32
      %add3A_299 = arith.addi %mul3A_297, %add3A_298 : i32
      %ge3A_300 = arith.constant 2 : i32
      %ge3A_301 = arith.cmpi sge, %add3A_299, %ge3A_300 : i32
      %lt3A_302 = arith.constant 127 : i32
      %lt3A_303 = arith.cmpi slt, %add3A_299, %lt3A_302 : i32
      %and3A_304 = arith.andi %ge3A_301, %lt3A_303 : i1
      %convert_element_type3A_305 = arith.extui %and3A_304 : i1 to i32
      %cond3A_306 = arith.constant 0 : i32
      %cond3A_307 = arith.cmpi ne, %convert_element_type3A_305, %cond3A_306 : i32
      scf.if %cond3A_307 {
        %dma_wait3A_452 = arith.constant 0 : i32
        %dma_wait3A_453 = arith.constant 0 : i32
        %dma_wait3A_454 = tpu.memref_slice %arg21[%dma_wait3A_452, %dma_wait3A_453] : memref<10240x128xf32, #tpu.memory_space<vmem_shared>> -> memref<10240x128xf32, #tpu.memory_space<vmem_shared>>
        tpu.wait_indirect_dma semaphore(%arg33 : memref<!tpu.dma_semaphore, #tpu.memory_space<semaphore_mem>>) src(%arg18 : memref<80x128xf32, #tpu.memory_space<vmem>>) dst(%dma_wait3A_454 : memref<10240x128xf32, #tpu.memory_space<vmem_shared>>)
      } else {
      }
      %add3A_308 = arith.constant 3 : i32
      %add3A_309 = arith.addi %add3A_299, %add3A_308 : i32
      %lt3A_310 = arith.constant 125 : i32
      %lt3A_311 = arith.cmpi slt, %add3A_309, %lt3A_310 : i32
      %convert_element_type3A_312 = arith.extui %lt3A_311 : i1 to i32
      %cond3A_313 = arith.constant 0 : i32
      %cond3A_314 = arith.cmpi ne, %convert_element_type3A_312, %cond3A_313 : i32
      scf.if %cond3A_314 {
        %add3A_452 = arith.constant 3 : i32
        %add3A_453 = arith.addi %add3A_299, %add3A_452 : i32
        %mul3A_454 = arith.constant 80 : i32
        %mul3A_455 = arith.muli %add3A_453, %mul3A_454 : i32
        %add3A_456 = arith.addi %mul3A_2, %mul3A_455 : i32
        %dma_start3A_457 = tpu.memref_slice %arg3[%add3A_456] : memref<640000xi32, #tpu.memory_space<hbm>> -> memref<80xi32, #tpu.memory_space<hbm>>
        %dma_start3A_458 = tpu.memref_slice %arg3[%add3A_456] : memref<640000xi32, #tpu.memory_space<hbm>> -> memref<80xi32, #tpu.memory_space<hbm>>
        tpu.enqueue_dma source(%dma_start3A_458 : memref<80xi32, #tpu.memory_space<hbm>>) target(%arg9 : memref<80xi32, #tpu.memory_space<vmem>>) target_semaphore(%arg26 : memref<!tpu.dma_semaphore, #tpu.memory_space<semaphore_mem>>)
        %add3A_459 = arith.constant 320000 : i32
        %add3A_460 = arith.addi %add3A_459, %add3A_456 : i32
        %dma_start3A_461 = tpu.memref_slice %arg3[%add3A_460] : memref<640000xi32, #tpu.memory_space<hbm>> -> memref<80xi32, #tpu.memory_space<hbm>>
        %dma_start3A_462 = tpu.memref_slice %arg3[%add3A_460] : memref<640000xi32, #tpu.memory_space<hbm>> -> memref<80xi32, #tpu.memory_space<hbm>>
        tpu.enqueue_dma source(%dma_start3A_462 : memref<80xi32, #tpu.memory_space<hbm>>) target(%arg15 : memref<80xi32, #tpu.memory_space<vmem>>) target_semaphore(%arg26 : memref<!tpu.dma_semaphore, #tpu.memory_space<semaphore_mem>>)
      } else {
      }
      %add3A_315 = arith.constant 2 : i32
      %add3A_316 = arith.addi %add3A_299, %add3A_315 : i32
      %lt3A_317 = arith.constant 125 : i32
      %lt3A_318 = arith.cmpi slt, %add3A_316, %lt3A_317 : i32
      %convert_element_type3A_319 = arith.extui %lt3A_318 : i1 to i32
      %cond3A_320 = arith.constant 0 : i32
      %cond3A_321 = arith.cmpi ne, %convert_element_type3A_319, %cond3A_320 : i32
      scf.if %cond3A_321 {
        %add3A_452 = arith.constant 2 : i32
        %add3A_453 = arith.addi %add3A_299, %add3A_452 : i32
        %mul3A_454 = arith.constant 80 : i32
        %mul3A_455 = arith.muli %add3A_453, %mul3A_454 : i32
        %add3A_456 = arith.addi %mul3A_2, %mul3A_455 : i32
        %dma_wait3A_457 = tpu.memref_slice %arg3[%add3A_456] : memref<640000xi32, #tpu.memory_space<hbm>> -> memref<80xi32, #tpu.memory_space<hbm>>
        %dma_wait3A_458 = tpu.memref_slice %arg3[%add3A_456] : memref<640000xi32, #tpu.memory_space<hbm>> -> memref<80xi32, #tpu.memory_space<hbm>>
        tpu.wait_dma2 semaphore(%arg25 : memref<!tpu.dma_semaphore, #tpu.memory_space<semaphore_mem>>) src(%dma_wait3A_458 : memref<80xi32, #tpu.memory_space<hbm>>) dst(%arg8 : memref<80xi32, #tpu.memory_space<vmem>>)
        %add3A_459 = arith.constant 320000 : i32
        %add3A_460 = arith.addi %add3A_459, %add3A_456 : i32
        %dma_wait3A_461 = tpu.memref_slice %arg3[%add3A_460] : memref<640000xi32, #tpu.memory_space<hbm>> -> memref<80xi32, #tpu.memory_space<hbm>>
        %dma_wait3A_462 = tpu.memref_slice %arg3[%add3A_460] : memref<640000xi32, #tpu.memory_space<hbm>> -> memref<80xi32, #tpu.memory_space<hbm>>
        tpu.wait_dma2 semaphore(%arg25 : memref<!tpu.dma_semaphore, #tpu.memory_space<semaphore_mem>>) src(%dma_wait3A_462 : memref<80xi32, #tpu.memory_space<hbm>>) dst(%arg14 : memref<80xi32, #tpu.memory_space<vmem>>)
        %dma_start3A_463 = arith.constant 0 : i32
        %dma_start3A_464 = arith.constant 0 : i32
        %dma_start3A_465 = tpu.memref_slice %arg2[%dma_start3A_463, %dma_start3A_464] : memref<10000x128xf32, #tpu.memory_space<hbm>> -> memref<10000x128xf32, #tpu.memory_space<hbm>>
        tpu.enqueue_indirect_dma source(%dma_start3A_465 : memref<10000x128xf32, #tpu.memory_space<hbm>>) target(%arg18 : memref<80x128xf32, #tpu.memory_space<vmem>>) offsets(%arg14 : memref<80xi32, #tpu.memory_space<vmem>>) semaphore(%arg29 : memref<!tpu.dma_semaphore, #tpu.memory_space<semaphore_mem>>)
      } else {
      }
      %lt3A_322 = arith.constant 125 : i32
      %lt3A_323 = arith.cmpi slt, %add3A_299, %lt3A_322 : i32
      %convert_element_type3A_324 = arith.extui %lt3A_323 : i1 to i32
      %cond3A_325 = arith.constant 0 : i32
      %cond3A_326 = arith.cmpi ne, %convert_element_type3A_324, %cond3A_325 : i32
      scf.if %cond3A_326 {
        %dma_wait3A_452 = arith.constant 0 : i32
        %dma_wait3A_453 = arith.constant 0 : i32
        %dma_wait3A_454 = tpu.memref_slice %arg2[%dma_wait3A_452, %dma_wait3A_453] : memref<10000x128xf32, #tpu.memory_space<hbm>> -> memref<10000x128xf32, #tpu.memory_space<hbm>>
        tpu.wait_indirect_dma semaphore(%arg31 : memref<!tpu.dma_semaphore, #tpu.memory_space<semaphore_mem>>) src(%dma_wait3A_454 : memref<10000x128xf32, #tpu.memory_space<hbm>>) dst(%arg20 : memref<80x128xf32, #tpu.memory_space<vmem>>)
        %dma_start3A_455 = arith.constant 0 : i32
        %dma_start3A_456 = arith.constant 0 : i32
        %dma_start3A_457 = tpu.memref_slice %arg21[%dma_start3A_455, %dma_start3A_456] : memref<10240x128xf32, #tpu.memory_space<vmem_shared>> -> memref<10240x128xf32, #tpu.memory_space<vmem_shared>>
        tpu.enqueue_indirect_dma source(%arg20 : memref<80x128xf32, #tpu.memory_space<vmem>>) target(%dma_start3A_457 : memref<10240x128xf32, #tpu.memory_space<vmem_shared>>) offsets(%arg6 : memref<80xi32, #tpu.memory_space<vmem>>) semaphore(%arg35 : memref<!tpu.dma_semaphore, #tpu.memory_space<semaphore_mem>>) {add = true}
      } else {
      }
      %mul3A_327 = arith.constant 12 : i32
      %mul3A_328 = arith.muli %scan3A_82, %mul3A_327 : i32
      %add3A_329 = arith.constant 8 : i32
      %add3A_330 = arith.addi %mul3A_328, %add3A_329 : i32
      %ge3A_331 = arith.constant 2 : i32
      %ge3A_332 = arith.cmpi sge, %add3A_330, %ge3A_331 : i32
      %lt3A_333 = arith.constant 127 : i32
      %lt3A_334 = arith.cmpi slt, %add3A_330, %lt3A_333 : i32
      %and3A_335 = arith.andi %ge3A_332, %lt3A_334 : i1
      %convert_element_type3A_336 = arith.extui %and3A_335 : i1 to i32
      %cond3A_337 = arith.constant 0 : i32
      %cond3A_338 = arith.cmpi ne, %convert_element_type3A_336, %cond3A_337 : i32
      scf.if %cond3A_338 {
        %dma_wait3A_452 = arith.constant 0 : i32
        %dma_wait3A_453 = arith.constant 0 : i32
        %dma_wait3A_454 = tpu.memref_slice %arg21[%dma_wait3A_452, %dma_wait3A_453] : memref<10240x128xf32, #tpu.memory_space<vmem_shared>> -> memref<10240x128xf32, #tpu.memory_space<vmem_shared>>
        tpu.wait_indirect_dma semaphore(%arg34 : memref<!tpu.dma_semaphore, #tpu.memory_space<semaphore_mem>>) src(%arg19 : memref<80x128xf32, #tpu.memory_space<vmem>>) dst(%dma_wait3A_454 : memref<10240x128xf32, #tpu.memory_space<vmem_shared>>)
      } else {
      }
      %add3A_339 = arith.constant 3 : i32
      %add3A_340 = arith.addi %add3A_330, %add3A_339 : i32
      %lt3A_341 = arith.constant 125 : i32
      %lt3A_342 = arith.cmpi slt, %add3A_340, %lt3A_341 : i32
      %convert_element_type3A_343 = arith.extui %lt3A_342 : i1 to i32
      %cond3A_344 = arith.constant 0 : i32
      %cond3A_345 = arith.cmpi ne, %convert_element_type3A_343, %cond3A_344 : i32
      scf.if %cond3A_345 {
        %add3A_452 = arith.constant 3 : i32
        %add3A_453 = arith.addi %add3A_330, %add3A_452 : i32
        %mul3A_454 = arith.constant 80 : i32
        %mul3A_455 = arith.muli %add3A_453, %mul3A_454 : i32
        %add3A_456 = arith.addi %mul3A_2, %mul3A_455 : i32
        %dma_start3A_457 = tpu.memref_slice %arg3[%add3A_456] : memref<640000xi32, #tpu.memory_space<hbm>> -> memref<80xi32, #tpu.memory_space<hbm>>
        %dma_start3A_458 = tpu.memref_slice %arg3[%add3A_456] : memref<640000xi32, #tpu.memory_space<hbm>> -> memref<80xi32, #tpu.memory_space<hbm>>
        tpu.enqueue_dma source(%dma_start3A_458 : memref<80xi32, #tpu.memory_space<hbm>>) target(%arg10 : memref<80xi32, #tpu.memory_space<vmem>>) target_semaphore(%arg27 : memref<!tpu.dma_semaphore, #tpu.memory_space<semaphore_mem>>)
        %add3A_459 = arith.constant 320000 : i32
        %add3A_460 = arith.addi %add3A_459, %add3A_456 : i32
        %dma_start3A_461 = tpu.memref_slice %arg3[%add3A_460] : memref<640000xi32, #tpu.memory_space<hbm>> -> memref<80xi32, #tpu.memory_space<hbm>>
        %dma_start3A_462 = tpu.memref_slice %arg3[%add3A_460] : memref<640000xi32, #tpu.memory_space<hbm>> -> memref<80xi32, #tpu.memory_space<hbm>>
        tpu.enqueue_dma source(%dma_start3A_462 : memref<80xi32, #tpu.memory_space<hbm>>) target(%arg16 : memref<80xi32, #tpu.memory_space<vmem>>) target_semaphore(%arg27 : memref<!tpu.dma_semaphore, #tpu.memory_space<semaphore_mem>>)
      } else {
      }
      %add3A_346 = arith.constant 2 : i32
      %add3A_347 = arith.addi %add3A_330, %add3A_346 : i32
      %lt3A_348 = arith.constant 125 : i32
      %lt3A_349 = arith.cmpi slt, %add3A_347, %lt3A_348 : i32
      %convert_element_type3A_350 = arith.extui %lt3A_349 : i1 to i32
      %cond3A_351 = arith.constant 0 : i32
      %cond3A_352 = arith.cmpi ne, %convert_element_type3A_350, %cond3A_351 : i32
      scf.if %cond3A_352 {
        %add3A_452 = arith.constant 2 : i32
        %add3A_453 = arith.addi %add3A_330, %add3A_452 : i32
        %mul3A_454 = arith.constant 80 : i32
        %mul3A_455 = arith.muli %add3A_453, %mul3A_454 : i32
        %add3A_456 = arith.addi %mul3A_2, %mul3A_455 : i32
        %dma_wait3A_457 = tpu.memref_slice %arg3[%add3A_456] : memref<640000xi32, #tpu.memory_space<hbm>> -> memref<80xi32, #tpu.memory_space<hbm>>
        %dma_wait3A_458 = tpu.memref_slice %arg3[%add3A_456] : memref<640000xi32, #tpu.memory_space<hbm>> -> memref<80xi32, #tpu.memory_space<hbm>>
        tpu.wait_dma2 semaphore(%arg26 : memref<!tpu.dma_semaphore, #tpu.memory_space<semaphore_mem>>) src(%dma_wait3A_458 : memref<80xi32, #tpu.memory_space<hbm>>) dst(%arg9 : memref<80xi32, #tpu.memory_space<vmem>>)
        %add3A_459 = arith.constant 320000 : i32
        %add3A_460 = arith.addi %add3A_459, %add3A_456 : i32
        %dma_wait3A_461 = tpu.memref_slice %arg3[%add3A_460] : memref<640000xi32, #tpu.memory_space<hbm>> -> memref<80xi32, #tpu.memory_space<hbm>>
        %dma_wait3A_462 = tpu.memref_slice %arg3[%add3A_460] : memref<640000xi32, #tpu.memory_space<hbm>> -> memref<80xi32, #tpu.memory_space<hbm>>
        tpu.wait_dma2 semaphore(%arg26 : memref<!tpu.dma_semaphore, #tpu.memory_space<semaphore_mem>>) src(%dma_wait3A_462 : memref<80xi32, #tpu.memory_space<hbm>>) dst(%arg15 : memref<80xi32, #tpu.memory_space<vmem>>)
        %dma_start3A_463 = arith.constant 0 : i32
        %dma_start3A_464 = arith.constant 0 : i32
        %dma_start3A_465 = tpu.memref_slice %arg2[%dma_start3A_463, %dma_start3A_464] : memref<10000x128xf32, #tpu.memory_space<hbm>> -> memref<10000x128xf32, #tpu.memory_space<hbm>>
        tpu.enqueue_indirect_dma source(%dma_start3A_465 : memref<10000x128xf32, #tpu.memory_space<hbm>>) target(%arg19 : memref<80x128xf32, #tpu.memory_space<vmem>>) offsets(%arg15 : memref<80xi32, #tpu.memory_space<vmem>>) semaphore(%arg30 : memref<!tpu.dma_semaphore, #tpu.memory_space<semaphore_mem>>)
      } else {
      }
      %lt3A_353 = arith.constant 125 : i32
      %lt3A_354 = arith.cmpi slt, %add3A_330, %lt3A_353 : i32
      %convert_element_type3A_355 = arith.extui %lt3A_354 : i1 to i32
      %cond3A_356 = arith.constant 0 : i32
      %cond3A_357 = arith.cmpi ne, %convert_element_type3A_355, %cond3A_356 : i32
      scf.if %cond3A_357 {
        %dma_wait3A_452 = arith.constant 0 : i32
        %dma_wait3A_453 = arith.constant 0 : i32
        %dma_wait3A_454 = tpu.memref_slice %arg2[%dma_wait3A_452, %dma_wait3A_453] : memref<10000x128xf32, #tpu.memory_space<hbm>> -> memref<10000x128xf32, #tpu.memory_space<hbm>>
        tpu.wait_indirect_dma semaphore(%arg28 : memref<!tpu.dma_semaphore, #tpu.memory_space<semaphore_mem>>) src(%dma_wait3A_454 : memref<10000x128xf32, #tpu.memory_space<hbm>>) dst(%arg17 : memref<80x128xf32, #tpu.memory_space<vmem>>)
        %dma_start3A_455 = arith.constant 0 : i32
        %dma_start3A_456 = arith.constant 0 : i32
        %dma_start3A_457 = tpu.memref_slice %arg21[%dma_start3A_455, %dma_start3A_456] : memref<10240x128xf32, #tpu.memory_space<vmem_shared>> -> memref<10240x128xf32, #tpu.memory_space<vmem_shared>>
        tpu.enqueue_indirect_dma source(%arg17 : memref<80x128xf32, #tpu.memory_space<vmem>>) target(%dma_start3A_457 : memref<10240x128xf32, #tpu.memory_space<vmem_shared>>) offsets(%arg7 : memref<80xi32, #tpu.memory_space<vmem>>) semaphore(%arg32 : memref<!tpu.dma_semaphore, #tpu.memory_space<semaphore_mem>>) {add = true}
      } else {
      }
      %mul3A_358 = arith.constant 12 : i32
      %mul3A_359 = arith.muli %scan3A_82, %mul3A_358 : i32
      %add3A_360 = arith.constant 9 : i32
      %add3A_361 = arith.addi %mul3A_359, %add3A_360 : i32
      %ge3A_362 = arith.constant 2 : i32
      %ge3A_363 = arith.cmpi sge, %add3A_361, %ge3A_362 : i32
      %lt3A_364 = arith.constant 127 : i32
      %lt3A_365 = arith.cmpi slt, %add3A_361, %lt3A_364 : i32
      %and3A_366 = arith.andi %ge3A_363, %lt3A_365 : i1
      %convert_element_type3A_367 = arith.extui %and3A_366 : i1 to i32
      %cond3A_368 = arith.constant 0 : i32
      %cond3A_369 = arith.cmpi ne, %convert_element_type3A_367, %cond3A_368 : i32
      scf.if %cond3A_369 {
        %dma_wait3A_452 = arith.constant 0 : i32
        %dma_wait3A_453 = arith.constant 0 : i32
        %dma_wait3A_454 = tpu.memref_slice %arg21[%dma_wait3A_452, %dma_wait3A_453] : memref<10240x128xf32, #tpu.memory_space<vmem_shared>> -> memref<10240x128xf32, #tpu.memory_space<vmem_shared>>
        tpu.wait_indirect_dma semaphore(%arg35 : memref<!tpu.dma_semaphore, #tpu.memory_space<semaphore_mem>>) src(%arg20 : memref<80x128xf32, #tpu.memory_space<vmem>>) dst(%dma_wait3A_454 : memref<10240x128xf32, #tpu.memory_space<vmem_shared>>)
      } else {
      }
      %add3A_370 = arith.constant 3 : i32
      %add3A_371 = arith.addi %add3A_361, %add3A_370 : i32
      %lt3A_372 = arith.constant 125 : i32
      %lt3A_373 = arith.cmpi slt, %add3A_371, %lt3A_372 : i32
      %convert_element_type3A_374 = arith.extui %lt3A_373 : i1 to i32
      %cond3A_375 = arith.constant 0 : i32
      %cond3A_376 = arith.cmpi ne, %convert_element_type3A_374, %cond3A_375 : i32
      scf.if %cond3A_376 {
        %add3A_452 = arith.constant 3 : i32
        %add3A_453 = arith.addi %add3A_361, %add3A_452 : i32
        %mul3A_454 = arith.constant 80 : i32
        %mul3A_455 = arith.muli %add3A_453, %mul3A_454 : i32
        %add3A_456 = arith.addi %mul3A_2, %mul3A_455 : i32
        %dma_start3A_457 = tpu.memref_slice %arg3[%add3A_456] : memref<640000xi32, #tpu.memory_space<hbm>> -> memref<80xi32, #tpu.memory_space<hbm>>
        %dma_start3A_458 = tpu.memref_slice %arg3[%add3A_456] : memref<640000xi32, #tpu.memory_space<hbm>> -> memref<80xi32, #tpu.memory_space<hbm>>
        tpu.enqueue_dma source(%dma_start3A_458 : memref<80xi32, #tpu.memory_space<hbm>>) target(%arg5 : memref<80xi32, #tpu.memory_space<vmem>>) target_semaphore(%arg22 : memref<!tpu.dma_semaphore, #tpu.memory_space<semaphore_mem>>)
        %add3A_459 = arith.constant 320000 : i32
        %add3A_460 = arith.addi %add3A_459, %add3A_456 : i32
        %dma_start3A_461 = tpu.memref_slice %arg3[%add3A_460] : memref<640000xi32, #tpu.memory_space<hbm>> -> memref<80xi32, #tpu.memory_space<hbm>>
        %dma_start3A_462 = tpu.memref_slice %arg3[%add3A_460] : memref<640000xi32, #tpu.memory_space<hbm>> -> memref<80xi32, #tpu.memory_space<hbm>>
        tpu.enqueue_dma source(%dma_start3A_462 : memref<80xi32, #tpu.memory_space<hbm>>) target(%arg11 : memref<80xi32, #tpu.memory_space<vmem>>) target_semaphore(%arg22 : memref<!tpu.dma_semaphore, #tpu.memory_space<semaphore_mem>>)
      } else {
      }
      %add3A_377 = arith.constant 2 : i32
      %add3A_378 = arith.addi %add3A_361, %add3A_377 : i32
      %lt3A_379 = arith.constant 125 : i32
      %lt3A_380 = arith.cmpi slt, %add3A_378, %lt3A_379 : i32
      %convert_element_type3A_381 = arith.extui %lt3A_380 : i1 to i32
      %cond3A_382 = arith.constant 0 : i32
      %cond3A_383 = arith.cmpi ne, %convert_element_type3A_381, %cond3A_382 : i32
      scf.if %cond3A_383 {
        %add3A_452 = arith.constant 2 : i32
        %add3A_453 = arith.addi %add3A_361, %add3A_452 : i32
        %mul3A_454 = arith.constant 80 : i32
        %mul3A_455 = arith.muli %add3A_453, %mul3A_454 : i32
        %add3A_456 = arith.addi %mul3A_2, %mul3A_455 : i32
        %dma_wait3A_457 = tpu.memref_slice %arg3[%add3A_456] : memref<640000xi32, #tpu.memory_space<hbm>> -> memref<80xi32, #tpu.memory_space<hbm>>
        %dma_wait3A_458 = tpu.memref_slice %arg3[%add3A_456] : memref<640000xi32, #tpu.memory_space<hbm>> -> memref<80xi32, #tpu.memory_space<hbm>>
        tpu.wait_dma2 semaphore(%arg27 : memref<!tpu.dma_semaphore, #tpu.memory_space<semaphore_mem>>) src(%dma_wait3A_458 : memref<80xi32, #tpu.memory_space<hbm>>) dst(%arg10 : memref<80xi32, #tpu.memory_space<vmem>>)
        %add3A_459 = arith.constant 320000 : i32
        %add3A_460 = arith.addi %add3A_459, %add3A_456 : i32
        %dma_wait3A_461 = tpu.memref_slice %arg3[%add3A_460] : memref<640000xi32, #tpu.memory_space<hbm>> -> memref<80xi32, #tpu.memory_space<hbm>>
        %dma_wait3A_462 = tpu.memref_slice %arg3[%add3A_460] : memref<640000xi32, #tpu.memory_space<hbm>> -> memref<80xi32, #tpu.memory_space<hbm>>
        tpu.wait_dma2 semaphore(%arg27 : memref<!tpu.dma_semaphore, #tpu.memory_space<semaphore_mem>>) src(%dma_wait3A_462 : memref<80xi32, #tpu.memory_space<hbm>>) dst(%arg16 : memref<80xi32, #tpu.memory_space<vmem>>)
        %dma_start3A_463 = arith.constant 0 : i32
        %dma_start3A_464 = arith.constant 0 : i32
        %dma_start3A_465 = tpu.memref_slice %arg2[%dma_start3A_463, %dma_start3A_464] : memref<10000x128xf32, #tpu.memory_space<hbm>> -> memref<10000x128xf32, #tpu.memory_space<hbm>>
        tpu.enqueue_indirect_dma source(%dma_start3A_465 : memref<10000x128xf32, #tpu.memory_space<hbm>>) target(%arg20 : memref<80x128xf32, #tpu.memory_space<vmem>>) offsets(%arg16 : memref<80xi32, #tpu.memory_space<vmem>>) semaphore(%arg31 : memref<!tpu.dma_semaphore, #tpu.memory_space<semaphore_mem>>)
      } else {
      }
      %lt3A_384 = arith.constant 125 : i32
      %lt3A_385 = arith.cmpi slt, %add3A_361, %lt3A_384 : i32
      %convert_element_type3A_386 = arith.extui %lt3A_385 : i1 to i32
      %cond3A_387 = arith.constant 0 : i32
      %cond3A_388 = arith.cmpi ne, %convert_element_type3A_386, %cond3A_387 : i32
      scf.if %cond3A_388 {
        %dma_wait3A_452 = arith.constant 0 : i32
        %dma_wait3A_453 = arith.constant 0 : i32
        %dma_wait3A_454 = tpu.memref_slice %arg2[%dma_wait3A_452, %dma_wait3A_453] : memref<10000x128xf32, #tpu.memory_space<hbm>> -> memref<10000x128xf32, #tpu.memory_space<hbm>>
        tpu.wait_indirect_dma semaphore(%arg29 : memref<!tpu.dma_semaphore, #tpu.memory_space<semaphore_mem>>) src(%dma_wait3A_454 : memref<10000x128xf32, #tpu.memory_space<hbm>>) dst(%arg18 : memref<80x128xf32, #tpu.memory_space<vmem>>)
        %dma_start3A_455 = arith.constant 0 : i32
        %dma_start3A_456 = arith.constant 0 : i32
        %dma_start3A_457 = tpu.memref_slice %arg21[%dma_start3A_455, %dma_start3A_456] : memref<10240x128xf32, #tpu.memory_space<vmem_shared>> -> memref<10240x128xf32, #tpu.memory_space<vmem_shared>>
        tpu.enqueue_indirect_dma source(%arg18 : memref<80x128xf32, #tpu.memory_space<vmem>>) target(%dma_start3A_457 : memref<10240x128xf32, #tpu.memory_space<vmem_shared>>) offsets(%arg8 : memref<80xi32, #tpu.memory_space<vmem>>) semaphore(%arg33 : memref<!tpu.dma_semaphore, #tpu.memory_space<semaphore_mem>>) {add = true}
      } else {
      }
      %mul3A_389 = arith.constant 12 : i32
      %mul3A_390 = arith.muli %scan3A_82, %mul3A_389 : i32
      %add3A_391 = arith.constant 10 : i32
      %add3A_392 = arith.addi %mul3A_390, %add3A_391 : i32
      %ge3A_393 = arith.constant 2 : i32
      %ge3A_394 = arith.cmpi sge, %add3A_392, %ge3A_393 : i32
      %lt3A_395 = arith.constant 127 : i32
      %lt3A_396 = arith.cmpi slt, %add3A_392, %lt3A_395 : i32
      %and3A_397 = arith.andi %ge3A_394, %lt3A_396 : i1
      %convert_element_type3A_398 = arith.extui %and3A_397 : i1 to i32
      %cond3A_399 = arith.constant 0 : i32
      %cond3A_400 = arith.cmpi ne, %convert_element_type3A_398, %cond3A_399 : i32
      scf.if %cond3A_400 {
        %dma_wait3A_452 = arith.constant 0 : i32
        %dma_wait3A_453 = arith.constant 0 : i32
        %dma_wait3A_454 = tpu.memref_slice %arg21[%dma_wait3A_452, %dma_wait3A_453] : memref<10240x128xf32, #tpu.memory_space<vmem_shared>> -> memref<10240x128xf32, #tpu.memory_space<vmem_shared>>
        tpu.wait_indirect_dma semaphore(%arg32 : memref<!tpu.dma_semaphore, #tpu.memory_space<semaphore_mem>>) src(%arg17 : memref<80x128xf32, #tpu.memory_space<vmem>>) dst(%dma_wait3A_454 : memref<10240x128xf32, #tpu.memory_space<vmem_shared>>)
      } else {
      }
      %add3A_401 = arith.constant 3 : i32
      %add3A_402 = arith.addi %add3A_392, %add3A_401 : i32
      %lt3A_403 = arith.constant 125 : i32
      %lt3A_404 = arith.cmpi slt, %add3A_402, %lt3A_403 : i32
      %convert_element_type3A_405 = arith.extui %lt3A_404 : i1 to i32
      %cond3A_406 = arith.constant 0 : i32
      %cond3A_407 = arith.cmpi ne, %convert_element_type3A_405, %cond3A_406 : i32
      scf.if %cond3A_407 {
        %add3A_452 = arith.constant 3 : i32
        %add3A_453 = arith.addi %add3A_392, %add3A_452 : i32
        %mul3A_454 = arith.constant 80 : i32
        %mul3A_455 = arith.muli %add3A_453, %mul3A_454 : i32
        %add3A_456 = arith.addi %mul3A_2, %mul3A_455 : i32
        %dma_start3A_457 = tpu.memref_slice %arg3[%add3A_456] : memref<640000xi32, #tpu.memory_space<hbm>> -> memref<80xi32, #tpu.memory_space<hbm>>
        %dma_start3A_458 = tpu.memref_slice %arg3[%add3A_456] : memref<640000xi32, #tpu.memory_space<hbm>> -> memref<80xi32, #tpu.memory_space<hbm>>
        tpu.enqueue_dma source(%dma_start3A_458 : memref<80xi32, #tpu.memory_space<hbm>>) target(%arg6 : memref<80xi32, #tpu.memory_space<vmem>>) target_semaphore(%arg23 : memref<!tpu.dma_semaphore, #tpu.memory_space<semaphore_mem>>)
        %add3A_459 = arith.constant 320000 : i32
        %add3A_460 = arith.addi %add3A_459, %add3A_456 : i32
        %dma_start3A_461 = tpu.memref_slice %arg3[%add3A_460] : memref<640000xi32, #tpu.memory_space<hbm>> -> memref<80xi32, #tpu.memory_space<hbm>>
        %dma_start3A_462 = tpu.memref_slice %arg3[%add3A_460] : memref<640000xi32, #tpu.memory_space<hbm>> -> memref<80xi32, #tpu.memory_space<hbm>>
        tpu.enqueue_dma source(%dma_start3A_462 : memref<80xi32, #tpu.memory_space<hbm>>) target(%arg12 : memref<80xi32, #tpu.memory_space<vmem>>) target_semaphore(%arg23 : memref<!tpu.dma_semaphore, #tpu.memory_space<semaphore_mem>>)
      } else {
      }
      %add3A_408 = arith.constant 2 : i32
      %add3A_409 = arith.addi %add3A_392, %add3A_408 : i32
      %lt3A_410 = arith.constant 125 : i32
      %lt3A_411 = arith.cmpi slt, %add3A_409, %lt3A_410 : i32
      %convert_element_type3A_412 = arith.extui %lt3A_411 : i1 to i32
      %cond3A_413 = arith.constant 0 : i32
      %cond3A_414 = arith.cmpi ne, %convert_element_type3A_412, %cond3A_413 : i32
      scf.if %cond3A_414 {
        %add3A_452 = arith.constant 2 : i32
        %add3A_453 = arith.addi %add3A_392, %add3A_452 : i32
        %mul3A_454 = arith.constant 80 : i32
        %mul3A_455 = arith.muli %add3A_453, %mul3A_454 : i32
        %add3A_456 = arith.addi %mul3A_2, %mul3A_455 : i32
        %dma_wait3A_457 = tpu.memref_slice %arg3[%add3A_456] : memref<640000xi32, #tpu.memory_space<hbm>> -> memref<80xi32, #tpu.memory_space<hbm>>
        %dma_wait3A_458 = tpu.memref_slice %arg3[%add3A_456] : memref<640000xi32, #tpu.memory_space<hbm>> -> memref<80xi32, #tpu.memory_space<hbm>>
        tpu.wait_dma2 semaphore(%arg22 : memref<!tpu.dma_semaphore, #tpu.memory_space<semaphore_mem>>) src(%dma_wait3A_458 : memref<80xi32, #tpu.memory_space<hbm>>) dst(%arg5 : memref<80xi32, #tpu.memory_space<vmem>>)
        %add3A_459 = arith.constant 320000 : i32
        %add3A_460 = arith.addi %add3A_459, %add3A_456 : i32
        %dma_wait3A_461 = tpu.memref_slice %arg3[%add3A_460] : memref<640000xi32, #tpu.memory_space<hbm>> -> memref<80xi32, #tpu.memory_space<hbm>>
        %dma_wait3A_462 = tpu.memref_slice %arg3[%add3A_460] : memref<640000xi32, #tpu.memory_space<hbm>> -> memref<80xi32, #tpu.memory_space<hbm>>
        tpu.wait_dma2 semaphore(%arg22 : memref<!tpu.dma_semaphore, #tpu.memory_space<semaphore_mem>>) src(%dma_wait3A_462 : memref<80xi32, #tpu.memory_space<hbm>>) dst(%arg11 : memref<80xi32, #tpu.memory_space<vmem>>)
        %dma_start3A_463 = arith.constant 0 : i32
        %dma_start3A_464 = arith.constant 0 : i32
        %dma_start3A_465 = tpu.memref_slice %arg2[%dma_start3A_463, %dma_start3A_464] : memref<10000x128xf32, #tpu.memory_space<hbm>> -> memref<10000x128xf32, #tpu.memory_space<hbm>>
        tpu.enqueue_indirect_dma source(%dma_start3A_465 : memref<10000x128xf32, #tpu.memory_space<hbm>>) target(%arg17 : memref<80x128xf32, #tpu.memory_space<vmem>>) offsets(%arg11 : memref<80xi32, #tpu.memory_space<vmem>>) semaphore(%arg28 : memref<!tpu.dma_semaphore, #tpu.memory_space<semaphore_mem>>)
      } else {
      }
      %lt3A_415 = arith.constant 125 : i32
      %lt3A_416 = arith.cmpi slt, %add3A_392, %lt3A_415 : i32
      %convert_element_type3A_417 = arith.extui %lt3A_416 : i1 to i32
      %cond3A_418 = arith.constant 0 : i32
      %cond3A_419 = arith.cmpi ne, %convert_element_type3A_417, %cond3A_418 : i32
      scf.if %cond3A_419 {
        %dma_wait3A_452 = arith.constant 0 : i32
        %dma_wait3A_453 = arith.constant 0 : i32
        %dma_wait3A_454 = tpu.memref_slice %arg2[%dma_wait3A_452, %dma_wait3A_453] : memref<10000x128xf32, #tpu.memory_space<hbm>> -> memref<10000x128xf32, #tpu.memory_space<hbm>>
        tpu.wait_indirect_dma semaphore(%arg30 : memref<!tpu.dma_semaphore, #tpu.memory_space<semaphore_mem>>) src(%dma_wait3A_454 : memref<10000x128xf32, #tpu.memory_space<hbm>>) dst(%arg19 : memref<80x128xf32, #tpu.memory_space<vmem>>)
        %dma_start3A_455 = arith.constant 0 : i32
        %dma_start3A_456 = arith.constant 0 : i32
        %dma_start3A_457 = tpu.memref_slice %arg21[%dma_start3A_455, %dma_start3A_456] : memref<10240x128xf32, #tpu.memory_space<vmem_shared>> -> memref<10240x128xf32, #tpu.memory_space<vmem_shared>>
        tpu.enqueue_indirect_dma source(%arg19 : memref<80x128xf32, #tpu.memory_space<vmem>>) target(%dma_start3A_457 : memref<10240x128xf32, #tpu.memory_space<vmem_shared>>) offsets(%arg9 : memref<80xi32, #tpu.memory_space<vmem>>) semaphore(%arg34 : memref<!tpu.dma_semaphore, #tpu.memory_space<semaphore_mem>>) {add = true}
      } else {
      }
      %mul3A_420 = arith.constant 12 : i32
      %mul3A_421 = arith.muli %scan3A_82, %mul3A_420 : i32
      %add3A_422 = arith.constant 11 : i32
      %add3A_423 = arith.addi %mul3A_421, %add3A_422 : i32
      %ge3A_424 = arith.constant 2 : i32
      %ge3A_425 = arith.cmpi sge, %add3A_423, %ge3A_424 : i32
      %lt3A_426 = arith.constant 127 : i32
      %lt3A_427 = arith.cmpi slt, %add3A_423, %lt3A_426 : i32
      %and3A_428 = arith.andi %ge3A_425, %lt3A_427 : i1
      %convert_element_type3A_429 = arith.extui %and3A_428 : i1 to i32
      %cond3A_430 = arith.constant 0 : i32
      %cond3A_431 = arith.cmpi ne, %convert_element_type3A_429, %cond3A_430 : i32
      scf.if %cond3A_431 {
        %dma_wait3A_452 = arith.constant 0 : i32
        %dma_wait3A_453 = arith.constant 0 : i32
        %dma_wait3A_454 = tpu.memref_slice %arg21[%dma_wait3A_452, %dma_wait3A_453] : memref<10240x128xf32, #tpu.memory_space<vmem_shared>> -> memref<10240x128xf32, #tpu.memory_space<vmem_shared>>
        tpu.wait_indirect_dma semaphore(%arg33 : memref<!tpu.dma_semaphore, #tpu.memory_space<semaphore_mem>>) src(%arg18 : memref<80x128xf32, #tpu.memory_space<vmem>>) dst(%dma_wait3A_454 : memref<10240x128xf32, #tpu.memory_space<vmem_shared>>)
      } else {
      }
      %add3A_432 = arith.constant 3 : i32
      %add3A_433 = arith.addi %add3A_423, %add3A_432 : i32
      %lt3A_434 = arith.constant 125 : i32
      %lt3A_435 = arith.cmpi slt, %add3A_433, %lt3A_434 : i32
      %convert_element_type3A_436 = arith.extui %lt3A_435 : i1 to i32
      %cond3A_437 = arith.constant 0 : i32
      %cond3A_438 = arith.cmpi ne, %convert_element_type3A_436, %cond3A_437 : i32
      scf.if %cond3A_438 {
        %add3A_452 = arith.constant 3 : i32
        %add3A_453 = arith.addi %add3A_423, %add3A_452 : i32
        %mul3A_454 = arith.constant 80 : i32
        %mul3A_455 = arith.muli %add3A_453, %mul3A_454 : i32
        %add3A_456 = arith.addi %mul3A_2, %mul3A_455 : i32
        %dma_start3A_457 = tpu.memref_slice %arg3[%add3A_456] : memref<640000xi32, #tpu.memory_space<hbm>> -> memref<80xi32, #tpu.memory_space<hbm>>
        %dma_start3A_458 = tpu.memref_slice %arg3[%add3A_456] : memref<640000xi32, #tpu.memory_space<hbm>> -> memref<80xi32, #tpu.memory_space<hbm>>
        tpu.enqueue_dma source(%dma_start3A_458 : memref<80xi32, #tpu.memory_space<hbm>>) target(%arg7 : memref<80xi32, #tpu.memory_space<vmem>>) target_semaphore(%arg24 : memref<!tpu.dma_semaphore, #tpu.memory_space<semaphore_mem>>)
        %add3A_459 = arith.constant 320000 : i32
        %add3A_460 = arith.addi %add3A_459, %add3A_456 : i32
        %dma_start3A_461 = tpu.memref_slice %arg3[%add3A_460] : memref<640000xi32, #tpu.memory_space<hbm>> -> memref<80xi32, #tpu.memory_space<hbm>>
        %dma_start3A_462 = tpu.memref_slice %arg3[%add3A_460] : memref<640000xi32, #tpu.memory_space<hbm>> -> memref<80xi32, #tpu.memory_space<hbm>>
        tpu.enqueue_dma source(%dma_start3A_462 : memref<80xi32, #tpu.memory_space<hbm>>) target(%arg13 : memref<80xi32, #tpu.memory_space<vmem>>) target_semaphore(%arg24 : memref<!tpu.dma_semaphore, #tpu.memory_space<semaphore_mem>>)
      } else {
      }
      %add3A_439 = arith.constant 2 : i32
      %add3A_440 = arith.addi %add3A_423, %add3A_439 : i32
      %lt3A_441 = arith.constant 125 : i32
      %lt3A_442 = arith.cmpi slt, %add3A_440, %lt3A_441 : i32
      %convert_element_type3A_443 = arith.extui %lt3A_442 : i1 to i32
      %cond3A_444 = arith.constant 0 : i32
      %cond3A_445 = arith.cmpi ne, %convert_element_type3A_443, %cond3A_444 : i32
      scf.if %cond3A_445 {
        %add3A_452 = arith.constant 2 : i32
        %add3A_453 = arith.addi %add3A_423, %add3A_452 : i32
        %mul3A_454 = arith.constant 80 : i32
        %mul3A_455 = arith.muli %add3A_453, %mul3A_454 : i32
        %add3A_456 = arith.addi %mul3A_2, %mul3A_455 : i32
        %dma_wait3A_457 = tpu.memref_slice %arg3[%add3A_456] : memref<640000xi32, #tpu.memory_space<hbm>> -> memref<80xi32, #tpu.memory_space<hbm>>
        %dma_wait3A_458 = tpu.memref_slice %arg3[%add3A_456] : memref<640000xi32, #tpu.memory_space<hbm>> -> memref<80xi32, #tpu.memory_space<hbm>>
        tpu.wait_dma2 semaphore(%arg23 : memref<!tpu.dma_semaphore, #tpu.memory_space<semaphore_mem>>) src(%dma_wait3A_458 : memref<80xi32, #tpu.memory_space<hbm>>) dst(%arg6 : memref<80xi32, #tpu.memory_space<vmem>>)
        %add3A_459 = arith.constant 320000 : i32
        %add3A_460 = arith.addi %add3A_459, %add3A_456 : i32
        %dma_wait3A_461 = tpu.memref_slice %arg3[%add3A_460] : memref<640000xi32, #tpu.memory_space<hbm>> -> memref<80xi32, #tpu.memory_space<hbm>>
        %dma_wait3A_462 = tpu.memref_slice %arg3[%add3A_460] : memref<640000xi32, #tpu.memory_space<hbm>> -> memref<80xi32, #tpu.memory_space<hbm>>
        tpu.wait_dma2 semaphore(%arg23 : memref<!tpu.dma_semaphore, #tpu.memory_space<semaphore_mem>>) src(%dma_wait3A_462 : memref<80xi32, #tpu.memory_space<hbm>>) dst(%arg12 : memref<80xi32, #tpu.memory_space<vmem>>)
        %dma_start3A_463 = arith.constant 0 : i32
        %dma_start3A_464 = arith.constant 0 : i32
        %dma_start3A_465 = tpu.memref_slice %arg2[%dma_start3A_463, %dma_start3A_464] : memref<10000x128xf32, #tpu.memory_space<hbm>> -> memref<10000x128xf32, #tpu.memory_space<hbm>>
        tpu.enqueue_indirect_dma source(%dma_start3A_465 : memref<10000x128xf32, #tpu.memory_space<hbm>>) target(%arg18 : memref<80x128xf32, #tpu.memory_space<vmem>>) offsets(%arg12 : memref<80xi32, #tpu.memory_space<vmem>>) semaphore(%arg29 : memref<!tpu.dma_semaphore, #tpu.memory_space<semaphore_mem>>)
      } else {
      }
      %lt3A_446 = arith.constant 125 : i32
      %lt3A_447 = arith.cmpi slt, %add3A_423, %lt3A_446 : i32
      %convert_element_type3A_448 = arith.extui %lt3A_447 : i1 to i32
      %cond3A_449 = arith.constant 0 : i32
      %cond3A_450 = arith.cmpi ne, %convert_element_type3A_448, %cond3A_449 : i32
      scf.if %cond3A_450 {
        %dma_wait3A_452 = arith.constant 0 : i32
        %dma_wait3A_453 = arith.constant 0 : i32
        %dma_wait3A_454 = tpu.memref_slice %arg2[%dma_wait3A_452, %dma_wait3A_453] : memref<10000x128xf32, #tpu.memory_space<hbm>> -> memref<10000x128xf32, #tpu.memory_space<hbm>>
        tpu.wait_indirect_dma semaphore(%arg31 : memref<!tpu.dma_semaphore, #tpu.memory_space<semaphore_mem>>) src(%dma_wait3A_454 : memref<10000x128xf32, #tpu.memory_space<hbm>>) dst(%arg20 : memref<80x128xf32, #tpu.memory_space<vmem>>)
        %dma_start3A_455 = arith.constant 0 : i32
        %dma_start3A_456 = arith.constant 0 : i32
        %dma_start3A_457 = tpu.memref_slice %arg21[%dma_start3A_455, %dma_start3A_456] : memref<10240x128xf32, #tpu.memory_space<vmem_shared>> -> memref<10240x128xf32, #tpu.memory_space<vmem_shared>>
        tpu.enqueue_indirect_dma source(%arg20 : memref<80x128xf32, #tpu.memory_space<vmem>>) target(%dma_start3A_457 : memref<10240x128xf32, #tpu.memory_space<vmem_shared>>) offsets(%arg10 : memref<80xi32, #tpu.memory_space<vmem>>) semaphore(%arg35 : memref<!tpu.dma_semaphore, #tpu.memory_space<semaphore_mem>>) {add = true}
      } else {
      }
      %scan3A_451 = arith.constant 0 : i32
      scf.yield %scan3A_451 : i32
    }
    %scan3A_80 = arith.constant 11 : i32
    %barrier3A_81 = arith.constant 0 : index
    tpu.barrier barrier_id(%barrier3A_81)
    "tpu.region"() ({
      %run_scoped3A = tpu.sem_alloc : memref<!tpu.dma_semaphore, #tpu.memory_space<semaphore_mem>>
      %dma_start3A_82 = arith.constant 0 : i32
      %dma_start3A_83 = tpu.memref_slice %arg4[%arg0, %mul3A_13, %dma_start3A_82] : memref<2x10240x128xf32, #tpu.memory_space<hbm>> -> memref<1x640x128xf32, #tpu.memory_space<hbm>>
      %dma_start3A_84 = tpu.memref_squeeze %dma_start3A_83 : memref<1x640x128xf32, #tpu.memory_space<hbm>> -> memref<640x128xf32, #tpu.memory_space<hbm>>
      %dma_start3A_85 = arith.constant 0 : i32
      %dma_start3A_86 = tpu.memref_slice %arg21[%mul3A_13, %dma_start3A_85] : memref<10240x128xf32, #tpu.memory_space<vmem_shared>> -> memref<640x128xf32, #tpu.memory_space<vmem_shared>>
      tpu.enqueue_dma source(%dma_start3A_86 : memref<640x128xf32, #tpu.memory_space<vmem_shared>>) target(%dma_start3A_84 : memref<640x128xf32, #tpu.memory_space<hbm>>) target_semaphore(%run_scoped3A : memref<!tpu.dma_semaphore, #tpu.memory_space<semaphore_mem>>)
      %dma_wait3A_87 = arith.constant 0 : i32
      %dma_wait3A_88 = tpu.memref_slice %arg4[%arg0, %mul3A_13, %dma_wait3A_87] : memref<2x10240x128xf32, #tpu.memory_space<hbm>> -> memref<1x640x128xf32, #tpu.memory_space<hbm>>
      %dma_wait3A_89 = tpu.memref_squeeze %dma_wait3A_88 : memref<1x640x128xf32, #tpu.memory_space<hbm>> -> memref<640x128xf32, #tpu.memory_space<hbm>>
      %dma_wait3A_90 = arith.constant 0 : i32
      %dma_wait3A_91 = tpu.memref_slice %arg21[%mul3A_13, %dma_wait3A_90] : memref<10240x128xf32, #tpu.memory_space<vmem_shared>> -> memref<640x128xf32, #tpu.memory_space<vmem_shared>>
      tpu.wait_dma2 semaphore(%run_scoped3A : memref<!tpu.dma_semaphore, #tpu.memory_space<semaphore_mem>>) src(%dma_wait3A_91 : memref<640x128xf32, #tpu.memory_space<vmem_shared>>) dst(%dma_wait3A_89 : memref<640x128xf32, #tpu.memory_space<hbm>>)
      tpu.yield
    }) : () -> ()
    return
  }
}

module attributes {stable_mosaic.version = 14 : i64} {
  func.func @_layer_body(%arg0: i32, %arg1: memref<2000x128xf32, #tpu.memory_space<vmem>>, %arg2: memref<1x2000x128xf32, #tpu.memory_space<vmem>>, %arg3: memref<1x2000x128xf32, #tpu.memory_space<vmem>>, %arg4: memref<2000x1xf32, #tpu.memory_space<vmem>>, %arg5: memref<256x128xf32, #tpu.memory_space<vmem>>, %arg6: memref<1x128xf32, #tpu.memory_space<vmem>>, %arg7: memref<2000x128xf32, #tpu.memory_space<vmem>>) attributes {dimension_semantics = [#tpu.dimension_semantics<arbitrary>], iteration_bounds = array<i64: 5>, scalar_prefetch = 0 : i64, scratch_operands = 0 : i64, tpu.core_type = #tpu.core_type<tc>, window_params = [{transform_indices = @transform_0, window_bounds = array<i64: 2000, 128>}, {transform_indices = @transform_1, window_bounds = array<i64: 1, 2000, 128>}, {transform_indices = @transform_2, window_bounds = array<i64: 1, 2000, 128>}, {transform_indices = @transform_3, window_bounds = array<i64: 2000, 1>}, {pipeline_mode = #tpu.pipeline_mode<synchronous>, transform_indices = @transform_4, window_bounds = array<i64: 256, 128>}, {pipeline_mode = #tpu.pipeline_mode<synchronous>, transform_indices = @transform_5, window_bounds = array<i64: 1, 128>}, {transform_indices = @transform_6, window_bounds = array<i64: 2000, 128>}]} {
    %get3A = arith.constant 0 : index
    %get3A_0 = arith.constant 0 : index
    %get3A_1 = arith.constant 0 : index
    %get3A_2 = vector.load %arg2[%get3A, %get3A_0, %get3A_1] : memref<1x2000x128xf32, #tpu.memory_space<vmem>>, vector<1x2000x128xf32>
    %get3A_3 = vector.shape_cast %get3A_2 : vector<1x2000x128xf32> to vector<2000x128xf32>
    %get3A_4 = arith.constant 0 : index
    %get3A_5 = arith.constant 0 : index
    %get3A_6 = arith.constant 0 : index
    %get3A_7 = vector.load %arg3[%get3A_4, %get3A_5, %get3A_6] : memref<1x2000x128xf32, #tpu.memory_space<vmem>>, vector<1x2000x128xf32>
    %get3A_8 = vector.shape_cast %get3A_7 : vector<1x2000x128xf32> to vector<2000x128xf32>
    %add3A = arith.addf %get3A_3, %get3A_8 : vector<2000x128xf32>
    %get3A_9 = arith.constant 0 : index
    %get3A_10 = arith.constant 0 : index
    %get3A_11 = vector.load %arg4[%get3A_9, %get3A_10] : memref<2000x1xf32, #tpu.memory_space<vmem>>, vector<2000x1xf32>
    %mul3A = vector.broadcast %get3A_11 : vector<2000x1xf32> to vector<2000x128xf32>
    %mul3A_12 = arith.mulf %add3A, %mul3A : vector<2000x128xf32>
    %get3A_13 = arith.constant 0 : index
    %get3A_14 = arith.constant 0 : index
    %get3A_15 = vector.load %arg5[%get3A_13, %get3A_14] : memref<256x128xf32, #tpu.memory_space<vmem>>, vector<256x128xf32>
    %get3A_16 = arith.constant 0 : index
    %get3A_17 = arith.constant 0 : index
    %get3A_18 = vector.load %arg1[%get3A_16, %get3A_17] : memref<2000x128xf32, #tpu.memory_space<vmem>>, vector<2000x128xf32>
    %slice3A = vector.extract_strided_slice %get3A_15 {offsets = [0, 0], sizes = [128, 128], strides = [1, 1]} : vector<256x128xf32> to vector<128x128xf32>
    %dot_general3A = arith.constant dense<0.000000e+00> : vector<2000x128xf32>
    %dot_general3A_19 = tpu.matmul %get3A_18, %slice3A, %dot_general3A {dimension_numbers = #tpu.dot_dimension_numbers<[1], [0], [0], [1], [0, 0, 1, 1], [], []>, transpose_lhs_hint = false} : vector<2000x128xf32>, vector<128x128xf32>, vector<2000x128xf32> -> vector<2000x128xf32>
    %slice3A_20 = vector.extract_strided_slice %get3A_15 {offsets = [128, 0], sizes = [128, 128], strides = [1, 1]} : vector<256x128xf32> to vector<128x128xf32>
    %dot_general3A_21 = arith.constant dense<0.000000e+00> : vector<2000x128xf32>
    %dot_general3A_22 = tpu.matmul %mul3A_12, %slice3A_20, %dot_general3A_21 {dimension_numbers = #tpu.dot_dimension_numbers<[1], [0], [0], [1], [0, 0, 1, 1], [], []>, transpose_lhs_hint = false} : vector<2000x128xf32>, vector<128x128xf32>, vector<2000x128xf32> -> vector<2000x128xf32>
    %add3A_23 = arith.addf %dot_general3A_19, %dot_general3A_22 : vector<2000x128xf32>
    %get3A_24 = arith.constant 0 : index
    %get3A_25 = arith.constant 0 : index
    %get3A_26 = vector.load %arg6[%get3A_24, %get3A_25] : memref<1x128xf32, #tpu.memory_space<vmem>>, vector<1x128xf32>
    %add3A_27 = vector.broadcast %get3A_26 : vector<1x128xf32> to vector<2000x128xf32>
    %add3A_28 = arith.addf %add3A_23, %add3A_27 : vector<2000x128xf32>
    %max3A = arith.constant 0.000000e+00 : f32
    %max3A_29 = vector.broadcast %max3A : f32 to vector<2000x128xf32>
    %max3A_30 = arith.maximumf %add3A_28, %max3A_29 : vector<2000x128xf32>
    %swap3A = arith.constant 0 : index
    %swap3A_31 = arith.constant 0 : index
    %swap3A_32 = vector.load %arg7[%swap3A, %swap3A_31] : memref<2000x128xf32, #tpu.memory_space<vmem>>, vector<2000x128xf32>
    tpu.vector_store %arg7[%swap3A, %swap3A_31], %max3A_30 {strides = array<i32>} : memref<2000x128xf32, #tpu.memory_space<vmem>>, vector<2000x128xf32>,
    return
  }
  func.func @transform_0(%arg0: i32) -> (i32, i32) {
    %c0_i32 = arith.constant 0 : i32
    %c0_i32_0 = arith.constant 0 : i32
    return %arg0, %c0_i32 : i32, i32
  }
  func.func @transform_1(%arg0: i32) -> (i32, i32, i32) {
    %c0_i32 = arith.constant 0 : i32
    %c0_i32_0 = arith.constant 0 : i32
    %c0_i32_1 = arith.constant 0 : i32
    return %c0_i32, %arg0, %c0_i32_0 : i32, i32, i32
  }
  func.func @transform_2(%arg0: i32) -> (i32, i32, i32) {
    %c1_i32 = arith.constant 1 : i32
    %c0_i32 = arith.constant 0 : i32
    %c0_i32_0 = arith.constant 0 : i32
    return %c1_i32, %arg0, %c0_i32 : i32, i32, i32
  }
  func.func @transform_3(%arg0: i32) -> (i32, i32) {
    %c0_i32 = arith.constant 0 : i32
    %c0_i32_0 = arith.constant 0 : i32
    return %arg0, %c0_i32 : i32, i32
  }
  func.func @transform_4(%arg0: i32) -> (i32, i32) {
    %c0_i32 = arith.constant 0 : i32
    %c0_i32_0 = arith.constant 0 : i32
    %c0_i32_1 = arith.constant 0 : i32
    return %c0_i32, %c0_i32_0 : i32, i32
  }
  func.func @transform_5(%arg0: i32) -> (i32, i32) {
    %c0_i32 = arith.constant 0 : i32
    %c0_i32_0 = arith.constant 0 : i32
    %c0_i32_1 = arith.constant 0 : i32
    return %c0_i32, %c0_i32_0 : i32, i32
  }
  func.func @transform_6(%arg0: i32) -> (i32, i32) {
    %c0_i32 = arith.constant 0 : i32
    %c0_i32_0 = arith.constant 0 : i32
    return %arg0, %c0_i32 : i32, i32
  }
}

module attributes {stable_mosaic.version = 14 : i64} {
  func.func @_tail_body(%arg0: i32, %arg1: memref<2000x128xf32, #tpu.memory_space<vmem>>, %arg2: memref<1x2000x128xf32, #tpu.memory_space<vmem>>, %arg3: memref<1x2000x128xf32, #tpu.memory_space<vmem>>, %arg4: memref<2000x1xf32, #tpu.memory_space<vmem>>, %arg5: memref<256x128xf32, #tpu.memory_space<vmem>>, %arg6: memref<1x128xf32, #tpu.memory_space<vmem>>, %arg7: memref<128x128xf32, #tpu.memory_space<vmem>>, %arg8: memref<1x128xf32, #tpu.memory_space<vmem>>, %arg9: memref<128x40xf32, #tpu.memory_space<vmem>>, %arg10: memref<1x40xf32, #tpu.memory_space<vmem>>, %arg11: memref<2000x40xf32, #tpu.memory_space<vmem>>) attributes {dimension_semantics = [#tpu.dimension_semantics<arbitrary>], iteration_bounds = array<i64: 5>, scalar_prefetch = 0 : i64, scratch_operands = 0 : i64, tpu.core_type = #tpu.core_type<tc>, window_params = [{transform_indices = @transform_0, window_bounds = array<i64: 2000, 128>}, {transform_indices = @transform_1, window_bounds = array<i64: 1, 2000, 128>}, {transform_indices = @transform_2, window_bounds = array<i64: 1, 2000, 128>}, {transform_indices = @transform_3, window_bounds = array<i64: 2000, 1>}, {pipeline_mode = #tpu.pipeline_mode<synchronous>, transform_indices = @transform_4, window_bounds = array<i64: 256, 128>}, {pipeline_mode = #tpu.pipeline_mode<synchronous>, transform_indices = @transform_5, window_bounds = array<i64: 1, 128>}, {pipeline_mode = #tpu.pipeline_mode<synchronous>, transform_indices = @transform_6, window_bounds = array<i64: 128, 128>}, {pipeline_mode = #tpu.pipeline_mode<synchronous>, transform_indices = @transform_7, window_bounds = array<i64: 1, 128>}, {pipeline_mode = #tpu.pipeline_mode<synchronous>, transform_indices = @transform_8, window_bounds = array<i64: 128, 40>}, {pipeline_mode = #tpu.pipeline_mode<synchronous>, transform_indices = @transform_9, window_bounds = array<i64: 1, 40>}, {transform_indices = @transform_10, window_bounds = array<i64: 2000, 40>}]} {
    %get3A = arith.constant 0 : index
    %get3A_0 = arith.constant 0 : index
    %get3A_1 = arith.constant 0 : index
    %get3A_2 = vector.load %arg2[%get3A, %get3A_0, %get3A_1] : memref<1x2000x128xf32, #tpu.memory_space<vmem>>, vector<1x2000x128xf32>
    %get3A_3 = vector.shape_cast %get3A_2 : vector<1x2000x128xf32> to vector<2000x128xf32>
    %get3A_4 = arith.constant 0 : index
    %get3A_5 = arith.constant 0 : index
    %get3A_6 = arith.constant 0 : index
    %get3A_7 = vector.load %arg3[%get3A_4, %get3A_5, %get3A_6] : memref<1x2000x128xf32, #tpu.memory_space<vmem>>, vector<1x2000x128xf32>
    %get3A_8 = vector.shape_cast %get3A_7 : vector<1x2000x128xf32> to vector<2000x128xf32>
    %add3A = arith.addf %get3A_3, %get3A_8 : vector<2000x128xf32>
    %get3A_9 = arith.constant 0 : index
    %get3A_10 = arith.constant 0 : index
    %get3A_11 = vector.load %arg4[%get3A_9, %get3A_10] : memref<2000x1xf32, #tpu.memory_space<vmem>>, vector<2000x1xf32>
    %mul3A = vector.broadcast %get3A_11 : vector<2000x1xf32> to vector<2000x128xf32>
    %mul3A_12 = arith.mulf %add3A, %mul3A : vector<2000x128xf32>
    %get3A_13 = arith.constant 0 : index
    %get3A_14 = arith.constant 0 : index
    %get3A_15 = vector.load %arg5[%get3A_13, %get3A_14] : memref<256x128xf32, #tpu.memory_space<vmem>>, vector<256x128xf32>
    %get3A_16 = arith.constant 0 : index
    %get3A_17 = arith.constant 0 : index
    %get3A_18 = vector.load %arg1[%get3A_16, %get3A_17] : memref<2000x128xf32, #tpu.memory_space<vmem>>, vector<2000x128xf32>
    %slice3A = vector.extract_strided_slice %get3A_15 {offsets = [0, 0], sizes = [128, 128], strides = [1, 1]} : vector<256x128xf32> to vector<128x128xf32>
    %dot_general3A = arith.constant dense<0.000000e+00> : vector<2000x128xf32>
    %dot_general3A_19 = tpu.matmul %get3A_18, %slice3A, %dot_general3A {dimension_numbers = #tpu.dot_dimension_numbers<[1], [0], [0], [1], [0, 0, 1, 1], [], []>, transpose_lhs_hint = false} : vector<2000x128xf32>, vector<128x128xf32>, vector<2000x128xf32> -> vector<2000x128xf32>
    %slice3A_20 = vector.extract_strided_slice %get3A_15 {offsets = [128, 0], sizes = [128, 128], strides = [1, 1]} : vector<256x128xf32> to vector<128x128xf32>
    %dot_general3A_21 = arith.constant dense<0.000000e+00> : vector<2000x128xf32>
    %dot_general3A_22 = tpu.matmul %mul3A_12, %slice3A_20, %dot_general3A_21 {dimension_numbers = #tpu.dot_dimension_numbers<[1], [0], [0], [1], [0, 0, 1, 1], [], []>, transpose_lhs_hint = false} : vector<2000x128xf32>, vector<128x128xf32>, vector<2000x128xf32> -> vector<2000x128xf32>
    %add3A_23 = arith.addf %dot_general3A_19, %dot_general3A_22 : vector<2000x128xf32>
    %get3A_24 = arith.constant 0 : index
    %get3A_25 = arith.constant 0 : index
    %get3A_26 = vector.load %arg6[%get3A_24, %get3A_25] : memref<1x128xf32, #tpu.memory_space<vmem>>, vector<1x128xf32>
    %add3A_27 = vector.broadcast %get3A_26 : vector<1x128xf32> to vector<2000x128xf32>
    %add3A_28 = arith.addf %add3A_23, %add3A_27 : vector<2000x128xf32>
    %max3A = arith.constant 0.000000e+00 : f32
    %max3A_29 = vector.broadcast %max3A : f32 to vector<2000x128xf32>
    %max3A_30 = arith.maximumf %add3A_28, %max3A_29 : vector<2000x128xf32>
    %get3A_31 = arith.constant 0 : index
    %get3A_32 = arith.constant 0 : index
    %get3A_33 = vector.load %arg7[%get3A_31, %get3A_32] : memref<128x128xf32, #tpu.memory_space<vmem>>, vector<128x128xf32>
    %dot_general3A_34 = arith.constant dense<0.000000e+00> : vector<2000x128xf32>
    %dot_general3A_35 = tpu.matmul %max3A_30, %get3A_33, %dot_general3A_34 {dimension_numbers = #tpu.dot_dimension_numbers<[1], [0], [0], [1], [0, 0, 1, 1], [], []>, transpose_lhs_hint = false} : vector<2000x128xf32>, vector<128x128xf32>, vector<2000x128xf32> -> vector<2000x128xf32>
    %get3A_36 = arith.constant 0 : index
    %get3A_37 = arith.constant 0 : index
    %get3A_38 = vector.load %arg8[%get3A_36, %get3A_37] : memref<1x128xf32, #tpu.memory_space<vmem>>, vector<1x128xf32>
    %add3A_39 = vector.broadcast %get3A_38 : vector<1x128xf32> to vector<2000x128xf32>
    %add3A_40 = arith.addf %dot_general3A_35, %add3A_39 : vector<2000x128xf32>
    %get3A_41 = arith.constant 0 : index
    %get3A_42 = arith.constant 0 : index
    %get3A_43 = vector.load %arg9[%get3A_41, %get3A_42] : memref<128x40xf32, #tpu.memory_space<vmem>>, vector<128x40xf32>
    %dot_general3A_44 = arith.constant dense<0.000000e+00> : vector<2000x40xf32>
    %dot_general3A_45 = tpu.matmul %add3A_40, %get3A_43, %dot_general3A_44 {dimension_numbers = #tpu.dot_dimension_numbers<[1], [0], [0], [1], [0, 0, 1, 1], [], []>, transpose_lhs_hint = false} : vector<2000x128xf32>, vector<128x40xf32>, vector<2000x40xf32> -> vector<2000x40xf32>
    %get3A_46 = arith.constant 0 : index
    %get3A_47 = arith.constant 0 : index
    %get3A_48 = vector.load %arg10[%get3A_46, %get3A_47] : memref<1x40xf32, #tpu.memory_space<vmem>>, vector<1x40xf32>
    %add3A_49 = vector.broadcast %get3A_48 : vector<1x40xf32> to vector<2000x40xf32>
    %add3A_50 = arith.addf %dot_general3A_45, %add3A_49 : vector<2000x40xf32>
    %reduce_max3A = arith.constant dense<0xFF800000> : vector<2000xf32>
    %reduce_max3A_51 = vector.multi_reduction <maximumf>, %add3A_50, %reduce_max3A [1] : vector<2000x40xf32> to vector<2000xf32>
    %broadcast_in_dim3A = vector.shape_cast %reduce_max3A_51 : vector<2000xf32> to vector<2000x1xf32>
    %sub3A = vector.broadcast %broadcast_in_dim3A : vector<2000x1xf32> to vector<2000x40xf32>
    %sub3A_52 = arith.subf %add3A_50, %sub3A : vector<2000x40xf32>
    %exp3A = math.exp %sub3A_52 : vector<2000x40xf32>
    %reduce_sum3A = arith.constant dense<0.000000e+00> : vector<2000xf32>
    %reduce_sum3A_53 = vector.multi_reduction <add>, %exp3A, %reduce_sum3A [1] : vector<2000x40xf32> to vector<2000xf32>
    %broadcast_in_dim3A_54 = vector.shape_cast %reduce_sum3A_53 : vector<2000xf32> to vector<2000x1xf32>
    %log3A = math.log %broadcast_in_dim3A_54 : vector<2000x1xf32>
    %sub3A_55 = vector.broadcast %broadcast_in_dim3A : vector<2000x1xf32> to vector<2000x40xf32>
    %sub3A_56 = arith.subf %add3A_50, %sub3A_55 : vector<2000x40xf32>
    %sub3A_57 = vector.broadcast %log3A : vector<2000x1xf32> to vector<2000x40xf32>
    %sub3A_58 = arith.subf %sub3A_56, %sub3A_57 : vector<2000x40xf32>
    %swap3A = arith.constant 0 : index
    %swap3A_59 = arith.constant 0 : index
    %swap3A_60 = vector.load %arg11[%swap3A, %swap3A_59] : memref<2000x40xf32, #tpu.memory_space<vmem>>, vector<2000x40xf32>
    tpu.vector_store %arg11[%swap3A, %swap3A_59], %sub3A_58 {strides = array<i32>} : memref<2000x40xf32, #tpu.memory_space<vmem>>, vector<2000x40xf32>,
    return
  }
  func.func @transform_0(%arg0: i32) -> (i32, i32) {
    %c0_i32 = arith.constant 0 : i32
    %c0_i32_0 = arith.constant 0 : i32
    return %arg0, %c0_i32 : i32, i32
  }
  func.func @transform_1(%arg0: i32) -> (i32, i32, i32) {
    %c0_i32 = arith.constant 0 : i32
    %c0_i32_0 = arith.constant 0 : i32
    %c0_i32_1 = arith.constant 0 : i32
    return %c0_i32, %arg0, %c0_i32_0 : i32, i32, i32
  }
  func.func @transform_2(%arg0: i32) -> (i32, i32, i32) {
    %c1_i32 = arith.constant 1 : i32
    %c0_i32 = arith.constant 0 : i32
    %c0_i32_0 = arith.constant 0 : i32
    return %c1_i32, %arg0, %c0_i32 : i32, i32, i32
  }
  func.func @transform_3(%arg0: i32) -> (i32, i32) {
    %c0_i32 = arith.constant 0 : i32
    %c0_i32_0 = arith.constant 0 : i32
    return %arg0, %c0_i32 : i32, i32
  }
  func.func @transform_4(%arg0: i32) -> (i32, i32) {
    %c0_i32 = arith.constant 0 : i32
    %c0_i32_0 = arith.constant 0 : i32
    %c0_i32_1 = arith.constant 0 : i32
    return %c0_i32, %c0_i32_0 : i32, i32
  }
  func.func @transform_5(%arg0: i32) -> (i32, i32) {
    %c0_i32 = arith.constant 0 : i32
    %c0_i32_0 = arith.constant 0 : i32
    %c0_i32_1 = arith.constant 0 : i32
    return %c0_i32, %c0_i32_0 : i32, i32
  }
  func.func @transform_6(%arg0: i32) -> (i32, i32) {
    %c0_i32 = arith.constant 0 : i32
    %c0_i32_0 = arith.constant 0 : i32
    %c0_i32_1 = arith.constant 0 : i32
    return %c0_i32, %c0_i32_0 : i32, i32
  }
  func.func @transform_7(%arg0: i32) -> (i32, i32) {
    %c0_i32 = arith.constant 0 : i32
    %c0_i32_0 = arith.constant 0 : i32
    %c0_i32_1 = arith.constant 0 : i32
    return %c0_i32, %c0_i32_0 : i32, i32
  }
  func.func @transform_8(%arg0: i32) -> (i32, i32) {
    %c0_i32 = arith.constant 0 : i32
    %c0_i32_0 = arith.constant 0 : i32
    %c0_i32_1 = arith.constant 0 : i32
    return %c0_i32, %c0_i32_0 : i32, i32
  }
  func.func @transform_9(%arg0: i32) -> (i32, i32) {
    %c0_i32 = arith.constant 0 : i32
    %c0_i32_0 = arith.constant 0 : i32
    %c0_i32_1 = arith.constant 0 : i32
    return %c0_i32, %c0_i32_0 : i32, i32
  }
  func.func @transform_10(%arg0: i32) -> (i32, i32) {
    %c0_i32 = arith.constant 0 : i32
    %c0_i32_0 = arith.constant 0 : i32
    return %arg0, %c0_i32 : i32, i32
  }
}

</mosaic_0001>

<sc_bundles>
// kernel: kernel.6.cloned.1.call-start
scs
__scs_entry_jumppad:
0x0: {  	(pc) =	sbr.rel $0x88, $3  }
0x1: {  	(tag) =	ssettag $0x0;
	lr =	simm.s32 $0x1  }
0x2: {  	[smem:$0x3F97] =	sst lr;
	_ =	strace $0xD0000000  }
0x3: {  	_ = 	snop  }
0x4: {  	_ = 	snop  }
0x5: {  	_ = 	snop  }
0x6: {  	_ = 	snop  }
0x7: {  	_ = 	snop  }
__scs_overlays_trampoline_lowered:
0x8: {  	[smem:$0x3FA6] =	sst s0  }
0x9: {  	[smem:$0x3FA7] =	sst s1  }
0xa: {  	[smem:$0x3FA8] =	sst s2  }
0xb: {  	[smem:$0x3FA9] =	sst s3  }
0xc: {  	[smem:$0x3FAA] =	sst s4  }
0xd: {  	[smem:$0x3FAB] =	sst s5  }
0xe: {  	[smem:$0x3FAC] =	sst s6  }
0xf: {  	[smem:$0x3FAD] =	sst s7  }
0x10: {  	[smem:$0x3FAE] =	sst s8  }
0x11: {  	[smem:$0x3FAF] =	sst s9;
	s0 =	simm.s32 @!p0 $0x0  }
0x12: {  	s1 =	sld [smem:$0x3F95];
	s0 =	simm.s32 @p0 $0x1  }
0x13: {  	[smem:$0x3FB0] =	sst s0;
	s0 =	simm.s32 @!p1 $0x0  }
0x14: {  	s2 =	sld [smem:$0x3F94];
	s0 =	simm.s32 @p1 $0x1  }
0x15: {  	[smem:$0x3FB1] =	sst s0;
	s0 =	simm.s32 @!p2 $0x0  }
0x16: {  	s3 =	sld [smem:$0x3FDB];
	s0 =	simm.s32 @p2 $0x1  }
0x17: {  	s4 =	simm.s32 $0x1BF5;
	[smem:$0x3FB3] =	sst s0  }
0x18: {  	s0 =	sld [smem:$0x3F96];
	_ =	swait.ge [sflag:s4], $0x0  }
0x19: {  	s7 =	sld [smem:$0x3F97]  }
0x1a: {  	s8 =	sadd.s32 $0xFFFFE003, lr  }
0x1b: {  	s9 =	sadd.s32 $0xFFFFFEF7, lr;
	s5 =	simm.s32 $0xFFFFFFFF;
	p2 =	slt.u32 s8, $0xFFFFF086  }
0x1c: {  	p1 =	slt.u32 s9, $0xF7A;
	s5 =	simm.s32 @!p2 $0x0  }
0x1d: {  	s5 =	simm.s32 @p1 $0x1;
	p0 =	seq.s32 s7, s2  }
0x1e: {  	s7 =	smul.u32 @!p0 $0xF7A, s2;
	p2 =	seq.s32 @!p0 s5, $0x0  }
0x1f: {  	s9 =	smul.u32 $0xF7A, s1;
	s8 =	simm.s32 @!p0 $0x1BF5;
	p2 =	por !p2, p0  }
0x20: {  	[sflag:s8] =	ssyncset.s32 @!p0 $0xFFFFF086;
	s6 =	sadd.s32 @!p0 s3, s7;
	s7 =	simm.s32 @!p0 $0x108  }
0x21: {  	s3 =	sadd.s32 s3, s9;
	s6 =	sadd.s32 @!p0 $0x88, s6;
	s7 =	simm.s32 @p2 $0x1082  }
0x22: {  	[simem:s7], [sflag:s8] =	dma.local @!p0 [hbm:s6], $0xF7A  }
0x23: {  	s9 =	sor.u32 $0xD0000000, s2;
	s6 =	simm.s32 $0x108;
	_ =	swait.ge @!p0 [sflag:s8], $0x0  }
0x24: {  	s3 =	sadd.s32 $0x88, s3;
	s6 =	simm.s32 @!p1 $0x1082;
	[sflag:s4] =	ssyncset.s32 $0xFFFFF086  }
0x25: {  	[simem:s6], [sflag:s4] =	dma.local [hbm:s3], $0xF7A  }
0x26: {  	[smem:$0x3F97] =	sst s1;
	(tag) =	ssettag s2;
	_ =	strace s9  }
0x27: {  	s1 =	sld [smem:$0x3FA7]  }
0x28: {  	s2 =	sld [smem:$0x3FA8]  }
0x29: {  	s4 =	sld [smem:$0x3FAA]  }
0x2a: {  	p0 =	seq.s32 s5, $0x0;
	s5 =	sld [smem:$0x3FAB]  }
0x2b: {  	s6 =	sld [smem:$0x3FAC]  }
0x2c: {  	s7 =	sld [smem:$0x3FAD]  }
0x2d: {  	s3 =	simm.s32 $0x108;
	s8 =	sld [smem:$0x3FAE]  }
0x2e: {  	s3 =	simm.s32 @!p0 $0x1082;
	s9 =	sld [smem:$0x3FAF]  }
0x2f: {  	lr =	sadd.s32 s0, s3;
	s0 =	sld [smem:$0x3FA6]  }
0x30: {  	s3 =	sld [smem:$0x3FA9]  }
0x31: {  	[smem:$0x3FB2] =	sst s10  }
0x32: {  	s10 =	sld [smem:$0x3FB0];
	_ =	sdelay $0x3  }
0x33: {  	p0 =	seq.s32 s10, $0x1;
	s10 =	sld [smem:$0x3FB2];
	_ =	sdelay $0x3  }
0x34: {  	[smem:$0x3FB2] =	sst s10  }
0x35: {  	s10 =	sld [smem:$0x3FB1];
	_ =	sdelay $0x3  }
0x36: {  	p1 =	seq.s32 s10, $0x1;
	s10 =	sld [smem:$0x3FB2];
	_ =	sdelay $0x3  }
0x37: {  	[smem:$0x3FB2] =	sst s10  }
0x38: {  	s10 =	sld [smem:$0x3FB3]  }
0x39: {  	_ = 	snop;
	(pc) =	sbr.ind lr, $3  }
0x3a: {  	_ = 	snop  }
0x3b: {  	_ = 	snop  }
0x3c: {  	p2 =	seq.s32 s10, $0x1;
	s10 =	sld [smem:$0x3FB2]  }
0x3d: {  	_ =	shalt  }
0x3e: {  	_ =	shalt  }
0x3f: {  	_ =	shalt  }
0x40: {  	_ =	shalt  }
0x41: {  	_ =	shalt  }
0x42: {  	_ =	shalt  }
0x43: {  	_ =	shalt  }
0x44: {  	_ =	shalt  }
0x45: {  	_ =	shalt  }
0x46: {  	_ =	shalt  }
0x47: {  	_ =	shalt  }
0x48: {  	_ =	shalt  }
0x49: {  	_ =	shalt  }
0x4a: {  	_ =	shalt  }
0x4b: {  	_ =	shalt  }
0x4c: {  	_ =	shalt  }
0x4d: {  	_ =	shalt  }
0x4e: {  	_ =	shalt  }
0x4f: {  	_ =	shalt  }
0x50: {  	_ =	shalt  }
0x51: {  	_ =	shalt  }
0x52: {  	_ =	shalt  }
0x53: {  	_ =	shalt  }
0x54: {  	_ =	shalt  }
0x55: {  	_ =	shalt  }
0x56: {  	_ =	shalt  }
0x57: {  	_ =	shalt  }
0x58: {  	_ =	shalt  }
0x59: {  	_ =	shalt  }
0x5a: {  	_ =	shalt  }
0x5b: {  	_ =	shalt  }
0x5c: {  	_ =	shalt  }
0x5d: {  	_ =	shalt  }
0x5e: {  	_ =	shalt  }
0x5f: {  	_ =	shalt  }
0x60: {  	_ =	shalt  }
0x61: {  	_ =	shalt  }
0x62: {  	_ =	shalt  }
0x63: {  	_ =	shalt  }
0x64: {  	_ =	shalt  }
0x65: {  	_ =	shalt  }
0x66: {  	_ =	shalt  }
0x67: {  	_ =	shalt  }
0x68: {  	_ =	shalt  }
0x69: {  	_ =	shalt  }
0x6a: {  	_ =	shalt  }
0x6b: {  	_ =	shalt  }
0x6c: {  	_ =	shalt  }
0x6d: {  	_ =	shalt  }
0x6e: {  	_ =	shalt  }
0x6f: {  	_ =	shalt  }
0x70: {  	_ =	shalt  }
0x71: {  	_ =	shalt  }
0x72: {  	_ =	shalt  }
0x73: {  	_ =	shalt  }
0x74: {  	_ =	shalt  }
0x75: {  	_ =	shalt  }
0x76: {  	_ =	shalt  }
0x77: {  	_ =	shalt  }
0x78: {  	_ =	shalt  }
0x79: {  	_ =	shalt  }
0x7a: {  	_ =	shalt  }
0x7b: {  	_ =	shalt  }
0x7c: {  	_ =	shalt  }
0x7d: {  	_ =	shalt  }
0x7e: {  	_ =	shalt  }
0x7f: {  	_ =	shalt  }
0x80: {  	_ =	shalt  }
0x81: {  	_ =	shalt  }
0x82: {  	_ =	shalt  }
0x83: {  	_ =	shalt  }
0x84: {  	_ =	shalt  }
0x85: {  	_ =	shalt  }
0x86: {  	_ =	shalt  }
0x87: {  	_ =	shalt  }
.Lfunc_end0:
.L_simem_size_0:
called_computation_lowered:
.L_overlay_start_0:
0x88: {  	s2 =	sld [smem:$0x3FD9]  }
0x89: {  	s3 =	sld [smem:$0x3FFE];
	_ =	sdelay $0x1  }
0x8a: {  	s1 =	srdreg.scid  }
0x8b: {  	s0 =	sand.u32 $0x1, s1  }
0x8c: {  	s17 =	sshll.u32 s0, $0xA;
	s2 =	sadd.s32 s3, s2  }
0x8d: {  	s2 =	sadd.s32 s2, s17  }
0x8e: {  	[smem:$0x3FBE] =	sst s2  }
0x8f: {  	_ = 	snop  }
0x90: {  	s2 =	sld [smem:$0x3FC9]  }
0x91: {  	s18 =	sld [smem:$0x3FD0];
	(tm) =	ssettm $0x1  }
0x92: {  	s4 =	sld [smem:$0x3FFB];
	_ =	sdelay $0x3  }
0x93: {  	_ =	strace s4  }
0x94: {  	s4 =	sld [smem:$0x3FFC];
	_ =	sdelay $0x3  }
0x95: {  	_ =	strace s4  }
0x96: {  	s4 =	sld [smem:$0x3FFD];
	_ =	sdelay $0x3  }
0x97: {  	_ =	strace s4  }
0x98: {  	_ =	strace $0x8FFFFFFF  }
0x99: {  	s19 =	sld [smem:$0x3FDB];
	_ =	sdelay $0x1  }
0x9a: {  	s5 =	simm.s32 $_scs_section_size  }
0x9b: {  	s6 =	simm.s32 $_size__tile_overlayer_lowered;
	s7 =	simm.s32 $_tile_overlayer_lowered  }
0x9c: {  	s22 =	simm.s32 $0x1BFF;
	s21 =	sshll.u32 s7, $0x1;
	s4 =	sadd.s32 s5, s19  }
0x9d: {  	s8 =	simm.s32 $0x0;
	s20 =	sshll.u32 s6, $0x1;
	s6 =	sadd.s32 s21, s4  }
0x9e: {  	[timem:s8], [sflag:s22] =	dma.local [hbm:s6], s20  }
0x9f: {  	_ =	swait.ge [sflag:s22], s20  }
0xa0: {  	s5 =	ssub.s32 $0x0, s20;
	[sflag:s22] =	ssyncset.done $0x0  }
0xa1: {  	[sflag:s22] =	ssyncadd.s32 s5;
	_ =	sdelay $0x1  }
0xa2: {  	s23 =	simm.s32 $0x1B8B  }
0xa3: {  	_ =	swait.ge [sflag:s23], $0x1  }
0xa4: {  	[sflag:s23] =	ssyncset.done $0x0  }
0xa5: {  	s25 =	simm.s32 $0x1B8E;
	s24 =	sld [smem:$0x3FFE];
	[sflag:s23] =	ssyncadd.s32 $0xFFFFFFFF  }
0xa6: {  	s26 =	simm.s32 $execute0_lowered;
	[smem:$0x3FD2] =	sst s25  }
0xa7: {  	s6 =	sshll.u32 s26, $0x1;
	_ =	strace $0x80000046;
	[dreg:$0x1] =	wrdreg $0xFFFFFFFF  }
0xa8: {  	s28 =	simm.s32 $_size_execute0_lowered;
	s4 =	sadd.s32 s4, s6;
	[dreg:$0x0] =	wrdreg $0x0  }
0xa9: {  	s6 =	sshll.u32 s28, $0x1;
	[dreg:$0x2] =	wrdreg s4  }
0xaa: {  	[dreg:$0x3] =	wrdreg s6  }
0xab: {  	[dreg:$0x4] =	wrdreg $0xC0  }
0xac: {  	_ =	task [dreg:s8], $0x5FFFF  }
0xad: {  	[dreg:$0x1] =	wrdreg $0xFFFFFFFF  }
0xae: {  	[dreg:$0x0] =	wrdreg $0x60  }
0xaf: {  	[dreg:$0x2] =	wrdreg s2  }
0xb0: {  	[dreg:$0x3] =	wrdreg s24  }
0xb1: {  	[dreg:$0x4] =	wrdreg s18  }
0xb2: {  	[dreg:$0x5] =	wrdreg $0xA8800  }
0xb3: {  	[dreg:$0x6] =	wrdreg $0x1E8800  }
0xb4: {  	[dreg:$0x7] =	wrdreg $0x9  }
0xb5: {  	_ =	task.clear_ibuf [dreg:s8], $0x8FFFF;
	_ =	strace $0x90000046  }
0xb6: {  	s29 =	simm.s32 $0x9;
	_ =	strace $0x80000048  }
0xb7: {  	_ =	swait.ge [sflag:s29], $0x1  }
0xb8: {  	[sflag:s29] =	ssyncadd.s32 $0xFFFFFFFF  }
0xb9: {  	_ =	strace $0x90000048  }
0xba: {  	_ =	sfence  }
0xbb: {  	s30 =	sld [smem:$0x0];
	_ =	sdelay $0x2  }
0xbc: {  	s31 =	sshll.u32 s1, $0xD;
	s1 =	sshrl.u32 s1, $0x2  }
0xbd: {  	s3 =	sand.u32 $0x4000, s31;
	s1 =	sadd.s32 s1, s30  }
0xbe: {  	s0 =	sor.u32 s3, s0;
	s1 =	sshll.u32 s1, $0x11  }
0xbf: {  	s0 =	sor.u32 s1, s0  }
0xc0: {  	s0 =	sadd.s32 $0x8F2B, s0  }
0xc1: {  	[sflag:s0] =	ssyncadd.remote.s32 $0x1  }
0xc2: {  	_ =	sfence.sel $0xFFFF  }
0xc3: {  	[dreg:$0x0] =	wrdreg $0xFFFFFFFF;
	(pc) =	sbr.abs _section_cstart, $3  }
0xc4: {  	[dreg:$0x1] =	wrdreg $0xFFFFFFFF  }
0xc5: {  	_ =	task.clear_ibuf [dreg:s8], $0x2FFFF;
	_ =	strace $0x9FFFFFFF  }
0xc6: {  	(tm) =	ssettm $0x7FFFFFFF  }
0xc7: {  	_ =	shalt  }
tec
execute0_lowered:
.L_overlay_start_1:
0x0: {  	(tag) =	ssettag $0x1  }
0x1: {  	s2 =	rddreg [dreg:$0x0]  }
0x2: {  	s0 =	rddreg [dreg:$0x1]  }
0x3: {  	s3 =	rddreg [dreg:$0x2]  }
0x4: {  	s1 =	rddreg [dreg:$0x3];
	s13 =	stileid.u32  }
0x5: {  	s4 =	rddreg [dreg:$0x4];
	s8 =	smul.u32 $0x14000, s13  }
0x6: {  	s5 =	srdreg.scid;
	s29 =	simm.s32 $0x80;
	s16 =	smul.u32 $0x50000, s13  }
0x7: {  	s30 =	simm.s32 $0x5600;
	s31 =	simm.s32 $0x7E00;
	s10 =	smul.u32 $0xA00, s13  }
0x8: {  	s28 =	simm.s32 $0x3;
	s6 =	sand.u32 $0x1, s5;
	s12 =	smul.u32 $0x500, s13  }
0x9: {  	s5 =	simm.s32 $0x0;
	s9 =	sshll.u32 s13, $0x1;
	s18 =	smul.u32 $0x4E20, s13  }
0xa: {  	s7 =	smul.u32 $0x140000, s6;
	[smem:$0x7FF] =	sst s5;
	s9 =	sor.u32 s6, s9  }
0xb: {  	s17 =	ssub.s32 $0x2, s6;
	s20 =	sshll.u32 s6, $0x7;
	s6 =	smul.u32 $0x2710, s6  }
0xc: {  	s14 =	sadd.s32 $0x2400, s0;
	_ =	strace $0x80000047;
	s15 =	smul.u32 $0x2710, s9  }
0xd: {  	s11 =	sshrl.u32 s17, $0x1;
	s9 =	sshrl.u32 s16, $0x2;
	s19 =	sshrl.u32 s10, $0x2  }
0xe: {  	s21 =	sor.u32 s20, s12;
	[dreg:$0x6] =	wrdreg s14;
	s7 =	sadd.s32 s8, s7  }
0xf: {  	s11 =	ssub.s32 s17, s11;
	s1 =	sadd.s32 s9, s1;
	s17 =	sadd.s32 s19, s4  }
0x10: {  	s22 =	sshrl.u32 s21, $0x3;
	s7 =	sshrl.u32 s7, $0x3;
	[dreg:$0x7] =	wrdreg s1  }
0x11: {  	s8 =	sshrl.u32 s15, $0x3;
	s3 =	sadd.s32 s3, s22;
	[dreg:$0x8] =	wrdreg s17  }
0x12: {  	s25 =	smax.u32 s11, $0x1;
	s7 =	sadd.s32 s7, s0;
	[dreg:$0xb] =	wrdreg s3  }
0x13: {  	s10 =	sadd.s32 s14, s8;
	s0 =	sadd.s32 s6, s18;
	[dreg:$0xc] =	wrdreg s25  }
0x14: {  	s23 =	sadd.s32 $0x15E00, s7;
	s24 =	sadd.s32 $0x140, s0;
	s26 =	sadd.s32 $0x4E340, s0  }
0x15: {  	s7 =	sadd.s32 $0x190, s0;
	s9 =	sadd.s32 $0x4E390, s0;
	s12 =	sadd.s32 $0x1E0, s0  }
0x16: {  	s15 =	sadd.s32 $0x4E3E0, s0;
	s18 =	sadd.s32 $0x230, s0;
	[dreg:$0x9] =	wrdreg s10  }
0x17: {  	s20 =	sadd.s32 $0x4E430, s0;
	s22 =	sadd.s32 $0x280, s0;
	[dreg:$0xa] =	wrdreg s23  }
0x18: {  	s3 =	sshrl.u32 s24, $0x3;
	s6 =	sshrl.u32 s26, $0x3;
	s8 =	sshrl.u32 s7, $0x3  }
0x19: {  	s11 =	sshrl.u32 s9, $0x3;
	s13 =	sshrl.u32 s12, $0x3;
	s16 =	sshrl.u32 s15, $0x3  }
0x1a: {  	s19 =	sshrl.u32 s18, $0x3;
	s21 =	sshrl.u32 s20, $0x3;
	s23 =	sshrl.u32 s22, $0x3  }
0x1b: {  	s24 =	sadd.s32 $0x4E480, s0;
	s26 =	sadd.s32 $0x2D0, s0;
	s3 =	sadd.s32 s3, s14  }
0x1c: {  	s7 =	sadd.s32 $0x4E4D0, s0;
	s9 =	sadd.s32 $0x320, s0;
	[dreg:$0xd] =	wrdreg s3  }
0x1d: {  	s3 =	sadd.s32 s6, s14;
	s6 =	sshrl.u32 s26, $0x3;
	s26 =	sadd.s32 $0x460, s0  }
0x1e: {  	[dreg:$0xe] =	wrdreg s3;
	s3 =	sadd.s32 s8, s14;
	s8 =	sshrl.u32 s7, $0x3  }
0x1f: {  	s7 =	sshrl.u32 s26, $0x3;
	s26 =	sadd.s32 $0x9C54, s10;
	[dreg:$0xf] =	wrdreg s3  }
0x20: {  	s12 =	sadd.s32 $0x4E520, s0;
	s3 =	sadd.s32 s11, s14;
	[smem:$0x7FD] =	sst s26  }
0x21: {  	s15 =	sadd.s32 $0x370, s0;
	[dreg:$0x10] =	wrdreg s3;
	s3 =	sadd.s32 s13, s14  }
0x22: {  	s13 =	sshrl.u32 s12, $0x3;
	s12 =	sadd.s32 $0x3C0, s0;
	[dreg:$0x11] =	wrdreg s3  }
0x23: {  	s18 =	sadd.s32 $0x4E570, s0;
	s3 =	sadd.s32 s16, s14;
	[smem:$0x7EE] =	sst s12  }
0x24: {  	s16 =	sshrl.u32 s15, $0x3;
	s15 =	sadd.s32 $0x5000, s1;
	[dreg:$0x12] =	wrdreg s3  }
0x25: {  	s20 =	sadd.s32 $0x4E5C0, s0;
	s3 =	sadd.s32 s19, s14;
	[smem:$0x7F3] =	sst s15  }
0x26: {  	s19 =	sshrl.u32 s18, $0x3;
	s18 =	sadd.s32 $0xA000, s1;
	[dreg:$0x13] =	wrdreg s3  }
0x27: {  	s22 =	sadd.s32 $0x410, s0;
	s3 =	sadd.s32 s21, s14;
	[smem:$0x7F5] =	sst s18  }
0x28: {  	s21 =	sshrl.u32 s20, $0x3;
	s20 =	sadd.s32 $0xF000, s1;
	[dreg:$0x14] =	wrdreg s3  }
0x29: {  	s25 =	sshrl.u32 s24, $0x3;
	s3 =	sadd.s32 s23, s14;
	[smem:$0x7F7] =	sst s20  }
0x2a: {  	s23 =	sshrl.u32 s22, $0x3;
	s22 =	sadd.s32 $0x9C40, s10;
	[dreg:$0x15] =	wrdreg s3  }
0x2b: {  	s24 =	sadd.s32 $0x4E610, s0;
	s3 =	sadd.s32 s25, s14;
	[smem:$0x7F9] =	sst s22  }
0x2c: {  	s25 =	sshrl.u32 s24, $0x3;
	s24 =	sadd.s32 $0x9C4A, s10;
	[dreg:$0x16] =	wrdreg s3  }
0x2d: {  	s11 =	sshrl.u32 s9, $0x3;
	s3 =	sadd.s32 s6, s14;
	[smem:$0x7FB] =	sst s24  }
0x2e: {  	[dreg:$0x17] =	wrdreg s3;
	s3 =	sadd.s32 s8, s14;
	s8 =	sadd.s32 $0x4E660, s0  }
0x2f: {  	[dreg:$0x18] =	wrdreg s3;
	s3 =	sadd.s32 s11, s14;
	s11 =	sadd.s32 $0xF0, s0  }
0x30: {  	s0 =	sadd.s32 $0x4E2F0, s0;
	[dreg:$0x19] =	wrdreg s3;
	s3 =	sadd.s32 s13, s14  }
0x31: {  	s6 =	sshrl.u32 s11, $0x3;
	[dreg:$0x1a] =	wrdreg s3;
	s3 =	sadd.s32 s16, s14  }
0x32: {  	s0 =	sshrl.u32 s0, $0x3;
	s13 =	sadd.s32 s6, s14;
	[dreg:$0x1b] =	wrdreg s3  }
0x33: {  	s26 =	simm.s32 $0x600;
	s0 =	sadd.s32 s0, s14;
	[smem:$0x7F0] =	sst s13  }
0x34: {  	s15 =	simm.s32 $0x2E00;
	s16 =	sadd.s32 $0x7800, s1;
	[smem:$0x7F1] =	sst s0  }
0x35: {  	s20 =	simm.s32 $0x480;
	s3 =	sadd.s32 s19, s14;
	[smem:$0x7F4] =	sst s16  }
0x36: {  	s22 =	simm.s32 $0x50;
	s19 =	sadd.s32 $0xC800, s1;
	[dreg:$0x1c] =	wrdreg s3  }
0x37: {  	s24 =	simm.s32 $0x180;
	s3 =	sadd.s32 s21, s14;
	[smem:$0x7F6] =	sst s19  }
0x38: {  	s9 =	sshrl.u32 s8, $0x3;
	s21 =	sadd.s32 $0x11800, s1;
	[dreg:$0x1d] =	wrdreg s3  }
0x39: {  	s8 =	simm.s32 $0x8;
	s3 =	sadd.s32 s23, s14;
	[smem:$0x7F8] =	sst s21  }
0x3a: {  	s0 =	simm.s32 $0xB;
	s23 =	sadd.s32 $0xA, s10;
	[dreg:$0x1e] =	wrdreg s3  }
0x3b: {  	s19 =	simm.s32 $0x500;
	s3 =	sadd.s32 s25, s14;
	[smem:$0x7FA] =	sst s23  }
.Ltmp0:
0x3c: {  	s25 =	sadd.s32 $0x14, s10;
	[dreg:$0x1f] =	wrdreg s3;
	(pc) =	sbr.rel .LBB2_1-.Ltmp0, $4  }
0x3d: {  	s21 =	simm.s32 $0x5;
	s3 =	sadd.s32 s7, s14;
	[smem:$0x7FC] =	sst s25  }
0x3e: {  	s23 =	simm.s32 $0xA600;
	[smem:$0x7ED] =	sst s3;
	s3 =	sadd.s32 s9, s14  }
0x3f: {  	s10 =	simm.s32 $0xF;
	s14 =	sadd.s32 $0x2800, s1;
	[smem:$0x7EF] =	sst s3  }
0x40: {  	v0 =	vimm.f32 $0.0e+00;
	v1 =	vimm.f32 $1.000000000e+00;
	s25 =	simm.s32 $0x13;
	[smem:$0x7F2] =	sst s14;
	s3 =	simm.s32 $0x0  }
.LBB2_6:
0x41: {  	_ =	swait.ge [sflag:s10], $0x2800  }
0x42: {  	[sflag:s10] =	ssyncset.done $0x0  }
0x43: {  	[sflag:s10] =	ssyncadd.s32 $0xFFFFD800  }
0x44: {  	_ =	swait.ge [sflag:s23], $0x50  }
0x45: {  	[sflag:s23] =	ssyncset.done $0x0  }
0x46: {  	[sflag:s23] =	ssyncadd.s32 $0xFFFFFFB0  }
0x47: {  	s6 =	stileid.u32;
	[bflag:$0x0] =	sbarrier.arrive $0xFFFF  }
0x48: {  	s25 =	simm.s32 $0x13;
	s6 =	sshll.u32 s6, $0x6;
	s1 =	rddreg [dreg:$0x7]  }
0x49: {  	s6 =	sor.u32 $0x1C13, s6;
	s14 =	rddreg [dreg:$0xa];
	s9 =	sshrl.u32 s1, $0x3  }
0x4a: {  	[hbm:s14], [sflag:s6] =	dma.local [spmem:s9], $0x2800  }
0x4b: {  	s13 =	simm.s32 $0x1;
	_ =	swait.ge [sflag:s25], $0x2800  }
0x4c: {  	s0 =	simm.s32 $0x20;
	[sflag:s25] =	ssyncset.done $0x0;
	s17 =	rddreg [dreg:$0x8]  }
0x4d: {  	s23 =	rddreg [dreg:$0xb];
	[sflag:s25] =	ssyncadd.s32 $0xFFFFD800;
	s20 =	sshrl.u32 s17, $0x3  }
0x4e: {  	[hbm:s23@s0], [sflag:s6] =	dma.strided [spmem:s20@s8], $0x50, s13, $0x10   }
0x4f: {  	_ =	swait.ge [sflag:s25], $0x50  }
0x50: {  	s3 =	sld [smem:$0x7EC];
	_ =	sdelay $0x2  }
0x51: {  	s24 =	rddreg [dreg:$0xc];
	s3 =	sadd.s32 $0x1, s3  }
0x52: {  	p0 =	sne.s32 s3, s24  }
.Ltmp1:
0x53: {  	s29 =	simm.s32 $0x80;
	(pc) =	sbr.rel @!p0 .LBB2_7-.Ltmp1, $4  }
0x54: {  	s15 =	simm.s32 $0x2E00;
	s30 =	simm.s32 $0x5600;
	s19 =	simm.s32 $0x500  }
0x55: {  	s31 =	simm.s32 $0x7E00;
	s10 =	simm.s32 $0xF;
	s20 =	simm.s32 $0x480  }
0x56: {  	s8 =	simm.s32 $0x8;
	s0 =	simm.s32 $0xB;
	[sflag:s25] =	ssyncset.done $0x0  }
0x57: {  	s23 =	simm.s32 $0xA600;
	[sflag:s25] =	ssyncadd.s32 $0xFFFFFFB0;
	s24 =	simm.s32 $0x180  }
.LBB2_1:
0x58: {  	[smem:$0x7EC] =	sst s3;
	s6 =	simm.s32 $0x0;
	s14 =	simm.s32 $0x200  }
.LBB2_2:
0x59: {  	p0 =	sne.s32 s14, $0x9E00;
	[tilespmem:s6+$0x670] =	vst v0  }
0x5a: {  	[tilespmem:s6+$0x600] =	vst v0  }
0x5b: {  	[tilespmem:s6+$0x610] =	vst v0  }
.Ltmp2:
0x5c: {  	[tilespmem:s6+$0x620] =	vst v0;
	(pc) =	sbr.rel @p0 .LBB2_2-.Ltmp2, $4  }
0x5d: {  	[tilespmem:s6+$0x630] =	vst v0  }
0x5e: {  	[tilespmem:s6+$0x640] =	vst v0  }
0x5f: {  	[tilespmem:s6+$0x650] =	vst v0  }
0x60: {  	[tilespmem:s6+$0x660] =	vst v0;
	s6 =	sshra.s32 s14, $0x2;
	s14 =	sadd.s32 $0x200, s14  }
0x61: {  	[tilespmem:s6+$0x670] =	vst v0  }
0x62: {  	[tilespmem:s6+$0x600] =	vst v0  }
0x63: {  	[tilespmem:s6+$0x610] =	vst v0  }
0x64: {  	[tilespmem:s6+$0x620] =	vst v0  }
0x65: {  	[tilespmem:s6+$0x630] =	vst v0  }
0x66: {  	[tilespmem:s6+$0x640] =	vst v0  }
0x67: {  	[tilespmem:s6+$0x650] =	vst v0  }
0x68: {  	[tilespmem:s6+$0x660] =	vst v0  }
0x69: {  	[spmem:s1] =	stream.linear.scatter [tilespmem:s26], [sflag:$0x13], $0x2800, $0x38;
	[tilespmem:$0x1EB00] =	vst v63  }
0x6a: {  	_ =	swait.ge [sflag:s25], $0x2800  }
0x6b: {  	s7 =	sld [smem:$0x7F2]  }
0x6c: {  	[sflag:s25] =	ssyncset.done $0x0  }
0x6d: {  	[sflag:s25] =	ssyncadd.s32 $0xFFFFD800  }
0x6e: {  	[spmem:s7] =	stream.linear.scatter [tilespmem:s26], [sflag:$0x13], $0x2800, $0x38;
	[tilespmem:$0x1EB00] =	vst v63  }
0x6f: {  	_ =	swait.ge [sflag:s25], $0x2800  }
0x70: {  	s9 =	sld [smem:$0x7F3]  }
0x71: {  	[sflag:s25] =	ssyncset.done $0x0  }
0x72: {  	[sflag:s25] =	ssyncadd.s32 $0xFFFFD800  }
0x73: {  	[spmem:s9] =	stream.linear.scatter [tilespmem:s26], [sflag:$0x13], $0x2800, $0x38;
	[tilespmem:$0x1EB00] =	vst v63  }
0x74: {  	_ =	swait.ge [sflag:s25], $0x2800  }
0x75: {  	s11 =	sld [smem:$0x7F4]  }
0x76: {  	[sflag:s25] =	ssyncset.done $0x0  }
0x77: {  	[sflag:s25] =	ssyncadd.s32 $0xFFFFD800  }
0x78: {  	[spmem:s11] =	stream.linear.scatter [tilespmem:s26], [sflag:$0x13], $0x2800, $0x38;
	[tilespmem:$0x1EB00] =	vst v63  }
0x79: {  	_ =	swait.ge [sflag:s25], $0x2800  }
0x7a: {  	s12 =	sld [smem:$0x7F5]  }
0x7b: {  	[sflag:s25] =	ssyncset.done $0x0  }
0x7c: {  	[sflag:s25] =	ssyncadd.s32 $0xFFFFD800  }
0x7d: {  	[spmem:s12] =	stream.linear.scatter [tilespmem:s26], [sflag:$0x13], $0x2800, $0x38;
	[tilespmem:$0x1EB00] =	vst v63  }
0x7e: {  	_ =	swait.ge [sflag:s25], $0x2800  }
0x7f: {  	s13 =	sld [smem:$0x7F6]  }
0x80: {  	[sflag:s25] =	ssyncset.done $0x0  }
0x81: {  	[sflag:s25] =	ssyncadd.s32 $0xFFFFD800  }
0x82: {  	[spmem:s13] =	stream.linear.scatter [tilespmem:s26], [sflag:$0x13], $0x2800, $0x38;
	[tilespmem:$0x1EB00] =	vst v63  }
0x83: {  	_ =	swait.ge [sflag:s25], $0x2800  }
0x84: {  	s14 =	sld [smem:$0x7F7]  }
0x85: {  	[sflag:s25] =	ssyncset.done $0x0  }
0x86: {  	[sflag:s25] =	ssyncadd.s32 $0xFFFFD800  }
0x87: {  	[spmem:s14] =	stream.linear.scatter [tilespmem:s26], [sflag:$0x13], $0x2800, $0x38;
	[tilespmem:$0x1EB00] =	vst v63  }
0x88: {  	_ =	swait.ge [sflag:s25], $0x2800  }
0x89: {  	s16 =	sld [smem:$0x7F8]  }
0x8a: {  	[sflag:s25] =	ssyncset.done $0x0  }
0x8b: {  	[sflag:s25] =	ssyncadd.s32 $0xFFFFD800  }
0x8c: {  	[spmem:s16] =	stream.linear.scatter [tilespmem:s26], [sflag:$0x13], $0x2800, $0x38;
	[tilespmem:$0x1EB00] =	vst v63  }
0x8d: {  	_ =	swait.ge [sflag:s25], $0x2800  }
0x8e: {  	[sflag:s25] =	ssyncset.done $0x0  }
0x8f: {  	[sflag:s25] =	ssyncadd.s32 $0xFFFFD800  }
0x90: {  	[tilespmem:$0xA600] =	vst v0  }
0x91: {  	[tilespmem:$0xA610] =	vst v0  }
0x92: {  	[tilespmem:$0xA620] =	vst v0  }
0x93: {  	[tilespmem:$0xA630] =	vst v0  }
0x94: {  	[tilespmem:$0xA640] =	vst v0  }
0x95: {  	[tilespmem:$0xA650] =	vst v0  }
0x96: {  	[tilespmem:$0xA660] =	vst v0  }
0x97: {  	[tilespmem:$0xA670] =	vst v0  }
0x98: {  	[tilespmem:$0xA680] =	vst v0  }
0x99: {  	[tilespmem:$0xA690] =	vst v0  }
0x9a: {  	[tilespmem:$0xA6A0] =	vst v0  }
0x9b: {  	[tilespmem:$0xA6B0] =	vst v0  }
0x9c: {  	[tilespmem:$0xA6C0] =	vst v0  }
0x9d: {  	[tilespmem:$0xA6D0] =	vst v0  }
0x9e: {  	[tilespmem:$0xA6E0] =	vst v0  }
0x9f: {  	[tilespmem:$0xA6F0] =	vst v0  }
0xa0: {  	[tilespmem:$0xA700] =	vst v0  }
0xa1: {  	[tilespmem:$0xA710] =	vst v0  }
0xa2: {  	[tilespmem:$0xA720] =	vst v0  }
0xa3: {  	[tilespmem:$0xA730] =	vst v0  }
0xa4: {  	[tilespmem:$0xA740] =	vst v0  }
0xa5: {  	[tilespmem:$0xA750] =	vst v0  }
0xa6: {  	[tilespmem:$0xA760] =	vst v0  }
0xa7: {  	[tilespmem:$0xA770] =	vst v0  }
0xa8: {  	[tilespmem:$0xA780] =	vst v0  }
0xa9: {  	[tilespmem:$0xA790] =	vst v0  }
0xaa: {  	[tilespmem:$0xA7A0] =	vst v0  }
0xab: {  	[tilespmem:$0xA7B0] =	vst v0  }
0xac: {  	[tilespmem:$0xA7C0] =	vst v0  }
0xad: {  	[tilespmem:$0xA7D0] =	vst v0  }
0xae: {  	[tilespmem:$0xA7E0] =	vst v0  }
0xaf: {  	[tilespmem:$0xA7F0] =	vst v0  }
0xb0: {  	[tilespmem:$0xA800] =	vst v0  }
0xb1: {  	[tilespmem:$0xA810] =	vst v0  }
0xb2: {  	[tilespmem:$0xA820] =	vst v0  }
0xb3: {  	[tilespmem:$0xA830] =	vst v0  }
0xb4: {  	[tilespmem:$0xA840] =	vst v0  }
0xb5: {  	[tilespmem:$0xA850] =	vst v0  }
0xb6: {  	[tilespmem:$0xA860] =	vst v0  }
0xb7: {  	[tilespmem:$0xA870] =	vst v0  }
0xb8: {  	[spmem:s17] =	stream.linear.scatter [tilespmem:s23], [sflag:$0x13], $0x280, $0x38;
	[tilespmem:$0x1EB00] =	vst v63  }
0xb9: {  	_ =	swait.ge [sflag:s25], $0x280  }
0xba: {  	[sflag:s25] =	ssyncset.done $0x0  }
0xbb: {  	[sflag:s25] =	ssyncadd.s32 $0xFFFFFD80  }
0xbc: {  	[tilespmem:$0xA600] =	vst v1  }
0xbd: {  	[tilespmem:$0xA610] =	vst v1  }
0xbe: {  	[tilespmem:$0xA620] =	vst v1  }
0xbf: {  	[tilespmem:$0xA630] =	vst v1  }
0xc0: {  	[tilespmem:$0xA640] =	vst v1  }
0xc1: {  	[tilespmem:$0xA650] =	vst v1  }
0xc2: {  	[tilespmem:$0xA660] =	vst v1  }
0xc3: {  	[tilespmem:$0xA670] =	vst v1  }
0xc4: {  	[tilespmem:$0xA680] =	vst v1  }
0xc5: {  	[tilespmem:$0xA690] =	vst v1  }
0xc6: {  	[tilespmem:$0xA6A0] =	vst v1  }
0xc7: {  	[tilespmem:$0xA6B0] =	vst v1  }
0xc8: {  	[tilespmem:$0xA6C0] =	vst v1  }
0xc9: {  	[tilespmem:$0xA6D0] =	vst v1  }
0xca: {  	[tilespmem:$0xA6E0] =	vst v1  }
0xcb: {  	[tilespmem:$0xA6F0] =	vst v1  }
0xcc: {  	[tilespmem:$0xA700] =	vst v1  }
0xcd: {  	[tilespmem:$0xA710] =	vst v1  }
0xce: {  	[tilespmem:$0xA720] =	vst v1  }
0xcf: {  	[tilespmem:$0xA730] =	vst v1  }
0xd0: {  	[tilespmem:$0xA740] =	vst v1  }
0xd1: {  	[tilespmem:$0xA750] =	vst v1  }
0xd2: {  	[tilespmem:$0xA760] =	vst v1  }
0xd3: {  	[tilespmem:$0xA770] =	vst v1  }
0xd4: {  	[tilespmem:$0xA780] =	vst v1  }
0xd5: {  	[tilespmem:$0xA790] =	vst v1  }
0xd6: {  	[tilespmem:$0xA7A0] =	vst v1  }
0xd7: {  	[tilespmem:$0xA7B0] =	vst v1  }
0xd8: {  	[tilespmem:$0xA7C0] =	vst v1  }
0xd9: {  	[tilespmem:$0xA7D0] =	vst v1  }
0xda: {  	[tilespmem:$0xA7E0] =	vst v1  }
0xdb: {  	[tilespmem:$0xA7F0] =	vst v1  }
0xdc: {  	[tilespmem:$0xA800] =	vst v1  }
0xdd: {  	[tilespmem:$0xA810] =	vst v1  }
0xde: {  	[tilespmem:$0xA820] =	vst v1  }
0xdf: {  	[tilespmem:$0xA830] =	vst v1  }
0xe0: {  	[tilespmem:$0xA840] =	vst v1  }
0xe1: {  	[tilespmem:$0xA850] =	vst v1  }
0xe2: {  	[tilespmem:$0xA860] =	vst v1  }
0xe3: {  	[tilespmem:$0xA870] =	vst v1  }
0xe4: {  	[bflag:$0x0] =	sbarrier.arrive $0xFFFF  }
0xe5: {  	s17 =	rddreg [dreg:$0x9]  }
0xe6: {  	s25 =	simm.s32 $0x0;
	s18 =	sld [smem:$0x7F9]  }
0xe7: {  	[tilespmem:s25], [sflag:$0x1] =	stream.linear.gather [hbm4b:s17+s25], $0x50, $0x38;
	[tilespmem:$0x1EB00] =	vst v63  }
0xe8: {  	s9 =	simm.s32 $0x300;
	s1 =	sld [smem:$0x7FA]  }
0xe9: {  	[tilespmem:s9], [sflag:$0x1] =	stream.linear.gather [hbm4b:s18+s25], $0x50, $0x38;
	[tilespmem:$0x1EB00] =	vst v63  }
0xea: {  	s3 =	sld [smem:$0x7FB]  }
0xeb: {  	[tilespmem:s29], [sflag:$0x2] =	stream.linear.gather [hbm4b:s1+s25], $0x50, $0x38;
	[tilespmem:$0x1EB00] =	vst v63  }
0xec: {  	s13 =	simm.s32 $0x380;
	s7 =	sld [smem:$0x7FC]  }
0xed: {  	[tilespmem:s13], [sflag:$0x2] =	stream.linear.gather [hbm4b:s3+s25], $0x50, $0x38;
	[tilespmem:$0x1EB00] =	vst v63  }
0xee: {  	s11 =	simm.s32 $0x100;
	s12 =	sld [smem:$0x7FD]  }
0xef: {  	[tilespmem:s11], [sflag:$0x3] =	stream.linear.gather [hbm4b:s7+s25], $0x50, $0x38;
	[tilespmem:$0x1EB00] =	vst v63  }
0xf0: {  	s14 =	simm.s32 $0x400  }
0xf1: {  	[tilespmem:s14], [sflag:$0x3] =	stream.linear.gather [hbm4b:s12+s25], $0x50, $0x38;
	[tilespmem:$0x1EB00] =	vst v63  }
0xf2: {  	s14 =	simm.s32 $0x1  }
0xf3: {  	_ =	swait.ge [sflag:s14], $0x50  }
0xf4: {  	[sflag:s14] =	ssyncset.done $0x0  }
0xf5: {  	[sflag:s14] =	ssyncadd.s32 $0xFFFFFFB0  }
0xf6: {  	_ =	swait.ge [sflag:s14], $0x50  }
0xf7: {  	[sflag:s14] =	ssyncset.done $0x0  }
0xf8: {  	s16 =	simm.s32 $0x2;
	[sflag:s14] =	ssyncadd.s32 $0xFFFFFFB0  }
0xf9: {  	[tilespmem:s26], [sflag:$0x7] =	stream.indirect.gather [hbm4b:s2+s22], $0x80, s9, s22, $0xb8;
	[tilespmem:$0x1EB00] =	vst v63  }
0xfa: {  	_ =	swait.ge [sflag:s16], $0x50  }
0xfb: {  	[sflag:s16] =	ssyncset.done $0x0  }
0xfc: {  	[sflag:s16] =	ssyncadd.s32 $0xFFFFFFB0  }
0xfd: {  	_ =	swait.ge [sflag:s16], $0x50  }
0xfe: {  	s6 =	simm.s32 $0x12;
	s18 =	simm.s32 $0xFFFFFFFE;
	[sflag:s16] =	ssyncset.done $0x0  }
0xff: {  	s3 =	simm.s32 $0x4;
	s17 =	sld [smem:$0x7EE];
	[sflag:s16] =	ssyncadd.s32 $0xFFFFFFB0  }
0x100: {  	[tilespmem:s15], [sflag:$0x8] =	stream.indirect.gather [hbm4b:s2+s22], $0x80, s13, s22, $0xb8;
	[tilespmem:$0x1EB00] =	vst v63  }
0x101: {  	s11 =	simm.s32 $0x7;
	s7 =	simm.s32 $0xE;
	s1 =	rddreg [dreg:$0x3]  }
0x102: {  	s12 =	simm.s32 $0x200;
	s13 =	simm.s32 $0x400;
	[smem:$0x7EB] =	sst s17  }
.LBB2_4:
0x103: {  	p0 =	sgt.u32 s18, $0x7C  }
0x104: {  	s17 =	simm.s32 @!p0 $0xD  }
0x105: {  	_ =	swait.ge @!p0 [sflag:s17], $0x2800  }
0x106: {  	[sflag:s17] =	ssyncset.done @!p0 $0x0  }
0x107: {  	[sflag:s17] =	ssyncadd.s32 @!p0 $0xFFFFD800;
	s17 =	simm.s32 @!p0 $0x11  }
0x108: {  	_ =	swait.ge @!p0 [sflag:s17], $0x50  }
0x109: {  	s9 =	sld [smem:$0x7F0];
	_ =	sdelay $0x1  }
0x10a: {  	[sflag:s17] =	ssyncset.done @!p0 $0x0  }
0x10b: {  	[sflag:s17] =	ssyncadd.s32 @!p0 $0xFFFFFFB0;
	s16 =	sadd.s32 s25, s9  }
0x10c: {  	[tilespmem:s24], [sflag:$0x4] =	stream.linear.gather [hbm4b:s16+s5], $0x50, $0x38;
	[tilespmem:$0x1EB00] =	vst v63  }
0x10d: {  	s24 =	sld [smem:$0x7F1];
	_ =	sdelay $0x2  }
0x10e: {  	s9 =	sadd.s32 s25, s24  }
0x10f: {  	[tilespmem:s20], [sflag:$0x4] =	stream.linear.gather [hbm4b:s9+s5], $0x50, $0x38;
	[tilespmem:$0x1EB00] =	vst v63  }
0x110: {  	_ =	swait.ge [sflag:s28], $0x50  }
0x111: {  	[sflag:s28] =	ssyncset.done $0x0  }
0x112: {  	[sflag:s28] =	ssyncadd.s32 $0xFFFFFFB0  }
0x113: {  	_ =	swait.ge [sflag:s28], $0x50  }
0x114: {  	[sflag:s28] =	ssyncset.done $0x0  }
0x115: {  	[sflag:s28] =	ssyncadd.s32 $0xFFFFFFB0  }
0x116: {  	[tilespmem:s30], [sflag:$0x9] =	stream.indirect.gather [hbm4b:s2+s22], $0x80, s13, s22, $0xb8;
	[tilespmem:$0x1EB00] =	vst v63  }
0x117: {  	_ =	swait.ge [sflag:s11], $0x2800  }
0x118: {  	[sflag:s11] =	ssyncset.done $0x0  }
0x119: {  	p0 =	seq.s32 s25, $0x0;
	[sflag:s11] =	ssyncadd.s32 $0xFFFFD800  }
0x11a: {  	[spmem:s1] =	stream.indirect.scatter.add.f32 [tilespmem:s26], [sflag:$0xB], $0x80, s5, s22, $0xb8;
	[tilespmem:$0x1EB00] =	vst v63  }
0x11b: {  	s17 =	simm.s32 @!p0 $0xE  }
0x11c: {  	[spmem:s4] =	stream.indirect.scatter.add.f32 [tilespmem:s23], [sflag:$0xF], $0x1, s5, s22, $0xb8;
	[tilespmem:$0x1EB00] =	vst v63  }
0x11d: {  	_ =	swait.ge @!p0 [sflag:s17], $0x2800  }
0x11e: {  	[sflag:s17] =	ssyncset.done @!p0 $0x0  }
0x11f: {  	[sflag:s17] =	ssyncadd.s32 @!p0 $0xFFFFD800;
	s17 =	simm.s32 @!p0 $0x12  }
0x120: {  	_ =	swait.ge @!p0 [sflag:s17], $0x50  }
0x121: {  	[sflag:s17] =	ssyncset.done @!p0 $0x0;
	s14 =	rddreg [dreg:$0xd]  }
0x122: {  	s24 =	rddreg [dreg:$0xe];
	[sflag:s17] =	ssyncadd.s32 @!p0 $0xFFFFFFB0;
	s16 =	sadd.s32 s25, s14  }
0x123: {  	[tilespmem:s12], [sflag:$0x5] =	stream.linear.gather [hbm4b:s16+s5], $0x50, $0x38;
	[tilespmem:$0x1EB00] =	vst v63  }
0x124: {  	s26 =	sadd.s32 s25, s24  }
0x125: {  	[tilespmem:s19], [sflag:$0x5] =	stream.linear.gather [hbm4b:s26+s5], $0x50, $0x38;
	[tilespmem:$0x1EB00] =	vst v63  }
0x126: {  	_ =	swait.ge [sflag:s3], $0x50  }
0x127: {  	[sflag:s3] =	ssyncset.done $0x0  }
0x128: {  	[sflag:s3] =	ssyncadd.s32 $0xFFFFFFB0  }
0x129: {  	_ =	swait.ge [sflag:s3], $0x50  }
0x12a: {  	[sflag:s3] =	ssyncset.done $0x0  }
0x12b: {  	[sflag:s3] =	ssyncadd.s32 $0xFFFFFFB0  }
0x12c: {  	[tilespmem:s31], [sflag:$0xA] =	stream.indirect.gather [hbm4b:s2+s22], $0x80, s20, s22, $0xb8;
	[tilespmem:$0x1EB00] =	vst v63  }
0x12d: {  	_ =	swait.ge [sflag:s8], $0x2800  }
0x12e: {  	[sflag:s8] =	ssyncset.done $0x0  }
0x12f: {  	[sflag:s8] =	ssyncadd.s32 $0xFFFFD800  }
0x130: {  	[spmem:s1] =	stream.indirect.scatter.add.f32 [tilespmem:s15], [sflag:$0xC], $0x80, s29, s22, $0xb8;
	[tilespmem:$0x1EB00] =	vst v63  }
0x131: {  	_ = 	snop  }
0x132: {  	[spmem:s4] =	stream.indirect.scatter.add.f32 [tilespmem:s23], [sflag:$0x10], $0x1, s29, s22, $0xb8;
	[tilespmem:$0x1EB00] =	vst v63  }
0x133: {  	_ =	swait.ge [sflag:s0], $0x2800  }
0x134: {  	[sflag:s0] =	ssyncset.done $0x0  }
0x135: {  	p0 =	seq.s32 s25, $0x4B0;
	[sflag:s0] =	ssyncadd.s32 $0xFFFFD800  }
0x136: {  	s26 =	simm.s32 @!p0 $0x0;
	_ =	swait.ge [sflag:s10], $0x50  }
0x137: {  	s29 =	simm.s32 @!p0 $0x280;
	[sflag:s10] =	ssyncset.done $0x0;
	s9 =	rddreg [dreg:$0xf]  }
0x138: {  	[sflag:s10] =	ssyncadd.s32 $0xFFFFFFB0;
	s17 =	sadd.s32 @!p0 s25, s9;
	s9 =	rddreg [dreg:$0x10]  }
0x139: {  	[tilespmem:s29], [sflag:$0x6] =	stream.linear.gather @!p0 [hbm4b:s17+s26], $0x50, $0x38;
	[tilespmem:$0x1EB00] =	vst v63  }
0x13a: {  	s17 =	sadd.s32 @!p0 s25, s9;
	s29 =	simm.s32 @!p0 $0x580  }
0x13b: {  	[tilespmem:s29], [sflag:$0x6] =	stream.linear.gather @!p0 [hbm4b:s17+s26], $0x50, $0x38;
	[tilespmem:$0x1EB00] =	vst v63  }
0x13c: {  	_ =	swait.ge [sflag:s21], $0x50  }
0x13d: {  	[sflag:s21] =	ssyncset.done $0x0  }
0x13e: {  	[sflag:s21] =	ssyncadd.s32 $0xFFFFFFB0  }
0x13f: {  	_ =	swait.ge [sflag:s21], $0x50  }
0x140: {  	s31 =	simm.s32 $0x500;
	[sflag:s21] =	ssyncset.done $0x0  }
0x141: {  	s8 =	simm.s32 $0x600;
	s17 =	simm.s32 $0x9;
	[sflag:s21] =	ssyncadd.s32 $0xFFFFFFB0  }
0x142: {  	[tilespmem:s8], [sflag:$0x7] =	stream.indirect.gather [hbm4b:s2+s22], $0x80, s31, s22, $0xb8;
	[tilespmem:$0x1EB00] =	vst v63  }
0x143: {  	_ =	swait.ge [sflag:s17], $0x2800  }
0x144: {  	[sflag:s17] =	ssyncset.done $0x0  }
0x145: {  	s24 =	simm.s32 $0x5600;
	s8 =	simm.s32 $0x100;
	[sflag:s17] =	ssyncadd.s32 $0xFFFFD800  }
0x146: {  	[spmem:s1] =	stream.indirect.scatter.add.f32 [tilespmem:s24], [sflag:$0xD], $0x80, s8, s22, $0xb8;
	[tilespmem:$0x1EB00] =	vst v63  }
0x147: {  	s14 =	simm.s32 $0xA600;
	s15 =	simm.s32 $0xC  }
0x148: {  	[spmem:s4] =	stream.indirect.scatter.add.f32 [tilespmem:s14], [sflag:$0x11], $0x1, s8, s22, $0xb8;
	[tilespmem:$0x1EB00] =	vst v63  }
0x149: {  	_ =	swait.ge [sflag:s15], $0x2800  }
0x14a: {  	[sflag:s15] =	ssyncset.done $0x0  }
0x14b: {  	s17 =	simm.s32 $0x10;
	[sflag:s15] =	ssyncadd.s32 $0xFFFFD800  }
0x14c: {  	_ =	swait.ge [sflag:s17], $0x50  }
0x14d: {  	[sflag:s17] =	ssyncset.done $0x0;
	s9 =	rddreg [dreg:$0x11]  }
0x14e: {  	[sflag:s17] =	ssyncadd.s32 $0xFFFFFFB0;
	s17 =	sadd.s32 @!p0 s25, s9;
	s9 =	rddreg [dreg:$0x12]  }
0x14f: {  	[tilespmem:s26], [sflag:$0x1] =	stream.linear.gather @!p0 [hbm4b:s17+s26], $0x50, $0x38;
	[tilespmem:$0x1EB00] =	vst v63  }
0x150: {  	s15 =	simm.s32 @!p0 $0x300;
	s17 =	sadd.s32 @!p0 s25, s9  }
0x151: {  	[tilespmem:s15], [sflag:$0x1] =	stream.linear.gather @!p0 [hbm4b:s17+s26], $0x50, $0x38;
	[tilespmem:$0x1EB00] =	vst v63  }
0x152: {  	s17 =	simm.s32 @!p0 $0x6  }
0x153: {  	_ =	swait.ge @!p0 [sflag:s17], $0x50  }
0x154: {  	[sflag:s17] =	ssyncset.done @!p0 $0x0  }
0x155: {  	[sflag:s17] =	ssyncadd.s32 @!p0 $0xFFFFFFB0  }
0x156: {  	_ =	swait.ge @!p0 [sflag:s17], $0x50  }
0x157: {  	[sflag:s17] =	ssyncset.done @!p0 $0x0  }
0x158: {  	s9 =	simm.s32 @!p0 $0x2E00;
	[sflag:s17] =	ssyncadd.s32 @!p0 $0xFFFFFFB0;
	s17 =	simm.s32 @!p0 $0x50  }
0x159: {  	[tilespmem:s9], [sflag:$0x8] =	stream.indirect.gather @!p0 [hbm4b:s2+s17], $0x80, s29, s17, $0xb8;
	[tilespmem:$0x1EB00] =	vst v63  }
0x15a: {  	s29 =	simm.s32 $0xA  }
0x15b: {  	_ =	swait.ge [sflag:s29], $0x2800  }
0x15c: {  	[sflag:s29] =	ssyncset.done $0x0  }
0x15d: {  	s13 =	simm.s32 $0x7E00;
	s20 =	simm.s32 $0x180;
	[sflag:s29] =	ssyncadd.s32 $0xFFFFD800  }
0x15e: {  	[spmem:s1] =	stream.indirect.scatter.add.f32 [tilespmem:s13], [sflag:$0xE], $0x80, s20, s22, $0xb8;
	[tilespmem:$0x1EB00] =	vst v63  }
0x15f: {  	s29 =	simm.s32 $0xD  }
0x160: {  	[spmem:s4] =	stream.indirect.scatter.add.f32 [tilespmem:s14], [sflag:$0x12], $0x1, s20, s22, $0xb8;
	[tilespmem:$0x1EB00] =	vst v63  }
0x161: {  	_ =	swait.ge [sflag:s29], $0x2800  }
0x162: {  	[sflag:s29] =	ssyncset.done $0x0  }
0x163: {  	[sflag:s29] =	ssyncadd.s32 $0xFFFFD800;
	s29 =	simm.s32 $0x11  }
0x164: {  	_ =	swait.ge [sflag:s29], $0x50  }
0x165: {  	[sflag:s29] =	ssyncset.done $0x0;
	s9 =	rddreg [dreg:$0x13]  }
0x166: {  	[sflag:s29] =	ssyncadd.s32 $0xFFFFFFB0;
	s9 =	sadd.s32 @!p0 s25, s9;
	s29 =	simm.s32 @!p0 $0x80  }
0x167: {  	[tilespmem:s29], [sflag:$0x2] =	stream.linear.gather @!p0 [hbm4b:s9+s26], $0x50, $0x38;
	[tilespmem:$0x1EB00] =	vst v63  }
0x168: {  	s9 =	rddreg [dreg:$0x14]  }
0x169: {  	s29 =	simm.s32 @!p0 $0x380;
	s9 =	sadd.s32 @!p0 s25, s9  }
0x16a: {  	[tilespmem:s29], [sflag:$0x2] =	stream.linear.gather @!p0 [hbm4b:s9+s26], $0x50, $0x38;
	[tilespmem:$0x1EB00] =	vst v63  }
0x16b: {  	s9 =	simm.s32 @!p0 $0x1  }
0x16c: {  	_ =	swait.ge @!p0 [sflag:s9], $0x50  }
0x16d: {  	[sflag:s9] =	ssyncset.done @!p0 $0x0  }
0x16e: {  	[sflag:s9] =	ssyncadd.s32 @!p0 $0xFFFFFFB0  }
0x16f: {  	_ =	swait.ge @!p0 [sflag:s9], $0x50  }
0x170: {  	[sflag:s9] =	ssyncset.done @!p0 $0x0  }
0x171: {  	[sflag:s9] =	ssyncadd.s32 @!p0 $0xFFFFFFB0;
	s9 =	simm.s32 @!p0 $0x5600  }
0x172: {  	[tilespmem:s9], [sflag:$0x9] =	stream.indirect.gather @!p0 [hbm4b:s2+s17], $0x80, s15, s17, $0xb8;
	[tilespmem:$0x1EB00] =	vst v63  }
0x173: {  	_ =	swait.ge [sflag:s11], $0x2800  }
0x174: {  	[sflag:s11] =	ssyncset.done $0x0  }
0x175: {  	s26 =	simm.s32 $0x600;
	[sflag:s11] =	ssyncadd.s32 $0xFFFFD800  }
0x176: {  	[spmem:s1] =	stream.indirect.scatter.add.f32 [tilespmem:s26], [sflag:$0xB], $0x80, s12, s22, $0xb8;
	[tilespmem:$0x1EB00] =	vst v63  }
0x177: {  	_ = 	snop  }
0x178: {  	[spmem:s4] =	stream.indirect.scatter.add.f32 [tilespmem:s14], [sflag:$0xF], $0x1, s12, s22, $0xb8;
	[tilespmem:$0x1EB00] =	vst v63  }
0x179: {  	s30 =	simm.s32 $0x480;
	s16 =	simm.s32 $0x2E00;
	_ =	swait.ge [sflag:s7], $0x2800  }
.Ltmp3:
0x17a: {  	s19 =	simm.s32 $0x400;
	[sflag:s7] =	ssyncset.done $0x0;
	(pc) =	sbr.rel @p0 .LBB2_6-.Ltmp3, $4  }
0x17b: {  	s23 =	simm.s32 $0xF;
	s0 =	simm.s32 $0x8;
	[sflag:s7] =	ssyncadd.s32 $0xFFFFD800  }
0x17c: {  	s10 =	simm.s32 $0xB;
	s8 =	simm.s32 $0x10;
	_ =	swait.ge [sflag:s6], $0x50  }
0x17d: {  	s11 =	simm.s32 $0x7;
	s12 =	simm.s32 $0x200;
	[sflag:s6] =	ssyncset.done $0x0  }
0x17e: {  	s7 =	simm.s32 $0xE;
	[sflag:s6] =	ssyncadd.s32 $0xFFFFFFB0;
	s6 =	simm.s32 $0x12  }
0x17f: {  	s9 =	rddreg [dreg:$0x15]  }
0x180: {  	s8 =	simm.s32 $0x100;
	s15 =	rddreg [dreg:$0x16];
	s9 =	sadd.s32 s25, s9  }
0x181: {  	[tilespmem:s8], [sflag:$0x3] =	stream.linear.gather [hbm4b:s9+s5], $0x50, $0x38;
	[tilespmem:$0x1EB00] =	vst v63  }
0x182: {  	s29 =	smov.u32 s1;
	s1 =	simm.s32 $0x2;
	s9 =	sadd.s32 s25, s15  }
0x183: {  	[tilespmem:s19], [sflag:$0x3] =	stream.linear.gather [hbm4b:s9+s5], $0x50, $0x38;
	[tilespmem:$0x1EB00] =	vst v63  }
0x184: {  	_ =	swait.ge [sflag:s1], $0x50  }
0x185: {  	[sflag:s1] =	ssyncset.done $0x0  }
0x186: {  	[sflag:s1] =	ssyncadd.s32 $0xFFFFFFB0  }
0x187: {  	_ =	swait.ge [sflag:s1], $0x50  }
0x188: {  	[sflag:s1] =	ssyncset.done $0x0  }
0x189: {  	s8 =	simm.s32 $0x380;
	[sflag:s1] =	ssyncadd.s32 $0xFFFFFFB0  }
0x18a: {  	[tilespmem:s13], [sflag:$0xA] =	stream.indirect.gather [hbm4b:s2+s22], $0x80, s8, s22, $0xb8;
	[tilespmem:$0x1EB00] =	vst v63  }
0x18b: {  	_ =	swait.ge [sflag:s0], $0x2800  }
0x18c: {  	[sflag:s0] =	ssyncset.done $0x0  }
0x18d: {  	s13 =	simm.s32 $0x280;
	[sflag:s0] =	ssyncadd.s32 $0xFFFFD800  }
0x18e: {  	[spmem:s29] =	stream.indirect.scatter.add.f32 [tilespmem:s16], [sflag:$0xC], $0x80, s13, s22, $0xb8;
	[tilespmem:$0x1EB00] =	vst v63  }
0x18f: {  	_ = 	snop  }
0x190: {  	[spmem:s4] =	stream.indirect.scatter.add.f32 [tilespmem:s14], [sflag:$0x10], $0x1, s13, s22, $0xb8;
	[tilespmem:$0x1EB00] =	vst v63  }
0x191: {  	_ =	swait.ge [sflag:s10], $0x2800  }
0x192: {  	[sflag:s10] =	ssyncset.done $0x0  }
0x193: {  	[sflag:s10] =	ssyncadd.s32 $0xFFFFD800  }
0x194: {  	_ =	swait.ge [sflag:s23], $0x50  }
0x195: {  	[sflag:s23] =	ssyncset.done $0x0;
	s17 =	rddreg [dreg:$0x17]  }
0x196: {  	s8 =	rddreg [dreg:$0x18];
	[sflag:s23] =	ssyncadd.s32 $0xFFFFFFB0;
	s9 =	sadd.s32 s25, s17  }
0x197: {  	[tilespmem:s20], [sflag:$0x4] =	stream.linear.gather [hbm4b:s9+s5], $0x50, $0x38;
	[tilespmem:$0x1EB00] =	vst v63  }
0x198: {  	s9 =	sadd.s32 s25, s8  }
0x199: {  	[tilespmem:s30], [sflag:$0x4] =	stream.linear.gather [hbm4b:s9+s5], $0x50, $0x38;
	[tilespmem:$0x1EB00] =	vst v63  }
0x19a: {  	_ =	swait.ge [sflag:s28], $0x50  }
0x19b: {  	[sflag:s28] =	ssyncset.done $0x0  }
0x19c: {  	[sflag:s28] =	ssyncadd.s32 $0xFFFFFFB0  }
0x19d: {  	_ =	swait.ge [sflag:s28], $0x50  }
0x19e: {  	[sflag:s28] =	ssyncset.done $0x0  }
0x19f: {  	[sflag:s28] =	ssyncadd.s32 $0xFFFFFFB0  }
0x1a0: {  	[tilespmem:s26], [sflag:$0x7] =	stream.indirect.gather [hbm4b:s2+s22], $0x80, s19, s22, $0xb8;
	[tilespmem:$0x1EB00] =	vst v63  }
0x1a1: {  	s19 =	simm.s32 $0x9  }
0x1a2: {  	_ =	swait.ge [sflag:s19], $0x2800  }
0x1a3: {  	[sflag:s19] =	ssyncset.done $0x0  }
0x1a4: {  	[sflag:s19] =	ssyncadd.s32 $0xFFFFD800  }
0x1a5: {  	[spmem:s29] =	stream.indirect.scatter.add.f32 [tilespmem:s24], [sflag:$0xD], $0x80, s5, s22, $0xb8;
	[tilespmem:$0x1EB00] =	vst v63  }
0x1a6: {  	s8 =	simm.s32 $0xC  }
0x1a7: {  	[spmem:s4] =	stream.indirect.scatter.add.f32 [tilespmem:s14], [sflag:$0x11], $0x1, s5, s22, $0xb8;
	[tilespmem:$0x1EB00] =	vst v63  }
0x1a8: {  	_ =	swait.ge [sflag:s8], $0x2800  }
0x1a9: {  	[sflag:s8] =	ssyncset.done $0x0  }
0x1aa: {  	s24 =	smov.u32 s18;
	s18 =	simm.s32 $0x10;
	[sflag:s8] =	ssyncadd.s32 $0xFFFFD800  }
0x1ab: {  	_ =	swait.ge [sflag:s18], $0x50  }
0x1ac: {  	[sflag:s18] =	ssyncset.done $0x0;
	s15 =	rddreg [dreg:$0x19]  }
0x1ad: {  	[sflag:s18] =	ssyncadd.s32 $0xFFFFFFB0;
	s9 =	sadd.s32 s25, s15;
	s15 =	rddreg [dreg:$0x1a]  }
0x1ae: {  	[tilespmem:s12], [sflag:$0x5] =	stream.linear.gather [hbm4b:s9+s5], $0x50, $0x38;
	[tilespmem:$0x1EB00] =	vst v63  }
0x1af: {  	s9 =	sadd.s32 s25, s15  }
0x1b0: {  	[tilespmem:s31], [sflag:$0x5] =	stream.linear.gather [hbm4b:s9+s5], $0x50, $0x38;
	[tilespmem:$0x1EB00] =	vst v63  }
0x1b1: {  	_ =	swait.ge [sflag:s3], $0x50  }
0x1b2: {  	[sflag:s3] =	ssyncset.done $0x0  }
0x1b3: {  	[sflag:s3] =	ssyncadd.s32 $0xFFFFFFB0  }
0x1b4: {  	_ =	swait.ge [sflag:s3], $0x50  }
0x1b5: {  	[sflag:s3] =	ssyncset.done $0x0  }
0x1b6: {  	[sflag:s3] =	ssyncadd.s32 $0xFFFFFFB0  }
0x1b7: {  	[tilespmem:s16], [sflag:$0x8] =	stream.indirect.gather [hbm4b:s2+s22], $0x80, s30, s22, $0xb8;
	[tilespmem:$0x1EB00] =	vst v63  }
0x1b8: {  	s16 =	simm.s32 $0xA  }
0x1b9: {  	_ =	swait.ge [sflag:s16], $0x2800  }
0x1ba: {  	[sflag:s16] =	ssyncset.done $0x0  }
0x1bb: {  	s5 =	simm.s32 $0x80;
	s9 =	simm.s32 $0x7E00;
	[sflag:s16] =	ssyncadd.s32 $0xFFFFD800  }
0x1bc: {  	[spmem:s29] =	stream.indirect.scatter.add.f32 [tilespmem:s9], [sflag:$0xE], $0x80, s5, s22, $0xb8;
	[tilespmem:$0x1EB00] =	vst v63  }
0x1bd: {  	s9 =	simm.s32 $0xD  }
0x1be: {  	[spmem:s4] =	stream.indirect.scatter.add.f32 [tilespmem:s14], [sflag:$0x12], $0x1, s5, s22, $0xb8;
	[tilespmem:$0x1EB00] =	vst v63  }
0x1bf: {  	_ =	swait.ge [sflag:s9], $0x2800  }
0x1c0: {  	[sflag:s9] =	ssyncset.done $0x0  }
0x1c1: {  	[sflag:s9] =	ssyncadd.s32 $0xFFFFD800;
	s9 =	simm.s32 $0x11  }
0x1c2: {  	_ =	swait.ge [sflag:s9], $0x50  }
0x1c3: {  	[sflag:s9] =	ssyncset.done $0x0  }
0x1c4: {  	[sflag:s9] =	ssyncadd.s32 $0xFFFFFFB0;
	s9 =	rddreg [dreg:$0x1b]  }
0x1c5: {  	s31 =	simm.s32 $0x0;
	s9 =	sadd.s32 s25, s9  }
0x1c6: {  	[tilespmem:s13], [sflag:$0x6] =	stream.linear.gather [hbm4b:s9+s31], $0x50, $0x38;
	[tilespmem:$0x1EB00] =	vst v63  }
0x1c7: {  	s9 =	rddreg [dreg:$0x1c]  }
0x1c8: {  	s30 =	simm.s32 $0x580;
	s9 =	sadd.s32 s25, s9  }
0x1c9: {  	[tilespmem:s30], [sflag:$0x6] =	stream.linear.gather [hbm4b:s9+s31], $0x50, $0x38;
	[tilespmem:$0x1EB00] =	vst v63  }
0x1ca: {  	_ =	swait.ge [sflag:s21], $0x50  }
0x1cb: {  	[sflag:s21] =	ssyncset.done $0x0  }
0x1cc: {  	[sflag:s21] =	ssyncadd.s32 $0xFFFFFFB0  }
0x1cd: {  	_ =	swait.ge [sflag:s21], $0x50  }
0x1ce: {  	[sflag:s21] =	ssyncset.done $0x0  }
0x1cf: {  	s17 =	simm.s32 $0x5600;
	s15 =	simm.s32 $0x500;
	[sflag:s21] =	ssyncadd.s32 $0xFFFFFFB0  }
0x1d0: {  	[tilespmem:s17], [sflag:$0x9] =	stream.indirect.gather [hbm4b:s2+s22], $0x80, s15, s22, $0xb8;
	[tilespmem:$0x1EB00] =	vst v63  }
0x1d1: {  	_ =	swait.ge [sflag:s11], $0x2800  }
0x1d2: {  	[sflag:s11] =	ssyncset.done $0x0  }
0x1d3: {  	[sflag:s11] =	ssyncadd.s32 $0xFFFFD800;
	s11 =	simm.s32 $0x100  }
0x1d4: {  	[spmem:s29] =	stream.indirect.scatter.add.f32 [tilespmem:s26], [sflag:$0xB], $0x80, s11, s22, $0xb8;
	[tilespmem:$0x1EB00] =	vst v63  }
0x1d5: {  	_ = 	snop  }
0x1d6: {  	[spmem:s4] =	stream.indirect.scatter.add.f32 [tilespmem:s14], [sflag:$0xF], $0x1, s11, s22, $0xb8;
	[tilespmem:$0x1EB00] =	vst v63  }
0x1d7: {  	_ =	swait.ge [sflag:s7], $0x2800  }
0x1d8: {  	[sflag:s7] =	ssyncset.done $0x0  }
0x1d9: {  	[sflag:s7] =	ssyncadd.s32 $0xFFFFD800  }
0x1da: {  	_ =	swait.ge [sflag:s6], $0x50  }
0x1db: {  	s11 =	sld [smem:$0x7EB];
	_ =	sdelay $0x2  }
0x1dc: {  	[sflag:s6] =	ssyncset.done $0x0;
	s15 =	rddreg [dreg:$0x6];
	s9 =	sshrl.u32 s11, $0x3  }
0x1dd: {  	[sflag:s6] =	ssyncadd.s32 $0xFFFFFFB0;
	s9 =	sadd.s32 s15, s9;
	s15 =	rddreg [dreg:$0x1d]  }
0x1de: {  	[tilespmem:s31], [sflag:$0x1] =	stream.linear.gather [hbm4b:s9+s31], $0x50, $0x38;
	[tilespmem:$0x1EB00] =	vst v63  }
0x1df: {  	s9 =	sadd.s32 s25, s15;
	s15 =	simm.s32 $0x300  }
0x1e0: {  	[tilespmem:s15], [sflag:$0x1] =	stream.linear.gather [hbm4b:s9+s31], $0x50, $0x38;
	[tilespmem:$0x1EB00] =	vst v63  }
0x1e1: {  	s9 =	simm.s32 $0x6  }
0x1e2: {  	_ =	swait.ge [sflag:s9], $0x50  }
0x1e3: {  	[sflag:s9] =	ssyncset.done $0x0  }
0x1e4: {  	[sflag:s9] =	ssyncadd.s32 $0xFFFFFFB0  }
0x1e5: {  	_ =	swait.ge [sflag:s9], $0x50  }
0x1e6: {  	[sflag:s9] =	ssyncset.done $0x0  }
0x1e7: {  	[sflag:s9] =	ssyncadd.s32 $0xFFFFFFB0;
	s9 =	simm.s32 $0x7E00  }
0x1e8: {  	[tilespmem:s9], [sflag:$0xA] =	stream.indirect.gather [hbm4b:s2+s22], $0x80, s30, s22, $0xb8;
	[tilespmem:$0x1EB00] =	vst v63  }
0x1e9: {  	_ =	swait.ge [sflag:s0], $0x2800  }
0x1ea: {  	[sflag:s0] =	ssyncset.done $0x0  }
0x1eb: {  	s9 =	simm.s32 $0x2E00;
	[sflag:s0] =	ssyncadd.s32 $0xFFFFD800  }
0x1ec: {  	[spmem:s29] =	stream.indirect.scatter.add.f32 [tilespmem:s9], [sflag:$0xC], $0x80, s20, s22, $0xb8;
	[tilespmem:$0x1EB00] =	vst v63  }
0x1ed: {  	_ = 	snop  }
0x1ee: {  	[spmem:s4] =	stream.indirect.scatter.add.f32 [tilespmem:s14], [sflag:$0x10], $0x1, s20, s22, $0xb8;
	[tilespmem:$0x1EB00] =	vst v63  }
0x1ef: {  	_ =	swait.ge [sflag:s10], $0x2800  }
0x1f0: {  	[sflag:s10] =	ssyncset.done $0x0  }
0x1f1: {  	[sflag:s10] =	ssyncadd.s32 $0xFFFFD800  }
0x1f2: {  	_ =	swait.ge [sflag:s23], $0x50  }
0x1f3: {  	s10 =	rddreg [dreg:$0x1e]  }
0x1f4: {  	[sflag:s23] =	ssyncset.done $0x0;
	s20 =	rddreg [dreg:$0x1f]  }
0x1f5: {  	[sflag:s23] =	ssyncadd.s32 $0xFFFFFFB0;
	s9 =	sadd.s32 s25, s10;
	s23 =	simm.s32 $0x380  }
0x1f6: {  	[tilespmem:s5], [sflag:$0x2] =	stream.linear.gather [hbm4b:s9+s31], $0x50, $0x38;
	[tilespmem:$0x1EB00] =	vst v63  }
0x1f7: {  	s10 =	simm.s32 $0x1;
	s5 =	simm.s32 $0x0;
	s9 =	sadd.s32 s25, s20  }
0x1f8: {  	[tilespmem:s23], [sflag:$0x2] =	stream.linear.gather [hbm4b:s9+s5], $0x50, $0x38;
	[tilespmem:$0x1EB00] =	vst v63  }
0x1f9: {  	_ =	swait.ge [sflag:s10], $0x50  }
0x1fa: {  	[sflag:s10] =	ssyncset.done $0x0  }
0x1fb: {  	[sflag:s10] =	ssyncadd.s32 $0xFFFFFFB0  }
0x1fc: {  	_ =	swait.ge [sflag:s10], $0x50  }
0x1fd: {  	[sflag:s10] =	ssyncset.done $0x0  }
0x1fe: {  	[sflag:s10] =	ssyncadd.s32 $0xFFFFFFB0  }
0x1ff: {  	[tilespmem:s26], [sflag:$0x7] =	stream.indirect.gather [hbm4b:s2+s22], $0x80, s15, s22, $0xb8;
	[tilespmem:$0x1EB00] =	vst v63  }
0x200: {  	_ =	swait.ge [sflag:s19], $0x2800  }
0x201: {  	[sflag:s19] =	ssyncset.done $0x0  }
0x202: {  	s17 =	simm.s32 $0x5600;
	[sflag:s19] =	ssyncadd.s32 $0xFFFFD800  }
0x203: {  	[spmem:s29] =	stream.indirect.scatter.add.f32 [tilespmem:s17], [sflag:$0xD], $0x80, s12, s22, $0xb8;
	[tilespmem:$0x1EB00] =	vst v63  }
0x204: {  	_ = 	snop  }
0x205: {  	[spmem:s4] =	stream.indirect.scatter.add.f32 [tilespmem:s14], [sflag:$0x11], $0x1, s12, s22, $0xb8;
	[tilespmem:$0x1EB00] =	vst v63  }
0x206: {  	_ =	swait.ge [sflag:s8], $0x2800  }
0x207: {  	[sflag:s8] =	ssyncset.done $0x0  }
0x208: {  	[sflag:s8] =	ssyncadd.s32 $0xFFFFD800  }
0x209: {  	_ =	swait.ge [sflag:s18], $0x50  }
0x20a: {  	s17 =	sld [smem:$0x7ED];
	_ =	sdelay $0x1  }
0x20b: {  	[sflag:s18] =	ssyncset.done $0x0;
	s19 =	sld [smem:$0x7EF]  }
0x20c: {  	[sflag:s18] =	ssyncadd.s32 $0xFFFFFFB0;
	s18 =	simm.s32 $0x100;
	s9 =	sadd.s32 s25, s17  }
0x20d: {  	[tilespmem:s18], [sflag:$0x3] =	stream.linear.gather [hbm4b:s9+s5], $0x50, $0x38;
	[tilespmem:$0x1EB00] =	vst v63  }
0x20e: {  	s20 =	simm.s32 $0x400;
	s9 =	sadd.s32 s25, s19  }
0x20f: {  	[tilespmem:s20], [sflag:$0x3] =	stream.linear.gather [hbm4b:s9+s5], $0x50, $0x38;
	[tilespmem:$0x1EB00] =	vst v63  }
0x210: {  	s7 =	simm.s32 $0xE;
	s6 =	simm.s32 $0x12;
	_ =	swait.ge [sflag:s1], $0x50  }
0x211: {  	s11 =	sadd.s32 $0x3C0, s11;
	s30 =	simm.s32 $0x2E00;
	[sflag:s1] =	ssyncset.done $0x0  }
0x212: {  	s0 =	simm.s32 $0xB;
	s31 =	simm.s32 $0x7E00;
	[sflag:s1] =	ssyncadd.s32 $0xFFFFFFB0  }
0x213: {  	s10 =	simm.s32 $0xF;
	s15 =	simm.s32 $0x2E00;
	_ =	swait.ge [sflag:s1], $0x50  }
0x214: {  	s12 =	simm.s32 $0x200;
	s8 =	simm.s32 $0x8;
	[sflag:s1] =	ssyncset.done $0x0  }
0x215: {  	s18 =	sadd.s32 $0xC, s24;
	s25 =	sadd.s32 $0x78, s25;
	[sflag:s1] =	ssyncadd.s32 $0xFFFFFFB0  }
0x216: {  	[tilespmem:s30], [sflag:$0x8] =	stream.indirect.gather [hbm4b:s2+s22], $0x80, s23, s22, $0xb8;
	[tilespmem:$0x1EB00] =	vst v63  }
0x217: {  	s24 =	simm.s32 $0x180;
	s19 =	simm.s32 $0x500;
	_ =	swait.ge [sflag:s16], $0x2800  }
0x218: {  	s20 =	simm.s32 $0x480;
	s1 =	smov.u32 s29;
	[sflag:s16] =	ssyncset.done $0x0  }
.Ltmp4:
0x219: {  	s23 =	simm.s32 $0x7E00;
	[sflag:s16] =	ssyncadd.s32 $0xFFFFD800;
	(pc) =	sbr.rel .LBB2_4-.Ltmp4, $4  }
0x21a: {  	[spmem:s29] =	stream.indirect.scatter.add.f32 [tilespmem:s23], [sflag:$0xE], $0x80, s13, s22, $0xb8;
	[tilespmem:$0x1EB00] =	vst v63  }
0x21b: {  	s30 =	simm.s32 $0x5600;
	[smem:$0x7EB] =	sst s11;
	s11 =	simm.s32 $0x7  }
0x21c: {  	[spmem:s4] =	stream.indirect.scatter.add.f32 [tilespmem:s14], [sflag:$0x12], $0x1, s13, s22, $0xb8;
	[tilespmem:$0x1EB00] =	vst v63  }
0x21d: {  	s29 =	simm.s32 $0x80;
	s23 =	simm.s32 $0xA600;
	s13 =	simm.s32 $0x400  }
.LBB2_7:
0x21e: {  	_ =	sfence.sel $0x180000  }
0x21f: {  	[bflag:$0x0] =	sbarrier.arrive $0xFFFF  }
0x220: {  	_ =	strace $0x90000047  }
0x221: {  	s0 =	stileid.u32;
	[bflag:$0x2] =	sbarrier.arrive $0xFFFF  }
0x222: {  	p0 =	sne.s32 s0, $0x0;
	s0 =	rddreg [dreg:$0x5]  }
0x223: {  	s0 =	sadd.s32 @!p0 $0x100000, s0  }
0x224: {  	[sflag:s0] =	ssyncadd.tile.s32 @!p0 $0x1;
	_ =	shalt  }
.Lfunc_end2:
_tile_overlayer_lowered:
.L_overlay_start_2:
0x225: {  	(tag) =	ssettag $0x2  }
0x226: {  	s0 =	rddreg [dreg:$0x0];
	s2 =	stileid.u32  }
0x227: {  	s1 =	rddreg [dreg:$0x1];
	p0 =	sne.s32 s2, $0x0  }
0x228: {  	s3 =	rddreg [dreg:$0x2];
	[bflag:$0x3] =	sbarrier.arrive $0xFFFF;
	s2 =	simm.s32 @!p0 $0x1C13  }
0x229: {  	[timem:s3], [sflag:s2] =	dma.local @!p0 [hbm:s0], s1  }
0x22a: {  	s0 =	simm.s32 @!p0 $0x13  }
0x22b: {  	_ =	swait.ge @!p0 [sflag:s0], s1  }
0x22c: {  	s1 =	ssub.s32 @!p0 $0x0, s1;
	[sflag:s0] =	ssyncset.done @!p0 $0x0  }
0x22d: {  	[sflag:s0] =	ssyncadd.s32 @!p0 s1  }
0x22e: {  	[bflag:$0x3] =	sbarrier.arrive $0xFFFF  }
0x22f: {  	_ =	shalt  }

// kernel: kernel.9.cloned.1.call-start
scs
__scs_entry_jumppad:
0x0: {  	(pc) =	sbr.rel $0x88, $3  }
0x1: {  	(tag) =	ssettag $0x0;
	lr =	simm.s32 $0x1  }
0x2: {  	[smem:$0x3F97] =	sst lr;
	_ =	strace $0xD0000000  }
0x3: {  	_ = 	snop  }
0x4: {  	_ = 	snop  }
0x5: {  	_ = 	snop  }
0x6: {  	_ = 	snop  }
0x7: {  	_ = 	snop  }
__scs_overlays_trampoline_lowered:
0x8: {  	[smem:$0x3FA6] =	sst s0  }
0x9: {  	[smem:$0x3FA7] =	sst s1  }
0xa: {  	[smem:$0x3FA8] =	sst s2  }
0xb: {  	[smem:$0x3FA9] =	sst s3  }
0xc: {  	[smem:$0x3FAA] =	sst s4  }
0xd: {  	[smem:$0x3FAB] =	sst s5  }
0xe: {  	[smem:$0x3FAC] =	sst s6  }
0xf: {  	[smem:$0x3FAD] =	sst s7  }
0x10: {  	[smem:$0x3FAE] =	sst s8  }
0x11: {  	[smem:$0x3FAF] =	sst s9;
	s0 =	simm.s32 @!p0 $0x0  }
0x12: {  	s1 =	sld [smem:$0x3F95];
	s0 =	simm.s32 @p0 $0x1  }
0x13: {  	[smem:$0x3FB0] =	sst s0;
	s0 =	simm.s32 @!p1 $0x0  }
0x14: {  	s2 =	sld [smem:$0x3F94];
	s0 =	simm.s32 @p1 $0x1  }
0x15: {  	[smem:$0x3FB1] =	sst s0;
	s0 =	simm.s32 @!p2 $0x0  }
0x16: {  	s3 =	sld [smem:$0x3FDB];
	s0 =	simm.s32 @p2 $0x1  }
0x17: {  	s4 =	simm.s32 $0x1BF5;
	[smem:$0x3FB3] =	sst s0  }
0x18: {  	s0 =	sld [smem:$0x3F96];
	_ =	swait.ge [sflag:s4], $0x0  }
0x19: {  	s7 =	sld [smem:$0x3F97]  }
0x1a: {  	s8 =	sadd.s32 $0xFFFFE003, lr  }
0x1b: {  	s9 =	sadd.s32 $0xFFFFFEF7, lr;
	s5 =	simm.s32 $0xFFFFFFFF;
	p2 =	slt.u32 s8, $0xFFFFF086  }
0x1c: {  	p1 =	slt.u32 s9, $0xF7A;
	s5 =	simm.s32 @!p2 $0x0  }
0x1d: {  	s5 =	simm.s32 @p1 $0x1;
	p0 =	seq.s32 s7, s2  }
0x1e: {  	s7 =	smul.u32 @!p0 $0xF7A, s2;
	p2 =	seq.s32 @!p0 s5, $0x0  }
0x1f: {  	s9 =	smul.u32 $0xF7A, s1;
	s8 =	simm.s32 @!p0 $0x1BF5;
	p2 =	por !p2, p0  }
0x20: {  	[sflag:s8] =	ssyncset.s32 @!p0 $0xFFFFF086;
	s6 =	sadd.s32 @!p0 s3, s7;
	s7 =	simm.s32 @!p0 $0x108  }
0x21: {  	s3 =	sadd.s32 s3, s9;
	s6 =	sadd.s32 @!p0 $0x88, s6;
	s7 =	simm.s32 @p2 $0x1082  }
0x22: {  	[simem:s7], [sflag:s8] =	dma.local @!p0 [hbm:s6], $0xF7A  }
0x23: {  	s9 =	sor.u32 $0xD0000000, s2;
	s6 =	simm.s32 $0x108;
	_ =	swait.ge @!p0 [sflag:s8], $0x0  }
0x24: {  	s3 =	sadd.s32 $0x88, s3;
	s6 =	simm.s32 @!p1 $0x1082;
	[sflag:s4] =	ssyncset.s32 $0xFFFFF086  }
0x25: {  	[simem:s6], [sflag:s4] =	dma.local [hbm:s3], $0xF7A  }
0x26: {  	[smem:$0x3F97] =	sst s1;
	(tag) =	ssettag s2;
	_ =	strace s9  }
0x27: {  	s1 =	sld [smem:$0x3FA7]  }
0x28: {  	s2 =	sld [smem:$0x3FA8]  }
0x29: {  	s4 =	sld [smem:$0x3FAA]  }
0x2a: {  	p0 =	seq.s32 s5, $0x0;
	s5 =	sld [smem:$0x3FAB]  }
0x2b: {  	s6 =	sld [smem:$0x3FAC]  }
0x2c: {  	s7 =	sld [smem:$0x3FAD]  }
0x2d: {  	s3 =	simm.s32 $0x108;
	s8 =	sld [smem:$0x3FAE]  }
0x2e: {  	s3 =	simm.s32 @!p0 $0x1082;
	s9 =	sld [smem:$0x3FAF]  }
0x2f: {  	lr =	sadd.s32 s0, s3;
	s0 =	sld [smem:$0x3FA6]  }
0x30: {  	s3 =	sld [smem:$0x3FA9]  }
0x31: {  	[smem:$0x3FB2] =	sst s10  }
0x32: {  	s10 =	sld [smem:$0x3FB0];
	_ =	sdelay $0x3  }
0x33: {  	p0 =	seq.s32 s10, $0x1;
	s10 =	sld [smem:$0x3FB2];
	_ =	sdelay $0x3  }
0x34: {  	[smem:$0x3FB2] =	sst s10  }
0x35: {  	s10 =	sld [smem:$0x3FB1];
	_ =	sdelay $0x3  }
0x36: {  	p1 =	seq.s32 s10, $0x1;
	s10 =	sld [smem:$0x3FB2];
	_ =	sdelay $0x3  }
0x37: {  	[smem:$0x3FB2] =	sst s10  }
0x38: {  	s10 =	sld [smem:$0x3FB3]  }
0x39: {  	_ = 	snop;
	(pc) =	sbr.ind lr, $3  }
0x3a: {  	_ = 	snop  }
0x3b: {  	_ = 	snop  }
0x3c: {  	p2 =	seq.s32 s10, $0x1;
	s10 =	sld [smem:$0x3FB2]  }
0x3d: {  	_ =	shalt  }
0x3e: {  	_ =	shalt  }
0x3f: {  	_ =	shalt  }
0x40: {  	_ =	shalt  }
0x41: {  	_ =	shalt  }
0x42: {  	_ =	shalt  }
0x43: {  	_ =	shalt  }
0x44: {  	_ =	shalt  }
0x45: {  	_ =	shalt  }
0x46: {  	_ =	shalt  }
0x47: {  	_ =	shalt  }
0x48: {  	_ =	shalt  }
0x49: {  	_ =	shalt  }
0x4a: {  	_ =	shalt  }
0x4b: {  	_ =	shalt  }
0x4c: {  	_ =	shalt  }
0x4d: {  	_ =	shalt  }
0x4e: {  	_ =	shalt  }
0x4f: {  	_ =	shalt  }
0x50: {  	_ =	shalt  }
0x51: {  	_ =	shalt  }
0x52: {  	_ =	shalt  }
0x53: {  	_ =	shalt  }
0x54: {  	_ =	shalt  }
0x55: {  	_ =	shalt  }
0x56: {  	_ =	shalt  }
0x57: {  	_ =	shalt  }
0x58: {  	_ =	shalt  }
0x59: {  	_ =	shalt  }
0x5a: {  	_ =	shalt  }
0x5b: {  	_ =	shalt  }
0x5c: {  	_ =	shalt  }
0x5d: {  	_ =	shalt  }
0x5e: {  	_ =	shalt  }
0x5f: {  	_ =	shalt  }
0x60: {  	_ =	shalt  }
0x61: {  	_ =	shalt  }
0x62: {  	_ =	shalt  }
0x63: {  	_ =	shalt  }
0x64: {  	_ =	shalt  }
0x65: {  	_ =	shalt  }
0x66: {  	_ =	shalt  }
0x67: {  	_ =	shalt  }
0x68: {  	_ =	shalt  }
0x69: {  	_ =	shalt  }
0x6a: {  	_ =	shalt  }
0x6b: {  	_ =	shalt  }
0x6c: {  	_ =	shalt  }
0x6d: {  	_ =	shalt  }
0x6e: {  	_ =	shalt  }
0x6f: {  	_ =	shalt  }
0x70: {  	_ =	shalt  }
0x71: {  	_ =	shalt  }
0x72: {  	_ =	shalt  }
0x73: {  	_ =	shalt  }
0x74: {  	_ =	shalt  }
0x75: {  	_ =	shalt  }
0x76: {  	_ =	shalt  }
0x77: {  	_ =	shalt  }
0x78: {  	_ =	shalt  }
0x79: {  	_ =	shalt  }
0x7a: {  	_ =	shalt  }
0x7b: {  	_ =	shalt  }
0x7c: {  	_ =	shalt  }
0x7d: {  	_ =	shalt  }
0x7e: {  	_ =	shalt  }
0x7f: {  	_ =	shalt  }
0x80: {  	_ =	shalt  }
0x81: {  	_ =	shalt  }
0x82: {  	_ =	shalt  }
0x83: {  	_ =	shalt  }
0x84: {  	_ =	shalt  }
0x85: {  	_ =	shalt  }
0x86: {  	_ =	shalt  }
0x87: {  	_ =	shalt  }
.Lfunc_end0:
.L_simem_size_0:
called_computation.1_lowered:
.L_overlay_start_0:
0x88: {  	s2 =	sld [smem:$0x3FD9]  }
0x89: {  	s3 =	sld [smem:$0x3FFE];
	_ =	sdelay $0x1  }
0x8a: {  	s1 =	srdreg.scid  }
0x8b: {  	s0 =	sand.u32 $0x1, s1  }
0x8c: {  	s16 =	sshll.u32 s0, $0xA;
	s2 =	sadd.s32 s3, s2  }
0x8d: {  	s2 =	sadd.s32 s2, s16  }
0x8e: {  	[smem:$0x3FBE] =	sst s2  }
0x8f: {  	_ = 	snop  }
0x90: {  	(tm) =	ssettm $0x1  }
0x91: {  	s17 =	sld [smem:$0x3FFB];
	_ =	sdelay $0x3  }
0x92: {  	_ =	strace s17  }
0x93: {  	s2 =	sld [smem:$0x3FFC];
	_ =	sdelay $0x3  }
0x94: {  	_ =	strace s2  }
0x95: {  	s2 =	sld [smem:$0x3FFD];
	_ =	sdelay $0x3  }
0x96: {  	_ =	strace s2  }
0x97: {  	_ =	strace $0x8FFFFFFF  }
0x98: {  	s18 =	sld [smem:$0x3FDB];
	_ =	sdelay $0x1  }
0x99: {  	s19 =	simm.s32 $_scs_section_size  }
0x9a: {  	s4 =	simm.s32 $_size__tile_overlayer_lowered;
	s5 =	simm.s32 $_tile_overlayer_lowered  }
0x9b: {  	s22 =	simm.s32 $0x1BFF;
	s21 =	sshll.u32 s5, $0x1;
	s2 =	sadd.s32 s19, s18  }
0x9c: {  	s6 =	simm.s32 $0x0;
	s20 =	sshll.u32 s4, $0x1;
	s4 =	sadd.s32 s21, s2  }
0x9d: {  	[timem:s6], [sflag:s22] =	dma.local [hbm:s4], s20  }
0x9e: {  	_ =	swait.ge [sflag:s22], s20  }
0x9f: {  	s3 =	ssub.s32 $0x0, s20;
	[sflag:s22] =	ssyncset.done $0x0  }
0xa0: {  	[sflag:s22] =	ssyncadd.s32 s3;
	_ =	sdelay $0x1  }
0xa1: {  	s23 =	simm.s32 $0x1B8B  }
0xa2: {  	_ =	swait.ge [sflag:s23], $0x1  }
0xa3: {  	[sflag:s23] =	ssyncset.done $0x0  }
0xa4: {  	s25 =	simm.s32 $0x1B8E;
	s24 =	sld [smem:$0x3FFE];
	[sflag:s23] =	ssyncadd.s32 $0xFFFFFFFF  }
0xa5: {  	s26 =	simm.s32 $execute0_lowered;
	[smem:$0x3FD2] =	sst s25  }
0xa6: {  	s4 =	sshll.u32 s26, $0x1;
	_ =	strace $0x80000049;
	[dreg:$0x1] =	wrdreg $0xFFFFFFFF  }
0xa7: {  	s28 =	simm.s32 $_size_execute0_lowered;
	s2 =	sadd.s32 s2, s4;
	[dreg:$0x0] =	wrdreg $0x0  }
0xa8: {  	s4 =	sshll.u32 s28, $0x1;
	[dreg:$0x2] =	wrdreg s2  }
0xa9: {  	[dreg:$0x3] =	wrdreg s4  }
0xaa: {  	[dreg:$0x4] =	wrdreg $0xC0  }
0xab: {  	_ =	task [dreg:s6], $0x5FFFF  }
0xac: {  	[dreg:$0x1] =	wrdreg $0xFFFFFFFF  }
0xad: {  	[dreg:$0x0] =	wrdreg $0x60  }
0xae: {  	[dreg:$0x2] =	wrdreg s24  }
0xaf: {  	[dreg:$0x3] =	wrdreg $0xA6000  }
0xb0: {  	[dreg:$0x4] =	wrdreg $0x9  }
0xb1: {  	_ =	task.clear_ibuf [dreg:s6], $0x5FFFF;
	_ =	strace $0x90000049  }
0xb2: {  	s29 =	simm.s32 $0x9;
	_ =	strace $0x8000004B  }
0xb3: {  	_ =	swait.ge [sflag:s29], $0x1  }
0xb4: {  	[sflag:s29] =	ssyncadd.s32 $0xFFFFFFFF  }
0xb5: {  	_ =	strace $0x9000004B  }
0xb6: {  	_ =	sfence  }
0xb7: {  	s30 =	sld [smem:$0x0];
	_ =	sdelay $0x2  }
0xb8: {  	s31 =	sshll.u32 s1, $0xD;
	s1 =	sshrl.u32 s1, $0x2  }
0xb9: {  	s3 =	sand.u32 $0x4000, s31;
	s1 =	sadd.s32 s1, s30  }
0xba: {  	s0 =	sor.u32 s3, s0;
	s1 =	sshll.u32 s1, $0x11  }
0xbb: {  	s0 =	sor.u32 s1, s0  }
0xbc: {  	s0 =	sadd.s32 $0x8F2B, s0  }
0xbd: {  	[sflag:s0] =	ssyncadd.remote.s32 $0x1  }
0xbe: {  	_ =	sfence.sel $0xFFFF  }
0xbf: {  	[dreg:$0x0] =	wrdreg $0xFFFFFFFF;
	(pc) =	sbr.abs _section_cstart, $3  }
0xc0: {  	[dreg:$0x1] =	wrdreg $0xFFFFFFFF  }
0xc1: {  	_ =	task.clear_ibuf [dreg:s6], $0x2FFFF;
	_ =	strace $0x9FFFFFFF  }
0xc2: {  	(tm) =	ssettm $0x7FFFFFFF  }
0xc3: {  	_ =	shalt  }
tec
execute0_lowered:
.L_overlay_start_1:
0x0: {  	(tag) =	ssettag $0x1  }
0x1: {  	s0 =	rddreg [dreg:$0x0]  }
0x2: {  	s31 =	rddreg [dreg:$0x1];
	s1 =	srdreg.scid  }
0x3: {  	s9 =	stileid.u32;
	s3 =	simm.s32 $0x0;
	s30 =	simm.s32 $0x7  }
0x4: {  	s28 =	simm.s32 $0x9;
	s29 =	simm.s32 $0xC;
	s6 =	smul.u32 $0x14000, s9  }
0x5: {  	s1 =	sand.u32 $0x1, s1;
	s4 =	sshll.u32 s9, $0x1;
	s8 =	smul.u32 $0x50000, s9  }
0x6: {  	[smem:$0x7FF] =	sst s3;
	s11 =	sadd.s32 $0x2400, s0;
	s9 =	smul.u32 $0x4E20, s9  }
0x7: {  	s5 =	smul.u32 $0x140000, s1;
	s4 =	sor.u32 s1, s4;
	_ =	strace $0x8000004A  }
0x8: {  	s24 =	ssub.s32 $0x2, s1;
	s1 =	smul.u32 $0x2710, s1;
	[dreg:$0x3] =	wrdreg s11  }
0x9: {  	s7 =	smul.u32 $0x2710, s4;
	s4 =	sadd.s32 $0x15E00, s0;
	s10 =	sshrl.u32 s24, $0x1  }
0xa: {  	s25 =	sshrl.u32 s8, $0x2;
	s5 =	sadd.s32 s6, s5;
	s6 =	ssub.s32 s24, s10  }
0xb: {  	s8 =	sadd.s32 s25, s31;
	s5 =	sshrl.u32 s5, $0x3;
	s7 =	sshrl.u32 s7, $0x3  }
0xc: {  	[dreg:$0x4] =	wrdreg s8;
	s5 =	sadd.s32 s5, s0;
	s0 =	sadd.s32 s1, s9  }
0xd: {  	s7 =	sadd.s32 s11, s7;
	s9 =	smax.u32 s6, $0x1;
	s26 =	sadd.s32 $0x3D000, s5  }
0xe: {  	s2 =	sadd.s32 $0x140, s0;
	[dreg:$0x7] =	wrdreg s9;
	s10 =	sadd.s32 $0x4E340, s0  }
0xf: {  	s13 =	sadd.s32 $0x190, s0;
	s15 =	sadd.s32 $0x4E390, s0;
	s17 =	sadd.s32 $0x1E0, s0  }
0x10: {  	s19 =	sadd.s32 $0x4E3E0, s0;
	s21 =	sadd.s32 $0x230, s0;
	s23 =	sadd.s32 $0x4E430, s0  }
0x11: {  	s25 =	sadd.s32 $0x280, s0;
	s6 =	sadd.s32 $0x2D0, s0;
	[dreg:$0x5] =	wrdreg s7  }
0x12: {  	[dreg:$0x6] =	wrdreg s26;
	s1 =	sshrl.u32 s2, $0x3;
	s12 =	sshrl.u32 s10, $0x3  }
0x13: {  	s14 =	sshrl.u32 s13, $0x3;
	s16 =	sshrl.u32 s15, $0x3;
	s18 =	sshrl.u32 s17, $0x3  }
0x14: {  	s20 =	sshrl.u32 s19, $0x3;
	s22 =	sshrl.u32 s21, $0x3;
	s24 =	sshrl.u32 s23, $0x3  }
0x15: {  	s26 =	sshrl.u32 s25, $0x3;
	s2 =	sadd.s32 $0x4E480, s0;
	s9 =	sshrl.u32 s6, $0x3  }
0x16: {  	s10 =	sadd.s32 $0x4E4D0, s0;
	s13 =	sadd.s32 $0x320, s0;
	s15 =	sadd.s32 $0x4E520, s0  }
0x17: {  	s17 =	sadd.s32 $0x370, s0;
	s19 =	sadd.s32 $0x4E570, s0;
	s21 =	sadd.s32 $0x4E5C0, s0  }
0x18: {  	s23 =	sadd.s32 $0x410, s0;
	s25 =	sadd.s32 $0x4E610, s0;
	s1 =	sadd.s32 s1, s11  }
0x19: {  	s5 =	sshrl.u32 s2, $0x3;
	[dreg:$0x8] =	wrdreg s1;
	s1 =	sadd.s32 s12, s11  }
0x1a: {  	s2 =	sadd.s32 $0x460, s0;
	[dreg:$0x9] =	wrdreg s1;
	s1 =	sadd.s32 s14, s11  }
0x1b: {  	s14 =	sshrl.u32 s13, $0x3;
	s13 =	sadd.s32 $0x3C0, s0;
	[dreg:$0xa] =	wrdreg s1  }
0x1c: {  	s12 =	sshrl.u32 s10, $0x3;
	s1 =	sadd.s32 s16, s11;
	[dreg:$0x1c] =	wrdreg s13  }
0x1d: {  	s16 =	sshrl.u32 s15, $0x3;
	s15 =	sadd.s32 $0x2800, s8;
	[dreg:$0xb] =	wrdreg s1  }
0x1e: {  	s6 =	sshrl.u32 s2, $0x3;
	s1 =	sadd.s32 s18, s11;
	[smem:$0x7F2] =	sst s15  }
0x1f: {  	s18 =	sshrl.u32 s17, $0x3;
	s17 =	sadd.s32 $0x7800, s8;
	[dreg:$0xc] =	wrdreg s1  }
0x20: {  	s2 =	simm.s32 $0xB;
	s1 =	sadd.s32 s20, s11;
	[smem:$0x7F4] =	sst s17  }
0x21: {  	s20 =	sshrl.u32 s19, $0x3;
	s19 =	sadd.s32 $0xC800, s8;
	[dreg:$0xd] =	wrdreg s1  }
0x22: {  	s13 =	simm.s32 $0x400;
	s1 =	sadd.s32 s22, s11;
	[smem:$0x7F6] =	sst s19  }
0x23: {  	s22 =	sshrl.u32 s21, $0x3;
	s21 =	sadd.s32 $0x11800, s8;
	[dreg:$0xe] =	wrdreg s1  }
0x24: {  	s15 =	simm.s32 $0x2E00;
	s1 =	sadd.s32 s24, s11;
	[smem:$0x7F8] =	sst s21  }
0x25: {  	s24 =	sshrl.u32 s23, $0x3;
	s23 =	sadd.s32 $0xA, s7;
	[dreg:$0xf] =	wrdreg s1  }
0x26: {  	s17 =	simm.s32 $0x480;
	s1 =	sadd.s32 s26, s11;
	[smem:$0x7FA] =	sst s23  }
0x27: {  	s26 =	sshrl.u32 s25, $0x3;
	s25 =	sadd.s32 $0x14, s7;
	[dreg:$0x10] =	wrdreg s1  }
0x28: {  	s21 =	simm.s32 $0x2;
	s1 =	sadd.s32 s5, s11;
	[smem:$0x7FC] =	sst s25  }
0x29: {  	[dreg:$0x11] =	wrdreg s1;
	s1 =	sadd.s32 s9, s11;
	s9 =	sadd.s32 $0x4E660, s0  }
0x2a: {  	[dreg:$0x12] =	wrdreg s1;
	s1 =	sadd.s32 s12, s11;
	s12 =	sadd.s32 $0xF0, s0  }
0x2b: {  	s0 =	sadd.s32 $0x4E2F0, s0;
	[dreg:$0x13] =	wrdreg s1;
	s1 =	sadd.s32 s14, s11  }
0x2c: {  	s5 =	sshrl.u32 s12, $0x3;
	[dreg:$0x14] =	wrdreg s1;
	s1 =	sadd.s32 s16, s11  }
0x2d: {  	s0 =	sshrl.u32 s0, $0x3;
	s14 =	sadd.s32 s5, s11;
	[dreg:$0x15] =	wrdreg s1  }
0x2e: {  	s23 =	simm.s32 $0x7E00;
	s0 =	sadd.s32 s0, s11;
	[dreg:$0x1e] =	wrdreg s14  }
0x2f: {  	s25 =	simm.s32 $0x180;
	s16 =	sadd.s32 $0x5000, s8;
	[dreg:$0x1f] =	wrdreg s0  }
0x30: {  	s10 =	sshrl.u32 s9, $0x3;
	s1 =	sadd.s32 s18, s11;
	[smem:$0x7F3] =	sst s16  }
0x31: {  	s9 =	simm.s32 $0x500;
	s18 =	sadd.s32 $0xA000, s8;
	[dreg:$0x16] =	wrdreg s1  }
0x32: {  	s12 =	simm.s32 $0x50;
	s1 =	sadd.s32 s20, s11;
	[smem:$0x7F5] =	sst s18  }
0x33: {  	s5 =	simm.s32 $0xF;
	s20 =	sadd.s32 $0xF000, s8;
	[dreg:$0x17] =	wrdreg s1  }
0x34: {  	s14 =	simm.s32 $0x100;
	s1 =	sadd.s32 s22, s11;
	[smem:$0x7F7] =	sst s20  }
0x35: {  	s18 =	simm.s32 $0x80;
	s22 =	sadd.s32 $0x9C40, s7;
	[dreg:$0x18] =	wrdreg s1  }
0x36: {  	s20 =	simm.s32 $0x3;
	s1 =	sadd.s32 s24, s11;
	[smem:$0x7F9] =	sst s22  }
0x37: {  	s24 =	sadd.s32 $0x9C4A, s7;
	s22 =	simm.s32 $0x4;
	[dreg:$0x19] =	wrdreg s1  }
.Ltmp0:
0x38: {  	s1 =	sadd.s32 s26, s11;
	[smem:$0x7FB] =	sst s24;
	(pc) =	sbr.rel .LBB2_1-.Ltmp0, $4  }
0x39: {  	s26 =	sadd.s32 $0x9C54, s7;
	s24 =	simm.s32 $0x8;
	[dreg:$0x1a] =	wrdreg s1  }
0x3a: {  	s1 =	sadd.s32 s6, s11;
	[smem:$0x7FD] =	sst s26;
	s26 =	simm.s32 $0x5  }
0x3b: {  	[dreg:$0x1b] =	wrdreg s1;
	s1 =	sadd.s32 s10, s11;
	s10 =	simm.s32 $0x80  }
0x3c: {  	v0 =	vimm.f32 $0.0e+00;
	s11 =	simm.s32 $0x5600;
	[dreg:$0x1d] =	wrdreg s1;
	s1 =	simm.s32 $0x0  }
.LBB2_6:
0x3d: {  	_ =	swait.ge [sflag:s2], $0x2800  }
0x3e: {  	[sflag:s2] =	ssyncset.done $0x0  }
0x3f: {  	[sflag:s2] =	ssyncadd.s32 $0xFFFFD800  }
0x40: {  	s0 =	stileid.u32;
	[bflag:$0x0] =	sbarrier.arrive $0xFFFF  }
0x41: {  	s0 =	sshll.u32 s0, $0x6;
	s8 =	rddreg [dreg:$0x4]  }
0x42: {  	s0 =	sor.u32 $0x1C0F, s0;
	s6 =	rddreg [dreg:$0x6];
	s5 =	sshrl.u32 s8, $0x3  }
0x43: {  	[hbm:s6], [sflag:s0] =	dma.local [spmem:s5], $0x2800  }
0x44: {  	s5 =	simm.s32 $0xF  }
0x45: {  	_ =	swait.ge [sflag:s5], $0x2800  }
0x46: {  	s1 =	sld [smem:$0x7F1];
	_ =	sdelay $0x2  }
0x47: {  	s25 =	rddreg [dreg:$0x7];
	s1 =	sadd.s32 $0x1, s1  }
0x48: {  	s10 =	simm.s32 $0x80;
	s14 =	simm.s32 $0x100;
	p0 =	sne.s32 s1, s25  }
.Ltmp1:
0x49: {  	s13 =	simm.s32 $0x400;
	s15 =	simm.s32 $0x2E00;
	(pc) =	sbr.rel @!p0 .LBB2_7-.Ltmp1, $4  }
0x4a: {  	s17 =	simm.s32 $0x480;
	s11 =	simm.s32 $0x5600;
	s9 =	simm.s32 $0x500  }
0x4b: {  	s23 =	simm.s32 $0x7E00;
	s30 =	simm.s32 $0x7;
	s24 =	simm.s32 $0x8  }
0x4c: {  	s28 =	simm.s32 $0x9;
	s29 =	simm.s32 $0xC;
	[sflag:s5] =	ssyncset.done $0x0  }
0x4d: {  	s2 =	simm.s32 $0xB;
	[sflag:s5] =	ssyncadd.s32 $0xFFFFD800;
	s25 =	simm.s32 $0x180  }
.LBB2_1:
0x4e: {  	[smem:$0x7F1] =	sst s1;
	s0 =	simm.s32 $0x0;
	s6 =	simm.s32 $0x200  }
.LBB2_2:
0x4f: {  	p0 =	sne.s32 s6, $0x9E00;
	[tilespmem:s0+$0x670] =	vst v0  }
0x50: {  	[tilespmem:s0+$0x600] =	vst v0  }
0x51: {  	[tilespmem:s0+$0x610] =	vst v0  }
.Ltmp2:
0x52: {  	[tilespmem:s0+$0x620] =	vst v0;
	(pc) =	sbr.rel @p0 .LBB2_2-.Ltmp2, $4  }
0x53: {  	[tilespmem:s0+$0x630] =	vst v0  }
0x54: {  	[tilespmem:s0+$0x640] =	vst v0  }
0x55: {  	[tilespmem:s0+$0x650] =	vst v0  }
0x56: {  	[tilespmem:s0+$0x660] =	vst v0;
	s0 =	sshra.s32 s6, $0x2;
	s6 =	sadd.s32 $0x200, s6  }
0x57: {  	[tilespmem:s0+$0x670] =	vst v0  }
0x58: {  	[tilespmem:s0+$0x600] =	vst v0  }
0x59: {  	[tilespmem:s0+$0x610] =	vst v0  }
0x5a: {  	[tilespmem:s0+$0x620] =	vst v0  }
0x5b: {  	[tilespmem:s0+$0x630] =	vst v0  }
0x5c: {  	[tilespmem:s0+$0x640] =	vst v0  }
0x5d: {  	[tilespmem:s0+$0x650] =	vst v0  }
0x5e: {  	[tilespmem:s0+$0x660] =	vst v0;
	s1 =	simm.s32 $0x600  }
0x5f: {  	[spmem:s8] =	stream.linear.scatter [tilespmem:s1], [sflag:$0xF], $0x2800, $0x38;
	[tilespmem:$0x1E600] =	vst v63  }
0x60: {  	_ =	swait.ge [sflag:s5], $0x2800  }
0x61: {  	s7 =	sld [smem:$0x7F2]  }
0x62: {  	[sflag:s5] =	ssyncset.done $0x0  }
0x63: {  	[sflag:s5] =	ssyncadd.s32 $0xFFFFD800  }
0x64: {  	[spmem:s7] =	stream.linear.scatter [tilespmem:s1], [sflag:$0xF], $0x2800, $0x38;
	[tilespmem:$0x1E600] =	vst v63  }
0x65: {  	_ =	swait.ge [sflag:s5], $0x2800  }
0x66: {  	s8 =	sld [smem:$0x7F3]  }
0x67: {  	[sflag:s5] =	ssyncset.done $0x0  }
0x68: {  	[sflag:s5] =	ssyncadd.s32 $0xFFFFD800  }
0x69: {  	[spmem:s8] =	stream.linear.scatter [tilespmem:s1], [sflag:$0xF], $0x2800, $0x38;
	[tilespmem:$0x1E600] =	vst v63  }
0x6a: {  	_ =	swait.ge [sflag:s5], $0x2800  }
0x6b: {  	s16 =	sld [smem:$0x7F4]  }
0x6c: {  	[sflag:s5] =	ssyncset.done $0x0  }
0x6d: {  	[sflag:s5] =	ssyncadd.s32 $0xFFFFD800  }
0x6e: {  	[spmem:s16] =	stream.linear.scatter [tilespmem:s1], [sflag:$0xF], $0x2800, $0x38;
	[tilespmem:$0x1E600] =	vst v63  }
0x6f: {  	_ =	swait.ge [sflag:s5], $0x2800  }
0x70: {  	s19 =	sld [smem:$0x7F5]  }
0x71: {  	[sflag:s5] =	ssyncset.done $0x0  }
0x72: {  	[sflag:s5] =	ssyncadd.s32 $0xFFFFD800  }
0x73: {  	[spmem:s19] =	stream.linear.scatter [tilespmem:s1], [sflag:$0xF], $0x2800, $0x38;
	[tilespmem:$0x1E600] =	vst v63  }
0x74: {  	_ =	swait.ge [sflag:s5], $0x2800  }
0x75: {  	s6 =	sld [smem:$0x7F6]  }
0x76: {  	[sflag:s5] =	ssyncset.done $0x0  }
0x77: {  	[sflag:s5] =	ssyncadd.s32 $0xFFFFD800  }
0x78: {  	[spmem:s6] =	stream.linear.scatter [tilespmem:s1], [sflag:$0xF], $0x2800, $0x38;
	[tilespmem:$0x1E600] =	vst v63  }
0x79: {  	_ =	swait.ge [sflag:s5], $0x2800  }
0x7a: {  	s7 =	sld [smem:$0x7F7]  }
0x7b: {  	[sflag:s5] =	ssyncset.done $0x0  }
0x7c: {  	[sflag:s5] =	ssyncadd.s32 $0xFFFFD800  }
0x7d: {  	[spmem:s7] =	stream.linear.scatter [tilespmem:s1], [sflag:$0xF], $0x2800, $0x38;
	[tilespmem:$0x1E600] =	vst v63  }
0x7e: {  	_ =	swait.ge [sflag:s5], $0x2800  }
0x7f: {  	s8 =	sld [smem:$0x7F8]  }
0x80: {  	[sflag:s5] =	ssyncset.done $0x0  }
0x81: {  	[sflag:s5] =	ssyncadd.s32 $0xFFFFD800  }
0x82: {  	[spmem:s8] =	stream.linear.scatter [tilespmem:s1], [sflag:$0xF], $0x2800, $0x38;
	[tilespmem:$0x1E600] =	vst v63  }
0x83: {  	_ =	swait.ge [sflag:s5], $0x2800  }
0x84: {  	[sflag:s5] =	ssyncset.done $0x0  }
0x85: {  	[sflag:s5] =	ssyncadd.s32 $0xFFFFD800  }
0x86: {  	[bflag:$0x0] =	sbarrier.arrive $0xFFFF  }
0x87: {  	s16 =	rddreg [dreg:$0x5]  }
0x88: {  	s6 =	simm.s32 $0x0;
	s19 =	sld [smem:$0x7F9]  }
0x89: {  	[tilespmem:s6], [sflag:$0x1] =	stream.linear.gather [hbm4b:s16+s6], $0x50, $0x38;
	[tilespmem:$0x1E600] =	vst v63  }
0x8a: {  	s5 =	simm.s32 $0x300;
	s7 =	sld [smem:$0x7FA]  }
0x8b: {  	[tilespmem:s5], [sflag:$0x1] =	stream.linear.gather [hbm4b:s19+s6], $0x50, $0x38;
	[tilespmem:$0x1E600] =	vst v63  }
0x8c: {  	s8 =	sld [smem:$0x7FB]  }
0x8d: {  	[tilespmem:s10], [sflag:$0x2] =	stream.linear.gather [hbm4b:s7+s6], $0x50, $0x38;
	[tilespmem:$0x1E600] =	vst v63  }
0x8e: {  	s16 =	sld [smem:$0x7FC];
	s7 =	simm.s32 $0x380  }
0x8f: {  	[tilespmem:s7], [sflag:$0x2] =	stream.linear.gather [hbm4b:s8+s6], $0x50, $0x38;
	[tilespmem:$0x1E600] =	vst v63  }
0x90: {  	s19 =	sld [smem:$0x7FD]  }
0x91: {  	[tilespmem:s14], [sflag:$0x3] =	stream.linear.gather [hbm4b:s16+s6], $0x50, $0x38;
	[tilespmem:$0x1E600] =	vst v63  }
0x92: {  	s8 =	simm.s32 $0x1  }
0x93: {  	[tilespmem:s13], [sflag:$0x3] =	stream.linear.gather [hbm4b:s19+s6], $0x50, $0x38;
	[tilespmem:$0x1E600] =	vst v63  }
0x94: {  	_ =	swait.ge [sflag:s8], $0x50  }
0x95: {  	[sflag:s8] =	ssyncset.done $0x0  }
0x96: {  	[sflag:s8] =	ssyncadd.s32 $0xFFFFFFB0  }
0x97: {  	_ =	swait.ge [sflag:s8], $0x50  }
0x98: {  	[sflag:s8] =	ssyncset.done $0x0  }
0x99: {  	s16 =	simm.s32 $0x2;
	[sflag:s8] =	ssyncadd.s32 $0xFFFFFFB0  }
0x9a: {  	[tilespmem:s1], [sflag:$0x7] =	stream.indirect.gather [hbm4b:s4+s12], $0x80, s5, s12, $0xb8;
	[tilespmem:$0x1E600] =	vst v63  }
0x9b: {  	_ =	swait.ge [sflag:s16], $0x50  }
0x9c: {  	[sflag:s16] =	ssyncset.done $0x0  }
0x9d: {  	[sflag:s16] =	ssyncadd.s32 $0xFFFFFFB0  }
0x9e: {  	_ =	swait.ge [sflag:s16], $0x50  }
0x9f: {  	[sflag:s16] =	ssyncset.done $0x0  }
0xa0: {  	s0 =	simm.s32 $0xFFFFFFFE;
	s19 =	rddreg [dreg:$0x1c];
	[sflag:s16] =	ssyncadd.s32 $0xFFFFFFB0  }
0xa1: {  	[smem:$0x7F0] =	sst s19;
	s16 =	simm.s32 $0x200;
	s19 =	simm.s32 $0xE  }
0xa2: {  	[tilespmem:s15], [sflag:$0x8] =	stream.indirect.gather [hbm4b:s4+s12], $0x80, s7, s12, $0xb8;
	[tilespmem:$0x1E600] =	vst v63  }
.LBB2_4:
0xa3: {  	p0 =	sgt.u32 s0, $0x7C  }
0xa4: {  	[smem:$0x7EF] =	sst s0;
	s0 =	simm.s32 @!p0 $0xD  }
0xa5: {  	_ =	swait.ge @!p0 [sflag:s0], $0x2800  }
0xa6: {  	[sflag:s0] =	ssyncset.done @!p0 $0x0;
	s7 =	rddreg [dreg:$0x1e]  }
0xa7: {  	s8 =	rddreg [dreg:$0x1f];
	[sflag:s0] =	ssyncadd.s32 @!p0 $0xFFFFD800;
	s0 =	sadd.s32 s6, s7  }
0xa8: {  	[tilespmem:s25], [sflag:$0x4] =	stream.linear.gather [hbm4b:s0+s3], $0x50, $0x38;
	[tilespmem:$0x1E600] =	vst v63  }
0xa9: {  	s0 =	sadd.s32 s6, s8  }
0xaa: {  	[tilespmem:s17], [sflag:$0x4] =	stream.linear.gather [hbm4b:s0+s3], $0x50, $0x38;
	[tilespmem:$0x1E600] =	vst v63  }
0xab: {  	_ =	swait.ge [sflag:s20], $0x50  }
0xac: {  	[sflag:s20] =	ssyncset.done $0x0  }
0xad: {  	[sflag:s20] =	ssyncadd.s32 $0xFFFFFFB0  }
0xae: {  	_ =	swait.ge [sflag:s20], $0x50  }
0xaf: {  	[sflag:s20] =	ssyncset.done $0x0  }
0xb0: {  	[sflag:s20] =	ssyncadd.s32 $0xFFFFFFB0  }
0xb1: {  	[tilespmem:s11], [sflag:$0x9] =	stream.indirect.gather [hbm4b:s4+s12], $0x80, s13, s12, $0xb8;
	[tilespmem:$0x1E600] =	vst v63  }
0xb2: {  	_ =	swait.ge [sflag:s30], $0x2800  }
0xb3: {  	p0 =	seq.s32 s6, $0x0;
	[sflag:s30] =	ssyncset.done $0x0  }
0xb4: {  	s0 =	simm.s32 @!p0 $0xE;
	[sflag:s30] =	ssyncadd.s32 $0xFFFFD800  }
0xb5: {  	[spmem:s31] =	stream.indirect.scatter.add.f32 [tilespmem:s1], [sflag:$0xB], $0x80, s3, s12, $0xb8;
	[tilespmem:$0x1E600] =	vst v63  }
0xb6: {  	_ =	swait.ge @!p0 [sflag:s0], $0x2800  }
0xb7: {  	[sflag:s0] =	ssyncset.done @!p0 $0x0;
	s13 =	rddreg [dreg:$0x8]  }
0xb8: {  	s25 =	rddreg [dreg:$0x9];
	[sflag:s0] =	ssyncadd.s32 @!p0 $0xFFFFD800;
	s0 =	sadd.s32 s6, s13  }
0xb9: {  	[tilespmem:s16], [sflag:$0x5] =	stream.linear.gather [hbm4b:s0+s3], $0x50, $0x38;
	[tilespmem:$0x1E600] =	vst v63  }
0xba: {  	s0 =	sadd.s32 s6, s25  }
0xbb: {  	[tilespmem:s9], [sflag:$0x5] =	stream.linear.gather [hbm4b:s0+s3], $0x50, $0x38;
	[tilespmem:$0x1E600] =	vst v63  }
0xbc: {  	_ =	swait.ge [sflag:s22], $0x50  }
0xbd: {  	[sflag:s22] =	ssyncset.done $0x0  }
0xbe: {  	[sflag:s22] =	ssyncadd.s32 $0xFFFFFFB0  }
0xbf: {  	_ =	swait.ge [sflag:s22], $0x50  }
0xc0: {  	[sflag:s22] =	ssyncset.done $0x0  }
0xc1: {  	[sflag:s22] =	ssyncadd.s32 $0xFFFFFFB0  }
0xc2: {  	[tilespmem:s23], [sflag:$0xA] =	stream.indirect.gather [hbm4b:s4+s12], $0x80, s17, s12, $0xb8;
	[tilespmem:$0x1E600] =	vst v63  }
0xc3: {  	_ =	swait.ge [sflag:s24], $0x2800  }
0xc4: {  	[sflag:s24] =	ssyncset.done $0x0  }
0xc5: {  	[sflag:s24] =	ssyncadd.s32 $0xFFFFD800  }
0xc6: {  	[spmem:s31] =	stream.indirect.scatter.add.f32 [tilespmem:s15], [sflag:$0xC], $0x80, s10, s12, $0xb8;
	[tilespmem:$0x1E600] =	vst v63  }
0xc7: {  	p0 =	seq.s32 s6, $0x4B0;
	_ =	swait.ge [sflag:s2], $0x2800  }
0xc8: {  	s5 =	simm.s32 @!p0 $0x280;
	[sflag:s2] =	ssyncset.done $0x0;
	s0 =	rddreg [dreg:$0xa]  }
0xc9: {  	[sflag:s2] =	ssyncadd.s32 $0xFFFFD800;
	s8 =	sadd.s32 @!p0 s6, s0;
	s0 =	simm.s32 @!p0 $0x0  }
0xca: {  	[tilespmem:s5], [sflag:$0x6] =	stream.linear.gather @!p0 [hbm4b:s8+s0], $0x50, $0x38;
	[tilespmem:$0x1E600] =	vst v63  }
0xcb: {  	s5 =	rddreg [dreg:$0xb]  }
0xcc: {  	s8 =	simm.s32 @!p0 $0x580;
	s5 =	sadd.s32 @!p0 s6, s5  }
0xcd: {  	[tilespmem:s8], [sflag:$0x6] =	stream.linear.gather @!p0 [hbm4b:s5+s0], $0x50, $0x38;
	[tilespmem:$0x1E600] =	vst v63  }
0xce: {  	_ =	swait.ge [sflag:s26], $0x50  }
0xcf: {  	[sflag:s26] =	ssyncset.done $0x0  }
0xd0: {  	[sflag:s26] =	ssyncadd.s32 $0xFFFFFFB0  }
0xd1: {  	_ =	swait.ge [sflag:s26], $0x50  }
0xd2: {  	[sflag:s26] =	ssyncset.done $0x0  }
0xd3: {  	[sflag:s26] =	ssyncadd.s32 $0xFFFFFFB0  }
0xd4: {  	[tilespmem:s1], [sflag:$0x7] =	stream.indirect.gather [hbm4b:s4+s12], $0x80, s9, s12, $0xb8;
	[tilespmem:$0x1E600] =	vst v63  }
0xd5: {  	_ =	swait.ge [sflag:s28], $0x2800  }
0xd6: {  	[sflag:s28] =	ssyncset.done $0x0  }
0xd7: {  	[sflag:s28] =	ssyncadd.s32 $0xFFFFD800  }
0xd8: {  	[spmem:s31] =	stream.indirect.scatter.add.f32 [tilespmem:s11], [sflag:$0xD], $0x80, s14, s12, $0xb8;
	[tilespmem:$0x1E600] =	vst v63  }
0xd9: {  	_ =	swait.ge [sflag:s29], $0x2800  }
0xda: {  	[sflag:s29] =	ssyncset.done $0x0  }
0xdb: {  	s5 =	simm.s32 @p0 $0xA;
	[sflag:s29] =	ssyncadd.s32 $0xFFFFD800  }
0xdc: {  	_ =	swait.ge @p0 [sflag:s5], $0x2800  }
0xdd: {  	s10 =	simm.s32 @p0 $0x180;
	[sflag:s5] =	ssyncset.done @p0 $0x0  }
0xde: {  	s14 =	simm.s32 @p0 $0x7E00;
	[sflag:s5] =	ssyncadd.s32 @p0 $0xFFFFD800;
	s5 =	simm.s32 @p0 $0x50  }
0xdf: {  	[spmem:s31] =	stream.indirect.scatter.add.f32 @p0 [tilespmem:s14], [sflag:$0xE], $0x80, s10, s5, $0xb8;
	[tilespmem:$0x1E600] =	vst v63  }
0xe0: {  	s5 =	simm.s32 @p0 $0xD  }
0xe1: {  	_ =	swait.ge @p0 [sflag:s5], $0x2800  }
0xe2: {  	[sflag:s5] =	ssyncset.done @p0 $0x0  }
0xe3: {  	[sflag:s5] =	ssyncadd.s32 @p0 $0xFFFFD800;
	s5 =	rddreg [dreg:$0xc]  }
0xe4: {  	s5 =	sadd.s32 @!p0 s6, s5  }
0xe5: {  	[tilespmem:s0], [sflag:$0x1] =	stream.linear.gather @!p0 [hbm4b:s5+s0], $0x50, $0x38;
	[tilespmem:$0x1E600] =	vst v63  }
0xe6: {  	s5 =	rddreg [dreg:$0xd]  }
0xe7: {  	s10 =	simm.s32 @!p0 $0x300;
	s5 =	sadd.s32 @!p0 s6, s5  }
0xe8: {  	[tilespmem:s10], [sflag:$0x1] =	stream.linear.gather @!p0 [hbm4b:s5+s0], $0x50, $0x38;
	[tilespmem:$0x1E600] =	vst v63  }
0xe9: {  	s5 =	simm.s32 @!p0 $0x6  }
0xea: {  	_ =	swait.ge @!p0 [sflag:s5], $0x50  }
0xeb: {  	[sflag:s5] =	ssyncset.done @!p0 $0x0  }
0xec: {  	[sflag:s5] =	ssyncadd.s32 @!p0 $0xFFFFFFB0  }
0xed: {  	_ =	swait.ge @!p0 [sflag:s5], $0x50  }
0xee: {  	[sflag:s5] =	ssyncset.done @!p0 $0x0  }
0xef: {  	s14 =	simm.s32 @!p0 $0x2E00;
	[sflag:s5] =	ssyncadd.s32 @!p0 $0xFFFFFFB0;
	s5 =	simm.s32 @!p0 $0x50  }
0xf0: {  	[tilespmem:s14], [sflag:$0x8] =	stream.indirect.gather @!p0 [hbm4b:s4+s5], $0x80, s8, s5, $0xb8;
	[tilespmem:$0x1E600] =	vst v63  }
0xf1: {  	s8 =	simm.s32 @!p0 $0xA  }
0xf2: {  	_ =	swait.ge @!p0 [sflag:s8], $0x2800  }
0xf3: {  	[sflag:s8] =	ssyncset.done @!p0 $0x0  }
0xf4: {  	s14 =	simm.s32 @!p0 $0x7E00;
	[sflag:s8] =	ssyncadd.s32 @!p0 $0xFFFFD800;
	s8 =	simm.s32 @!p0 $0x180  }
0xf5: {  	[spmem:s31] =	stream.indirect.scatter.add.f32 @!p0 [tilespmem:s14], [sflag:$0xE], $0x80, s8, s5, $0xb8;
	[tilespmem:$0x1E600] =	vst v63  }
0xf6: {  	s8 =	simm.s32 @!p0 $0xD  }
0xf7: {  	_ =	swait.ge @!p0 [sflag:s8], $0x2800  }
0xf8: {  	[sflag:s8] =	ssyncset.done @!p0 $0x0  }
0xf9: {  	[sflag:s8] =	ssyncadd.s32 @!p0 $0xFFFFD800;
	s8 =	rddreg [dreg:$0xe]  }
0xfa: {  	s14 =	simm.s32 @!p0 $0x80;
	s8 =	sadd.s32 @!p0 s6, s8  }
0xfb: {  	[tilespmem:s14], [sflag:$0x2] =	stream.linear.gather @!p0 [hbm4b:s8+s0], $0x50, $0x38;
	[tilespmem:$0x1E600] =	vst v63  }
0xfc: {  	s8 =	rddreg [dreg:$0xf]  }
0xfd: {  	s14 =	simm.s32 @!p0 $0x380;
	s8 =	sadd.s32 @!p0 s6, s8  }
0xfe: {  	[tilespmem:s14], [sflag:$0x2] =	stream.linear.gather @!p0 [hbm4b:s8+s0], $0x50, $0x38;
	[tilespmem:$0x1E600] =	vst v63  }
0xff: {  	s0 =	simm.s32 @!p0 $0x1  }
0x100: {  	_ =	swait.ge @!p0 [sflag:s0], $0x50  }
0x101: {  	[sflag:s0] =	ssyncset.done @!p0 $0x0  }
0x102: {  	[sflag:s0] =	ssyncadd.s32 @!p0 $0xFFFFFFB0  }
0x103: {  	s7 =	simm.s32 $0x7E00;
	s30 =	simm.s32 $0x500;
	_ =	swait.ge @!p0 [sflag:s0], $0x50  }
0x104: {  	s13 =	simm.s32 $0x400;
	s25 =	simm.s32 $0xC;
	[sflag:s0] =	ssyncset.done @!p0 $0x0  }
0x105: {  	s24 =	simm.s32 $0x7;
	[sflag:s0] =	ssyncadd.s32 @!p0 $0xFFFFFFB0;
	s0 =	simm.s32 @!p0 $0x5600  }
0x106: {  	[tilespmem:s0], [sflag:$0x9] =	stream.indirect.gather @!p0 [hbm4b:s4+s5], $0x80, s10, s5, $0xb8;
	[tilespmem:$0x1E600] =	vst v63  }
0x107: {  	s23 =	simm.s32 $0x180;
	s17 =	simm.s32 $0x100;
	_ =	swait.ge [sflag:s24], $0x2800  }
0x108: {  	s15 =	simm.s32 $0x2E00;
	s2 =	simm.s32 $0xB;
	[sflag:s24] =	ssyncset.done $0x0  }
.Ltmp3:
0x109: {  	s9 =	simm.s32 $0x5600;
	[sflag:s24] =	ssyncadd.s32 $0xFFFFD800;
	(pc) =	sbr.rel @p0 .LBB2_6-.Ltmp3, $4  }
0x10a: {  	[spmem:s31] =	stream.indirect.scatter.add.f32 [tilespmem:s1], [sflag:$0xB], $0x80, s16, s12, $0xb8;
	[tilespmem:$0x1E600] =	vst v63  }
0x10b: {  	s28 =	simm.s32 $0x8;
	s11 =	simm.s32 $0x480;
	_ =	swait.ge [sflag:s19], $0x2800  }
0x10c: {  	s29 =	simm.s32 $0x9;
	s10 =	simm.s32 $0x200;
	[sflag:s19] =	ssyncset.done $0x0  }
0x10d: {  	s5 =	simm.s32 $0xE;
	s1 =	simm.s32 $0x600;
	[sflag:s19] =	ssyncadd.s32 $0xFFFFD800  }
0x10e: {  	s0 =	rddreg [dreg:$0x10]  }
0x10f: {  	s16 =	rddreg [dreg:$0x11];
	s0 =	sadd.s32 s6, s0  }
0x110: {  	[tilespmem:s17], [sflag:$0x3] =	stream.linear.gather [hbm4b:s0+s3], $0x50, $0x38;
	[tilespmem:$0x1E600] =	vst v63  }
0x111: {  	s0 =	sadd.s32 s6, s16  }
0x112: {  	[tilespmem:s13], [sflag:$0x3] =	stream.linear.gather [hbm4b:s0+s3], $0x50, $0x38;
	[tilespmem:$0x1E600] =	vst v63  }
0x113: {  	_ =	swait.ge [sflag:s21], $0x50  }
0x114: {  	[sflag:s21] =	ssyncset.done $0x0  }
0x115: {  	[sflag:s21] =	ssyncadd.s32 $0xFFFFFFB0  }
0x116: {  	_ =	swait.ge [sflag:s21], $0x50  }
0x117: {  	[sflag:s21] =	ssyncset.done $0x0  }
0x118: {  	s8 =	simm.s32 $0x380;
	[sflag:s21] =	ssyncadd.s32 $0xFFFFFFB0  }
0x119: {  	[tilespmem:s7], [sflag:$0xA] =	stream.indirect.gather [hbm4b:s4+s12], $0x80, s8, s12, $0xb8;
	[tilespmem:$0x1E600] =	vst v63  }
0x11a: {  	_ =	swait.ge [sflag:s28], $0x2800  }
0x11b: {  	[sflag:s28] =	ssyncset.done $0x0  }
0x11c: {  	s14 =	simm.s32 $0x280;
	[sflag:s28] =	ssyncadd.s32 $0xFFFFD800  }
0x11d: {  	[spmem:s31] =	stream.indirect.scatter.add.f32 [tilespmem:s15], [sflag:$0xC], $0x80, s14, s12, $0xb8;
	[tilespmem:$0x1E600] =	vst v63  }
0x11e: {  	_ =	swait.ge [sflag:s2], $0x2800  }
0x11f: {  	[sflag:s2] =	ssyncset.done $0x0;
	s19 =	rddreg [dreg:$0x12]  }
0x120: {  	s16 =	rddreg [dreg:$0x13];
	[sflag:s2] =	ssyncadd.s32 $0xFFFFD800;
	s0 =	sadd.s32 s6, s19  }
0x121: {  	[tilespmem:s23], [sflag:$0x4] =	stream.linear.gather [hbm4b:s0+s3], $0x50, $0x38;
	[tilespmem:$0x1E600] =	vst v63  }
0x122: {  	s0 =	sadd.s32 s6, s16  }
0x123: {  	[tilespmem:s11], [sflag:$0x4] =	stream.linear.gather [hbm4b:s0+s3], $0x50, $0x38;
	[tilespmem:$0x1E600] =	vst v63  }
0x124: {  	_ =	swait.ge [sflag:s20], $0x50  }
0x125: {  	[sflag:s20] =	ssyncset.done $0x0  }
0x126: {  	[sflag:s20] =	ssyncadd.s32 $0xFFFFFFB0  }
0x127: {  	_ =	swait.ge [sflag:s20], $0x50  }
0x128: {  	[sflag:s20] =	ssyncset.done $0x0  }
0x129: {  	[sflag:s20] =	ssyncadd.s32 $0xFFFFFFB0  }
0x12a: {  	[tilespmem:s1], [sflag:$0x7] =	stream.indirect.gather [hbm4b:s4+s12], $0x80, s13, s12, $0xb8;
	[tilespmem:$0x1E600] =	vst v63  }
0x12b: {  	_ =	swait.ge [sflag:s29], $0x2800  }
0x12c: {  	[sflag:s29] =	ssyncset.done $0x0  }
0x12d: {  	[sflag:s29] =	ssyncadd.s32 $0xFFFFD800  }
0x12e: {  	[spmem:s31] =	stream.indirect.scatter.add.f32 [tilespmem:s9], [sflag:$0xD], $0x80, s3, s12, $0xb8;
	[tilespmem:$0x1E600] =	vst v63  }
0x12f: {  	_ =	swait.ge [sflag:s25], $0x2800  }
0x130: {  	[sflag:s25] =	ssyncset.done $0x0;
	s19 =	rddreg [dreg:$0x14]  }
0x131: {  	s16 =	rddreg [dreg:$0x15];
	[sflag:s25] =	ssyncadd.s32 $0xFFFFD800;
	s0 =	sadd.s32 s6, s19  }
0x132: {  	[tilespmem:s10], [sflag:$0x5] =	stream.linear.gather [hbm4b:s0+s3], $0x50, $0x38;
	[tilespmem:$0x1E600] =	vst v63  }
0x133: {  	s0 =	sadd.s32 s6, s16  }
0x134: {  	[tilespmem:s30], [sflag:$0x5] =	stream.linear.gather [hbm4b:s0+s3], $0x50, $0x38;
	[tilespmem:$0x1E600] =	vst v63  }
0x135: {  	_ =	swait.ge [sflag:s22], $0x50  }
0x136: {  	[sflag:s22] =	ssyncset.done $0x0  }
0x137: {  	[sflag:s22] =	ssyncadd.s32 $0xFFFFFFB0  }
0x138: {  	_ =	swait.ge [sflag:s22], $0x50  }
0x139: {  	[sflag:s22] =	ssyncset.done $0x0  }
0x13a: {  	[sflag:s22] =	ssyncadd.s32 $0xFFFFFFB0  }
0x13b: {  	[tilespmem:s15], [sflag:$0x8] =	stream.indirect.gather [hbm4b:s4+s12], $0x80, s11, s12, $0xb8;
	[tilespmem:$0x1E600] =	vst v63  }
0x13c: {  	s11 =	simm.s32 $0xA  }
0x13d: {  	_ =	swait.ge [sflag:s11], $0x2800  }
0x13e: {  	[sflag:s11] =	ssyncset.done $0x0  }
0x13f: {  	s19 =	simm.s32 $0xD;
	[sflag:s11] =	ssyncadd.s32 $0xFFFFD800  }
0x140: {  	[spmem:s31] =	stream.indirect.scatter.add.f32 [tilespmem:s7], [sflag:$0xE], $0x80, s18, s12, $0xb8;
	[tilespmem:$0x1E600] =	vst v63  }
0x141: {  	_ =	swait.ge [sflag:s19], $0x2800  }
0x142: {  	[sflag:s19] =	ssyncset.done $0x0;
	s16 =	rddreg [dreg:$0x16]  }
0x143: {  	[sflag:s19] =	ssyncadd.s32 $0xFFFFD800;
	s0 =	sadd.s32 s6, s16;
	s19 =	rddreg [dreg:$0x17]  }
0x144: {  	[tilespmem:s14], [sflag:$0x6] =	stream.linear.gather [hbm4b:s0+s3], $0x50, $0x38;
	[tilespmem:$0x1E600] =	vst v63  }
0x145: {  	s0 =	sadd.s32 s6, s19;
	s19 =	simm.s32 $0x580  }
0x146: {  	[tilespmem:s19], [sflag:$0x6] =	stream.linear.gather [hbm4b:s0+s3], $0x50, $0x38;
	[tilespmem:$0x1E600] =	vst v63  }
0x147: {  	_ =	swait.ge [sflag:s26], $0x50  }
0x148: {  	[sflag:s26] =	ssyncset.done $0x0  }
0x149: {  	[sflag:s26] =	ssyncadd.s32 $0xFFFFFFB0  }
0x14a: {  	_ =	swait.ge [sflag:s26], $0x50  }
0x14b: {  	[sflag:s26] =	ssyncset.done $0x0  }
0x14c: {  	[sflag:s26] =	ssyncadd.s32 $0xFFFFFFB0  }
0x14d: {  	[tilespmem:s9], [sflag:$0x9] =	stream.indirect.gather [hbm4b:s4+s12], $0x80, s30, s12, $0xb8;
	[tilespmem:$0x1E600] =	vst v63  }
0x14e: {  	_ =	swait.ge [sflag:s24], $0x2800  }
0x14f: {  	[sflag:s24] =	ssyncset.done $0x0  }
0x150: {  	[sflag:s24] =	ssyncadd.s32 $0xFFFFD800  }
0x151: {  	[spmem:s31] =	stream.indirect.scatter.add.f32 [tilespmem:s1], [sflag:$0xB], $0x80, s17, s12, $0xb8;
	[tilespmem:$0x1E600] =	vst v63  }
0x152: {  	_ =	swait.ge [sflag:s5], $0x2800  }
0x153: {  	s16 =	sld [smem:$0x7F0];
	_ =	sdelay $0x2  }
0x154: {  	[sflag:s5] =	ssyncset.done $0x0;
	s24 =	rddreg [dreg:$0x3];
	s0 =	sshrl.u32 s16, $0x3  }
0x155: {  	[sflag:s5] =	ssyncadd.s32 $0xFFFFD800;
	s5 =	rddreg [dreg:$0x18];
	s0 =	sadd.s32 s24, s0  }
0x156: {  	[tilespmem:s3], [sflag:$0x1] =	stream.linear.gather [hbm4b:s0+s3], $0x50, $0x38;
	[tilespmem:$0x1E600] =	vst v63  }
0x157: {  	s24 =	simm.s32 $0x6;
	s0 =	sadd.s32 s6, s5;
	s5 =	simm.s32 $0x300  }
0x158: {  	[tilespmem:s5], [sflag:$0x1] =	stream.linear.gather [hbm4b:s0+s3], $0x50, $0x38;
	[tilespmem:$0x1E600] =	vst v63  }
0x159: {  	_ =	swait.ge [sflag:s24], $0x50  }
0x15a: {  	[sflag:s24] =	ssyncset.done $0x0  }
0x15b: {  	[sflag:s24] =	ssyncadd.s32 $0xFFFFFFB0  }
0x15c: {  	_ =	swait.ge [sflag:s24], $0x50  }
0x15d: {  	[sflag:s24] =	ssyncset.done $0x0  }
0x15e: {  	[sflag:s24] =	ssyncadd.s32 $0xFFFFFFB0  }
0x15f: {  	[tilespmem:s7], [sflag:$0xA] =	stream.indirect.gather [hbm4b:s4+s12], $0x80, s19, s12, $0xb8;
	[tilespmem:$0x1E600] =	vst v63  }
0x160: {  	_ =	swait.ge [sflag:s28], $0x2800  }
0x161: {  	[sflag:s28] =	ssyncset.done $0x0  }
0x162: {  	[sflag:s28] =	ssyncadd.s32 $0xFFFFD800  }
0x163: {  	[spmem:s31] =	stream.indirect.scatter.add.f32 [tilespmem:s15], [sflag:$0xC], $0x80, s23, s12, $0xb8;
	[tilespmem:$0x1E600] =	vst v63  }
0x164: {  	_ =	swait.ge [sflag:s2], $0x2800  }
0x165: {  	[sflag:s2] =	ssyncset.done $0x0;
	s24 =	rddreg [dreg:$0x19]  }
0x166: {  	[sflag:s2] =	ssyncadd.s32 $0xFFFFD800;
	s0 =	sadd.s32 s6, s24;
	s2 =	rddreg [dreg:$0x1a]  }
0x167: {  	[tilespmem:s18], [sflag:$0x2] =	stream.linear.gather [hbm4b:s0+s3], $0x50, $0x38;
	[tilespmem:$0x1E600] =	vst v63  }
0x168: {  	s19 =	simm.s32 $0x1;
	s0 =	sadd.s32 s6, s2  }
0x169: {  	[tilespmem:s8], [sflag:$0x2] =	stream.linear.gather [hbm4b:s0+s3], $0x50, $0x38;
	[tilespmem:$0x1E600] =	vst v63  }
0x16a: {  	_ =	swait.ge [sflag:s19], $0x50  }
0x16b: {  	[sflag:s19] =	ssyncset.done $0x0  }
0x16c: {  	[sflag:s19] =	ssyncadd.s32 $0xFFFFFFB0  }
0x16d: {  	_ =	swait.ge [sflag:s19], $0x50  }
0x16e: {  	[sflag:s19] =	ssyncset.done $0x0  }
0x16f: {  	[sflag:s19] =	ssyncadd.s32 $0xFFFFFFB0  }
0x170: {  	[tilespmem:s1], [sflag:$0x7] =	stream.indirect.gather [hbm4b:s4+s12], $0x80, s5, s12, $0xb8;
	[tilespmem:$0x1E600] =	vst v63  }
0x171: {  	_ =	swait.ge [sflag:s29], $0x2800  }
0x172: {  	[sflag:s29] =	ssyncset.done $0x0  }
0x173: {  	[sflag:s29] =	ssyncadd.s32 $0xFFFFD800  }
0x174: {  	[spmem:s31] =	stream.indirect.scatter.add.f32 [tilespmem:s9], [sflag:$0xD], $0x80, s10, s12, $0xb8;
	[tilespmem:$0x1E600] =	vst v63  }
0x175: {  	_ =	swait.ge [sflag:s25], $0x2800  }
0x176: {  	[sflag:s25] =	ssyncset.done $0x0;
	s23 =	rddreg [dreg:$0x1b]  }
0x177: {  	s24 =	rddreg [dreg:$0x1d];
	[sflag:s25] =	ssyncadd.s32 $0xFFFFD800;
	s0 =	sadd.s32 s6, s23  }
0x178: {  	[tilespmem:s17], [sflag:$0x3] =	stream.linear.gather [hbm4b:s0+s3], $0x50, $0x38;
	[tilespmem:$0x1E600] =	vst v63  }
0x179: {  	s0 =	sadd.s32 s6, s24  }
0x17a: {  	[tilespmem:s13], [sflag:$0x3] =	stream.linear.gather [hbm4b:s0+s3], $0x50, $0x38;
	[tilespmem:$0x1E600] =	vst v63  }
0x17b: {  	s30 =	simm.s32 $0x7;
	_ =	swait.ge [sflag:s21], $0x50  }
0x17c: {  	s16 =	sadd.s32 $0x3C0, s16;
	s28 =	simm.s32 $0x9;
	[sflag:s21] =	ssyncset.done $0x0  }
0x17d: {  	s2 =	simm.s32 $0xB;
	s19 =	simm.s32 $0xE;
	[sflag:s21] =	ssyncadd.s32 $0xFFFFFFB0  }
0x17e: {  	s1 =	simm.s32 $0x600;
	s29 =	simm.s32 $0xC;
	_ =	swait.ge [sflag:s21], $0x50  }
0x17f: {  	s10 =	simm.s32 $0x80;
	s9 =	simm.s32 $0x500;
	[sflag:s21] =	ssyncset.done $0x0  }
0x180: {  	s23 =	simm.s32 $0x7E00;
	s6 =	sadd.s32 $0x78, s6;
	[sflag:s21] =	ssyncadd.s32 $0xFFFFFFB0  }
0x181: {  	[tilespmem:s15], [sflag:$0x8] =	stream.indirect.gather [hbm4b:s4+s12], $0x80, s8, s12, $0xb8;
	[tilespmem:$0x1E600] =	vst v63  }
0x182: {  	s17 =	simm.s32 $0x480;
	s24 =	simm.s32 $0x8;
	_ =	swait.ge [sflag:s11], $0x2800  }
.Ltmp4:
0x183: {  	s13 =	simm.s32 $0x400;
	s25 =	sld [smem:$0x7EF];
	(pc) =	sbr.rel .LBB2_4-.Ltmp4, $4  }
0x184: {  	s15 =	simm.s32 $0x2E00;
	[sflag:s11] =	ssyncset.done $0x0;
	[smem:$0x7F0] =	sst s16  }
0x185: {  	s16 =	simm.s32 $0x200;
	[sflag:s11] =	ssyncadd.s32 $0xFFFFD800;
	s11 =	simm.s32 $0x5600  }
0x186: {  	[spmem:s31] =	stream.indirect.scatter.add.f32 [tilespmem:s7], [sflag:$0xE], $0x80, s14, s12, $0xb8;
	[tilespmem:$0x1E600] =	vst v63  }
0x187: {  	s14 =	simm.s32 $0x100;
	s0 =	sadd.s32 $0xC, s25;
	s25 =	simm.s32 $0x180  }
.LBB2_7:
0x188: {  	_ =	sfence.sel $0x180000  }
0x189: {  	[bflag:$0x0] =	sbarrier.arrive $0xFFFF  }
0x18a: {  	_ =	strace $0x9000004A  }
0x18b: {  	s0 =	stileid.u32;
	[bflag:$0x2] =	sbarrier.arrive $0xFFFF  }
0x18c: {  	p0 =	sne.s32 s0, $0x0;
	s0 =	rddreg [dreg:$0x2]  }
0x18d: {  	s0 =	sadd.s32 @!p0 $0x100000, s0  }
0x18e: {  	[sflag:s0] =	ssyncadd.tile.s32 @!p0 $0x1;
	_ =	shalt  }
.Lfunc_end2:
_tile_overlayer_lowered:
.L_overlay_start_2:
0x18f: {  	(tag) =	ssettag $0x2  }
0x190: {  	s0 =	rddreg [dreg:$0x0];
	s2 =	stileid.u32  }
0x191: {  	s1 =	rddreg [dreg:$0x1];
	p0 =	sne.s32 s2, $0x0  }
0x192: {  	s3 =	rddreg [dreg:$0x2];
	[bflag:$0x3] =	sbarrier.arrive $0xFFFF;
	s2 =	simm.s32 @!p0 $0x1C0F  }
0x193: {  	[timem:s3], [sflag:s2] =	dma.local @!p0 [hbm:s0], s1  }
0x194: {  	s0 =	simm.s32 @!p0 $0xF  }
0x195: {  	_ =	swait.ge @!p0 [sflag:s0], s1  }
0x196: {  	s1 =	ssub.s32 @!p0 $0x0, s1;
	[sflag:s0] =	ssyncset.done @!p0 $0x0  }
0x197: {  	[sflag:s0] =	ssyncadd.s32 @!p0 s1  }
0x198: {  	[bflag:$0x3] =	sbarrier.arrive $0xFFFF  }
0x199: {  	_ =	shalt  }

</sc_bundles>
